<compile_context>
chip_gen: v7x
topology: tpu7x:2x2x1
jax: 0.10.2.dev20260603
libtpu: 0.0.44.dev20260713+nightly
codegen_flags: <defaults>
</compile_context>

<pallas_src>
import jax
import jax.numpy as jnp
from jax import lax
from jax.experimental import pallas as pl
from jax.experimental.pallas import tpu as pltpu
from jax.experimental.pallas import tpu_sc as plsc

_B, _C, _N, _K = 8, 128, 2000, 9
_RT = 400
_NT = _N // _RT
_F32 = jnp.float32

def _top9(d, out_shape_rows):
    lane_f = lax.broadcasted_iota(jnp.int32, d.shape, 1).astype(_F32)
    lane_k = lax.broadcasted_iota(jnp.int32, (out_shape_rows, _K), 1)
    out = jnp.zeros((out_shape_rows, _K), jnp.int32)
    for kk in range(_K):
        m = jnp.max(d, axis=1, keepdims=True)
        ge = d >= m
        amf = jnp.min(jnp.where(ge, lane_f, float(_N + 7)), axis=1,
                      keepdims=True)
        d = jnp.where(ge, -jnp.inf, d)
        out = jnp.where(lane_k == kk, amf.astype(jnp.int32), out)
    return out, lane_k


def _topka_body(xt_ref, x_ref, w_ref, o_ref, tbl_ref, y1_ref):
    b = pl.program_id(0)
    xt = xt_ref[0]
    x = x_ref[0]
    d = jnp.dot(xt + xt, x, preferred_element_type=_F32)
    d = d - jnp.sum(x * x, axis=0, keepdims=True)
    out, lane_k = _top9(d, _RT)
    tap = (lane_k % 3) * (_B * _N)
    o_ref[0] = out + (tap + b * _N)
    res = jnp.dot(xt, w_ref[...], preferred_element_type=_F32)
    for t in range(6):
        tbl_ref[t, 0] = res[:, t * _C:(t + 1) * _C]
    y1_ref[0, 0] = res[:, 768:896]
    y1_ref[1, 0] = res[:, 896:]


def _topka_call(xt, x, wc):
    return pl.pallas_call(
        _topka_body,
        grid=(_B, _NT),
        in_specs=[
            pl.BlockSpec((1, _RT, _C), lambda b, i: (b, i, 0)),
            pl.BlockSpec((1, _C, _N), lambda b, i: (b, 0, 0)),
            pl.BlockSpec((_C, 1024), lambda b, i: (0, 0)),
        ],
        out_specs=[
            pl.BlockSpec((1, _RT, _K), lambda b, i: (b, i, 0)),
            pl.BlockSpec((6, 1, _RT, _C), lambda b, i: (0, b, i, 0)),
            pl.BlockSpec((2, 1, _RT, _C), lambda b, i: (0, b, i, 0)),
        ],
        out_shape=[
            jax.ShapeDtypeStruct((_B, _N, _K), jnp.int32),
            jax.ShapeDtypeStruct((6, _B, _N, _C), _F32),
            jax.ShapeDtypeStruct((2, _B, _N, _C), _F32),
        ],
    )(xt, x, wc)


def _topkb_body(xt_ref, x_ref, o_ref):
    b = pl.program_id(0)
    d = jnp.dot(xt_ref[0] + xt_ref[0], x_ref[0], preferred_element_type=_F32)
    d = d - jnp.sum(x_ref[0] * x_ref[0], axis=0, keepdims=True)
    out, lane_k = _top9(d, _RT)
    tap = (lane_k % 3 + 3) * (_B * _N)
    o_ref[0] = out + (tap + b * _N)


def _topkb_call(xt, x, cp):
    return pl.pallas_call(
        _topkb_body,
        grid=(_B, _NT),
        in_specs=[
            pl.BlockSpec((1, _RT, cp), lambda b, i: (b, i, 0)),
            pl.BlockSpec((1, cp, _N), lambda b, i: (b, 0, 0)),
        ],
        out_specs=pl.BlockSpec((1, _RT, _K), lambda b, i: (b, i, 0)),
        out_shape=jax.ShapeDtypeStruct((_B, _N, _K), jnp.int32),
    )(xt, x)


_NPOS = 2 * _B * _N
_NW = 32
_PW = _NPOS // _NW
_PCH = 40
_CNC = _PW // _PCH
_GROWS = _PCH * _K
_IROW = 120


def _gather_body(tbl_hbm, idx_hbm, y1_hbm, out_hbm, st_hbm,
                 idx_v, rows_v, y1_v, out_v, st_v, sem0, sem1):
    c = lax.axis_index("c")
    s = lax.axis_index("s")
    wid = s * 2 + c
    pltpu.sync_copy(idx_hbm.at[wid], idx_v)
    sems = (sem0, sem1)

    def fire(ci, buf):
        for q in range(3):
            pltpu.make_async_copy(
                tbl_hbm.at[idx_v.at[ci * 3 + q]],
                rows_v.at[buf, pl.ds(q * _IROW, _IROW)], sems[buf]).start()

    def drain(ci, buf):
        for q in range(3):
            pltpu.make_async_copy(
                tbl_hbm.at[idx_v.at[ci * 3 + q]],
                rows_v.at[buf, pl.ds(q * _IROW, _IROW)], sems[buf]).wait()

    def process(ci, buf, acc):
        p0 = wid * _PW + ci * _PCH
        pltpu.sync_copy(y1_hbm.at[pl.ds(p0, _PCH)], y1_v)

        def pos(nl, a):
            a = list(a)
            base = nl * _K
            for cc in range(8):
                sl = pl.ds(cc * 16, 16)
                yv = y1_v[nl, sl]
                for j in range(3):
                    r0 = base + 3 * j
                    v = yv - (rows_v[buf, r0, sl] + rows_v[buf, r0 + 1, sl]
                              + rows_v[buf, r0 + 2, sl])
                    out_v[j, nl, sl] = v
                    a[cc] = a[cc] + v
                    a[8 + cc] = a[8 + cc] + v * v
            return tuple(a)

        acc = lax.fori_loop(0, _PCH, pos, acc)
        obase = (p0 // _N) * (3 * _N) + (p0 % _N)
        for j in range(3):
            pltpu.sync_copy(out_v.at[j],
                            out_hbm.at[pl.ds(obase + j * _N, _PCH)])
        return acc

    acc0 = tuple(jnp.zeros((16,), _F32) for _ in range(16))
    fire(0, 0)

    def pair(pi, acc):
        ci0 = pi * 2
        fire(ci0 + 1, 1)
        drain(ci0, 0)
        acc = process(ci0, 0, acc)
        fire(ci0 + 2, 0)
        drain(ci0 + 1, 1)
        return process(ci0 + 1, 1, acc)

    acc = lax.fori_loop(0, (_CNC - 1) // 2, pair, acc0)
    drain(_CNC - 1, 0)
    acc = process(_CNC - 1, 0, acc)
    for cc in range(8):
        st_v[0, pl.ds(cc * 16, 16)] = acc[cc]
        st_v[1, pl.ds(cc * 16, 16)] = acc[8 + cc]
    pltpu.sync_copy(st_v, st_hbm.at[wid])


_gather_rows = pl.kernel(
    _gather_body,
    out_type=[
        jax.ShapeDtypeStruct((2 * _B * 3 * _N, _C), _F32),
        jax.ShapeDtypeStruct((_NW, 2, _C), _F32),
    ],
    mesh=plsc.VectorSubcoreMesh(core_axis_name="c", subcore_axis_name="s"),
    scratch_types=[
        pltpu.VMEM((_NPOS * _K // _NW // _IROW, _IROW), jnp.int32),
        pltpu.VMEM((2, _GROWS, _C), _F32),
        pltpu.VMEM((_PCH, _C), _F32),
        pltpu.VMEM((3, _PCH, _C), _F32),
        pltpu.VMEM((2, _C), _F32),
        pltpu.SemaphoreType.DMA,
        pltpu.SemaphoreType.DMA,
    ],
)


def _conv2_body(h_ref, st1_ref, gb_ref, w_ref, h2_ref, st_ref):
    b = pl.program_id(1)
    i = pl.program_id(2)
    m1 = 1.0 / float(_B * _N * 3)
    st1 = jnp.sum(st1_ref[0], axis=0)
    mu = st1[0:1] * m1
    var = st1[1:2] * m1 - mu * mu
    scale = gb_ref[0, 0:1] * lax.rsqrt(var + 1e-5)
    shift = gb_ref[0, 1:2] - mu * scale
    tot = jnp.zeros((_RT, _C), _F32)
    for j in range(3):
        r = jnp.maximum(h_ref[0, 0, j] * scale + shift, 0.0)
        tot = tot + jnp.dot(r, w_ref[0, j], preferred_element_type=_F32)
    h2_ref[0, 0] = tot
    s1 = jnp.sum(tot, axis=0, keepdims=True)
    s2 = jnp.sum(tot * tot, axis=0, keepdims=True)
    acc = jnp.concatenate([s1, s2], axis=0)

    @pl.when(jnp.logical_and(b == 0, i == 0))
    def _():
        st_ref[0] = acc

    @pl.when(jnp.logical_or(b > 0, i > 0))
    def _():
        st_ref[0] = st_ref[0] + acc


def _conv2_call(h, st1, gb1, w2c):
    return pl.pallas_call(
        _conv2_body,
        grid=(2, _B, _NT),
        in_specs=[
            pl.BlockSpec((1, 1, 3, _RT, _C), lambda r, b, i: (r, b, 0, i, 0)),
            pl.BlockSpec((1, 16, 2, _C), lambda r, b, i: (r, 0, 0, 0)),
            pl.BlockSpec((1, 2, _C), lambda r, b, i: (r, 0, 0)),
            pl.BlockSpec((1, 3, _C, _C), lambda r, b, i: (r, 0, 0, 0)),
        ],
        out_specs=[
            pl.BlockSpec((1, 1, _RT, _C), lambda r, b, i: (r, b, i, 0)),
            pl.BlockSpec((1, 2, _C), lambda r, b, i: (r, 0, 0)),
        ],
        out_shape=[
            jax.ShapeDtypeStruct((2, _B, _N, _C), _F32),
            jax.ShapeDtypeStruct((2, 2, _C), _F32),
        ],
    )(h, st1, gb1, w2c)


def _final_body(h2_ref, st2_ref, gb_ref, d_ref, o_ref):
    m2 = 1.0 / float(_B * _N)
    res = None
    for r in range(2):
        mu = st2_ref[r, 0:1] * m2
        var = st2_ref[r, 1:2] * m2 - mu * mu
        scale = gb_ref[r, 0:1] * lax.rsqrt(var + 1e-5)
        shift = gb_ref[r, 1:2] - mu * scale
        rr = jnp.maximum(h2_ref[r, 0] * scale + shift, 0.0)
        res = rr if r == 0 else res + d_ref[0, 0] * rr
    o_ref[0] = res.T


def _final_call(h2, st2, gb2, delta):
    return pl.pallas_call(
        _final_body,
        grid=(_B,),
        in_specs=[
            pl.BlockSpec((2, 1, _N, _C), lambda b: (0, b, 0, 0)),
            pl.BlockSpec((2, 2, _C), lambda b: (0, 0, 0)),
            pl.BlockSpec((2, 2, _C), lambda b: (0, 0, 0)),
            pl.BlockSpec((1, 1), lambda b: (0, 0)),
        ],
        out_specs=pl.BlockSpec((1, _C, _N), lambda b: (b, 0, 0)),
        out_shape=jax.ShapeDtypeStruct((_B, _C, _N), _F32),
    )(h2, st2, gb2, delta)


def kernel(features, motion, w1a, b1a, g1a, be1a, w2a, b2a, g2a, be2a,
           w1b, b1b, g1b, be1b, w2b, b2b, g2b, be2b, delta):
    xf = features.reshape(_B, _C, _N)
    xm = motion.reshape(_B, -1, _N)
    cm = xm.shape[1]
    xft = jnp.swapaxes(xf, 1, 2)
    xm8 = jnp.concatenate(
        [xm, jnp.zeros((_B, 8 - cm, _N), _F32)], axis=1)
    xmt = jnp.swapaxes(xm8, 1, 2)

    w1a_, w1b_ = w1a[:, :, 0, :], w1b[:, :, 0, :]
    taps = [w1a_[:, _C:, t].T for t in range(3)]
    taps += [w1b_[:, _C:, t].T for t in range(3)]
    a_a = jnp.sum(w1a_[:, :_C, :] + w1a_[:, _C:, :], axis=2).T
    a_b = jnp.sum(w1b_[:, :_C, :] + w1b_[:, _C:, :], axis=2).T
    wc = jnp.concatenate(taps + [a_a, a_b], axis=1)

    idx_a, tbl, y1 = _topka_call(xft, xf, wc)
    idx_b = _topkb_call(xmt, xm8, 8)
    tblf = tbl.reshape(6 * _B * _N, _C)
    idx2 = jnp.concatenate(
        [idx_a.reshape(-1), idx_b.reshape(-1)]).reshape(_NW, -1, _IROW)

    y1f = y1.reshape(2 * _B * _N, _C)
    hf, st_raw = _gather_rows(tblf, idx2, y1f)
    h = hf.reshape(2, _B, 3, _N, _C)
    st1 = st_raw.reshape(2, 16, 2, _C)

    gb1 = jnp.stack([jnp.stack([g1a, be1a]), jnp.stack([g1b, be1b])])
    w2c = jnp.stack([jnp.transpose(w2a[:, :, 0, :], (2, 1, 0)),
                     jnp.transpose(w2b[:, :, 0, :], (2, 1, 0))])
    h2, st2 = _conv2_call(h, st1, gb1, w2c)

    gb2 = jnp.stack([jnp.stack([g2a, be2a]), jnp.stack([g2b, be2b])])
    out = _final_call(h2, st2, gb2, delta.reshape(1, 1))
    return out.reshape(_B, _C, _N, 1)

# --- scband reference (transcript-rebuilt; emitter-appended) ---
"""Pipeline reference for scband-dg-block-66151086293217 (READ-ONLY COPY).

The authoritative reference and input builder live on the scoring server;
editing this copy changes nothing except your own understanding.
"""

import jax, jax.numpy as jnp
import numpy as np

B, C, N, K = 8, 128, 2000, 9
CM = 4


def knn(x, k):
    # x: [B, C, N]
    inner = -2.0 * jnp.matmul(jnp.transpose(x, (0, 2, 1)), x)
    xx = jnp.sum(x ** 2, axis=1, keepdims=True)  # [B,1,N]
    pairwise = -xx - inner - jnp.transpose(xx, (0, 2, 1))  # [B,N,N]
    _, idx = jax.lax.top_k(pairwise, k)
    return idx  # [B,N,k]


def graph_feature(x_gather, x_knn, k):
    # x_gather: [B, C, N] features to gather; x_knn: [B, Cm, N] used for neighbor search
    b = x_knn.shape[0]
    n = x_knn.shape[2]
    c = x_gather.shape[1]
    idx = knn(x_knn, k)  # [B,N,k]
    idx_base = jnp.arange(b, dtype=idx.dtype).reshape(-1, 1, 1) * n
    idx_flat = (idx + idx_base).reshape(-1)
    x_t = jnp.transpose(x_gather, (0, 2, 1))  # [B,N,C]
    flat = x_t.reshape(b * n, c)
    feature = flat[idx_flat, :].reshape(b, n, k, c)
    xe = jnp.broadcast_to(x_t[:, :, None, :], (b, n, k, c))
    out = jnp.concatenate([xe, xe - feature], axis=3)  # [B,N,k,2C]
    return jnp.transpose(out, (0, 3, 1, 2))  # [B,2C,N,k]


def conv_bn_relu(x, w, bias, gamma, beta, stride_w):
    y = jax.lax.conv_general_dilated(
        x, w, window_strides=(1, stride_w), padding='VALID',
        dimension_numbers=('NCHW', 'OIHW', 'NCHW'))
    y = y + bias[None, :, None, None]
    mu = jnp.mean(y, axis=(0, 2, 3), keepdims=True)
    var = jnp.var(y, axis=(0, 2, 3), keepdims=True)
    y = (y - mu) / jnp.sqrt(var + 1e-5)
    y = y * gamma[None, :, None, None] + beta[None, :, None, None]
    return jax.nn.relu(y)


def setup_inputs(seed: int = 0):
    key = jax.random.key(seed)
    ks = jax.random.split(key, 8)
    inp = {
        'features': jax.random.normal(ks[0], (B, C, N, 1), dtype=jnp.float32),
        'motion': jax.random.normal(ks[1], (B, CM, N, 1), dtype=jnp.float32),
        'w1a': jax.random.normal(ks[2], (C, 2 * C, 1, 3), dtype=jnp.float32) * 0.05,
        'b1a': jnp.zeros((C,), jnp.float32),
        'g1a': jnp.ones((C,), jnp.float32),
        'be1a': jnp.zeros((C,), jnp.float32),
        'w2a': jax.random.normal(ks[3], (C, C, 1, 3), dtype=jnp.float32) * 0.05,
        'b2a': jnp.zeros((C,), jnp.float32),
        'g2a': jnp.ones((C,), jnp.float32),
        'be2a': jnp.zeros((C,), jnp.float32),
        'w1b': jax.random.normal(ks[4], (C, 2 * C, 1, 3), dtype=jnp.float32) * 0.05,
        'b1b': jnp.zeros((C,), jnp.float32),
        'g1b': jnp.ones((C,), jnp.float32),
        'be1b': jnp.zeros((C,), jnp.float32),
        'w2b': jax.random.normal(ks[5], (C, C, 1, 3), dtype=jnp.float32) * 0.05,
        'b2b': jnp.zeros((C,), jnp.float32),
        'g2b': jnp.ones((C,), jnp.float32),
        'be2b': jnp.zeros((C,), jnp.float32),
        'delta': jnp.ones((1,), jnp.float32),
    }
    return inp


def reference(features, motion, w1a, b1a, g1a, be1a, w2a, b2a, g2a, be2a,
              w1b, b1b, g1b, be1b, w2b, b2b, g2b, be2b, delta):
    b = features.shape[0]
    n = features.shape[2]
    xf = features.reshape(b, -1, n)  # [B,C,N]
    xm = motion.reshape(b, -1, n)    # [B,CM,N]
    # DG1: knn on features themselves
    f = graph_feature(xf, xf, K)
    f = conv_bn_relu(f, w1a, b1a, g1a, be1a, 3)
    f1 = conv_bn_relu(f, w2a, b2a, g2a, be2a, 1)
    # DG2: knn on motion, gather features
    g = graph_feature(xf, xm, K)
    g = conv_bn_relu(g, w1b, b1b, g1b, be1b, 3)
    f2 = conv_bn_relu(g, w2b, b2b, g2b, be2b, 1)
    return f1 + delta[0] * f2

if __name__ == "__main__":
    import jax
    _d = setup_inputs()
    print(jax.jit(kernel)(*tuple(_d.values())))

</pallas_src>

<mosaic_0001>
#map = affine_map<(d0, d1) -> (0, 0)>
#map1 = affine_map<(d0, d1) -> (0, 0, 0)>
module attributes {stable_mosaic.version = 14 : i64} {
  func.func @_gather_body(%arg0: i32, %arg1: i32, %arg2: memref<96000x128xf32, #tpu.memory_space<hbm>>, %arg3: memref<32x75x120xi32, #tpu.memory_space<hbm>>, %arg4: memref<32000x128xf32, #tpu.memory_space<hbm>>, %arg5: memref<96000x128xf32, #tpu.memory_space<hbm>>, %arg6: memref<32x2x128xf32, #tpu.memory_space<hbm>>, %arg7: memref<75x120xi32, #tpu.memory_space<vmem>>, %arg8: memref<2x360x128xf32, #tpu.memory_space<vmem>>, %arg9: memref<40x128xf32, #tpu.memory_space<vmem>>, %arg10: memref<3x40x128xf32, #tpu.memory_space<vmem>>, %arg11: memref<2x128xf32, #tpu.memory_space<vmem>>, %arg12: memref<!tpu.dma_semaphore, #tpu.memory_space<semaphore_mem>>, %arg13: memref<!tpu.dma_semaphore, #tpu.memory_space<semaphore_mem>>) attributes {dimension_semantics = [#tpu.dimension_semantics<core_parallel>, #tpu.dimension_semantics<subcore_parallel>], iteration_bounds = array<i64: 2, 16>, scalar_prefetch = 0 : i64, scratch_operands = 7 : i64, tpu.core_type = #tpu.core_type<sc_vector_subcore>, window_params = [{transform_indices = #map}, {transform_indices = #map1}, {transform_indices = #map}, {transform_indices = #map}, {transform_indices = #map1}]} {
    %mul3A = arith.constant 2 : i32
    %mul3A_0 = arith.muli %arg1, %mul3A : i32
    %add3A = arith.addi %mul3A_0, %arg0 : i32
    "tpu.region"() ({
      %run_scoped3A_253 = tpu.sem_alloc : memref<!tpu.dma_semaphore, #tpu.memory_space<semaphore_mem>>
      %dma_start3A_254 = arith.constant 0 : i32
      %dma_start3A_255 = arith.constant 0 : i32
      %dma_start3A_256 = tpu.memref_slice %arg3[%add3A, %dma_start3A_254, %dma_start3A_255] : memref<32x75x120xi32, #tpu.memory_space<hbm>> -> memref<1x75x120xi32, #tpu.memory_space<hbm>>
      %dma_start3A_257 = tpu.memref_squeeze %dma_start3A_256 : memref<1x75x120xi32, #tpu.memory_space<hbm>> -> memref<75x120xi32, #tpu.memory_space<hbm>>
      %dma_start3A_258 = arith.constant 0 : i32
      %dma_start3A_259 = arith.constant 0 : i32
      %dma_start3A_260 = tpu.memref_slice %arg3[%add3A, %dma_start3A_258, %dma_start3A_259] : memref<32x75x120xi32, #tpu.memory_space<hbm>> -> memref<1x75x120xi32, #tpu.memory_space<hbm>>
      %dma_start3A_261 = tpu.memref_squeeze %dma_start3A_260 : memref<1x75x120xi32, #tpu.memory_space<hbm>> -> memref<75x120xi32, #tpu.memory_space<hbm>>
      tpu.enqueue_dma source(%dma_start3A_261 : memref<75x120xi32, #tpu.memory_space<hbm>>) target(%arg7 : memref<75x120xi32, #tpu.memory_space<vmem>>) target_semaphore(%run_scoped3A_253 : memref<!tpu.dma_semaphore, #tpu.memory_space<semaphore_mem>>)
      %dma_wait3A_262 = arith.constant 0 : i32
      %dma_wait3A_263 = arith.constant 0 : i32
      %dma_wait3A_264 = tpu.memref_slice %arg3[%add3A, %dma_wait3A_262, %dma_wait3A_263] : memref<32x75x120xi32, #tpu.memory_space<hbm>> -> memref<1x75x120xi32, #tpu.memory_space<hbm>>
      %dma_wait3A_265 = tpu.memref_squeeze %dma_wait3A_264 : memref<1x75x120xi32, #tpu.memory_space<hbm>> -> memref<75x120xi32, #tpu.memory_space<hbm>>
      %dma_wait3A_266 = arith.constant 0 : i32
      %dma_wait3A_267 = arith.constant 0 : i32
      %dma_wait3A_268 = tpu.memref_slice %arg3[%add3A, %dma_wait3A_266, %dma_wait3A_267] : memref<32x75x120xi32, #tpu.memory_space<hbm>> -> memref<1x75x120xi32, #tpu.memory_space<hbm>>
      %dma_wait3A_269 = tpu.memref_squeeze %dma_wait3A_268 : memref<1x75x120xi32, #tpu.memory_space<hbm>> -> memref<75x120xi32, #tpu.memory_space<hbm>>
      tpu.wait_dma2 semaphore(%run_scoped3A_253 : memref<!tpu.dma_semaphore, #tpu.memory_space<semaphore_mem>>) src(%dma_wait3A_269 : memref<75x120xi32, #tpu.memory_space<hbm>>) dst(%arg7 : memref<75x120xi32, #tpu.memory_space<vmem>>)
      tpu.yield
    }) : () -> ()
    %broadcast_in_dim3A = arith.constant 0.000000e+00 : f32
    %broadcast_in_dim3A_1 = vector.broadcast %broadcast_in_dim3A : f32 to vector<16xf32>
    %broadcast_in_dim3A_2 = arith.constant 0.000000e+00 : f32
    %broadcast_in_dim3A_3 = vector.broadcast %broadcast_in_dim3A_2 : f32 to vector<16xf32>
    %broadcast_in_dim3A_4 = arith.constant 0.000000e+00 : f32
    %broadcast_in_dim3A_5 = vector.broadcast %broadcast_in_dim3A_4 : f32 to vector<16xf32>
    %broadcast_in_dim3A_6 = arith.constant 0.000000e+00 : f32
    %broadcast_in_dim3A_7 = vector.broadcast %broadcast_in_dim3A_6 : f32 to vector<16xf32>
    %broadcast_in_dim3A_8 = arith.constant 0.000000e+00 : f32
    %broadcast_in_dim3A_9 = vector.broadcast %broadcast_in_dim3A_8 : f32 to vector<16xf32>
    %broadcast_in_dim3A_10 = arith.constant 0.000000e+00 : f32
    %broadcast_in_dim3A_11 = vector.broadcast %broadcast_in_dim3A_10 : f32 to vector<16xf32>
    %broadcast_in_dim3A_12 = arith.constant 0.000000e+00 : f32
    %broadcast_in_dim3A_13 = vector.broadcast %broadcast_in_dim3A_12 : f32 to vector<16xf32>
    %broadcast_in_dim3A_14 = arith.constant 0.000000e+00 : f32
    %broadcast_in_dim3A_15 = vector.broadcast %broadcast_in_dim3A_14 : f32 to vector<16xf32>
    %broadcast_in_dim3A_16 = arith.constant 0.000000e+00 : f32
    %broadcast_in_dim3A_17 = vector.broadcast %broadcast_in_dim3A_16 : f32 to vector<16xf32>
    %broadcast_in_dim3A_18 = arith.constant 0.000000e+00 : f32
    %broadcast_in_dim3A_19 = vector.broadcast %broadcast_in_dim3A_18 : f32 to vector<16xf32>
    %broadcast_in_dim3A_20 = arith.constant 0.000000e+00 : f32
    %broadcast_in_dim3A_21 = vector.broadcast %broadcast_in_dim3A_20 : f32 to vector<16xf32>
    %broadcast_in_dim3A_22 = arith.constant 0.000000e+00 : f32
    %broadcast_in_dim3A_23 = vector.broadcast %broadcast_in_dim3A_22 : f32 to vector<16xf32>
    %broadcast_in_dim3A_24 = arith.constant 0.000000e+00 : f32
    %broadcast_in_dim3A_25 = vector.broadcast %broadcast_in_dim3A_24 : f32 to vector<16xf32>
    %broadcast_in_dim3A_26 = arith.constant 0.000000e+00 : f32
    %broadcast_in_dim3A_27 = vector.broadcast %broadcast_in_dim3A_26 : f32 to vector<16xf32>
    %broadcast_in_dim3A_28 = arith.constant 0.000000e+00 : f32
    %broadcast_in_dim3A_29 = vector.broadcast %broadcast_in_dim3A_28 : f32 to vector<16xf32>
    %broadcast_in_dim3A_30 = arith.constant 0.000000e+00 : f32
    %broadcast_in_dim3A_31 = vector.broadcast %broadcast_in_dim3A_30 : f32 to vector<16xf32>
    %dma_start3A = arith.constant 0 : i32
    %dma_start3A_32 = arith.constant 0 : i32
    %dma_start3A_33 = arith.constant 0 : i32
    %dma_start3A_34 = arith.constant 0 : i32
    %dma_start3A_35 = tpu.memref_slice %arg8[%dma_start3A_32, %dma_start3A_33, %dma_start3A_34] : memref<2x360x128xf32, #tpu.memory_space<vmem>> -> memref<1x120x128xf32, #tpu.memory_space<vmem>>
    %dma_start3A_36 = tpu.memref_squeeze %dma_start3A_35 : memref<1x120x128xf32, #tpu.memory_space<vmem>> -> memref<120x128xf32, #tpu.memory_space<vmem>>
    %dma_start3A_37 = arith.constant 0 : i32
    %dma_start3A_38 = tpu.memref_slice %arg7[%dma_start3A, %dma_start3A_37] : memref<75x120xi32, #tpu.memory_space<vmem>> -> memref<1x120xi32, #tpu.memory_space<vmem>>
    %dma_start3A_39 = tpu.memref_squeeze %dma_start3A_38 : memref<1x120xi32, #tpu.memory_space<vmem>> -> memref<120xi32, #tpu.memory_space<vmem>>
    %dma_start3A_40 = arith.constant 0 : i32
    %dma_start3A_41 = arith.constant 0 : i32
    %dma_start3A_42 = tpu.memref_slice %arg2[%dma_start3A_40, %dma_start3A_41] : memref<96000x128xf32, #tpu.memory_space<hbm>> -> memref<96000x128xf32, #tpu.memory_space<hbm>>
    tpu.enqueue_indirect_dma source(%dma_start3A_42 : memref<96000x128xf32, #tpu.memory_space<hbm>>) target(%dma_start3A_36 : memref<120x128xf32, #tpu.memory_space<vmem>>) offsets(%dma_start3A_39 : memref<120xi32, #tpu.memory_space<vmem>>) semaphore(%arg12 : memref<!tpu.dma_semaphore, #tpu.memory_space<semaphore_mem>>)
    %dma_start3A_43 = arith.constant 1 : i32
    %dma_start3A_44 = arith.constant 0 : i32
    %dma_start3A_45 = arith.constant 120 : i32
    %dma_start3A_46 = arith.constant 0 : i32
    %dma_start3A_47 = tpu.memref_slice %arg8[%dma_start3A_44, %dma_start3A_45, %dma_start3A_46] : memref<2x360x128xf32, #tpu.memory_space<vmem>> -> memref<1x120x128xf32, #tpu.memory_space<vmem>>
    %dma_start3A_48 = tpu.memref_squeeze %dma_start3A_47 : memref<1x120x128xf32, #tpu.memory_space<vmem>> -> memref<120x128xf32, #tpu.memory_space<vmem>>
    %dma_start3A_49 = arith.constant 0 : i32
    %dma_start3A_50 = tpu.memref_slice %arg7[%dma_start3A_43, %dma_start3A_49] : memref<75x120xi32, #tpu.memory_space<vmem>> -> memref<1x120xi32, #tpu.memory_space<vmem>>
    %dma_start3A_51 = tpu.memref_squeeze %dma_start3A_50 : memref<1x120xi32, #tpu.memory_space<vmem>> -> memref<120xi32, #tpu.memory_space<vmem>>
    %dma_start3A_52 = arith.constant 0 : i32
    %dma_start3A_53 = arith.constant 0 : i32
    %dma_start3A_54 = tpu.memref_slice %arg2[%dma_start3A_52, %dma_start3A_53] : memref<96000x128xf32, #tpu.memory_space<hbm>> -> memref<96000x128xf32, #tpu.memory_space<hbm>>
    tpu.enqueue_indirect_dma source(%dma_start3A_54 : memref<96000x128xf32, #tpu.memory_space<hbm>>) target(%dma_start3A_48 : memref<120x128xf32, #tpu.memory_space<vmem>>) offsets(%dma_start3A_51 : memref<120xi32, #tpu.memory_space<vmem>>) semaphore(%arg12 : memref<!tpu.dma_semaphore, #tpu.memory_space<semaphore_mem>>)
    %dma_start3A_55 = arith.constant 2 : i32
    %dma_start3A_56 = arith.constant 0 : i32
    %dma_start3A_57 = arith.constant 240 : i32
    %dma_start3A_58 = arith.constant 0 : i32
    %dma_start3A_59 = tpu.memref_slice %arg8[%dma_start3A_56, %dma_start3A_57, %dma_start3A_58] : memref<2x360x128xf32, #tpu.memory_space<vmem>> -> memref<1x120x128xf32, #tpu.memory_space<vmem>>
    %dma_start3A_60 = tpu.memref_squeeze %dma_start3A_59 : memref<1x120x128xf32, #tpu.memory_space<vmem>> -> memref<120x128xf32, #tpu.memory_space<vmem>>
    %dma_start3A_61 = arith.constant 0 : i32
    %dma_start3A_62 = tpu.memref_slice %arg7[%dma_start3A_55, %dma_start3A_61] : memref<75x120xi32, #tpu.memory_space<vmem>> -> memref<1x120xi32, #tpu.memory_space<vmem>>
    %dma_start3A_63 = tpu.memref_squeeze %dma_start3A_62 : memref<1x120xi32, #tpu.memory_space<vmem>> -> memref<120xi32, #tpu.memory_space<vmem>>
    %dma_start3A_64 = arith.constant 0 : i32
    %dma_start3A_65 = arith.constant 0 : i32
    %dma_start3A_66 = tpu.memref_slice %arg2[%dma_start3A_64, %dma_start3A_65] : memref<96000x128xf32, #tpu.memory_space<hbm>> -> memref<96000x128xf32, #tpu.memory_space<hbm>>
    tpu.enqueue_indirect_dma source(%dma_start3A_66 : memref<96000x128xf32, #tpu.memory_space<hbm>>) target(%dma_start3A_60 : memref<120x128xf32, #tpu.memory_space<vmem>>) offsets(%dma_start3A_63 : memref<120xi32, #tpu.memory_space<vmem>>) semaphore(%arg12 : memref<!tpu.dma_semaphore, #tpu.memory_space<semaphore_mem>>)
    %scan3A = arith.constant 0 : i32
    %scan3A_67 = arith.constant 12 : i32
    %scan3A_68 = arith.addi %scan3A, %scan3A_67 : i32
    %scan3A_69 = arith.constant 1 : i32
    %scan3A_70:16 = scf.for %scan3A_253 = %scan3A to %scan3A_68 step %scan3A_69 iter_args(%scan3A_254 = %broadcast_in_dim3A_1, %scan3A_255 = %broadcast_in_dim3A_3, %scan3A_256 = %broadcast_in_dim3A_5, %scan3A_257 = %broadcast_in_dim3A_7, %scan3A_258 = %broadcast_in_dim3A_9, %scan3A_259 = %broadcast_in_dim3A_11, %scan3A_260 = %broadcast_in_dim3A_13, %scan3A_261 = %broadcast_in_dim3A_15, %scan3A_262 = %broadcast_in_dim3A_17, %scan3A_263 = %broadcast_in_dim3A_19, %scan3A_264 = %broadcast_in_dim3A_21, %scan3A_265 = %broadcast_in_dim3A_23, %scan3A_266 = %broadcast_in_dim3A_25, %scan3A_267 = %broadcast_in_dim3A_27, %scan3A_268 = %broadcast_in_dim3A_29, %scan3A_269 = %broadcast_in_dim3A_31) -> (vector<16xf32>, vector<16xf32>, vector<16xf32>, vector<16xf32>, vector<16xf32>, vector<16xf32>, vector<16xf32>, vector<16xf32>, vector<16xf32>, vector<16xf32>, vector<16xf32>, vector<16xf32>, vector<16xf32>, vector<16xf32>, vector<16xf32>, vector<16xf32>)  : i32 {
      %mul3A_270 = arith.constant 2 : i32
      %mul3A_271 = arith.muli %scan3A_253, %mul3A_270 : i32
      %add3A_272 = arith.constant 1 : i32
      %add3A_273 = arith.addi %mul3A_271, %add3A_272 : i32
      %mul3A_274 = arith.constant 3 : i32
      %mul3A_275 = arith.muli %add3A_273, %mul3A_274 : i32
      %add3A_276 = arith.constant 0 : i32
      %add3A_277 = arith.addi %mul3A_275, %add3A_276 : i32
      %dma_start3A_278 = arith.constant 1 : i32
      %dma_start3A_279 = arith.constant 0 : i32
      %dma_start3A_280 = arith.constant 0 : i32
      %dma_start3A_281 = tpu.memref_slice %arg8[%dma_start3A_278, %dma_start3A_279, %dma_start3A_280] : memref<2x360x128xf32, #tpu.memory_space<vmem>> -> memref<1x120x128xf32, #tpu.memory_space<vmem>>
      %dma_start3A_282 = tpu.memref_squeeze %dma_start3A_281 : memref<1x120x128xf32, #tpu.memory_space<vmem>> -> memref<120x128xf32, #tpu.memory_space<vmem>>
      %dma_start3A_283 = arith.constant 0 : i32
      %dma_start3A_284 = tpu.memref_slice %arg7[%add3A_277, %dma_start3A_283] : memref<75x120xi32, #tpu.memory_space<vmem>> -> memref<1x120xi32, #tpu.memory_space<vmem>>
      %dma_start3A_285 = tpu.memref_squeeze %dma_start3A_284 : memref<1x120xi32, #tpu.memory_space<vmem>> -> memref<120xi32, #tpu.memory_space<vmem>>
      %dma_start3A_286 = arith.constant 0 : i32
      %dma_start3A_287 = arith.constant 0 : i32
      %dma_start3A_288 = tpu.memref_slice %arg2[%dma_start3A_286, %dma_start3A_287] : memref<96000x128xf32, #tpu.memory_space<hbm>> -> memref<96000x128xf32, #tpu.memory_space<hbm>>
      tpu.enqueue_indirect_dma source(%dma_start3A_288 : memref<96000x128xf32, #tpu.memory_space<hbm>>) target(%dma_start3A_282 : memref<120x128xf32, #tpu.memory_space<vmem>>) offsets(%dma_start3A_285 : memref<120xi32, #tpu.memory_space<vmem>>) semaphore(%arg13 : memref<!tpu.dma_semaphore, #tpu.memory_space<semaphore_mem>>)
      %mul3A_289 = arith.constant 3 : i32
      %mul3A_290 = arith.muli %add3A_273, %mul3A_289 : i32
      %add3A_291 = arith.constant 1 : i32
      %add3A_292 = arith.addi %mul3A_290, %add3A_291 : i32
      %dma_start3A_293 = arith.constant 1 : i32
      %dma_start3A_294 = arith.constant 120 : i32
      %dma_start3A_295 = arith.constant 0 : i32
      %dma_start3A_296 = tpu.memref_slice %arg8[%dma_start3A_293, %dma_start3A_294, %dma_start3A_295] : memref<2x360x128xf32, #tpu.memory_space<vmem>> -> memref<1x120x128xf32, #tpu.memory_space<vmem>>
      %dma_start3A_297 = tpu.memref_squeeze %dma_start3A_296 : memref<1x120x128xf32, #tpu.memory_space<vmem>> -> memref<120x128xf32, #tpu.memory_space<vmem>>
      %dma_start3A_298 = arith.constant 0 : i32
      %dma_start3A_299 = tpu.memref_slice %arg7[%add3A_292, %dma_start3A_298] : memref<75x120xi32, #tpu.memory_space<vmem>> -> memref<1x120xi32, #tpu.memory_space<vmem>>
      %dma_start3A_300 = tpu.memref_squeeze %dma_start3A_299 : memref<1x120xi32, #tpu.memory_space<vmem>> -> memref<120xi32, #tpu.memory_space<vmem>>
      %dma_start3A_301 = arith.constant 0 : i32
      %dma_start3A_302 = arith.constant 0 : i32
      %dma_start3A_303 = tpu.memref_slice %arg2[%dma_start3A_301, %dma_start3A_302] : memref<96000x128xf32, #tpu.memory_space<hbm>> -> memref<96000x128xf32, #tpu.memory_space<hbm>>
      tpu.enqueue_indirect_dma source(%dma_start3A_303 : memref<96000x128xf32, #tpu.memory_space<hbm>>) target(%dma_start3A_297 : memref<120x128xf32, #tpu.memory_space<vmem>>) offsets(%dma_start3A_300 : memref<120xi32, #tpu.memory_space<vmem>>) semaphore(%arg13 : memref<!tpu.dma_semaphore, #tpu.memory_space<semaphore_mem>>)
      %mul3A_304 = arith.constant 3 : i32
      %mul3A_305 = arith.muli %add3A_273, %mul3A_304 : i32
      %add3A_306 = arith.constant 2 : i32
      %add3A_307 = arith.addi %mul3A_305, %add3A_306 : i32
      %dma_start3A_308 = arith.constant 1 : i32
      %dma_start3A_309 = arith.constant 240 : i32
      %dma_start3A_310 = arith.constant 0 : i32
      %dma_start3A_311 = tpu.memref_slice %arg8[%dma_start3A_308, %dma_start3A_309, %dma_start3A_310] : memref<2x360x128xf32, #tpu.memory_space<vmem>> -> memref<1x120x128xf32, #tpu.memory_space<vmem>>
      %dma_start3A_312 = tpu.memref_squeeze %dma_start3A_311 : memref<1x120x128xf32, #tpu.memory_space<vmem>> -> memref<120x128xf32, #tpu.memory_space<vmem>>
      %dma_start3A_313 = arith.constant 0 : i32
      %dma_start3A_314 = tpu.memref_slice %arg7[%add3A_307, %dma_start3A_313] : memref<75x120xi32, #tpu.memory_space<vmem>> -> memref<1x120xi32, #tpu.memory_space<vmem>>
      %dma_start3A_315 = tpu.memref_squeeze %dma_start3A_314 : memref<1x120xi32, #tpu.memory_space<vmem>> -> memref<120xi32, #tpu.memory_space<vmem>>
      %dma_start3A_316 = arith.constant 0 : i32
      %dma_start3A_317 = arith.constant 0 : i32
      %dma_start3A_318 = tpu.memref_slice %arg2[%dma_start3A_316, %dma_start3A_317] : memref<96000x128xf32, #tpu.memory_space<hbm>> -> memref<96000x128xf32, #tpu.memory_space<hbm>>
      tpu.enqueue_indirect_dma source(%dma_start3A_318 : memref<96000x128xf32, #tpu.memory_space<hbm>>) target(%dma_start3A_312 : memref<120x128xf32, #tpu.memory_space<vmem>>) offsets(%dma_start3A_315 : memref<120xi32, #tpu.memory_space<vmem>>) semaphore(%arg13 : memref<!tpu.dma_semaphore, #tpu.memory_space<semaphore_mem>>)
      %mul3A_319 = arith.constant 3 : i32
      %mul3A_320 = arith.muli %mul3A_271, %mul3A_319 : i32
      %add3A_321 = arith.constant 0 : i32
      %add3A_322 = arith.addi %mul3A_320, %add3A_321 : i32
      %dma_wait3A_323 = arith.constant 0 : i32
      %dma_wait3A_324 = arith.constant 0 : i32
      %dma_wait3A_325 = arith.constant 0 : i32
      %dma_wait3A_326 = tpu.memref_slice %arg8[%dma_wait3A_323, %dma_wait3A_324, %dma_wait3A_325] : memref<2x360x128xf32, #tpu.memory_space<vmem>> -> memref<1x120x128xf32, #tpu.memory_space<vmem>>
      %dma_wait3A_327 = tpu.memref_squeeze %dma_wait3A_326 : memref<1x120x128xf32, #tpu.memory_space<vmem>> -> memref<120x128xf32, #tpu.memory_space<vmem>>
      %dma_wait3A_328 = arith.constant 0 : i32
      %dma_wait3A_329 = tpu.memref_slice %arg7[%add3A_322, %dma_wait3A_328] : memref<75x120xi32, #tpu.memory_space<vmem>> -> memref<1x120xi32, #tpu.memory_space<vmem>>
      %dma_wait3A_330 = tpu.memref_squeeze %dma_wait3A_329 : memref<1x120xi32, #tpu.memory_space<vmem>> -> memref<120xi32, #tpu.memory_space<vmem>>
      %dma_wait3A_331 = arith.constant 0 : i32
      %dma_wait3A_332 = arith.constant 0 : i32
      %dma_wait3A_333 = tpu.memref_slice %arg2[%dma_wait3A_331, %dma_wait3A_332] : memref<96000x128xf32, #tpu.memory_space<hbm>> -> memref<96000x128xf32, #tpu.memory_space<hbm>>
      tpu.wait_indirect_dma semaphore(%arg12 : memref<!tpu.dma_semaphore, #tpu.memory_space<semaphore_mem>>) src(%dma_wait3A_333 : memref<96000x128xf32, #tpu.memory_space<hbm>>) dst(%dma_wait3A_327 : memref<120x128xf32, #tpu.memory_space<vmem>>)
      %mul3A_334 = arith.constant 3 : i32
      %mul3A_335 = arith.muli %mul3A_271, %mul3A_334 : i32
      %add3A_336 = arith.constant 1 : i32
      %add3A_337 = arith.addi %mul3A_335, %add3A_336 : i32
      %dma_wait3A_338 = arith.constant 0 : i32
      %dma_wait3A_339 = arith.constant 120 : i32
      %dma_wait3A_340 = arith.constant 0 : i32
      %dma_wait3A_341 = tpu.memref_slice %arg8[%dma_wait3A_338, %dma_wait3A_339, %dma_wait3A_340] : memref<2x360x128xf32, #tpu.memory_space<vmem>> -> memref<1x120x128xf32, #tpu.memory_space<vmem>>
      %dma_wait3A_342 = tpu.memref_squeeze %dma_wait3A_341 : memref<1x120x128xf32, #tpu.memory_space<vmem>> -> memref<120x128xf32, #tpu.memory_space<vmem>>
      %dma_wait3A_343 = arith.constant 0 : i32
      %dma_wait3A_344 = tpu.memref_slice %arg7[%add3A_337, %dma_wait3A_343] : memref<75x120xi32, #tpu.memory_space<vmem>> -> memref<1x120xi32, #tpu.memory_space<vmem>>
      %dma_wait3A_345 = tpu.memref_squeeze %dma_wait3A_344 : memref<1x120xi32, #tpu.memory_space<vmem>> -> memref<120xi32, #tpu.memory_space<vmem>>
      %dma_wait3A_346 = arith.constant 0 : i32
      %dma_wait3A_347 = arith.constant 0 : i32
      %dma_wait3A_348 = tpu.memref_slice %arg2[%dma_wait3A_346, %dma_wait3A_347] : memref<96000x128xf32, #tpu.memory_space<hbm>> -> memref<96000x128xf32, #tpu.memory_space<hbm>>
      tpu.wait_indirect_dma semaphore(%arg12 : memref<!tpu.dma_semaphore, #tpu.memory_space<semaphore_mem>>) src(%dma_wait3A_348 : memref<96000x128xf32, #tpu.memory_space<hbm>>) dst(%dma_wait3A_342 : memref<120x128xf32, #tpu.memory_space<vmem>>)
      %mul3A_349 = arith.constant 3 : i32
      %mul3A_350 = arith.muli %mul3A_271, %mul3A_349 : i32
      %add3A_351 = arith.constant 2 : i32
      %add3A_352 = arith.addi %mul3A_350, %add3A_351 : i32
      %dma_wait3A_353 = arith.constant 0 : i32
      %dma_wait3A_354 = arith.constant 240 : i32
      %dma_wait3A_355 = arith.constant 0 : i32
      %dma_wait3A_356 = tpu.memref_slice %arg8[%dma_wait3A_353, %dma_wait3A_354, %dma_wait3A_355] : memref<2x360x128xf32, #tpu.memory_space<vmem>> -> memref<1x120x128xf32, #tpu.memory_space<vmem>>
      %dma_wait3A_357 = tpu.memref_squeeze %dma_wait3A_356 : memref<1x120x128xf32, #tpu.memory_space<vmem>> -> memref<120x128xf32, #tpu.memory_space<vmem>>
      %dma_wait3A_358 = arith.constant 0 : i32
      %dma_wait3A_359 = tpu.memref_slice %arg7[%add3A_352, %dma_wait3A_358] : memref<75x120xi32, #tpu.memory_space<vmem>> -> memref<1x120xi32, #tpu.memory_space<vmem>>
      %dma_wait3A_360 = tpu.memref_squeeze %dma_wait3A_359 : memref<1x120xi32, #tpu.memory_space<vmem>> -> memref<120xi32, #tpu.memory_space<vmem>>
      %dma_wait3A_361 = arith.constant 0 : i32
      %dma_wait3A_362 = arith.constant 0 : i32
      %dma_wait3A_363 = tpu.memref_slice %arg2[%dma_wait3A_361, %dma_wait3A_362] : memref<96000x128xf32, #tpu.memory_space<hbm>> -> memref<96000x128xf32, #tpu.memory_space<hbm>>
      tpu.wait_indirect_dma semaphore(%arg12 : memref<!tpu.dma_semaphore, #tpu.memory_space<semaphore_mem>>) src(%dma_wait3A_363 : memref<96000x128xf32, #tpu.memory_space<hbm>>) dst(%dma_wait3A_357 : memref<120x128xf32, #tpu.memory_space<vmem>>)
      %mul3A_364 = arith.constant 1000 : i32
      %mul3A_365 = arith.muli %add3A, %mul3A_364 : i32
      %mul3A_366 = arith.constant 40 : i32
      %mul3A_367 = arith.muli %mul3A_271, %mul3A_366 : i32
      %add3A_368 = arith.addi %mul3A_365, %mul3A_367 : i32
      "tpu.region"() ({
        %run_scoped3A_586 = tpu.sem_alloc : memref<!tpu.dma_semaphore, #tpu.memory_space<semaphore_mem>>
        %dma_start3A_587 = arith.constant 0 : i32
        %dma_start3A_588 = tpu.memref_slice %arg4[%add3A_368, %dma_start3A_587] : memref<32000x128xf32, #tpu.memory_space<hbm>> -> memref<40x128xf32, #tpu.memory_space<hbm>>
        %dma_start3A_589 = arith.constant 0 : i32
        %dma_start3A_590 = tpu.memref_slice %arg4[%add3A_368, %dma_start3A_589] : memref<32000x128xf32, #tpu.memory_space<hbm>> -> memref<40x128xf32, #tpu.memory_space<hbm>>
        tpu.enqueue_dma source(%dma_start3A_590 : memref<40x128xf32, #tpu.memory_space<hbm>>) target(%arg9 : memref<40x128xf32, #tpu.memory_space<vmem>>) target_semaphore(%run_scoped3A_586 : memref<!tpu.dma_semaphore, #tpu.memory_space<semaphore_mem>>)
        %dma_wait3A_591 = arith.constant 0 : i32
        %dma_wait3A_592 = tpu.memref_slice %arg4[%add3A_368, %dma_wait3A_591] : memref<32000x128xf32, #tpu.memory_space<hbm>> -> memref<40x128xf32, #tpu.memory_space<hbm>>
        %dma_wait3A_593 = arith.constant 0 : i32
        %dma_wait3A_594 = tpu.memref_slice %arg4[%add3A_368, %dma_wait3A_593] : memref<32000x128xf32, #tpu.memory_space<hbm>> -> memref<40x128xf32, #tpu.memory_space<hbm>>
        tpu.wait_dma2 semaphore(%run_scoped3A_586 : memref<!tpu.dma_semaphore, #tpu.memory_space<semaphore_mem>>) src(%dma_wait3A_594 : memref<40x128xf32, #tpu.memory_space<hbm>>) dst(%arg9 : memref<40x128xf32, #tpu.memory_space<vmem>>)
        tpu.yield
      }) : () -> ()
      %scan3A_369 = arith.constant 0 : i32
      %scan3A_370 = arith.constant 40 : i32
      %scan3A_371 = arith.addi %scan3A_369, %scan3A_370 : i32
      %scan3A_372 = arith.constant 1 : i32
      %scan3A_373:16 = scf.for %scan3A_586 = %scan3A_369 to %scan3A_371 step %scan3A_372 iter_args(%scan3A_587 = %scan3A_254, %scan3A_588 = %scan3A_255, %scan3A_589 = %scan3A_256, %scan3A_590 = %scan3A_257, %scan3A_591 = %scan3A_258, %scan3A_592 = %scan3A_259, %scan3A_593 = %scan3A_260, %scan3A_594 = %scan3A_261, %scan3A_595 = %scan3A_262, %scan3A_596 = %scan3A_263, %scan3A_597 = %scan3A_264, %scan3A_598 = %scan3A_265, %scan3A_599 = %scan3A_266, %scan3A_600 = %scan3A_267, %scan3A_601 = %scan3A_268, %scan3A_602 = %scan3A_269) -> (vector<16xf32>, vector<16xf32>, vector<16xf32>, vector<16xf32>, vector<16xf32>, vector<16xf32>, vector<16xf32>, vector<16xf32>, vector<16xf32>, vector<16xf32>, vector<16xf32>, vector<16xf32>, vector<16xf32>, vector<16xf32>, vector<16xf32>, vector<16xf32>)  : i32 {
        %mul3A_603 = arith.constant 9 : i32
        %mul3A_604 = arith.muli %scan3A_586, %mul3A_603 : i32
        %get3A = arith.index_cast %scan3A_586 : i32 to index
        %get3A_605 = arith.constant 0 : index
        %get3A_606 = tpu.vector_load %arg9[%get3A, %get3A_605] {strides = array<i32>} : memref<40x128xf32, #tpu.memory_space<vmem>>, vector<1x16xf32>,
        %get3A_607 = vector.shape_cast %get3A_606 : vector<1x16xf32> to vector<16xf32>
        %add3A_608 = arith.constant 0 : i32
        %add3A_609 = arith.addi %mul3A_604, %add3A_608 : i32
        %get3A_610 = arith.constant 0 : i32
        %get3A_611 = arith.index_cast %get3A_610 : i32 to index
        %get3A_612 = arith.index_cast %add3A_609 : i32 to index
        %get3A_613 = arith.constant 0 : index
        %get3A_614 = tpu.vector_load %arg8[%get3A_611, %get3A_612, %get3A_613] {strides = array<i32>} : memref<2x360x128xf32, #tpu.memory_space<vmem>>, vector<1x1x16xf32>,
        %get3A_615 = vector.shape_cast %get3A_614 : vector<1x1x16xf32> to vector<16xf32>
        %add3A_616 = arith.constant 1 : i32
        %add3A_617 = arith.addi %add3A_609, %add3A_616 : i32
        %get3A_618 = arith.constant 0 : i32
        %get3A_619 = arith.index_cast %get3A_618 : i32 to index
        %get3A_620 = arith.index_cast %add3A_617 : i32 to index
        %get3A_621 = arith.constant 0 : index
        %get3A_622 = tpu.vector_load %arg8[%get3A_619, %get3A_620, %get3A_621] {strides = array<i32>} : memref<2x360x128xf32, #tpu.memory_space<vmem>>, vector<1x1x16xf32>,
        %get3A_623 = vector.shape_cast %get3A_622 : vector<1x1x16xf32> to vector<16xf32>
        %add3A_624 = arith.addf %get3A_615, %get3A_623 : vector<16xf32>
        %add3A_625 = arith.constant 2 : i32
        %add3A_626 = arith.addi %add3A_609, %add3A_625 : i32
        %get3A_627 = arith.constant 0 : i32
        %get3A_628 = arith.index_cast %get3A_627 : i32 to index
        %get3A_629 = arith.index_cast %add3A_626 : i32 to index
        %get3A_630 = arith.constant 0 : index
        %get3A_631 = tpu.vector_load %arg8[%get3A_628, %get3A_629, %get3A_630] {strides = array<i32>} : memref<2x360x128xf32, #tpu.memory_space<vmem>>, vector<1x1x16xf32>,
        %get3A_632 = vector.shape_cast %get3A_631 : vector<1x1x16xf32> to vector<16xf32>
        %add3A_633 = arith.addf %add3A_624, %get3A_632 : vector<16xf32>
        %sub3A_634 = arith.subf %get3A_607, %add3A_633 : vector<16xf32>
        %swap3A_635 = arith.constant 0 : i32
        %swap3A_636 = arith.index_cast %swap3A_635 : i32 to index
        %swap3A_637 = arith.index_cast %scan3A_586 : i32 to index
        %swap3A_638 = arith.constant 0 : index
        %swap3A_639 = tpu.vector_load %arg10[%swap3A_636, %swap3A_637, %swap3A_638] {strides = array<i32>} : memref<3x40x128xf32, #tpu.memory_space<vmem>>, vector<1x1x16xf32>,
        %swap3A_640 = vector.shape_cast %swap3A_639 : vector<1x1x16xf32> to vector<16xf32>
        %swap3A_641 = vector.shape_cast %sub3A_634 : vector<16xf32> to vector<1x1x16xf32>
        tpu.vector_store %arg10[%swap3A_636, %swap3A_637, %swap3A_638], %swap3A_641 {strides = array<i32>} : memref<3x40x128xf32, #tpu.memory_space<vmem>>, vector<1x1x16xf32>,
        %add3A_642 = arith.addf %scan3A_587, %sub3A_634 : vector<16xf32>
        %mul3A_643 = arith.mulf %sub3A_634, %sub3A_634 : vector<16xf32>
        %add3A_644 = arith.addf %scan3A_595, %mul3A_643 : vector<16xf32>
        %add3A_645 = arith.constant 3 : i32
        %add3A_646 = arith.addi %mul3A_604, %add3A_645 : i32
        %get3A_647 = arith.constant 0 : i32
        %get3A_648 = arith.index_cast %get3A_647 : i32 to index
        %get3A_649 = arith.index_cast %add3A_646 : i32 to index
        %get3A_650 = arith.constant 0 : index
        %get3A_651 = tpu.vector_load %arg8[%get3A_648, %get3A_649, %get3A_650] {strides = array<i32>} : memref<2x360x128xf32, #tpu.memory_space<vmem>>, vector<1x1x16xf32>,
        %get3A_652 = vector.shape_cast %get3A_651 : vector<1x1x16xf32> to vector<16xf32>
        %add3A_653 = arith.constant 1 : i32
        %add3A_654 = arith.addi %add3A_646, %add3A_653 : i32
        %get3A_655 = arith.constant 0 : i32
        %get3A_656 = arith.index_cast %get3A_655 : i32 to index
        %get3A_657 = arith.index_cast %add3A_654 : i32 to index
        %get3A_658 = arith.constant 0 : index
        %get3A_659 = tpu.vector_load %arg8[%get3A_656, %get3A_657, %get3A_658] {strides = array<i32>} : memref<2x360x128xf32, #tpu.memory_space<vmem>>, vector<1x1x16xf32>,
        %get3A_660 = vector.shape_cast %get3A_659 : vector<1x1x16xf32> to vector<16xf32>
        %add3A_661 = arith.addf %get3A_652, %get3A_660 : vector<16xf32>
        %add3A_662 = arith.constant 2 : i32
        %add3A_663 = arith.addi %add3A_646, %add3A_662 : i32
        %get3A_664 = arith.constant 0 : i32
        %get3A_665 = arith.index_cast %get3A_664 : i32 to index
        %get3A_666 = arith.index_cast %add3A_663 : i32 to index
        %get3A_667 = arith.constant 0 : index
        %get3A_668 = tpu.vector_load %arg8[%get3A_665, %get3A_666, %get3A_667] {strides = array<i32>} : memref<2x360x128xf32, #tpu.memory_space<vmem>>, vector<1x1x16xf32>,
        %get3A_669 = vector.shape_cast %get3A_668 : vector<1x1x16xf32> to vector<16xf32>
        %add3A_670 = arith.addf %add3A_661, %get3A_669 : vector<16xf32>
        %sub3A_671 = arith.subf %get3A_607, %add3A_670 : vector<16xf32>
        %swap3A_672 = arith.constant 1 : i32
        %swap3A_673 = arith.index_cast %swap3A_672 : i32 to index
        %swap3A_674 = arith.index_cast %scan3A_586 : i32 to index
        %swap3A_675 = arith.constant 0 : index
        %swap3A_676 = tpu.vector_load %arg10[%swap3A_673, %swap3A_674, %swap3A_675] {strides = array<i32>} : memref<3x40x128xf32, #tpu.memory_space<vmem>>, vector<1x1x16xf32>,
        %swap3A_677 = vector.shape_cast %swap3A_676 : vector<1x1x16xf32> to vector<16xf32>
        %swap3A_678 = vector.shape_cast %sub3A_671 : vector<16xf32> to vector<1x1x16xf32>
        tpu.vector_store %arg10[%swap3A_673, %swap3A_674, %swap3A_675], %swap3A_678 {strides = array<i32>} : memref<3x40x128xf32, #tpu.memory_space<vmem>>, vector<1x1x16xf32>,
        %add3A_679 = arith.addf %add3A_642, %sub3A_671 : vector<16xf32>
        %mul3A_680 = arith.mulf %sub3A_671, %sub3A_671 : vector<16xf32>
        %add3A_681 = arith.addf %add3A_644, %mul3A_680 : vector<16xf32>
        %add3A_682 = arith.constant 6 : i32
        %add3A_683 = arith.addi %mul3A_604, %add3A_682 : i32
        %get3A_684 = arith.constant 0 : i32
        %get3A_685 = arith.index_cast %get3A_684 : i32 to index
        %get3A_686 = arith.index_cast %add3A_683 : i32 to index
        %get3A_687 = arith.constant 0 : index
        %get3A_688 = tpu.vector_load %arg8[%get3A_685, %get3A_686, %get3A_687] {strides = array<i32>} : memref<2x360x128xf32, #tpu.memory_space<vmem>>, vector<1x1x16xf32>,
        %get3A_689 = vector.shape_cast %get3A_688 : vector<1x1x16xf32> to vector<16xf32>
        %add3A_690 = arith.constant 1 : i32
        %add3A_691 = arith.addi %add3A_683, %add3A_690 : i32
        %get3A_692 = arith.constant 0 : i32
        %get3A_693 = arith.index_cast %get3A_692 : i32 to index
        %get3A_694 = arith.index_cast %add3A_691 : i32 to index
        %get3A_695 = arith.constant 0 : index
        %get3A_696 = tpu.vector_load %arg8[%get3A_693, %get3A_694, %get3A_695] {strides = array<i32>} : memref<2x360x128xf32, #tpu.memory_space<vmem>>, vector<1x1x16xf32>,
        %get3A_697 = vector.shape_cast %get3A_696 : vector<1x1x16xf32> to vector<16xf32>
        %add3A_698 = arith.addf %get3A_689, %get3A_697 : vector<16xf32>
        %add3A_699 = arith.constant 2 : i32
        %add3A_700 = arith.addi %add3A_683, %add3A_699 : i32
        %get3A_701 = arith.constant 0 : i32
        %get3A_702 = arith.index_cast %get3A_701 : i32 to index
        %get3A_703 = arith.index_cast %add3A_700 : i32 to index
        %get3A_704 = arith.constant 0 : index
        %get3A_705 = tpu.vector_load %arg8[%get3A_702, %get3A_703, %get3A_704] {strides = array<i32>} : memref<2x360x128xf32, #tpu.memory_space<vmem>>, vector<1x1x16xf32>,
        %get3A_706 = vector.shape_cast %get3A_705 : vector<1x1x16xf32> to vector<16xf32>
        %add3A_707 = arith.addf %add3A_698, %get3A_706 : vector<16xf32>
        %sub3A_708 = arith.subf %get3A_607, %add3A_707 : vector<16xf32>
        %swap3A_709 = arith.constant 2 : i32
        %swap3A_710 = arith.index_cast %swap3A_709 : i32 to index
        %swap3A_711 = arith.index_cast %scan3A_586 : i32 to index
        %swap3A_712 = arith.constant 0 : index
        %swap3A_713 = tpu.vector_load %arg10[%swap3A_710, %swap3A_711, %swap3A_712] {strides = array<i32>} : memref<3x40x128xf32, #tpu.memory_space<vmem>>, vector<1x1x16xf32>,
        %swap3A_714 = vector.shape_cast %swap3A_713 : vector<1x1x16xf32> to vector<16xf32>
        %swap3A_715 = vector.shape_cast %sub3A_708 : vector<16xf32> to vector<1x1x16xf32>
        tpu.vector_store %arg10[%swap3A_710, %swap3A_711, %swap3A_712], %swap3A_715 {strides = array<i32>} : memref<3x40x128xf32, #tpu.memory_space<vmem>>, vector<1x1x16xf32>,
        %add3A_716 = arith.addf %add3A_679, %sub3A_708 : vector<16xf32>
        %mul3A_717 = arith.mulf %sub3A_708, %sub3A_708 : vector<16xf32>
        %add3A_718 = arith.addf %add3A_681, %mul3A_717 : vector<16xf32>
        %get3A_719 = arith.index_cast %scan3A_586 : i32 to index
        %get3A_720 = arith.constant 16 : index
        %get3A_721 = tpu.vector_load %arg9[%get3A_719, %get3A_720] {strides = array<i32>} : memref<40x128xf32, #tpu.memory_space<vmem>>, vector<1x16xf32>,
        %get3A_722 = vector.shape_cast %get3A_721 : vector<1x16xf32> to vector<16xf32>
        %add3A_723 = arith.constant 0 : i32
        %add3A_724 = arith.addi %mul3A_604, %add3A_723 : i32
        %get3A_725 = arith.constant 0 : i32
        %get3A_726 = arith.index_cast %get3A_725 : i32 to index
        %get3A_727 = arith.index_cast %add3A_724 : i32 to index
        %get3A_728 = arith.constant 16 : index
        %get3A_729 = tpu.vector_load %arg8[%get3A_726, %get3A_727, %get3A_728] {strides = array<i32>} : memref<2x360x128xf32, #tpu.memory_space<vmem>>, vector<1x1x16xf32>,
        %get3A_730 = vector.shape_cast %get3A_729 : vector<1x1x16xf32> to vector<16xf32>
        %add3A_731 = arith.constant 1 : i32
        %add3A_732 = arith.addi %add3A_724, %add3A_731 : i32
        %get3A_733 = arith.constant 0 : i32
        %get3A_734 = arith.index_cast %get3A_733 : i32 to index
        %get3A_735 = arith.index_cast %add3A_732 : i32 to index
        %get3A_736 = arith.constant 16 : index
        %get3A_737 = tpu.vector_load %arg8[%get3A_734, %get3A_735, %get3A_736] {strides = array<i32>} : memref<2x360x128xf32, #tpu.memory_space<vmem>>, vector<1x1x16xf32>,
        %get3A_738 = vector.shape_cast %get3A_737 : vector<1x1x16xf32> to vector<16xf32>
        %add3A_739 = arith.addf %get3A_730, %get3A_738 : vector<16xf32>
        %add3A_740 = arith.constant 2 : i32
        %add3A_741 = arith.addi %add3A_724, %add3A_740 : i32
        %get3A_742 = arith.constant 0 : i32
        %get3A_743 = arith.index_cast %get3A_742 : i32 to index
        %get3A_744 = arith.index_cast %add3A_741 : i32 to index
        %get3A_745 = arith.constant 16 : index
        %get3A_746 = tpu.vector_load %arg8[%get3A_743, %get3A_744, %get3A_745] {strides = array<i32>} : memref<2x360x128xf32, #tpu.memory_space<vmem>>, vector<1x1x16xf32>,
        %get3A_747 = vector.shape_cast %get3A_746 : vector<1x1x16xf32> to vector<16xf32>
        %add3A_748 = arith.addf %add3A_739, %get3A_747 : vector<16xf32>
        %sub3A_749 = arith.subf %get3A_722, %add3A_748 : vector<16xf32>
        %swap3A_750 = arith.constant 0 : i32
        %swap3A_751 = arith.index_cast %swap3A_750 : i32 to index
        %swap3A_752 = arith.index_cast %scan3A_586 : i32 to index
        %swap3A_753 = arith.constant 16 : index
        %swap3A_754 = tpu.vector_load %arg10[%swap3A_751, %swap3A_752, %swap3A_753] {strides = array<i32>} : memref<3x40x128xf32, #tpu.memory_space<vmem>>, vector<1x1x16xf32>,
        %swap3A_755 = vector.shape_cast %swap3A_754 : vector<1x1x16xf32> to vector<16xf32>
        %swap3A_756 = vector.shape_cast %sub3A_749 : vector<16xf32> to vector<1x1x16xf32>
        tpu.vector_store %arg10[%swap3A_751, %swap3A_752, %swap3A_753], %swap3A_756 {strides = array<i32>} : memref<3x40x128xf32, #tpu.memory_space<vmem>>, vector<1x1x16xf32>,
        %add3A_757 = arith.addf %scan3A_588, %sub3A_749 : vector<16xf32>
        %mul3A_758 = arith.mulf %sub3A_749, %sub3A_749 : vector<16xf32>
        %add3A_759 = arith.addf %scan3A_596, %mul3A_758 : vector<16xf32>
        %add3A_760 = arith.constant 3 : i32
        %add3A_761 = arith.addi %mul3A_604, %add3A_760 : i32
        %get3A_762 = arith.constant 0 : i32
        %get3A_763 = arith.index_cast %get3A_762 : i32 to index
        %get3A_764 = arith.index_cast %add3A_761 : i32 to index
        %get3A_765 = arith.constant 16 : index
        %get3A_766 = tpu.vector_load %arg8[%get3A_763, %get3A_764, %get3A_765] {strides = array<i32>} : memref<2x360x128xf32, #tpu.memory_space<vmem>>, vector<1x1x16xf32>,
        %get3A_767 = vector.shape_cast %get3A_766 : vector<1x1x16xf32> to vector<16xf32>
        %add3A_768 = arith.constant 1 : i32
        %add3A_769 = arith.addi %add3A_761, %add3A_768 : i32
        %get3A_770 = arith.constant 0 : i32
        %get3A_771 = arith.index_cast %get3A_770 : i32 to index
        %get3A_772 = arith.index_cast %add3A_769 : i32 to index
        %get3A_773 = arith.constant 16 : index
        %get3A_774 = tpu.vector_load %arg8[%get3A_771, %get3A_772, %get3A_773] {strides = array<i32>} : memref<2x360x128xf32, #tpu.memory_space<vmem>>, vector<1x1x16xf32>,
        %get3A_775 = vector.shape_cast %get3A_774 : vector<1x1x16xf32> to vector<16xf32>
        %add3A_776 = arith.addf %get3A_767, %get3A_775 : vector<16xf32>
        %add3A_777 = arith.constant 2 : i32
        %add3A_778 = arith.addi %add3A_761, %add3A_777 : i32
        %get3A_779 = arith.constant 0 : i32
        %get3A_780 = arith.index_cast %get3A_779 : i32 to index
        %get3A_781 = arith.index_cast %add3A_778 : i32 to index
        %get3A_782 = arith.constant 16 : index
        %get3A_783 = tpu.vector_load %arg8[%get3A_780, %get3A_781, %get3A_782] {strides = array<i32>} : memref<2x360x128xf32, #tpu.memory_space<vmem>>, vector<1x1x16xf32>,
        %get3A_784 = vector.shape_cast %get3A_783 : vector<1x1x16xf32> to vector<16xf32>
        %add3A_785 = arith.addf %add3A_776, %get3A_784 : vector<16xf32>
        %sub3A_786 = arith.subf %get3A_722, %add3A_785 : vector<16xf32>
        %swap3A_787 = arith.constant 1 : i32
        %swap3A_788 = arith.index_cast %swap3A_787 : i32 to index
        %swap3A_789 = arith.index_cast %scan3A_586 : i32 to index
        %swap3A_790 = arith.constant 16 : index
        %swap3A_791 = tpu.vector_load %arg10[%swap3A_788, %swap3A_789, %swap3A_790] {strides = array<i32>} : memref<3x40x128xf32, #tpu.memory_space<vmem>>, vector<1x1x16xf32>,
        %swap3A_792 = vector.shape_cast %swap3A_791 : vector<1x1x16xf32> to vector<16xf32>
        %swap3A_793 = vector.shape_cast %sub3A_786 : vector<16xf32> to vector<1x1x16xf32>
        tpu.vector_store %arg10[%swap3A_788, %swap3A_789, %swap3A_790], %swap3A_793 {strides = array<i32>} : memref<3x40x128xf32, #tpu.memory_space<vmem>>, vector<1x1x16xf32>,
        %add3A_794 = arith.addf %add3A_757, %sub3A_786 : vector<16xf32>
        %mul3A_795 = arith.mulf %sub3A_786, %sub3A_786 : vector<16xf32>
        %add3A_796 = arith.addf %add3A_759, %mul3A_795 : vector<16xf32>
        %add3A_797 = arith.constant 6 : i32
        %add3A_798 = arith.addi %mul3A_604, %add3A_797 : i32
        %get3A_799 = arith.constant 0 : i32
        %get3A_800 = arith.index_cast %get3A_799 : i32 to index
        %get3A_801 = arith.index_cast %add3A_798 : i32 to index
        %get3A_802 = arith.constant 16 : index
        %get3A_803 = tpu.vector_load %arg8[%get3A_800, %get3A_801, %get3A_802] {strides = array<i32>} : memref<2x360x128xf32, #tpu.memory_space<vmem>>, vector<1x1x16xf32>,
        %get3A_804 = vector.shape_cast %get3A_803 : vector<1x1x16xf32> to vector<16xf32>
        %add3A_805 = arith.constant 1 : i32
        %add3A_806 = arith.addi %add3A_798, %add3A_805 : i32
        %get3A_807 = arith.constant 0 : i32
        %get3A_808 = arith.index_cast %get3A_807 : i32 to index
        %get3A_809 = arith.index_cast %add3A_806 : i32 to index
        %get3A_810 = arith.constant 16 : index
        %get3A_811 = tpu.vector_load %arg8[%get3A_808, %get3A_809, %get3A_810] {strides = array<i32>} : memref<2x360x128xf32, #tpu.memory_space<vmem>>, vector<1x1x16xf32>,
        %get3A_812 = vector.shape_cast %get3A_811 : vector<1x1x16xf32> to vector<16xf32>
        %add3A_813 = arith.addf %get3A_804, %get3A_812 : vector<16xf32>
        %add3A_814 = arith.constant 2 : i32
        %add3A_815 = arith.addi %add3A_798, %add3A_814 : i32
        %get3A_816 = arith.constant 0 : i32
        %get3A_817 = arith.index_cast %get3A_816 : i32 to index
        %get3A_818 = arith.index_cast %add3A_815 : i32 to index
        %get3A_819 = arith.constant 16 : index
        %get3A_820 = tpu.vector_load %arg8[%get3A_817, %get3A_818, %get3A_819] {strides = array<i32>} : memref<2x360x128xf32, #tpu.memory_space<vmem>>, vector<1x1x16xf32>,
        %get3A_821 = vector.shape_cast %get3A_820 : vector<1x1x16xf32> to vector<16xf32>
        %add3A_822 = arith.addf %add3A_813, %get3A_821 : vector<16xf32>
        %sub3A_823 = arith.subf %get3A_722, %add3A_822 : vector<16xf32>
        %swap3A_824 = arith.constant 2 : i32
        %swap3A_825 = arith.index_cast %swap3A_824 : i32 to index
        %swap3A_826 = arith.index_cast %scan3A_586 : i32 to index
        %swap3A_827 = arith.constant 16 : index
        %swap3A_828 = tpu.vector_load %arg10[%swap3A_825, %swap3A_826, %swap3A_827] {strides = array<i32>} : memref<3x40x128xf32, #tpu.memory_space<vmem>>, vector<1x1x16xf32>,
        %swap3A_829 = vector.shape_cast %swap3A_828 : vector<1x1x16xf32> to vector<16xf32>
        %swap3A_830 = vector.shape_cast %sub3A_823 : vector<16xf32> to vector<1x1x16xf32>
        tpu.vector_store %arg10[%swap3A_825, %swap3A_826, %swap3A_827], %swap3A_830 {strides = array<i32>} : memref<3x40x128xf32, #tpu.memory_space<vmem>>, vector<1x1x16xf32>,
        %add3A_831 = arith.addf %add3A_794, %sub3A_823 : vector<16xf32>
        %mul3A_832 = arith.mulf %sub3A_823, %sub3A_823 : vector<16xf32>
        %add3A_833 = arith.addf %add3A_796, %mul3A_832 : vector<16xf32>
        %get3A_834 = arith.index_cast %scan3A_586 : i32 to index
        %get3A_835 = arith.constant 32 : index
        %get3A_836 = tpu.vector_load %arg9[%get3A_834, %get3A_835] {strides = array<i32>} : memref<40x128xf32, #tpu.memory_space<vmem>>, vector<1x16xf32>,
        %get3A_837 = vector.shape_cast %get3A_836 : vector<1x16xf32> to vector<16xf32>
        %add3A_838 = arith.constant 0 : i32
        %add3A_839 = arith.addi %mul3A_604, %add3A_838 : i32
        %get3A_840 = arith.constant 0 : i32
        %get3A_841 = arith.index_cast %get3A_840 : i32 to index
        %get3A_842 = arith.index_cast %add3A_839 : i32 to index
        %get3A_843 = arith.constant 32 : index
        %get3A_844 = tpu.vector_load %arg8[%get3A_841, %get3A_842, %get3A_843] {strides = array<i32>} : memref<2x360x128xf32, #tpu.memory_space<vmem>>, vector<1x1x16xf32>,
        %get3A_845 = vector.shape_cast %get3A_844 : vector<1x1x16xf32> to vector<16xf32>
        %add3A_846 = arith.constant 1 : i32
        %add3A_847 = arith.addi %add3A_839, %add3A_846 : i32
        %get3A_848 = arith.constant 0 : i32
        %get3A_849 = arith.index_cast %get3A_848 : i32 to index
        %get3A_850 = arith.index_cast %add3A_847 : i32 to index
        %get3A_851 = arith.constant 32 : index
        %get3A_852 = tpu.vector_load %arg8[%get3A_849, %get3A_850, %get3A_851] {strides = array<i32>} : memref<2x360x128xf32, #tpu.memory_space<vmem>>, vector<1x1x16xf32>,
        %get3A_853 = vector.shape_cast %get3A_852 : vector<1x1x16xf32> to vector<16xf32>
        %add3A_854 = arith.addf %get3A_845, %get3A_853 : vector<16xf32>
        %add3A_855 = arith.constant 2 : i32
        %add3A_856 = arith.addi %add3A_839, %add3A_855 : i32
        %get3A_857 = arith.constant 0 : i32
        %get3A_858 = arith.index_cast %get3A_857 : i32 to index
        %get3A_859 = arith.index_cast %add3A_856 : i32 to index
        %get3A_860 = arith.constant 32 : index
        %get3A_861 = tpu.vector_load %arg8[%get3A_858, %get3A_859, %get3A_860] {strides = array<i32>} : memref<2x360x128xf32, #tpu.memory_space<vmem>>, vector<1x1x16xf32>,
        %get3A_862 = vector.shape_cast %get3A_861 : vector<1x1x16xf32> to vector<16xf32>
        %add3A_863 = arith.addf %add3A_854, %get3A_862 : vector<16xf32>
        %sub3A_864 = arith.subf %get3A_837, %add3A_863 : vector<16xf32>
        %swap3A_865 = arith.constant 0 : i32
        %swap3A_866 = arith.index_cast %swap3A_865 : i32 to index
        %swap3A_867 = arith.index_cast %scan3A_586 : i32 to index
        %swap3A_868 = arith.constant 32 : index
        %swap3A_869 = tpu.vector_load %arg10[%swap3A_866, %swap3A_867, %swap3A_868] {strides = array<i32>} : memref<3x40x128xf32, #tpu.memory_space<vmem>>, vector<1x1x16xf32>,
        %swap3A_870 = vector.shape_cast %swap3A_869 : vector<1x1x16xf32> to vector<16xf32>
        %swap3A_871 = vector.shape_cast %sub3A_864 : vector<16xf32> to vector<1x1x16xf32>
        tpu.vector_store %arg10[%swap3A_866, %swap3A_867, %swap3A_868], %swap3A_871 {strides = array<i32>} : memref<3x40x128xf32, #tpu.memory_space<vmem>>, vector<1x1x16xf32>,
        %add3A_872 = arith.addf %scan3A_589, %sub3A_864 : vector<16xf32>
        %mul3A_873 = arith.mulf %sub3A_864, %sub3A_864 : vector<16xf32>
        %add3A_874 = arith.addf %scan3A_597, %mul3A_873 : vector<16xf32>
        %add3A_875 = arith.constant 3 : i32
        %add3A_876 = arith.addi %mul3A_604, %add3A_875 : i32
        %get3A_877 = arith.constant 0 : i32
        %get3A_878 = arith.index_cast %get3A_877 : i32 to index
        %get3A_879 = arith.index_cast %add3A_876 : i32 to index
        %get3A_880 = arith.constant 32 : index
        %get3A_881 = tpu.vector_load %arg8[%get3A_878, %get3A_879, %get3A_880] {strides = array<i32>} : memref<2x360x128xf32, #tpu.memory_space<vmem>>, vector<1x1x16xf32>,
        %get3A_882 = vector.shape_cast %get3A_881 : vector<1x1x16xf32> to vector<16xf32>
        %add3A_883 = arith.constant 1 : i32
        %add3A_884 = arith.addi %add3A_876, %add3A_883 : i32
        %get3A_885 = arith.constant 0 : i32
        %get3A_886 = arith.index_cast %get3A_885 : i32 to index
        %get3A_887 = arith.index_cast %add3A_884 : i32 to index
        %get3A_888 = arith.constant 32 : index
        %get3A_889 = tpu.vector_load %arg8[%get3A_886, %get3A_887, %get3A_888] {strides = array<i32>} : memref<2x360x128xf32, #tpu.memory_space<vmem>>, vector<1x1x16xf32>,
        %get3A_890 = vector.shape_cast %get3A_889 : vector<1x1x16xf32> to vector<16xf32>
        %add3A_891 = arith.addf %get3A_882, %get3A_890 : vector<16xf32>
        %add3A_892 = arith.constant 2 : i32
        %add3A_893 = arith.addi %add3A_876, %add3A_892 : i32
        %get3A_894 = arith.constant 0 : i32
        %get3A_895 = arith.index_cast %get3A_894 : i32 to index
        %get3A_896 = arith.index_cast %add3A_893 : i32 to index
        %get3A_897 = arith.constant 32 : index
        %get3A_898 = tpu.vector_load %arg8[%get3A_895, %get3A_896, %get3A_897] {strides = array<i32>} : memref<2x360x128xf32, #tpu.memory_space<vmem>>, vector<1x1x16xf32>,
        %get3A_899 = vector.shape_cast %get3A_898 : vector<1x1x16xf32> to vector<16xf32>
        %add3A_900 = arith.addf %add3A_891, %get3A_899 : vector<16xf32>
        %sub3A_901 = arith.subf %get3A_837, %add3A_900 : vector<16xf32>
        %swap3A_902 = arith.constant 1 : i32
        %swap3A_903 = arith.index_cast %swap3A_902 : i32 to index
        %swap3A_904 = arith.index_cast %scan3A_586 : i32 to index
        %swap3A_905 = arith.constant 32 : index
        %swap3A_906 = tpu.vector_load %arg10[%swap3A_903, %swap3A_904, %swap3A_905] {strides = array<i32>} : memref<3x40x128xf32, #tpu.memory_space<vmem>>, vector<1x1x16xf32>,
        %swap3A_907 = vector.shape_cast %swap3A_906 : vector<1x1x16xf32> to vector<16xf32>
        %swap3A_908 = vector.shape_cast %sub3A_901 : vector<16xf32> to vector<1x1x16xf32>
        tpu.vector_store %arg10[%swap3A_903, %swap3A_904, %swap3A_905], %swap3A_908 {strides = array<i32>} : memref<3x40x128xf32, #tpu.memory_space<vmem>>, vector<1x1x16xf32>,
        %add3A_909 = arith.addf %add3A_872, %sub3A_901 : vector<16xf32>
        %mul3A_910 = arith.mulf %sub3A_901, %sub3A_901 : vector<16xf32>
        %add3A_911 = arith.addf %add3A_874, %mul3A_910 : vector<16xf32>
        %add3A_912 = arith.constant 6 : i32
        %add3A_913 = arith.addi %mul3A_604, %add3A_912 : i32
        %get3A_914 = arith.constant 0 : i32
        %get3A_915 = arith.index_cast %get3A_914 : i32 to index
        %get3A_916 = arith.index_cast %add3A_913 : i32 to index
        %get3A_917 = arith.constant 32 : index
        %get3A_918 = tpu.vector_load %arg8[%get3A_915, %get3A_916, %get3A_917] {strides = array<i32>} : memref<2x360x128xf32, #tpu.memory_space<vmem>>, vector<1x1x16xf32>,
        %get3A_919 = vector.shape_cast %get3A_918 : vector<1x1x16xf32> to vector<16xf32>
        %add3A_920 = arith.constant 1 : i32
        %add3A_921 = arith.addi %add3A_913, %add3A_920 : i32
        %get3A_922 = arith.constant 0 : i32
        %get3A_923 = arith.index_cast %get3A_922 : i32 to index
        %get3A_924 = arith.index_cast %add3A_921 : i32 to index
        %get3A_925 = arith.constant 32 : index
        %get3A_926 = tpu.vector_load %arg8[%get3A_923, %get3A_924, %get3A_925] {strides = array<i32>} : memref<2x360x128xf32, #tpu.memory_space<vmem>>, vector<1x1x16xf32>,
        %get3A_927 = vector.shape_cast %get3A_926 : vector<1x1x16xf32> to vector<16xf32>
        %add3A_928 = arith.addf %get3A_919, %get3A_927 : vector<16xf32>
        %add3A_929 = arith.constant 2 : i32
        %add3A_930 = arith.addi %add3A_913, %add3A_929 : i32
        %get3A_931 = arith.constant 0 : i32
        %get3A_932 = arith.index_cast %get3A_931 : i32 to index
        %get3A_933 = arith.index_cast %add3A_930 : i32 to index
        %get3A_934 = arith.constant 32 : index
        %get3A_935 = tpu.vector_load %arg8[%get3A_932, %get3A_933, %get3A_934] {strides = array<i32>} : memref<2x360x128xf32, #tpu.memory_space<vmem>>, vector<1x1x16xf32>,
        %get3A_936 = vector.shape_cast %get3A_935 : vector<1x1x16xf32> to vector<16xf32>
        %add3A_937 = arith.addf %add3A_928, %get3A_936 : vector<16xf32>
        %sub3A_938 = arith.subf %get3A_837, %add3A_937 : vector<16xf32>
        %swap3A_939 = arith.constant 2 : i32
        %swap3A_940 = arith.index_cast %swap3A_939 : i32 to index
        %swap3A_941 = arith.index_cast %scan3A_586 : i32 to index
        %swap3A_942 = arith.constant 32 : index
        %swap3A_943 = tpu.vector_load %arg10[%swap3A_940, %swap3A_941, %swap3A_942] {strides = array<i32>} : memref<3x40x128xf32, #tpu.memory_space<vmem>>, vector<1x1x16xf32>,
        %swap3A_944 = vector.shape_cast %swap3A_943 : vector<1x1x16xf32> to vector<16xf32>
        %swap3A_945 = vector.shape_cast %sub3A_938 : vector<16xf32> to vector<1x1x16xf32>
        tpu.vector_store %arg10[%swap3A_940, %swap3A_941, %swap3A_942], %swap3A_945 {strides = array<i32>} : memref<3x40x128xf32, #tpu.memory_space<vmem>>, vector<1x1x16xf32>,
        %add3A_946 = arith.addf %add3A_909, %sub3A_938 : vector<16xf32>
        %mul3A_947 = arith.mulf %sub3A_938, %sub3A_938 : vector<16xf32>
        %add3A_948 = arith.addf %add3A_911, %mul3A_947 : vector<16xf32>
        %get3A_949 = arith.index_cast %scan3A_586 : i32 to index
        %get3A_950 = arith.constant 48 : index
        %get3A_951 = tpu.vector_load %arg9[%get3A_949, %get3A_950] {strides = array<i32>} : memref<40x128xf32, #tpu.memory_space<vmem>>, vector<1x16xf32>,
        %get3A_952 = vector.shape_cast %get3A_951 : vector<1x16xf32> to vector<16xf32>
        %add3A_953 = arith.constant 0 : i32
        %add3A_954 = arith.addi %mul3A_604, %add3A_953 : i32
        %get3A_955 = arith.constant 0 : i32
        %get3A_956 = arith.index_cast %get3A_955 : i32 to index
        %get3A_957 = arith.index_cast %add3A_954 : i32 to index
        %get3A_958 = arith.constant 48 : index
        %get3A_959 = tpu.vector_load %arg8[%get3A_956, %get3A_957, %get3A_958] {strides = array<i32>} : memref<2x360x128xf32, #tpu.memory_space<vmem>>, vector<1x1x16xf32>,
        %get3A_960 = vector.shape_cast %get3A_959 : vector<1x1x16xf32> to vector<16xf32>
        %add3A_961 = arith.constant 1 : i32
        %add3A_962 = arith.addi %add3A_954, %add3A_961 : i32
        %get3A_963 = arith.constant 0 : i32
        %get3A_964 = arith.index_cast %get3A_963 : i32 to index
        %get3A_965 = arith.index_cast %add3A_962 : i32 to index
        %get3A_966 = arith.constant 48 : index
        %get3A_967 = tpu.vector_load %arg8[%get3A_964, %get3A_965, %get3A_966] {strides = array<i32>} : memref<2x360x128xf32, #tpu.memory_space<vmem>>, vector<1x1x16xf32>,
        %get3A_968 = vector.shape_cast %get3A_967 : vector<1x1x16xf32> to vector<16xf32>
        %add3A_969 = arith.addf %get3A_960, %get3A_968 : vector<16xf32>
        %add3A_970 = arith.constant 2 : i32
        %add3A_971 = arith.addi %add3A_954, %add3A_970 : i32
        %get3A_972 = arith.constant 0 : i32
        %get3A_973 = arith.index_cast %get3A_972 : i32 to index
        %get3A_974 = arith.index_cast %add3A_971 : i32 to index
        %get3A_975 = arith.constant 48 : index
        %get3A_976 = tpu.vector_load %arg8[%get3A_973, %get3A_974, %get3A_975] {strides = array<i32>} : memref<2x360x128xf32, #tpu.memory_space<vmem>>, vector<1x1x16xf32>,
        %get3A_977 = vector.shape_cast %get3A_976 : vector<1x1x16xf32> to vector<16xf32>
        %add3A_978 = arith.addf %add3A_969, %get3A_977 : vector<16xf32>
        %sub3A_979 = arith.subf %get3A_952, %add3A_978 : vector<16xf32>
        %swap3A_980 = arith.constant 0 : i32
        %swap3A_981 = arith.index_cast %swap3A_980 : i32 to index
        %swap3A_982 = arith.index_cast %scan3A_586 : i32 to index
        %swap3A_983 = arith.constant 48 : index
        %swap3A_984 = tpu.vector_load %arg10[%swap3A_981, %swap3A_982, %swap3A_983] {strides = array<i32>} : memref<3x40x128xf32, #tpu.memory_space<vmem>>, vector<1x1x16xf32>,
        %swap3A_985 = vector.shape_cast %swap3A_984 : vector<1x1x16xf32> to vector<16xf32>
        %swap3A_986 = vector.shape_cast %sub3A_979 : vector<16xf32> to vector<1x1x16xf32>
        tpu.vector_store %arg10[%swap3A_981, %swap3A_982, %swap3A_983], %swap3A_986 {strides = array<i32>} : memref<3x40x128xf32, #tpu.memory_space<vmem>>, vector<1x1x16xf32>,
        %add3A_987 = arith.addf %scan3A_590, %sub3A_979 : vector<16xf32>
        %mul3A_988 = arith.mulf %sub3A_979, %sub3A_979 : vector<16xf32>
        %add3A_989 = arith.addf %scan3A_598, %mul3A_988 : vector<16xf32>
        %add3A_990 = arith.constant 3 : i32
        %add3A_991 = arith.addi %mul3A_604, %add3A_990 : i32
        %get3A_992 = arith.constant 0 : i32
        %get3A_993 = arith.index_cast %get3A_992 : i32 to index
        %get3A_994 = arith.index_cast %add3A_991 : i32 to index
        %get3A_995 = arith.constant 48 : index
        %get3A_996 = tpu.vector_load %arg8[%get3A_993, %get3A_994, %get3A_995] {strides = array<i32>} : memref<2x360x128xf32, #tpu.memory_space<vmem>>, vector<1x1x16xf32>,
        %get3A_997 = vector.shape_cast %get3A_996 : vector<1x1x16xf32> to vector<16xf32>
        %add3A_998 = arith.constant 1 : i32
        %add3A_999 = arith.addi %add3A_991, %add3A_998 : i32
        %get3A_1000 = arith.constant 0 : i32
        %get3A_1001 = arith.index_cast %get3A_1000 : i32 to index
        %get3A_1002 = arith.index_cast %add3A_999 : i32 to index
        %get3A_1003 = arith.constant 48 : index
        %get3A_1004 = tpu.vector_load %arg8[%get3A_1001, %get3A_1002, %get3A_1003] {strides = array<i32>} : memref<2x360x128xf32, #tpu.memory_space<vmem>>, vector<1x1x16xf32>,
        %get3A_1005 = vector.shape_cast %get3A_1004 : vector<1x1x16xf32> to vector<16xf32>
        %add3A_1006 = arith.addf %get3A_997, %get3A_1005 : vector<16xf32>
        %add3A_1007 = arith.constant 2 : i32
        %add3A_1008 = arith.addi %add3A_991, %add3A_1007 : i32
        %get3A_1009 = arith.constant 0 : i32
        %get3A_1010 = arith.index_cast %get3A_1009 : i32 to index
        %get3A_1011 = arith.index_cast %add3A_1008 : i32 to index
        %get3A_1012 = arith.constant 48 : index
        %get3A_1013 = tpu.vector_load %arg8[%get3A_1010, %get3A_1011, %get3A_1012] {strides = array<i32>} : memref<2x360x128xf32, #tpu.memory_space<vmem>>, vector<1x1x16xf32>,
        %get3A_1014 = vector.shape_cast %get3A_1013 : vector<1x1x16xf32> to vector<16xf32>
        %add3A_1015 = arith.addf %add3A_1006, %get3A_1014 : vector<16xf32>
        %sub3A_1016 = arith.subf %get3A_952, %add3A_1015 : vector<16xf32>
        %swap3A_1017 = arith.constant 1 : i32
        %swap3A_1018 = arith.index_cast %swap3A_1017 : i32 to index
        %swap3A_1019 = arith.index_cast %scan3A_586 : i32 to index
        %swap3A_1020 = arith.constant 48 : index
        %swap3A_1021 = tpu.vector_load %arg10[%swap3A_1018, %swap3A_1019, %swap3A_1020] {strides = array<i32>} : memref<3x40x128xf32, #tpu.memory_space<vmem>>, vector<1x1x16xf32>,
        %swap3A_1022 = vector.shape_cast %swap3A_1021 : vector<1x1x16xf32> to vector<16xf32>
        %swap3A_1023 = vector.shape_cast %sub3A_1016 : vector<16xf32> to vector<1x1x16xf32>
        tpu.vector_store %arg10[%swap3A_1018, %swap3A_1019, %swap3A_1020], %swap3A_1023 {strides = array<i32>} : memref<3x40x128xf32, #tpu.memory_space<vmem>>, vector<1x1x16xf32>,
        %add3A_1024 = arith.addf %add3A_987, %sub3A_1016 : vector<16xf32>
        %mul3A_1025 = arith.mulf %sub3A_1016, %sub3A_1016 : vector<16xf32>
        %add3A_1026 = arith.addf %add3A_989, %mul3A_1025 : vector<16xf32>
        %add3A_1027 = arith.constant 6 : i32
        %add3A_1028 = arith.addi %mul3A_604, %add3A_1027 : i32
        %get3A_1029 = arith.constant 0 : i32
        %get3A_1030 = arith.index_cast %get3A_1029 : i32 to index
        %get3A_1031 = arith.index_cast %add3A_1028 : i32 to index
        %get3A_1032 = arith.constant 48 : index
        %get3A_1033 = tpu.vector_load %arg8[%get3A_1030, %get3A_1031, %get3A_1032] {strides = array<i32>} : memref<2x360x128xf32, #tpu.memory_space<vmem>>, vector<1x1x16xf32>,
        %get3A_1034 = vector.shape_cast %get3A_1033 : vector<1x1x16xf32> to vector<16xf32>
        %add3A_1035 = arith.constant 1 : i32
        %add3A_1036 = arith.addi %add3A_1028, %add3A_1035 : i32
        %get3A_1037 = arith.constant 0 : i32
        %get3A_1038 = arith.index_cast %get3A_1037 : i32 to index
        %get3A_1039 = arith.index_cast %add3A_1036 : i32 to index
        %get3A_1040 = arith.constant 48 : index
        %get3A_1041 = tpu.vector_load %arg8[%get3A_1038, %get3A_1039, %get3A_1040] {strides = array<i32>} : memref<2x360x128xf32, #tpu.memory_space<vmem>>, vector<1x1x16xf32>,
        %get3A_1042 = vector.shape_cast %get3A_1041 : vector<1x1x16xf32> to vector<16xf32>
        %add3A_1043 = arith.addf %get3A_1034, %get3A_1042 : vector<16xf32>
        %add3A_1044 = arith.constant 2 : i32
        %add3A_1045 = arith.addi %add3A_1028, %add3A_1044 : i32
        %get3A_1046 = arith.constant 0 : i32
        %get3A_1047 = arith.index_cast %get3A_1046 : i32 to index
        %get3A_1048 = arith.index_cast %add3A_1045 : i32 to index
        %get3A_1049 = arith.constant 48 : index
        %get3A_1050 = tpu.vector_load %arg8[%get3A_1047, %get3A_1048, %get3A_1049] {strides = array<i32>} : memref<2x360x128xf32, #tpu.memory_space<vmem>>, vector<1x1x16xf32>,
        %get3A_1051 = vector.shape_cast %get3A_1050 : vector<1x1x16xf32> to vector<16xf32>
        %add3A_1052 = arith.addf %add3A_1043, %get3A_1051 : vector<16xf32>
        %sub3A_1053 = arith.subf %get3A_952, %add3A_1052 : vector<16xf32>
        %swap3A_1054 = arith.constant 2 : i32
        %swap3A_1055 = arith.index_cast %swap3A_1054 : i32 to index
        %swap3A_1056 = arith.index_cast %scan3A_586 : i32 to index
        %swap3A_1057 = arith.constant 48 : index
        %swap3A_1058 = tpu.vector_load %arg10[%swap3A_1055, %swap3A_1056, %swap3A_1057] {strides = array<i32>} : memref<3x40x128xf32, #tpu.memory_space<vmem>>, vector<1x1x16xf32>,
        %swap3A_1059 = vector.shape_cast %swap3A_1058 : vector<1x1x16xf32> to vector<16xf32>
        %swap3A_1060 = vector.shape_cast %sub3A_1053 : vector<16xf32> to vector<1x1x16xf32>
        tpu.vector_store %arg10[%swap3A_1055, %swap3A_1056, %swap3A_1057], %swap3A_1060 {strides = array<i32>} : memref<3x40x128xf32, #tpu.memory_space<vmem>>, vector<1x1x16xf32>,
        %add3A_1061 = arith.addf %add3A_1024, %sub3A_1053 : vector<16xf32>
        %mul3A_1062 = arith.mulf %sub3A_1053, %sub3A_1053 : vector<16xf32>
        %add3A_1063 = arith.addf %add3A_1026, %mul3A_1062 : vector<16xf32>
        %get3A_1064 = arith.index_cast %scan3A_586 : i32 to index
        %get3A_1065 = arith.constant 64 : index
        %get3A_1066 = tpu.vector_load %arg9[%get3A_1064, %get3A_1065] {strides = array<i32>} : memref<40x128xf32, #tpu.memory_space<vmem>>, vector<1x16xf32>,
        %get3A_1067 = vector.shape_cast %get3A_1066 : vector<1x16xf32> to vector<16xf32>
        %add3A_1068 = arith.constant 0 : i32
        %add3A_1069 = arith.addi %mul3A_604, %add3A_1068 : i32
        %get3A_1070 = arith.constant 0 : i32
        %get3A_1071 = arith.index_cast %get3A_1070 : i32 to index
        %get3A_1072 = arith.index_cast %add3A_1069 : i32 to index
        %get3A_1073 = arith.constant 64 : index
        %get3A_1074 = tpu.vector_load %arg8[%get3A_1071, %get3A_1072, %get3A_1073] {strides = array<i32>} : memref<2x360x128xf32, #tpu.memory_space<vmem>>, vector<1x1x16xf32>,
        %get3A_1075 = vector.shape_cast %get3A_1074 : vector<1x1x16xf32> to vector<16xf32>
        %add3A_1076 = arith.constant 1 : i32
        %add3A_1077 = arith.addi %add3A_1069, %add3A_1076 : i32
        %get3A_1078 = arith.constant 0 : i32
        %get3A_1079 = arith.index_cast %get3A_1078 : i32 to index
        %get3A_1080 = arith.index_cast %add3A_1077 : i32 to index
        %get3A_1081 = arith.constant 64 : index
        %get3A_1082 = tpu.vector_load %arg8[%get3A_1079, %get3A_1080, %get3A_1081] {strides = array<i32>} : memref<2x360x128xf32, #tpu.memory_space<vmem>>, vector<1x1x16xf32>,
        %get3A_1083 = vector.shape_cast %get3A_1082 : vector<1x1x16xf32> to vector<16xf32>
        %add3A_1084 = arith.addf %get3A_1075, %get3A_1083 : vector<16xf32>
        %add3A_1085 = arith.constant 2 : i32
        %add3A_1086 = arith.addi %add3A_1069, %add3A_1085 : i32
        %get3A_1087 = arith.constant 0 : i32
        %get3A_1088 = arith.index_cast %get3A_1087 : i32 to index
        %get3A_1089 = arith.index_cast %add3A_1086 : i32 to index
        %get3A_1090 = arith.constant 64 : index
        %get3A_1091 = tpu.vector_load %arg8[%get3A_1088, %get3A_1089, %get3A_1090] {strides = array<i32>} : memref<2x360x128xf32, #tpu.memory_space<vmem>>, vector<1x1x16xf32>,
        %get3A_1092 = vector.shape_cast %get3A_1091 : vector<1x1x16xf32> to vector<16xf32>
        %add3A_1093 = arith.addf %add3A_1084, %get3A_1092 : vector<16xf32>
        %sub3A_1094 = arith.subf %get3A_1067, %add3A_1093 : vector<16xf32>
        %swap3A_1095 = arith.constant 0 : i32
        %swap3A_1096 = arith.index_cast %swap3A_1095 : i32 to index
        %swap3A_1097 = arith.index_cast %scan3A_586 : i32 to index
        %swap3A_1098 = arith.constant 64 : index
        %swap3A_1099 = tpu.vector_load %arg10[%swap3A_1096, %swap3A_1097, %swap3A_1098] {strides = array<i32>} : memref<3x40x128xf32, #tpu.memory_space<vmem>>, vector<1x1x16xf32>,
        %swap3A_1100 = vector.shape_cast %swap3A_1099 : vector<1x1x16xf32> to vector<16xf32>
        %swap3A_1101 = vector.shape_cast %sub3A_1094 : vector<16xf32> to vector<1x1x16xf32>
        tpu.vector_store %arg10[%swap3A_1096, %swap3A_1097, %swap3A_1098], %swap3A_1101 {strides = array<i32>} : memref<3x40x128xf32, #tpu.memory_space<vmem>>, vector<1x1x16xf32>,
        %add3A_1102 = arith.addf %scan3A_591, %sub3A_1094 : vector<16xf32>
        %mul3A_1103 = arith.mulf %sub3A_1094, %sub3A_1094 : vector<16xf32>
        %add3A_1104 = arith.addf %scan3A_599, %mul3A_1103 : vector<16xf32>
        %add3A_1105 = arith.constant 3 : i32
        %add3A_1106 = arith.addi %mul3A_604, %add3A_1105 : i32
        %get3A_1107 = arith.constant 0 : i32
        %get3A_1108 = arith.index_cast %get3A_1107 : i32 to index
        %get3A_1109 = arith.index_cast %add3A_1106 : i32 to index
        %get3A_1110 = arith.constant 64 : index
        %get3A_1111 = tpu.vector_load %arg8[%get3A_1108, %get3A_1109, %get3A_1110] {strides = array<i32>} : memref<2x360x128xf32, #tpu.memory_space<vmem>>, vector<1x1x16xf32>,
        %get3A_1112 = vector.shape_cast %get3A_1111 : vector<1x1x16xf32> to vector<16xf32>
        %add3A_1113 = arith.constant 1 : i32
        %add3A_1114 = arith.addi %add3A_1106, %add3A_1113 : i32
        %get3A_1115 = arith.constant 0 : i32
        %get3A_1116 = arith.index_cast %get3A_1115 : i32 to index
        %get3A_1117 = arith.index_cast %add3A_1114 : i32 to index
        %get3A_1118 = arith.constant 64 : index
        %get3A_1119 = tpu.vector_load %arg8[%get3A_1116, %get3A_1117, %get3A_1118] {strides = array<i32>} : memref<2x360x128xf32, #tpu.memory_space<vmem>>, vector<1x1x16xf32>,
        %get3A_1120 = vector.shape_cast %get3A_1119 : vector<1x1x16xf32> to vector<16xf32>
        %add3A_1121 = arith.addf %get3A_1112, %get3A_1120 : vector<16xf32>
        %add3A_1122 = arith.constant 2 : i32
        %add3A_1123 = arith.addi %add3A_1106, %add3A_1122 : i32
        %get3A_1124 = arith.constant 0 : i32
        %get3A_1125 = arith.index_cast %get3A_1124 : i32 to index
        %get3A_1126 = arith.index_cast %add3A_1123 : i32 to index
        %get3A_1127 = arith.constant 64 : index
        %get3A_1128 = tpu.vector_load %arg8[%get3A_1125, %get3A_1126, %get3A_1127] {strides = array<i32>} : memref<2x360x128xf32, #tpu.memory_space<vmem>>, vector<1x1x16xf32>,
        %get3A_1129 = vector.shape_cast %get3A_1128 : vector<1x1x16xf32> to vector<16xf32>
        %add3A_1130 = arith.addf %add3A_1121, %get3A_1129 : vector<16xf32>
        %sub3A_1131 = arith.subf %get3A_1067, %add3A_1130 : vector<16xf32>
        %swap3A_1132 = arith.constant 1 : i32
        %swap3A_1133 = arith.index_cast %swap3A_1132 : i32 to index
        %swap3A_1134 = arith.index_cast %scan3A_586 : i32 to index
        %swap3A_1135 = arith.constant 64 : index
        %swap3A_1136 = tpu.vector_load %arg10[%swap3A_1133, %swap3A_1134, %swap3A_1135] {strides = array<i32>} : memref<3x40x128xf32, #tpu.memory_space<vmem>>, vector<1x1x16xf32>,
        %swap3A_1137 = vector.shape_cast %swap3A_1136 : vector<1x1x16xf32> to vector<16xf32>
        %swap3A_1138 = vector.shape_cast %sub3A_1131 : vector<16xf32> to vector<1x1x16xf32>
        tpu.vector_store %arg10[%swap3A_1133, %swap3A_1134, %swap3A_1135], %swap3A_1138 {strides = array<i32>} : memref<3x40x128xf32, #tpu.memory_space<vmem>>, vector<1x1x16xf32>,
        %add3A_1139 = arith.addf %add3A_1102, %sub3A_1131 : vector<16xf32>
        %mul3A_1140 = arith.mulf %sub3A_1131, %sub3A_1131 : vector<16xf32>
        %add3A_1141 = arith.addf %add3A_1104, %mul3A_1140 : vector<16xf32>
        %add3A_1142 = arith.constant 6 : i32
        %add3A_1143 = arith.addi %mul3A_604, %add3A_1142 : i32
        %get3A_1144 = arith.constant 0 : i32
        %get3A_1145 = arith.index_cast %get3A_1144 : i32 to index
        %get3A_1146 = arith.index_cast %add3A_1143 : i32 to index
        %get3A_1147 = arith.constant 64 : index
        %get3A_1148 = tpu.vector_load %arg8[%get3A_1145, %get3A_1146, %get3A_1147] {strides = array<i32>} : memref<2x360x128xf32, #tpu.memory_space<vmem>>, vector<1x1x16xf32>,
        %get3A_1149 = vector.shape_cast %get3A_1148 : vector<1x1x16xf32> to vector<16xf32>
        %add3A_1150 = arith.constant 1 : i32
        %add3A_1151 = arith.addi %add3A_1143, %add3A_1150 : i32
        %get3A_1152 = arith.constant 0 : i32
        %get3A_1153 = arith.index_cast %get3A_1152 : i32 to index
        %get3A_1154 = arith.index_cast %add3A_1151 : i32 to index
        %get3A_1155 = arith.constant 64 : index
        %get3A_1156 = tpu.vector_load %arg8[%get3A_1153, %get3A_1154, %get3A_1155] {strides = array<i32>} : memref<2x360x128xf32, #tpu.memory_space<vmem>>, vector<1x1x16xf32>,
        %get3A_1157 = vector.shape_cast %get3A_1156 : vector<1x1x16xf32> to vector<16xf32>
        %add3A_1158 = arith.addf %get3A_1149, %get3A_1157 : vector<16xf32>
        %add3A_1159 = arith.constant 2 : i32
        %add3A_1160 = arith.addi %add3A_1143, %add3A_1159 : i32
        %get3A_1161 = arith.constant 0 : i32
        %get3A_1162 = arith.index_cast %get3A_1161 : i32 to index
        %get3A_1163 = arith.index_cast %add3A_1160 : i32 to index
        %get3A_1164 = arith.constant 64 : index
        %get3A_1165 = tpu.vector_load %arg8[%get3A_1162, %get3A_1163, %get3A_1164] {strides = array<i32>} : memref<2x360x128xf32, #tpu.memory_space<vmem>>, vector<1x1x16xf32>,
        %get3A_1166 = vector.shape_cast %get3A_1165 : vector<1x1x16xf32> to vector<16xf32>
        %add3A_1167 = arith.addf %add3A_1158, %get3A_1166 : vector<16xf32>
        %sub3A_1168 = arith.subf %get3A_1067, %add3A_1167 : vector<16xf32>
        %swap3A_1169 = arith.constant 2 : i32
        %swap3A_1170 = arith.index_cast %swap3A_1169 : i32 to index
        %swap3A_1171 = arith.index_cast %scan3A_586 : i32 to index
        %swap3A_1172 = arith.constant 64 : index
        %swap3A_1173 = tpu.vector_load %arg10[%swap3A_1170, %swap3A_1171, %swap3A_1172] {strides = array<i32>} : memref<3x40x128xf32, #tpu.memory_space<vmem>>, vector<1x1x16xf32>,
        %swap3A_1174 = vector.shape_cast %swap3A_1173 : vector<1x1x16xf32> to vector<16xf32>
        %swap3A_1175 = vector.shape_cast %sub3A_1168 : vector<16xf32> to vector<1x1x16xf32>
        tpu.vector_store %arg10[%swap3A_1170, %swap3A_1171, %swap3A_1172], %swap3A_1175 {strides = array<i32>} : memref<3x40x128xf32, #tpu.memory_space<vmem>>, vector<1x1x16xf32>,
        %add3A_1176 = arith.addf %add3A_1139, %sub3A_1168 : vector<16xf32>
        %mul3A_1177 = arith.mulf %sub3A_1168, %sub3A_1168 : vector<16xf32>
        %add3A_1178 = arith.addf %add3A_1141, %mul3A_1177 : vector<16xf32>
        %get3A_1179 = arith.index_cast %scan3A_586 : i32 to index
        %get3A_1180 = arith.constant 80 : index
        %get3A_1181 = tpu.vector_load %arg9[%get3A_1179, %get3A_1180] {strides = array<i32>} : memref<40x128xf32, #tpu.memory_space<vmem>>, vector<1x16xf32>,
        %get3A_1182 = vector.shape_cast %get3A_1181 : vector<1x16xf32> to vector<16xf32>
        %add3A_1183 = arith.constant 0 : i32
        %add3A_1184 = arith.addi %mul3A_604, %add3A_1183 : i32
        %get3A_1185 = arith.constant 0 : i32
        %get3A_1186 = arith.index_cast %get3A_1185 : i32 to index
        %get3A_1187 = arith.index_cast %add3A_1184 : i32 to index
        %get3A_1188 = arith.constant 80 : index
        %get3A_1189 = tpu.vector_load %arg8[%get3A_1186, %get3A_1187, %get3A_1188] {strides = array<i32>} : memref<2x360x128xf32, #tpu.memory_space<vmem>>, vector<1x1x16xf32>,
        %get3A_1190 = vector.shape_cast %get3A_1189 : vector<1x1x16xf32> to vector<16xf32>
        %add3A_1191 = arith.constant 1 : i32
        %add3A_1192 = arith.addi %add3A_1184, %add3A_1191 : i32
        %get3A_1193 = arith.constant 0 : i32
        %get3A_1194 = arith.index_cast %get3A_1193 : i32 to index
        %get3A_1195 = arith.index_cast %add3A_1192 : i32 to index
        %get3A_1196 = arith.constant 80 : index
        %get3A_1197 = tpu.vector_load %arg8[%get3A_1194, %get3A_1195, %get3A_1196] {strides = array<i32>} : memref<2x360x128xf32, #tpu.memory_space<vmem>>, vector<1x1x16xf32>,
        %get3A_1198 = vector.shape_cast %get3A_1197 : vector<1x1x16xf32> to vector<16xf32>
        %add3A_1199 = arith.addf %get3A_1190, %get3A_1198 : vector<16xf32>
        %add3A_1200 = arith.constant 2 : i32
        %add3A_1201 = arith.addi %add3A_1184, %add3A_1200 : i32
        %get3A_1202 = arith.constant 0 : i32
        %get3A_1203 = arith.index_cast %get3A_1202 : i32 to index
        %get3A_1204 = arith.index_cast %add3A_1201 : i32 to index
        %get3A_1205 = arith.constant 80 : index
        %get3A_1206 = tpu.vector_load %arg8[%get3A_1203, %get3A_1204, %get3A_1205] {strides = array<i32>} : memref<2x360x128xf32, #tpu.memory_space<vmem>>, vector<1x1x16xf32>,
        %get3A_1207 = vector.shape_cast %get3A_1206 : vector<1x1x16xf32> to vector<16xf32>
        %add3A_1208 = arith.addf %add3A_1199, %get3A_1207 : vector<16xf32>
        %sub3A_1209 = arith.subf %get3A_1182, %add3A_1208 : vector<16xf32>
        %swap3A_1210 = arith.constant 0 : i32
        %swap3A_1211 = arith.index_cast %swap3A_1210 : i32 to index
        %swap3A_1212 = arith.index_cast %scan3A_586 : i32 to index
        %swap3A_1213 = arith.constant 80 : index
        %swap3A_1214 = tpu.vector_load %arg10[%swap3A_1211, %swap3A_1212, %swap3A_1213] {strides = array<i32>} : memref<3x40x128xf32, #tpu.memory_space<vmem>>, vector<1x1x16xf32>,
        %swap3A_1215 = vector.shape_cast %swap3A_1214 : vector<1x1x16xf32> to vector<16xf32>
        %swap3A_1216 = vector.shape_cast %sub3A_1209 : vector<16xf32> to vector<1x1x16xf32>
        tpu.vector_store %arg10[%swap3A_1211, %swap3A_1212, %swap3A_1213], %swap3A_1216 {strides = array<i32>} : memref<3x40x128xf32, #tpu.memory_space<vmem>>, vector<1x1x16xf32>,
        %add3A_1217 = arith.addf %scan3A_592, %sub3A_1209 : vector<16xf32>
        %mul3A_1218 = arith.mulf %sub3A_1209, %sub3A_1209 : vector<16xf32>
        %add3A_1219 = arith.addf %scan3A_600, %mul3A_1218 : vector<16xf32>
        %add3A_1220 = arith.constant 3 : i32
        %add3A_1221 = arith.addi %mul3A_604, %add3A_1220 : i32
        %get3A_1222 = arith.constant 0 : i32
        %get3A_1223 = arith.index_cast %get3A_1222 : i32 to index
        %get3A_1224 = arith.index_cast %add3A_1221 : i32 to index
        %get3A_1225 = arith.constant 80 : index
        %get3A_1226 = tpu.vector_load %arg8[%get3A_1223, %get3A_1224, %get3A_1225] {strides = array<i32>} : memref<2x360x128xf32, #tpu.memory_space<vmem>>, vector<1x1x16xf32>,
        %get3A_1227 = vector.shape_cast %get3A_1226 : vector<1x1x16xf32> to vector<16xf32>
        %add3A_1228 = arith.constant 1 : i32
        %add3A_1229 = arith.addi %add3A_1221, %add3A_1228 : i32
        %get3A_1230 = arith.constant 0 : i32
        %get3A_1231 = arith.index_cast %get3A_1230 : i32 to index
        %get3A_1232 = arith.index_cast %add3A_1229 : i32 to index
        %get3A_1233 = arith.constant 80 : index
        %get3A_1234 = tpu.vector_load %arg8[%get3A_1231, %get3A_1232, %get3A_1233] {strides = array<i32>} : memref<2x360x128xf32, #tpu.memory_space<vmem>>, vector<1x1x16xf32>,
        %get3A_1235 = vector.shape_cast %get3A_1234 : vector<1x1x16xf32> to vector<16xf32>
        %add3A_1236 = arith.addf %get3A_1227, %get3A_1235 : vector<16xf32>
        %add3A_1237 = arith.constant 2 : i32
        %add3A_1238 = arith.addi %add3A_1221, %add3A_1237 : i32
        %get3A_1239 = arith.constant 0 : i32
        %get3A_1240 = arith.index_cast %get3A_1239 : i32 to index
        %get3A_1241 = arith.index_cast %add3A_1238 : i32 to index
        %get3A_1242 = arith.constant 80 : index
        %get3A_1243 = tpu.vector_load %arg8[%get3A_1240, %get3A_1241, %get3A_1242] {strides = array<i32>} : memref<2x360x128xf32, #tpu.memory_space<vmem>>, vector<1x1x16xf32>,
        %get3A_1244 = vector.shape_cast %get3A_1243 : vector<1x1x16xf32> to vector<16xf32>
        %add3A_1245 = arith.addf %add3A_1236, %get3A_1244 : vector<16xf32>
        %sub3A_1246 = arith.subf %get3A_1182, %add3A_1245 : vector<16xf32>
        %swap3A_1247 = arith.constant 1 : i32
        %swap3A_1248 = arith.index_cast %swap3A_1247 : i32 to index
        %swap3A_1249 = arith.index_cast %scan3A_586 : i32 to index
        %swap3A_1250 = arith.constant 80 : index
        %swap3A_1251 = tpu.vector_load %arg10[%swap3A_1248, %swap3A_1249, %swap3A_1250] {strides = array<i32>} : memref<3x40x128xf32, #tpu.memory_space<vmem>>, vector<1x1x16xf32>,
        %swap3A_1252 = vector.shape_cast %swap3A_1251 : vector<1x1x16xf32> to vector<16xf32>
        %swap3A_1253 = vector.shape_cast %sub3A_1246 : vector<16xf32> to vector<1x1x16xf32>
        tpu.vector_store %arg10[%swap3A_1248, %swap3A_1249, %swap3A_1250], %swap3A_1253 {strides = array<i32>} : memref<3x40x128xf32, #tpu.memory_space<vmem>>, vector<1x1x16xf32>,
        %add3A_1254 = arith.addf %add3A_1217, %sub3A_1246 : vector<16xf32>
        %mul3A_1255 = arith.mulf %sub3A_1246, %sub3A_1246 : vector<16xf32>
        %add3A_1256 = arith.addf %add3A_1219, %mul3A_1255 : vector<16xf32>
        %add3A_1257 = arith.constant 6 : i32
        %add3A_1258 = arith.addi %mul3A_604, %add3A_1257 : i32
        %get3A_1259 = arith.constant 0 : i32
        %get3A_1260 = arith.index_cast %get3A_1259 : i32 to index
        %get3A_1261 = arith.index_cast %add3A_1258 : i32 to index
        %get3A_1262 = arith.constant 80 : index
        %get3A_1263 = tpu.vector_load %arg8[%get3A_1260, %get3A_1261, %get3A_1262] {strides = array<i32>} : memref<2x360x128xf32, #tpu.memory_space<vmem>>, vector<1x1x16xf32>,
        %get3A_1264 = vector.shape_cast %get3A_1263 : vector<1x1x16xf32> to vector<16xf32>
        %add3A_1265 = arith.constant 1 : i32
        %add3A_1266 = arith.addi %add3A_1258, %add3A_1265 : i32
        %get3A_1267 = arith.constant 0 : i32
        %get3A_1268 = arith.index_cast %get3A_1267 : i32 to index
        %get3A_1269 = arith.index_cast %add3A_1266 : i32 to index
        %get3A_1270 = arith.constant 80 : index
        %get3A_1271 = tpu.vector_load %arg8[%get3A_1268, %get3A_1269, %get3A_1270] {strides = array<i32>} : memref<2x360x128xf32, #tpu.memory_space<vmem>>, vector<1x1x16xf32>,
        %get3A_1272 = vector.shape_cast %get3A_1271 : vector<1x1x16xf32> to vector<16xf32>
        %add3A_1273 = arith.addf %get3A_1264, %get3A_1272 : vector<16xf32>
        %add3A_1274 = arith.constant 2 : i32
        %add3A_1275 = arith.addi %add3A_1258, %add3A_1274 : i32
        %get3A_1276 = arith.constant 0 : i32
        %get3A_1277 = arith.index_cast %get3A_1276 : i32 to index
        %get3A_1278 = arith.index_cast %add3A_1275 : i32 to index
        %get3A_1279 = arith.constant 80 : index
        %get3A_1280 = tpu.vector_load %arg8[%get3A_1277, %get3A_1278, %get3A_1279] {strides = array<i32>} : memref<2x360x128xf32, #tpu.memory_space<vmem>>, vector<1x1x16xf32>,
        %get3A_1281 = vector.shape_cast %get3A_1280 : vector<1x1x16xf32> to vector<16xf32>
        %add3A_1282 = arith.addf %add3A_1273, %get3A_1281 : vector<16xf32>
        %sub3A_1283 = arith.subf %get3A_1182, %add3A_1282 : vector<16xf32>
        %swap3A_1284 = arith.constant 2 : i32
        %swap3A_1285 = arith.index_cast %swap3A_1284 : i32 to index
        %swap3A_1286 = arith.index_cast %scan3A_586 : i32 to index
        %swap3A_1287 = arith.constant 80 : index
        %swap3A_1288 = tpu.vector_load %arg10[%swap3A_1285, %swap3A_1286, %swap3A_1287] {strides = array<i32>} : memref<3x40x128xf32, #tpu.memory_space<vmem>>, vector<1x1x16xf32>,
        %swap3A_1289 = vector.shape_cast %swap3A_1288 : vector<1x1x16xf32> to vector<16xf32>
        %swap3A_1290 = vector.shape_cast %sub3A_1283 : vector<16xf32> to vector<1x1x16xf32>
        tpu.vector_store %arg10[%swap3A_1285, %swap3A_1286, %swap3A_1287], %swap3A_1290 {strides = array<i32>} : memref<3x40x128xf32, #tpu.memory_space<vmem>>, vector<1x1x16xf32>,
        %add3A_1291 = arith.addf %add3A_1254, %sub3A_1283 : vector<16xf32>
        %mul3A_1292 = arith.mulf %sub3A_1283, %sub3A_1283 : vector<16xf32>
        %add3A_1293 = arith.addf %add3A_1256, %mul3A_1292 : vector<16xf32>
        %get3A_1294 = arith.index_cast %scan3A_586 : i32 to index
        %get3A_1295 = arith.constant 96 : index
        %get3A_1296 = tpu.vector_load %arg9[%get3A_1294, %get3A_1295] {strides = array<i32>} : memref<40x128xf32, #tpu.memory_space<vmem>>, vector<1x16xf32>,
        %get3A_1297 = vector.shape_cast %get3A_1296 : vector<1x16xf32> to vector<16xf32>
        %add3A_1298 = arith.constant 0 : i32
        %add3A_1299 = arith.addi %mul3A_604, %add3A_1298 : i32
        %get3A_1300 = arith.constant 0 : i32
        %get3A_1301 = arith.index_cast %get3A_1300 : i32 to index
        %get3A_1302 = arith.index_cast %add3A_1299 : i32 to index
        %get3A_1303 = arith.constant 96 : index
        %get3A_1304 = tpu.vector_load %arg8[%get3A_1301, %get3A_1302, %get3A_1303] {strides = array<i32>} : memref<2x360x128xf32, #tpu.memory_space<vmem>>, vector<1x1x16xf32>,
        %get3A_1305 = vector.shape_cast %get3A_1304 : vector<1x1x16xf32> to vector<16xf32>
        %add3A_1306 = arith.constant 1 : i32
        %add3A_1307 = arith.addi %add3A_1299, %add3A_1306 : i32
        %get3A_1308 = arith.constant 0 : i32
        %get3A_1309 = arith.index_cast %get3A_1308 : i32 to index
        %get3A_1310 = arith.index_cast %add3A_1307 : i32 to index
        %get3A_1311 = arith.constant 96 : index
        %get3A_1312 = tpu.vector_load %arg8[%get3A_1309, %get3A_1310, %get3A_1311] {strides = array<i32>} : memref<2x360x128xf32, #tpu.memory_space<vmem>>, vector<1x1x16xf32>,
        %get3A_1313 = vector.shape_cast %get3A_1312 : vector<1x1x16xf32> to vector<16xf32>
        %add3A_1314 = arith.addf %get3A_1305, %get3A_1313 : vector<16xf32>
        %add3A_1315 = arith.constant 2 : i32
        %add3A_1316 = arith.addi %add3A_1299, %add3A_1315 : i32
        %get3A_1317 = arith.constant 0 : i32
        %get3A_1318 = arith.index_cast %get3A_1317 : i32 to index
        %get3A_1319 = arith.index_cast %add3A_1316 : i32 to index
        %get3A_1320 = arith.constant 96 : index
        %get3A_1321 = tpu.vector_load %arg8[%get3A_1318, %get3A_1319, %get3A_1320] {strides = array<i32>} : memref<2x360x128xf32, #tpu.memory_space<vmem>>, vector<1x1x16xf32>,
        %get3A_1322 = vector.shape_cast %get3A_1321 : vector<1x1x16xf32> to vector<16xf32>
        %add3A_1323 = arith.addf %add3A_1314, %get3A_1322 : vector<16xf32>
        %sub3A_1324 = arith.subf %get3A_1297, %add3A_1323 : vector<16xf32>
        %swap3A_1325 = arith.constant 0 : i32
        %swap3A_1326 = arith.index_cast %swap3A_1325 : i32 to index
        %swap3A_1327 = arith.index_cast %scan3A_586 : i32 to index
        %swap3A_1328 = arith.constant 96 : index
        %swap3A_1329 = tpu.vector_load %arg10[%swap3A_1326, %swap3A_1327, %swap3A_1328] {strides = array<i32>} : memref<3x40x128xf32, #tpu.memory_space<vmem>>, vector<1x1x16xf32>,
        %swap3A_1330 = vector.shape_cast %swap3A_1329 : vector<1x1x16xf32> to vector<16xf32>
        %swap3A_1331 = vector.shape_cast %sub3A_1324 : vector<16xf32> to vector<1x1x16xf32>
        tpu.vector_store %arg10[%swap3A_1326, %swap3A_1327, %swap3A_1328], %swap3A_1331 {strides = array<i32>} : memref<3x40x128xf32, #tpu.memory_space<vmem>>, vector<1x1x16xf32>,
        %add3A_1332 = arith.addf %scan3A_593, %sub3A_1324 : vector<16xf32>
        %mul3A_1333 = arith.mulf %sub3A_1324, %sub3A_1324 : vector<16xf32>
        %add3A_1334 = arith.addf %scan3A_601, %mul3A_1333 : vector<16xf32>
        %add3A_1335 = arith.constant 3 : i32
        %add3A_1336 = arith.addi %mul3A_604, %add3A_1335 : i32
        %get3A_1337 = arith.constant 0 : i32
        %get3A_1338 = arith.index_cast %get3A_1337 : i32 to index
        %get3A_1339 = arith.index_cast %add3A_1336 : i32 to index
        %get3A_1340 = arith.constant 96 : index
        %get3A_1341 = tpu.vector_load %arg8[%get3A_1338, %get3A_1339, %get3A_1340] {strides = array<i32>} : memref<2x360x128xf32, #tpu.memory_space<vmem>>, vector<1x1x16xf32>,
        %get3A_1342 = vector.shape_cast %get3A_1341 : vector<1x1x16xf32> to vector<16xf32>
        %add3A_1343 = arith.constant 1 : i32
        %add3A_1344 = arith.addi %add3A_1336, %add3A_1343 : i32
        %get3A_1345 = arith.constant 0 : i32
        %get3A_1346 = arith.index_cast %get3A_1345 : i32 to index
        %get3A_1347 = arith.index_cast %add3A_1344 : i32 to index
        %get3A_1348 = arith.constant 96 : index
        %get3A_1349 = tpu.vector_load %arg8[%get3A_1346, %get3A_1347, %get3A_1348] {strides = array<i32>} : memref<2x360x128xf32, #tpu.memory_space<vmem>>, vector<1x1x16xf32>,
        %get3A_1350 = vector.shape_cast %get3A_1349 : vector<1x1x16xf32> to vector<16xf32>
        %add3A_1351 = arith.addf %get3A_1342, %get3A_1350 : vector<16xf32>
        %add3A_1352 = arith.constant 2 : i32
        %add3A_1353 = arith.addi %add3A_1336, %add3A_1352 : i32
        %get3A_1354 = arith.constant 0 : i32
        %get3A_1355 = arith.index_cast %get3A_1354 : i32 to index
        %get3A_1356 = arith.index_cast %add3A_1353 : i32 to index
        %get3A_1357 = arith.constant 96 : index
        %get3A_1358 = tpu.vector_load %arg8[%get3A_1355, %get3A_1356, %get3A_1357] {strides = array<i32>} : memref<2x360x128xf32, #tpu.memory_space<vmem>>, vector<1x1x16xf32>,
        %get3A_1359 = vector.shape_cast %get3A_1358 : vector<1x1x16xf32> to vector<16xf32>
        %add3A_1360 = arith.addf %add3A_1351, %get3A_1359 : vector<16xf32>
        %sub3A_1361 = arith.subf %get3A_1297, %add3A_1360 : vector<16xf32>
        %swap3A_1362 = arith.constant 1 : i32
        %swap3A_1363 = arith.index_cast %swap3A_1362 : i32 to index
        %swap3A_1364 = arith.index_cast %scan3A_586 : i32 to index
        %swap3A_1365 = arith.constant 96 : index
        %swap3A_1366 = tpu.vector_load %arg10[%swap3A_1363, %swap3A_1364, %swap3A_1365] {strides = array<i32>} : memref<3x40x128xf32, #tpu.memory_space<vmem>>, vector<1x1x16xf32>,
        %swap3A_1367 = vector.shape_cast %swap3A_1366 : vector<1x1x16xf32> to vector<16xf32>
        %swap3A_1368 = vector.shape_cast %sub3A_1361 : vector<16xf32> to vector<1x1x16xf32>
        tpu.vector_store %arg10[%swap3A_1363, %swap3A_1364, %swap3A_1365], %swap3A_1368 {strides = array<i32>} : memref<3x40x128xf32, #tpu.memory_space<vmem>>, vector<1x1x16xf32>,
        %add3A_1369 = arith.addf %add3A_1332, %sub3A_1361 : vector<16xf32>
        %mul3A_1370 = arith.mulf %sub3A_1361, %sub3A_1361 : vector<16xf32>
        %add3A_1371 = arith.addf %add3A_1334, %mul3A_1370 : vector<16xf32>
        %add3A_1372 = arith.constant 6 : i32
        %add3A_1373 = arith.addi %mul3A_604, %add3A_1372 : i32
        %get3A_1374 = arith.constant 0 : i32
        %get3A_1375 = arith.index_cast %get3A_1374 : i32 to index
        %get3A_1376 = arith.index_cast %add3A_1373 : i32 to index
        %get3A_1377 = arith.constant 96 : index
        %get3A_1378 = tpu.vector_load %arg8[%get3A_1375, %get3A_1376, %get3A_1377] {strides = array<i32>} : memref<2x360x128xf32, #tpu.memory_space<vmem>>, vector<1x1x16xf32>,
        %get3A_1379 = vector.shape_cast %get3A_1378 : vector<1x1x16xf32> to vector<16xf32>
        %add3A_1380 = arith.constant 1 : i32
        %add3A_1381 = arith.addi %add3A_1373, %add3A_1380 : i32
        %get3A_1382 = arith.constant 0 : i32
        %get3A_1383 = arith.index_cast %get3A_1382 : i32 to index
        %get3A_1384 = arith.index_cast %add3A_1381 : i32 to index
        %get3A_1385 = arith.constant 96 : index
        %get3A_1386 = tpu.vector_load %arg8[%get3A_1383, %get3A_1384, %get3A_1385] {strides = array<i32>} : memref<2x360x128xf32, #tpu.memory_space<vmem>>, vector<1x1x16xf32>,
        %get3A_1387 = vector.shape_cast %get3A_1386 : vector<1x1x16xf32> to vector<16xf32>
        %add3A_1388 = arith.addf %get3A_1379, %get3A_1387 : vector<16xf32>
        %add3A_1389 = arith.constant 2 : i32
        %add3A_1390 = arith.addi %add3A_1373, %add3A_1389 : i32
        %get3A_1391 = arith.constant 0 : i32
        %get3A_1392 = arith.index_cast %get3A_1391 : i32 to index
        %get3A_1393 = arith.index_cast %add3A_1390 : i32 to index
        %get3A_1394 = arith.constant 96 : index
        %get3A_1395 = tpu.vector_load %arg8[%get3A_1392, %get3A_1393, %get3A_1394] {strides = array<i32>} : memref<2x360x128xf32, #tpu.memory_space<vmem>>, vector<1x1x16xf32>,
        %get3A_1396 = vector.shape_cast %get3A_1395 : vector<1x1x16xf32> to vector<16xf32>
        %add3A_1397 = arith.addf %add3A_1388, %get3A_1396 : vector<16xf32>
        %sub3A_1398 = arith.subf %get3A_1297, %add3A_1397 : vector<16xf32>
        %swap3A_1399 = arith.constant 2 : i32
        %swap3A_1400 = arith.index_cast %swap3A_1399 : i32 to index
        %swap3A_1401 = arith.index_cast %scan3A_586 : i32 to index
        %swap3A_1402 = arith.constant 96 : index
        %swap3A_1403 = tpu.vector_load %arg10[%swap3A_1400, %swap3A_1401, %swap3A_1402] {strides = array<i32>} : memref<3x40x128xf32, #tpu.memory_space<vmem>>, vector<1x1x16xf32>,
        %swap3A_1404 = vector.shape_cast %swap3A_1403 : vector<1x1x16xf32> to vector<16xf32>
        %swap3A_1405 = vector.shape_cast %sub3A_1398 : vector<16xf32> to vector<1x1x16xf32>
        tpu.vector_store %arg10[%swap3A_1400, %swap3A_1401, %swap3A_1402], %swap3A_1405 {strides = array<i32>} : memref<3x40x128xf32, #tpu.memory_space<vmem>>, vector<1x1x16xf32>,
        %add3A_1406 = arith.addf %add3A_1369, %sub3A_1398 : vector<16xf32>
        %mul3A_1407 = arith.mulf %sub3A_1398, %sub3A_1398 : vector<16xf32>
        %add3A_1408 = arith.addf %add3A_1371, %mul3A_1407 : vector<16xf32>
        %get3A_1409 = arith.index_cast %scan3A_586 : i32 to index
        %get3A_1410 = arith.constant 112 : index
        %get3A_1411 = tpu.vector_load %arg9[%get3A_1409, %get3A_1410] {strides = array<i32>} : memref<40x128xf32, #tpu.memory_space<vmem>>, vector<1x16xf32>,
        %get3A_1412 = vector.shape_cast %get3A_1411 : vector<1x16xf32> to vector<16xf32>
        %add3A_1413 = arith.constant 0 : i32
        %add3A_1414 = arith.addi %mul3A_604, %add3A_1413 : i32
        %get3A_1415 = arith.constant 0 : i32
        %get3A_1416 = arith.index_cast %get3A_1415 : i32 to index
        %get3A_1417 = arith.index_cast %add3A_1414 : i32 to index
        %get3A_1418 = arith.constant 112 : index
        %get3A_1419 = tpu.vector_load %arg8[%get3A_1416, %get3A_1417, %get3A_1418] {strides = array<i32>} : memref<2x360x128xf32, #tpu.memory_space<vmem>>, vector<1x1x16xf32>,
        %get3A_1420 = vector.shape_cast %get3A_1419 : vector<1x1x16xf32> to vector<16xf32>
        %add3A_1421 = arith.constant 1 : i32
        %add3A_1422 = arith.addi %add3A_1414, %add3A_1421 : i32
        %get3A_1423 = arith.constant 0 : i32
        %get3A_1424 = arith.index_cast %get3A_1423 : i32 to index
        %get3A_1425 = arith.index_cast %add3A_1422 : i32 to index
        %get3A_1426 = arith.constant 112 : index
        %get3A_1427 = tpu.vector_load %arg8[%get3A_1424, %get3A_1425, %get3A_1426] {strides = array<i32>} : memref<2x360x128xf32, #tpu.memory_space<vmem>>, vector<1x1x16xf32>,
        %get3A_1428 = vector.shape_cast %get3A_1427 : vector<1x1x16xf32> to vector<16xf32>
        %add3A_1429 = arith.addf %get3A_1420, %get3A_1428 : vector<16xf32>
        %add3A_1430 = arith.constant 2 : i32
        %add3A_1431 = arith.addi %add3A_1414, %add3A_1430 : i32
        %get3A_1432 = arith.constant 0 : i32
        %get3A_1433 = arith.index_cast %get3A_1432 : i32 to index
        %get3A_1434 = arith.index_cast %add3A_1431 : i32 to index
        %get3A_1435 = arith.constant 112 : index
        %get3A_1436 = tpu.vector_load %arg8[%get3A_1433, %get3A_1434, %get3A_1435] {strides = array<i32>} : memref<2x360x128xf32, #tpu.memory_space<vmem>>, vector<1x1x16xf32>,
        %get3A_1437 = vector.shape_cast %get3A_1436 : vector<1x1x16xf32> to vector<16xf32>
        %add3A_1438 = arith.addf %add3A_1429, %get3A_1437 : vector<16xf32>
        %sub3A_1439 = arith.subf %get3A_1412, %add3A_1438 : vector<16xf32>
        %swap3A_1440 = arith.constant 0 : i32
        %swap3A_1441 = arith.index_cast %swap3A_1440 : i32 to index
        %swap3A_1442 = arith.index_cast %scan3A_586 : i32 to index
        %swap3A_1443 = arith.constant 112 : index
        %swap3A_1444 = tpu.vector_load %arg10[%swap3A_1441, %swap3A_1442, %swap3A_1443] {strides = array<i32>} : memref<3x40x128xf32, #tpu.memory_space<vmem>>, vector<1x1x16xf32>,
        %swap3A_1445 = vector.shape_cast %swap3A_1444 : vector<1x1x16xf32> to vector<16xf32>
        %swap3A_1446 = vector.shape_cast %sub3A_1439 : vector<16xf32> to vector<1x1x16xf32>
        tpu.vector_store %arg10[%swap3A_1441, %swap3A_1442, %swap3A_1443], %swap3A_1446 {strides = array<i32>} : memref<3x40x128xf32, #tpu.memory_space<vmem>>, vector<1x1x16xf32>,
        %add3A_1447 = arith.addf %scan3A_594, %sub3A_1439 : vector<16xf32>
        %mul3A_1448 = arith.mulf %sub3A_1439, %sub3A_1439 : vector<16xf32>
        %add3A_1449 = arith.addf %scan3A_602, %mul3A_1448 : vector<16xf32>
        %add3A_1450 = arith.constant 3 : i32
        %add3A_1451 = arith.addi %mul3A_604, %add3A_1450 : i32
        %get3A_1452 = arith.constant 0 : i32
        %get3A_1453 = arith.index_cast %get3A_1452 : i32 to index
        %get3A_1454 = arith.index_cast %add3A_1451 : i32 to index
        %get3A_1455 = arith.constant 112 : index
        %get3A_1456 = tpu.vector_load %arg8[%get3A_1453, %get3A_1454, %get3A_1455] {strides = array<i32>} : memref<2x360x128xf32, #tpu.memory_space<vmem>>, vector<1x1x16xf32>,
        %get3A_1457 = vector.shape_cast %get3A_1456 : vector<1x1x16xf32> to vector<16xf32>
        %add3A_1458 = arith.constant 1 : i32
        %add3A_1459 = arith.addi %add3A_1451, %add3A_1458 : i32
        %get3A_1460 = arith.constant 0 : i32
        %get3A_1461 = arith.index_cast %get3A_1460 : i32 to index
        %get3A_1462 = arith.index_cast %add3A_1459 : i32 to index
        %get3A_1463 = arith.constant 112 : index
        %get3A_1464 = tpu.vector_load %arg8[%get3A_1461, %get3A_1462, %get3A_1463] {strides = array<i32>} : memref<2x360x128xf32, #tpu.memory_space<vmem>>, vector<1x1x16xf32>,
        %get3A_1465 = vector.shape_cast %get3A_1464 : vector<1x1x16xf32> to vector<16xf32>
        %add3A_1466 = arith.addf %get3A_1457, %get3A_1465 : vector<16xf32>
        %add3A_1467 = arith.constant 2 : i32
        %add3A_1468 = arith.addi %add3A_1451, %add3A_1467 : i32
        %get3A_1469 = arith.constant 0 : i32
        %get3A_1470 = arith.index_cast %get3A_1469 : i32 to index
        %get3A_1471 = arith.index_cast %add3A_1468 : i32 to index
        %get3A_1472 = arith.constant 112 : index
        %get3A_1473 = tpu.vector_load %arg8[%get3A_1470, %get3A_1471, %get3A_1472] {strides = array<i32>} : memref<2x360x128xf32, #tpu.memory_space<vmem>>, vector<1x1x16xf32>,
        %get3A_1474 = vector.shape_cast %get3A_1473 : vector<1x1x16xf32> to vector<16xf32>
        %add3A_1475 = arith.addf %add3A_1466, %get3A_1474 : vector<16xf32>
        %sub3A_1476 = arith.subf %get3A_1412, %add3A_1475 : vector<16xf32>
        %swap3A_1477 = arith.constant 1 : i32
        %swap3A_1478 = arith.index_cast %swap3A_1477 : i32 to index
        %swap3A_1479 = arith.index_cast %scan3A_586 : i32 to index
        %swap3A_1480 = arith.constant 112 : index
        %swap3A_1481 = tpu.vector_load %arg10[%swap3A_1478, %swap3A_1479, %swap3A_1480] {strides = array<i32>} : memref<3x40x128xf32, #tpu.memory_space<vmem>>, vector<1x1x16xf32>,
        %swap3A_1482 = vector.shape_cast %swap3A_1481 : vector<1x1x16xf32> to vector<16xf32>
        %swap3A_1483 = vector.shape_cast %sub3A_1476 : vector<16xf32> to vector<1x1x16xf32>
        tpu.vector_store %arg10[%swap3A_1478, %swap3A_1479, %swap3A_1480], %swap3A_1483 {strides = array<i32>} : memref<3x40x128xf32, #tpu.memory_space<vmem>>, vector<1x1x16xf32>,
        %add3A_1484 = arith.addf %add3A_1447, %sub3A_1476 : vector<16xf32>
        %mul3A_1485 = arith.mulf %sub3A_1476, %sub3A_1476 : vector<16xf32>
        %add3A_1486 = arith.addf %add3A_1449, %mul3A_1485 : vector<16xf32>
        %add3A_1487 = arith.constant 6 : i32
        %add3A_1488 = arith.addi %mul3A_604, %add3A_1487 : i32
        %get3A_1489 = arith.constant 0 : i32
        %get3A_1490 = arith.index_cast %get3A_1489 : i32 to index
        %get3A_1491 = arith.index_cast %add3A_1488 : i32 to index
        %get3A_1492 = arith.constant 112 : index
        %get3A_1493 = tpu.vector_load %arg8[%get3A_1490, %get3A_1491, %get3A_1492] {strides = array<i32>} : memref<2x360x128xf32, #tpu.memory_space<vmem>>, vector<1x1x16xf32>,
        %get3A_1494 = vector.shape_cast %get3A_1493 : vector<1x1x16xf32> to vector<16xf32>
        %add3A_1495 = arith.constant 1 : i32
        %add3A_1496 = arith.addi %add3A_1488, %add3A_1495 : i32
        %get3A_1497 = arith.constant 0 : i32
        %get3A_1498 = arith.index_cast %get3A_1497 : i32 to index
        %get3A_1499 = arith.index_cast %add3A_1496 : i32 to index
        %get3A_1500 = arith.constant 112 : index
        %get3A_1501 = tpu.vector_load %arg8[%get3A_1498, %get3A_1499, %get3A_1500] {strides = array<i32>} : memref<2x360x128xf32, #tpu.memory_space<vmem>>, vector<1x1x16xf32>,
        %get3A_1502 = vector.shape_cast %get3A_1501 : vector<1x1x16xf32> to vector<16xf32>
        %add3A_1503 = arith.addf %get3A_1494, %get3A_1502 : vector<16xf32>
        %add3A_1504 = arith.constant 2 : i32
        %add3A_1505 = arith.addi %add3A_1488, %add3A_1504 : i32
        %get3A_1506 = arith.constant 0 : i32
        %get3A_1507 = arith.index_cast %get3A_1506 : i32 to index
        %get3A_1508 = arith.index_cast %add3A_1505 : i32 to index
        %get3A_1509 = arith.constant 112 : index
        %get3A_1510 = tpu.vector_load %arg8[%get3A_1507, %get3A_1508, %get3A_1509] {strides = array<i32>} : memref<2x360x128xf32, #tpu.memory_space<vmem>>, vector<1x1x16xf32>,
        %get3A_1511 = vector.shape_cast %get3A_1510 : vector<1x1x16xf32> to vector<16xf32>
        %add3A_1512 = arith.addf %add3A_1503, %get3A_1511 : vector<16xf32>
        %sub3A_1513 = arith.subf %get3A_1412, %add3A_1512 : vector<16xf32>
        %swap3A_1514 = arith.constant 2 : i32
        %swap3A_1515 = arith.index_cast %swap3A_1514 : i32 to index
        %swap3A_1516 = arith.index_cast %scan3A_586 : i32 to index
        %swap3A_1517 = arith.constant 112 : index
        %swap3A_1518 = tpu.vector_load %arg10[%swap3A_1515, %swap3A_1516, %swap3A_1517] {strides = array<i32>} : memref<3x40x128xf32, #tpu.memory_space<vmem>>, vector<1x1x16xf32>,
        %swap3A_1519 = vector.shape_cast %swap3A_1518 : vector<1x1x16xf32> to vector<16xf32>
        %swap3A_1520 = vector.shape_cast %sub3A_1513 : vector<16xf32> to vector<1x1x16xf32>
        tpu.vector_store %arg10[%swap3A_1515, %swap3A_1516, %swap3A_1517], %swap3A_1520 {strides = array<i32>} : memref<3x40x128xf32, #tpu.memory_space<vmem>>, vector<1x1x16xf32>,
        %add3A_1521 = arith.addf %add3A_1484, %sub3A_1513 : vector<16xf32>
        %mul3A_1522 = arith.mulf %sub3A_1513, %sub3A_1513 : vector<16xf32>
        %add3A_1523 = arith.addf %add3A_1486, %mul3A_1522 : vector<16xf32>
        scf.yield %add3A_716, %add3A_831, %add3A_946, %add3A_1061, %add3A_1176, %add3A_1291, %add3A_1406, %add3A_1521, %add3A_718, %add3A_833, %add3A_948, %add3A_1063, %add3A_1178, %add3A_1293, %add3A_1408, %add3A_1523 : vector<16xf32>, vector<16xf32>, vector<16xf32>, vector<16xf32>, vector<16xf32>, vector<16xf32>, vector<16xf32>, vector<16xf32>, vector<16xf32>, vector<16xf32>, vector<16xf32>, vector<16xf32>, vector<16xf32>, vector<16xf32>, vector<16xf32>, vector<16xf32>
      }
      %scan3A_374 = arith.constant 40 : i32
      %jit3A_375 = arith.constant 2000 : i32
      %div3A_376 = arith.divsi %add3A_368, %jit3A_375 : i32
      %sign3A_377 = arith.constant 0 : i32
      %sign3A_378 = arith.cmpi sgt, %add3A_368, %sign3A_377 : i32
      %sign3A_379 = arith.extui %sign3A_378 : i1 to i32
      %sign3A_380 = arith.constant 0 : i32
      %sign3A_381 = arith.cmpi slt, %add3A_368, %sign3A_380 : i32
      %sign3A_382 = arith.extui %sign3A_381 : i1 to i32
      %sign3A_383 = arith.subi %sign3A_379, %sign3A_382 : i32
      %sign3A_384 = arith.constant 0 : i32
      %sign3A_385 = arith.cmpi sgt, %jit3A_375, %sign3A_384 : i32
      %sign3A_386 = arith.extui %sign3A_385 : i1 to i32
      %sign3A_387 = arith.constant 0 : i32
      %sign3A_388 = arith.cmpi slt, %jit3A_375, %sign3A_387 : i32
      %sign3A_389 = arith.extui %sign3A_388 : i1 to i32
      %sign3A_390 = arith.subi %sign3A_386, %sign3A_389 : i32
      %ne3A_391 = arith.cmpi ne, %sign3A_383, %sign3A_390 : i32
      %rem3A_392 = arith.remsi %add3A_368, %jit3A_375 : i32
      %ne3A_393 = arith.constant 0 : i32
      %ne3A_394 = arith.cmpi ne, %rem3A_392, %ne3A_393 : i32
      %and3A_395 = arith.andi %ne3A_391, %ne3A_394 : i1
      %sub3A_396 = arith.constant 1 : i32
      %sub3A_397 = arith.subi %div3A_376, %sub3A_396 : i32
      %select_n3A_398 = arith.select %and3A_395, %sub3A_397, %div3A_376 : i32
      %mul3A_399 = arith.constant 6000 : i32
      %mul3A_400 = arith.muli %select_n3A_398, %mul3A_399 : i32
      %jit3A_401 = arith.constant 2000 : i32
      %eq3A_402 = arith.constant 0 : i32
      %eq3A_403 = arith.cmpi eq, %jit3A_401, %eq3A_402 : i32
      %jit3A_404 = arith.constant 1 : i32
      %select_n3A_405 = arith.select %eq3A_403, %jit3A_404, %jit3A_401 : i32
      %rem3A_406 = arith.remsi %add3A_368, %select_n3A_405 : i32
      %ne3A_407 = arith.constant 0 : i32
      %ne3A_408 = arith.cmpi ne, %rem3A_406, %ne3A_407 : i32
      %lt3A_409 = arith.constant 0 : i32
      %lt3A_410 = arith.cmpi slt, %rem3A_406, %lt3A_409 : i32
      %lt3A_411 = arith.constant 0 : i32
      %lt3A_412 = arith.cmpi slt, %select_n3A_405, %lt3A_411 : i32
      %ne3A_413 = arith.xori %lt3A_410, %lt3A_412 : i1
      %and3A_414 = arith.andi %ne3A_413, %ne3A_408 : i1
      %add3A_415 = arith.addi %rem3A_406, %select_n3A_405 : i32
      %select_n3A_416 = arith.select %and3A_414, %add3A_415, %rem3A_406 : i32
      %add3A_417 = arith.addi %mul3A_400, %select_n3A_416 : i32
      %add3A_418 = arith.constant 0 : i32
      %add3A_419 = arith.addi %add3A_417, %add3A_418 : i32
      %run_scoped3A_420 = arith.constant 0 : i32
      "tpu.region"() ({
        %run_scoped3A_586 = tpu.sem_alloc : memref<!tpu.dma_semaphore, #tpu.memory_space<semaphore_mem>>
        %dma_start3A_587 = arith.constant 0 : i32
        %dma_start3A_588 = arith.constant 0 : i32
        %dma_start3A_589 = tpu.memref_slice %arg10[%run_scoped3A_420, %dma_start3A_587, %dma_start3A_588] : memref<3x40x128xf32, #tpu.memory_space<vmem>> -> memref<1x40x128xf32, #tpu.memory_space<vmem>>
        %dma_start3A_590 = tpu.memref_squeeze %dma_start3A_589 : memref<1x40x128xf32, #tpu.memory_space<vmem>> -> memref<40x128xf32, #tpu.memory_space<vmem>>
        %dma_start3A_591 = arith.constant 0 : i32
        %dma_start3A_592 = tpu.memref_slice %arg5[%add3A_419, %dma_start3A_591] : memref<96000x128xf32, #tpu.memory_space<hbm>> -> memref<40x128xf32, #tpu.memory_space<hbm>>
        %dma_start3A_593 = arith.constant 0 : i32
        %dma_start3A_594 = tpu.memref_slice %arg5[%add3A_419, %dma_start3A_593] : memref<96000x128xf32, #tpu.memory_space<hbm>> -> memref<40x128xf32, #tpu.memory_space<hbm>>
        %dma_start3A_595 = arith.constant 0 : i32
        %dma_start3A_596 = arith.constant 0 : i32
        %dma_start3A_597 = tpu.memref_slice %arg10[%run_scoped3A_420, %dma_start3A_595, %dma_start3A_596] : memref<3x40x128xf32, #tpu.memory_space<vmem>> -> memref<1x40x128xf32, #tpu.memory_space<vmem>>
        %dma_start3A_598 = tpu.memref_squeeze %dma_start3A_597 : memref<1x40x128xf32, #tpu.memory_space<vmem>> -> memref<40x128xf32, #tpu.memory_space<vmem>>
        tpu.enqueue_dma source(%dma_start3A_598 : memref<40x128xf32, #tpu.memory_space<vmem>>) target(%dma_start3A_594 : memref<40x128xf32, #tpu.memory_space<hbm>>) target_semaphore(%run_scoped3A_586 : memref<!tpu.dma_semaphore, #tpu.memory_space<semaphore_mem>>)
        %dma_wait3A_599 = arith.constant 0 : i32
        %dma_wait3A_600 = arith.constant 0 : i32
        %dma_wait3A_601 = tpu.memref_slice %arg10[%run_scoped3A_420, %dma_wait3A_599, %dma_wait3A_600] : memref<3x40x128xf32, #tpu.memory_space<vmem>> -> memref<1x40x128xf32, #tpu.memory_space<vmem>>
        %dma_wait3A_602 = tpu.memref_squeeze %dma_wait3A_601 : memref<1x40x128xf32, #tpu.memory_space<vmem>> -> memref<40x128xf32, #tpu.memory_space<vmem>>
        %dma_wait3A_603 = arith.constant 0 : i32
        %dma_wait3A_604 = tpu.memref_slice %arg5[%add3A_419, %dma_wait3A_603] : memref<96000x128xf32, #tpu.memory_space<hbm>> -> memref<40x128xf32, #tpu.memory_space<hbm>>
        %dma_wait3A_605 = arith.constant 0 : i32
        %dma_wait3A_606 = tpu.memref_slice %arg5[%add3A_419, %dma_wait3A_605] : memref<96000x128xf32, #tpu.memory_space<hbm>> -> memref<40x128xf32, #tpu.memory_space<hbm>>
        %dma_wait3A_607 = arith.constant 0 : i32
        %dma_wait3A_608 = arith.constant 0 : i32
        %dma_wait3A_609 = tpu.memref_slice %arg10[%run_scoped3A_420, %dma_wait3A_607, %dma_wait3A_608] : memref<3x40x128xf32, #tpu.memory_space<vmem>> -> memref<1x40x128xf32, #tpu.memory_space<vmem>>
        %dma_wait3A_610 = tpu.memref_squeeze %dma_wait3A_609 : memref<1x40x128xf32, #tpu.memory_space<vmem>> -> memref<40x128xf32, #tpu.memory_space<vmem>>
        tpu.wait_dma2 semaphore(%run_scoped3A_586 : memref<!tpu.dma_semaphore, #tpu.memory_space<semaphore_mem>>) src(%dma_wait3A_610 : memref<40x128xf32, #tpu.memory_space<vmem>>) dst(%dma_wait3A_606 : memref<40x128xf32, #tpu.memory_space<hbm>>)
        tpu.yield
      }) : () -> ()
      %add3A_421 = arith.constant 2000 : i32
      %add3A_422 = arith.addi %add3A_417, %add3A_421 : i32
      %run_scoped3A_423 = arith.constant 1 : i32
      "tpu.region"() ({
        %run_scoped3A_586 = tpu.sem_alloc : memref<!tpu.dma_semaphore, #tpu.memory_space<semaphore_mem>>
        %dma_start3A_587 = arith.constant 0 : i32
        %dma_start3A_588 = arith.constant 0 : i32
        %dma_start3A_589 = tpu.memref_slice %arg10[%run_scoped3A_423, %dma_start3A_587, %dma_start3A_588] : memref<3x40x128xf32, #tpu.memory_space<vmem>> -> memref<1x40x128xf32, #tpu.memory_space<vmem>>
        %dma_start3A_590 = tpu.memref_squeeze %dma_start3A_589 : memref<1x40x128xf32, #tpu.memory_space<vmem>> -> memref<40x128xf32, #tpu.memory_space<vmem>>
        %dma_start3A_591 = arith.constant 0 : i32
        %dma_start3A_592 = tpu.memref_slice %arg5[%add3A_422, %dma_start3A_591] : memref<96000x128xf32, #tpu.memory_space<hbm>> -> memref<40x128xf32, #tpu.memory_space<hbm>>
        %dma_start3A_593 = arith.constant 0 : i32
        %dma_start3A_594 = tpu.memref_slice %arg5[%add3A_422, %dma_start3A_593] : memref<96000x128xf32, #tpu.memory_space<hbm>> -> memref<40x128xf32, #tpu.memory_space<hbm>>
        %dma_start3A_595 = arith.constant 0 : i32
        %dma_start3A_596 = arith.constant 0 : i32
        %dma_start3A_597 = tpu.memref_slice %arg10[%run_scoped3A_423, %dma_start3A_595, %dma_start3A_596] : memref<3x40x128xf32, #tpu.memory_space<vmem>> -> memref<1x40x128xf32, #tpu.memory_space<vmem>>
        %dma_start3A_598 = tpu.memref_squeeze %dma_start3A_597 : memref<1x40x128xf32, #tpu.memory_space<vmem>> -> memref<40x128xf32, #tpu.memory_space<vmem>>
        tpu.enqueue_dma source(%dma_start3A_598 : memref<40x128xf32, #tpu.memory_space<vmem>>) target(%dma_start3A_594 : memref<40x128xf32, #tpu.memory_space<hbm>>) target_semaphore(%run_scoped3A_586 : memref<!tpu.dma_semaphore, #tpu.memory_space<semaphore_mem>>)
        %dma_wait3A_599 = arith.constant 0 : i32
        %dma_wait3A_600 = arith.constant 0 : i32
        %dma_wait3A_601 = tpu.memref_slice %arg10[%run_scoped3A_423, %dma_wait3A_599, %dma_wait3A_600] : memref<3x40x128xf32, #tpu.memory_space<vmem>> -> memref<1x40x128xf32, #tpu.memory_space<vmem>>
        %dma_wait3A_602 = tpu.memref_squeeze %dma_wait3A_601 : memref<1x40x128xf32, #tpu.memory_space<vmem>> -> memref<40x128xf32, #tpu.memory_space<vmem>>
        %dma_wait3A_603 = arith.constant 0 : i32
        %dma_wait3A_604 = tpu.memref_slice %arg5[%add3A_422, %dma_wait3A_603] : memref<96000x128xf32, #tpu.memory_space<hbm>> -> memref<40x128xf32, #tpu.memory_space<hbm>>
        %dma_wait3A_605 = arith.constant 0 : i32
        %dma_wait3A_606 = tpu.memref_slice %arg5[%add3A_422, %dma_wait3A_605] : memref<96000x128xf32, #tpu.memory_space<hbm>> -> memref<40x128xf32, #tpu.memory_space<hbm>>
        %dma_wait3A_607 = arith.constant 0 : i32
        %dma_wait3A_608 = arith.constant 0 : i32
        %dma_wait3A_609 = tpu.memref_slice %arg10[%run_scoped3A_423, %dma_wait3A_607, %dma_wait3A_608] : memref<3x40x128xf32, #tpu.memory_space<vmem>> -> memref<1x40x128xf32, #tpu.memory_space<vmem>>
        %dma_wait3A_610 = tpu.memref_squeeze %dma_wait3A_609 : memref<1x40x128xf32, #tpu.memory_space<vmem>> -> memref<40x128xf32, #tpu.memory_space<vmem>>
        tpu.wait_dma2 semaphore(%run_scoped3A_586 : memref<!tpu.dma_semaphore, #tpu.memory_space<semaphore_mem>>) src(%dma_wait3A_610 : memref<40x128xf32, #tpu.memory_space<vmem>>) dst(%dma_wait3A_606 : memref<40x128xf32, #tpu.memory_space<hbm>>)
        tpu.yield
      }) : () -> ()
      %add3A_424 = arith.constant 4000 : i32
      %add3A_425 = arith.addi %add3A_417, %add3A_424 : i32
      %run_scoped3A_426 = arith.constant 2 : i32
      "tpu.region"() ({
        %run_scoped3A_586 = tpu.sem_alloc : memref<!tpu.dma_semaphore, #tpu.memory_space<semaphore_mem>>
        %dma_start3A_587 = arith.constant 0 : i32
        %dma_start3A_588 = arith.constant 0 : i32
        %dma_start3A_589 = tpu.memref_slice %arg10[%run_scoped3A_426, %dma_start3A_587, %dma_start3A_588] : memref<3x40x128xf32, #tpu.memory_space<vmem>> -> memref<1x40x128xf32, #tpu.memory_space<vmem>>
        %dma_start3A_590 = tpu.memref_squeeze %dma_start3A_589 : memref<1x40x128xf32, #tpu.memory_space<vmem>> -> memref<40x128xf32, #tpu.memory_space<vmem>>
        %dma_start3A_591 = arith.constant 0 : i32
        %dma_start3A_592 = tpu.memref_slice %arg5[%add3A_425, %dma_start3A_591] : memref<96000x128xf32, #tpu.memory_space<hbm>> -> memref<40x128xf32, #tpu.memory_space<hbm>>
        %dma_start3A_593 = arith.constant 0 : i32
        %dma_start3A_594 = tpu.memref_slice %arg5[%add3A_425, %dma_start3A_593] : memref<96000x128xf32, #tpu.memory_space<hbm>> -> memref<40x128xf32, #tpu.memory_space<hbm>>
        %dma_start3A_595 = arith.constant 0 : i32
        %dma_start3A_596 = arith.constant 0 : i32
        %dma_start3A_597 = tpu.memref_slice %arg10[%run_scoped3A_426, %dma_start3A_595, %dma_start3A_596] : memref<3x40x128xf32, #tpu.memory_space<vmem>> -> memref<1x40x128xf32, #tpu.memory_space<vmem>>
        %dma_start3A_598 = tpu.memref_squeeze %dma_start3A_597 : memref<1x40x128xf32, #tpu.memory_space<vmem>> -> memref<40x128xf32, #tpu.memory_space<vmem>>
        tpu.enqueue_dma source(%dma_start3A_598 : memref<40x128xf32, #tpu.memory_space<vmem>>) target(%dma_start3A_594 : memref<40x128xf32, #tpu.memory_space<hbm>>) target_semaphore(%run_scoped3A_586 : memref<!tpu.dma_semaphore, #tpu.memory_space<semaphore_mem>>)
        %dma_wait3A_599 = arith.constant 0 : i32
        %dma_wait3A_600 = arith.constant 0 : i32
        %dma_wait3A_601 = tpu.memref_slice %arg10[%run_scoped3A_426, %dma_wait3A_599, %dma_wait3A_600] : memref<3x40x128xf32, #tpu.memory_space<vmem>> -> memref<1x40x128xf32, #tpu.memory_space<vmem>>
        %dma_wait3A_602 = tpu.memref_squeeze %dma_wait3A_601 : memref<1x40x128xf32, #tpu.memory_space<vmem>> -> memref<40x128xf32, #tpu.memory_space<vmem>>
        %dma_wait3A_603 = arith.constant 0 : i32
        %dma_wait3A_604 = tpu.memref_slice %arg5[%add3A_425, %dma_wait3A_603] : memref<96000x128xf32, #tpu.memory_space<hbm>> -> memref<40x128xf32, #tpu.memory_space<hbm>>
        %dma_wait3A_605 = arith.constant 0 : i32
        %dma_wait3A_606 = tpu.memref_slice %arg5[%add3A_425, %dma_wait3A_605] : memref<96000x128xf32, #tpu.memory_space<hbm>> -> memref<40x128xf32, #tpu.memory_space<hbm>>
        %dma_wait3A_607 = arith.constant 0 : i32
        %dma_wait3A_608 = arith.constant 0 : i32
        %dma_wait3A_609 = tpu.memref_slice %arg10[%run_scoped3A_426, %dma_wait3A_607, %dma_wait3A_608] : memref<3x40x128xf32, #tpu.memory_space<vmem>> -> memref<1x40x128xf32, #tpu.memory_space<vmem>>
        %dma_wait3A_610 = tpu.memref_squeeze %dma_wait3A_609 : memref<1x40x128xf32, #tpu.memory_space<vmem>> -> memref<40x128xf32, #tpu.memory_space<vmem>>
        tpu.wait_dma2 semaphore(%run_scoped3A_586 : memref<!tpu.dma_semaphore, #tpu.memory_space<semaphore_mem>>) src(%dma_wait3A_610 : memref<40x128xf32, #tpu.memory_space<vmem>>) dst(%dma_wait3A_606 : memref<40x128xf32, #tpu.memory_space<hbm>>)
        tpu.yield
      }) : () -> ()
      %add3A_427 = arith.constant 2 : i32
      %add3A_428 = arith.addi %mul3A_271, %add3A_427 : i32
      %mul3A_429 = arith.constant 3 : i32
      %mul3A_430 = arith.muli %add3A_428, %mul3A_429 : i32
      %add3A_431 = arith.constant 0 : i32
      %add3A_432 = arith.addi %mul3A_430, %add3A_431 : i32
      %dma_start3A_433 = arith.constant 0 : i32
      %dma_start3A_434 = arith.constant 0 : i32
      %dma_start3A_435 = arith.constant 0 : i32
      %dma_start3A_436 = tpu.memref_slice %arg8[%dma_start3A_433, %dma_start3A_434, %dma_start3A_435] : memref<2x360x128xf32, #tpu.memory_space<vmem>> -> memref<1x120x128xf32, #tpu.memory_space<vmem>>
      %dma_start3A_437 = tpu.memref_squeeze %dma_start3A_436 : memref<1x120x128xf32, #tpu.memory_space<vmem>> -> memref<120x128xf32, #tpu.memory_space<vmem>>
      %dma_start3A_438 = arith.constant 0 : i32
      %dma_start3A_439 = tpu.memref_slice %arg7[%add3A_432, %dma_start3A_438] : memref<75x120xi32, #tpu.memory_space<vmem>> -> memref<1x120xi32, #tpu.memory_space<vmem>>
      %dma_start3A_440 = tpu.memref_squeeze %dma_start3A_439 : memref<1x120xi32, #tpu.memory_space<vmem>> -> memref<120xi32, #tpu.memory_space<vmem>>
      %dma_start3A_441 = arith.constant 0 : i32
      %dma_start3A_442 = arith.constant 0 : i32
      %dma_start3A_443 = tpu.memref_slice %arg2[%dma_start3A_441, %dma_start3A_442] : memref<96000x128xf32, #tpu.memory_space<hbm>> -> memref<96000x128xf32, #tpu.memory_space<hbm>>
      tpu.enqueue_indirect_dma source(%dma_start3A_443 : memref<96000x128xf32, #tpu.memory_space<hbm>>) target(%dma_start3A_437 : memref<120x128xf32, #tpu.memory_space<vmem>>) offsets(%dma_start3A_440 : memref<120xi32, #tpu.memory_space<vmem>>) semaphore(%arg12 : memref<!tpu.dma_semaphore, #tpu.memory_space<semaphore_mem>>)
      %mul3A_444 = arith.constant 3 : i32
      %mul3A_445 = arith.muli %add3A_428, %mul3A_444 : i32
      %add3A_446 = arith.constant 1 : i32
      %add3A_447 = arith.addi %mul3A_445, %add3A_446 : i32
      %dma_start3A_448 = arith.constant 0 : i32
      %dma_start3A_449 = arith.constant 120 : i32
      %dma_start3A_450 = arith.constant 0 : i32
      %dma_start3A_451 = tpu.memref_slice %arg8[%dma_start3A_448, %dma_start3A_449, %dma_start3A_450] : memref<2x360x128xf32, #tpu.memory_space<vmem>> -> memref<1x120x128xf32, #tpu.memory_space<vmem>>
      %dma_start3A_452 = tpu.memref_squeeze %dma_start3A_451 : memref<1x120x128xf32, #tpu.memory_space<vmem>> -> memref<120x128xf32, #tpu.memory_space<vmem>>
      %dma_start3A_453 = arith.constant 0 : i32
      %dma_start3A_454 = tpu.memref_slice %arg7[%add3A_447, %dma_start3A_453] : memref<75x120xi32, #tpu.memory_space<vmem>> -> memref<1x120xi32, #tpu.memory_space<vmem>>
      %dma_start3A_455 = tpu.memref_squeeze %dma_start3A_454 : memref<1x120xi32, #tpu.memory_space<vmem>> -> memref<120xi32, #tpu.memory_space<vmem>>
      %dma_start3A_456 = arith.constant 0 : i32
      %dma_start3A_457 = arith.constant 0 : i32
      %dma_start3A_458 = tpu.memref_slice %arg2[%dma_start3A_456, %dma_start3A_457] : memref<96000x128xf32, #tpu.memory_space<hbm>> -> memref<96000x128xf32, #tpu.memory_space<hbm>>
      tpu.enqueue_indirect_dma source(%dma_start3A_458 : memref<96000x128xf32, #tpu.memory_space<hbm>>) target(%dma_start3A_452 : memref<120x128xf32, #tpu.memory_space<vmem>>) offsets(%dma_start3A_455 : memref<120xi32, #tpu.memory_space<vmem>>) semaphore(%arg12 : memref<!tpu.dma_semaphore, #tpu.memory_space<semaphore_mem>>)
      %mul3A_459 = arith.constant 3 : i32
      %mul3A_460 = arith.muli %add3A_428, %mul3A_459 : i32
      %add3A_461 = arith.constant 2 : i32
      %add3A_462 = arith.addi %mul3A_460, %add3A_461 : i32
      %dma_start3A_463 = arith.constant 0 : i32
      %dma_start3A_464 = arith.constant 240 : i32
      %dma_start3A_465 = arith.constant 0 : i32
      %dma_start3A_466 = tpu.memref_slice %arg8[%dma_start3A_463, %dma_start3A_464, %dma_start3A_465] : memref<2x360x128xf32, #tpu.memory_space<vmem>> -> memref<1x120x128xf32, #tpu.memory_space<vmem>>
      %dma_start3A_467 = tpu.memref_squeeze %dma_start3A_466 : memref<1x120x128xf32, #tpu.memory_space<vmem>> -> memref<120x128xf32, #tpu.memory_space<vmem>>
      %dma_start3A_468 = arith.constant 0 : i32
      %dma_start3A_469 = tpu.memref_slice %arg7[%add3A_462, %dma_start3A_468] : memref<75x120xi32, #tpu.memory_space<vmem>> -> memref<1x120xi32, #tpu.memory_space<vmem>>
      %dma_start3A_470 = tpu.memref_squeeze %dma_start3A_469 : memref<1x120xi32, #tpu.memory_space<vmem>> -> memref<120xi32, #tpu.memory_space<vmem>>
      %dma_start3A_471 = arith.constant 0 : i32
      %dma_start3A_472 = arith.constant 0 : i32
      %dma_start3A_473 = tpu.memref_slice %arg2[%dma_start3A_471, %dma_start3A_472] : memref<96000x128xf32, #tpu.memory_space<hbm>> -> memref<96000x128xf32, #tpu.memory_space<hbm>>
      tpu.enqueue_indirect_dma source(%dma_start3A_473 : memref<96000x128xf32, #tpu.memory_space<hbm>>) target(%dma_start3A_467 : memref<120x128xf32, #tpu.memory_space<vmem>>) offsets(%dma_start3A_470 : memref<120xi32, #tpu.memory_space<vmem>>) semaphore(%arg12 : memref<!tpu.dma_semaphore, #tpu.memory_space<semaphore_mem>>)
      %add3A_474 = arith.constant 1 : i32
      %add3A_475 = arith.addi %mul3A_271, %add3A_474 : i32
      %mul3A_476 = arith.constant 3 : i32
      %mul3A_477 = arith.muli %add3A_475, %mul3A_476 : i32
      %add3A_478 = arith.constant 0 : i32
      %add3A_479 = arith.addi %mul3A_477, %add3A_478 : i32
      %dma_wait3A_480 = arith.constant 1 : i32
      %dma_wait3A_481 = arith.constant 0 : i32
      %dma_wait3A_482 = arith.constant 0 : i32
      %dma_wait3A_483 = tpu.memref_slice %arg8[%dma_wait3A_480, %dma_wait3A_481, %dma_wait3A_482] : memref<2x360x128xf32, #tpu.memory_space<vmem>> -> memref<1x120x128xf32, #tpu.memory_space<vmem>>
      %dma_wait3A_484 = tpu.memref_squeeze %dma_wait3A_483 : memref<1x120x128xf32, #tpu.memory_space<vmem>> -> memref<120x128xf32, #tpu.memory_space<vmem>>
      %dma_wait3A_485 = arith.constant 0 : i32
      %dma_wait3A_486 = tpu.memref_slice %arg7[%add3A_479, %dma_wait3A_485] : memref<75x120xi32, #tpu.memory_space<vmem>> -> memref<1x120xi32, #tpu.memory_space<vmem>>
      %dma_wait3A_487 = tpu.memref_squeeze %dma_wait3A_486 : memref<1x120xi32, #tpu.memory_space<vmem>> -> memref<120xi32, #tpu.memory_space<vmem>>
      %dma_wait3A_488 = arith.constant 0 : i32
      %dma_wait3A_489 = arith.constant 0 : i32
      %dma_wait3A_490 = tpu.memref_slice %arg2[%dma_wait3A_488, %dma_wait3A_489] : memref<96000x128xf32, #tpu.memory_space<hbm>> -> memref<96000x128xf32, #tpu.memory_space<hbm>>
      tpu.wait_indirect_dma semaphore(%arg13 : memref<!tpu.dma_semaphore, #tpu.memory_space<semaphore_mem>>) src(%dma_wait3A_490 : memref<96000x128xf32, #tpu.memory_space<hbm>>) dst(%dma_wait3A_484 : memref<120x128xf32, #tpu.memory_space<vmem>>)
      %mul3A_491 = arith.constant 3 : i32
      %mul3A_492 = arith.muli %add3A_475, %mul3A_491 : i32
      %add3A_493 = arith.constant 1 : i32
      %add3A_494 = arith.addi %mul3A_492, %add3A_493 : i32
      %dma_wait3A_495 = arith.constant 1 : i32
      %dma_wait3A_496 = arith.constant 120 : i32
      %dma_wait3A_497 = arith.constant 0 : i32
      %dma_wait3A_498 = tpu.memref_slice %arg8[%dma_wait3A_495, %dma_wait3A_496, %dma_wait3A_497] : memref<2x360x128xf32, #tpu.memory_space<vmem>> -> memref<1x120x128xf32, #tpu.memory_space<vmem>>
      %dma_wait3A_499 = tpu.memref_squeeze %dma_wait3A_498 : memref<1x120x128xf32, #tpu.memory_space<vmem>> -> memref<120x128xf32, #tpu.memory_space<vmem>>
      %dma_wait3A_500 = arith.constant 0 : i32
      %dma_wait3A_501 = tpu.memref_slice %arg7[%add3A_494, %dma_wait3A_500] : memref<75x120xi32, #tpu.memory_space<vmem>> -> memref<1x120xi32, #tpu.memory_space<vmem>>
      %dma_wait3A_502 = tpu.memref_squeeze %dma_wait3A_501 : memref<1x120xi32, #tpu.memory_space<vmem>> -> memref<120xi32, #tpu.memory_space<vmem>>
      %dma_wait3A_503 = arith.constant 0 : i32
      %dma_wait3A_504 = arith.constant 0 : i32
      %dma_wait3A_505 = tpu.memref_slice %arg2[%dma_wait3A_503, %dma_wait3A_504] : memref<96000x128xf32, #tpu.memory_space<hbm>> -> memref<96000x128xf32, #tpu.memory_space<hbm>>
      tpu.wait_indirect_dma semaphore(%arg13 : memref<!tpu.dma_semaphore, #tpu.memory_space<semaphore_mem>>) src(%dma_wait3A_505 : memref<96000x128xf32, #tpu.memory_space<hbm>>) dst(%dma_wait3A_499 : memref<120x128xf32, #tpu.memory_space<vmem>>)
      %mul3A_506 = arith.constant 3 : i32
      %mul3A_507 = arith.muli %add3A_475, %mul3A_506 : i32
      %add3A_508 = arith.constant 2 : i32
      %add3A_509 = arith.addi %mul3A_507, %add3A_508 : i32
      %dma_wait3A_510 = arith.constant 1 : i32
      %dma_wait3A_511 = arith.constant 240 : i32
      %dma_wait3A_512 = arith.constant 0 : i32
      %dma_wait3A_513 = tpu.memref_slice %arg8[%dma_wait3A_510, %dma_wait3A_511, %dma_wait3A_512] : memref<2x360x128xf32, #tpu.memory_space<vmem>> -> memref<1x120x128xf32, #tpu.memory_space<vmem>>
      %dma_wait3A_514 = tpu.memref_squeeze %dma_wait3A_513 : memref<1x120x128xf32, #tpu.memory_space<vmem>> -> memref<120x128xf32, #tpu.memory_space<vmem>>
      %dma_wait3A_515 = arith.constant 0 : i32
      %dma_wait3A_516 = tpu.memref_slice %arg7[%add3A_509, %dma_wait3A_515] : memref<75x120xi32, #tpu.memory_space<vmem>> -> memref<1x120xi32, #tpu.memory_space<vmem>>
      %dma_wait3A_517 = tpu.memref_squeeze %dma_wait3A_516 : memref<1x120xi32, #tpu.memory_space<vmem>> -> memref<120xi32, #tpu.memory_space<vmem>>
      %dma_wait3A_518 = arith.constant 0 : i32
      %dma_wait3A_519 = arith.constant 0 : i32
      %dma_wait3A_520 = tpu.memref_slice %arg2[%dma_wait3A_518, %dma_wait3A_519] : memref<96000x128xf32, #tpu.memory_space<hbm>> -> memref<96000x128xf32, #tpu.memory_space<hbm>>
      tpu.wait_indirect_dma semaphore(%arg13 : memref<!tpu.dma_semaphore, #tpu.memory_space<semaphore_mem>>) src(%dma_wait3A_520 : memref<96000x128xf32, #tpu.memory_space<hbm>>) dst(%dma_wait3A_514 : memref<120x128xf32, #tpu.memory_space<vmem>>)
      %add3A_521 = arith.constant 1 : i32
      %add3A_522 = arith.addi %mul3A_271, %add3A_521 : i32
      %mul3A_523 = arith.constant 1000 : i32
      %mul3A_524 = arith.muli %add3A, %mul3A_523 : i32
      %mul3A_525 = arith.constant 40 : i32
      %mul3A_526 = arith.muli %add3A_522, %mul3A_525 : i32
      %add3A_527 = arith.addi %mul3A_524, %mul3A_526 : i32
      "tpu.region"() ({
        %run_scoped3A_586 = tpu.sem_alloc : memref<!tpu.dma_semaphore, #tpu.memory_space<semaphore_mem>>
        %dma_start3A_587 = arith.constant 0 : i32
        %dma_start3A_588 = tpu.memref_slice %arg4[%add3A_527, %dma_start3A_587] : memref<32000x128xf32, #tpu.memory_space<hbm>> -> memref<40x128xf32, #tpu.memory_space<hbm>>
        %dma_start3A_589 = arith.constant 0 : i32
        %dma_start3A_590 = tpu.memref_slice %arg4[%add3A_527, %dma_start3A_589] : memref<32000x128xf32, #tpu.memory_space<hbm>> -> memref<40x128xf32, #tpu.memory_space<hbm>>
        tpu.enqueue_dma source(%dma_start3A_590 : memref<40x128xf32, #tpu.memory_space<hbm>>) target(%arg9 : memref<40x128xf32, #tpu.memory_space<vmem>>) target_semaphore(%run_scoped3A_586 : memref<!tpu.dma_semaphore, #tpu.memory_space<semaphore_mem>>)
        %dma_wait3A_591 = arith.constant 0 : i32
        %dma_wait3A_592 = tpu.memref_slice %arg4[%add3A_527, %dma_wait3A_591] : memref<32000x128xf32, #tpu.memory_space<hbm>> -> memref<40x128xf32, #tpu.memory_space<hbm>>
        %dma_wait3A_593 = arith.constant 0 : i32
        %dma_wait3A_594 = tpu.memref_slice %arg4[%add3A_527, %dma_wait3A_593] : memref<32000x128xf32, #tpu.memory_space<hbm>> -> memref<40x128xf32, #tpu.memory_space<hbm>>
        tpu.wait_dma2 semaphore(%run_scoped3A_586 : memref<!tpu.dma_semaphore, #tpu.memory_space<semaphore_mem>>) src(%dma_wait3A_594 : memref<40x128xf32, #tpu.memory_space<hbm>>) dst(%arg9 : memref<40x128xf32, #tpu.memory_space<vmem>>)
        tpu.yield
      }) : () -> ()
      %scan3A_528 = arith.constant 0 : i32
      %scan3A_529 = arith.constant 40 : i32
      %scan3A_530 = arith.addi %scan3A_528, %scan3A_529 : i32
      %scan3A_531 = arith.constant 1 : i32
      %scan3A_532:16 = scf.for %scan3A_586 = %scan3A_528 to %scan3A_530 step %scan3A_531 iter_args(%scan3A_587 = %scan3A_373#0, %scan3A_588 = %scan3A_373#1, %scan3A_589 = %scan3A_373#2, %scan3A_590 = %scan3A_373#3, %scan3A_591 = %scan3A_373#4, %scan3A_592 = %scan3A_373#5, %scan3A_593 = %scan3A_373#6, %scan3A_594 = %scan3A_373#7, %scan3A_595 = %scan3A_373#8, %scan3A_596 = %scan3A_373#9, %scan3A_597 = %scan3A_373#10, %scan3A_598 = %scan3A_373#11, %scan3A_599 = %scan3A_373#12, %scan3A_600 = %scan3A_373#13, %scan3A_601 = %scan3A_373#14, %scan3A_602 = %scan3A_373#15) -> (vector<16xf32>, vector<16xf32>, vector<16xf32>, vector<16xf32>, vector<16xf32>, vector<16xf32>, vector<16xf32>, vector<16xf32>, vector<16xf32>, vector<16xf32>, vector<16xf32>, vector<16xf32>, vector<16xf32>, vector<16xf32>, vector<16xf32>, vector<16xf32>)  : i32 {
        %mul3A_603 = arith.constant 9 : i32
        %mul3A_604 = arith.muli %scan3A_586, %mul3A_603 : i32
        %get3A = arith.index_cast %scan3A_586 : i32 to index
        %get3A_605 = arith.constant 0 : index
        %get3A_606 = tpu.vector_load %arg9[%get3A, %get3A_605] {strides = array<i32>} : memref<40x128xf32, #tpu.memory_space<vmem>>, vector<1x16xf32>,
        %get3A_607 = vector.shape_cast %get3A_606 : vector<1x16xf32> to vector<16xf32>
        %add3A_608 = arith.constant 0 : i32
        %add3A_609 = arith.addi %mul3A_604, %add3A_608 : i32
        %get3A_610 = arith.constant 1 : i32
        %get3A_611 = arith.index_cast %get3A_610 : i32 to index
        %get3A_612 = arith.index_cast %add3A_609 : i32 to index
        %get3A_613 = arith.constant 0 : index
        %get3A_614 = tpu.vector_load %arg8[%get3A_611, %get3A_612, %get3A_613] {strides = array<i32>} : memref<2x360x128xf32, #tpu.memory_space<vmem>>, vector<1x1x16xf32>,
        %get3A_615 = vector.shape_cast %get3A_614 : vector<1x1x16xf32> to vector<16xf32>
        %add3A_616 = arith.constant 1 : i32
        %add3A_617 = arith.addi %add3A_609, %add3A_616 : i32
        %get3A_618 = arith.constant 1 : i32
        %get3A_619 = arith.index_cast %get3A_618 : i32 to index
        %get3A_620 = arith.index_cast %add3A_617 : i32 to index
        %get3A_621 = arith.constant 0 : index
        %get3A_622 = tpu.vector_load %arg8[%get3A_619, %get3A_620, %get3A_621] {strides = array<i32>} : memref<2x360x128xf32, #tpu.memory_space<vmem>>, vector<1x1x16xf32>,
        %get3A_623 = vector.shape_cast %get3A_622 : vector<1x1x16xf32> to vector<16xf32>
        %add3A_624 = arith.addf %get3A_615, %get3A_623 : vector<16xf32>
        %add3A_625 = arith.constant 2 : i32
        %add3A_626 = arith.addi %add3A_609, %add3A_625 : i32
        %get3A_627 = arith.constant 1 : i32
        %get3A_628 = arith.index_cast %get3A_627 : i32 to index
        %get3A_629 = arith.index_cast %add3A_626 : i32 to index
        %get3A_630 = arith.constant 0 : index
        %get3A_631 = tpu.vector_load %arg8[%get3A_628, %get3A_629, %get3A_630] {strides = array<i32>} : memref<2x360x128xf32, #tpu.memory_space<vmem>>, vector<1x1x16xf32>,
        %get3A_632 = vector.shape_cast %get3A_631 : vector<1x1x16xf32> to vector<16xf32>
        %add3A_633 = arith.addf %add3A_624, %get3A_632 : vector<16xf32>
        %sub3A_634 = arith.subf %get3A_607, %add3A_633 : vector<16xf32>
        %swap3A_635 = arith.constant 0 : i32
        %swap3A_636 = arith.index_cast %swap3A_635 : i32 to index
        %swap3A_637 = arith.index_cast %scan3A_586 : i32 to index
        %swap3A_638 = arith.constant 0 : index
        %swap3A_639 = tpu.vector_load %arg10[%swap3A_636, %swap3A_637, %swap3A_638] {strides = array<i32>} : memref<3x40x128xf32, #tpu.memory_space<vmem>>, vector<1x1x16xf32>,
        %swap3A_640 = vector.shape_cast %swap3A_639 : vector<1x1x16xf32> to vector<16xf32>
        %swap3A_641 = vector.shape_cast %sub3A_634 : vector<16xf32> to vector<1x1x16xf32>
        tpu.vector_store %arg10[%swap3A_636, %swap3A_637, %swap3A_638], %swap3A_641 {strides = array<i32>} : memref<3x40x128xf32, #tpu.memory_space<vmem>>, vector<1x1x16xf32>,
        %add3A_642 = arith.addf %scan3A_587, %sub3A_634 : vector<16xf32>
        %mul3A_643 = arith.mulf %sub3A_634, %sub3A_634 : vector<16xf32>
        %add3A_644 = arith.addf %scan3A_595, %mul3A_643 : vector<16xf32>
        %add3A_645 = arith.constant 3 : i32
        %add3A_646 = arith.addi %mul3A_604, %add3A_645 : i32
        %get3A_647 = arith.constant 1 : i32
        %get3A_648 = arith.index_cast %get3A_647 : i32 to index
        %get3A_649 = arith.index_cast %add3A_646 : i32 to index
        %get3A_650 = arith.constant 0 : index
        %get3A_651 = tpu.vector_load %arg8[%get3A_648, %get3A_649, %get3A_650] {strides = array<i32>} : memref<2x360x128xf32, #tpu.memory_space<vmem>>, vector<1x1x16xf32>,
        %get3A_652 = vector.shape_cast %get3A_651 : vector<1x1x16xf32> to vector<16xf32>
        %add3A_653 = arith.constant 1 : i32
        %add3A_654 = arith.addi %add3A_646, %add3A_653 : i32
        %get3A_655 = arith.constant 1 : i32
        %get3A_656 = arith.index_cast %get3A_655 : i32 to index
        %get3A_657 = arith.index_cast %add3A_654 : i32 to index
        %get3A_658 = arith.constant 0 : index
        %get3A_659 = tpu.vector_load %arg8[%get3A_656, %get3A_657, %get3A_658] {strides = array<i32>} : memref<2x360x128xf32, #tpu.memory_space<vmem>>, vector<1x1x16xf32>,
        %get3A_660 = vector.shape_cast %get3A_659 : vector<1x1x16xf32> to vector<16xf32>
        %add3A_661 = arith.addf %get3A_652, %get3A_660 : vector<16xf32>
        %add3A_662 = arith.constant 2 : i32
        %add3A_663 = arith.addi %add3A_646, %add3A_662 : i32
        %get3A_664 = arith.constant 1 : i32
        %get3A_665 = arith.index_cast %get3A_664 : i32 to index
        %get3A_666 = arith.index_cast %add3A_663 : i32 to index
        %get3A_667 = arith.constant 0 : index
        %get3A_668 = tpu.vector_load %arg8[%get3A_665, %get3A_666, %get3A_667] {strides = array<i32>} : memref<2x360x128xf32, #tpu.memory_space<vmem>>, vector<1x1x16xf32>,
        %get3A_669 = vector.shape_cast %get3A_668 : vector<1x1x16xf32> to vector<16xf32>
        %add3A_670 = arith.addf %add3A_661, %get3A_669 : vector<16xf32>
        %sub3A_671 = arith.subf %get3A_607, %add3A_670 : vector<16xf32>
        %swap3A_672 = arith.constant 1 : i32
        %swap3A_673 = arith.index_cast %swap3A_672 : i32 to index
        %swap3A_674 = arith.index_cast %scan3A_586 : i32 to index
        %swap3A_675 = arith.constant 0 : index
        %swap3A_676 = tpu.vector_load %arg10[%swap3A_673, %swap3A_674, %swap3A_675] {strides = array<i32>} : memref<3x40x128xf32, #tpu.memory_space<vmem>>, vector<1x1x16xf32>,
        %swap3A_677 = vector.shape_cast %swap3A_676 : vector<1x1x16xf32> to vector<16xf32>
        %swap3A_678 = vector.shape_cast %sub3A_671 : vector<16xf32> to vector<1x1x16xf32>
        tpu.vector_store %arg10[%swap3A_673, %swap3A_674, %swap3A_675], %swap3A_678 {strides = array<i32>} : memref<3x40x128xf32, #tpu.memory_space<vmem>>, vector<1x1x16xf32>,
        %add3A_679 = arith.addf %add3A_642, %sub3A_671 : vector<16xf32>
        %mul3A_680 = arith.mulf %sub3A_671, %sub3A_671 : vector<16xf32>
        %add3A_681 = arith.addf %add3A_644, %mul3A_680 : vector<16xf32>
        %add3A_682 = arith.constant 6 : i32
        %add3A_683 = arith.addi %mul3A_604, %add3A_682 : i32
        %get3A_684 = arith.constant 1 : i32
        %get3A_685 = arith.index_cast %get3A_684 : i32 to index
        %get3A_686 = arith.index_cast %add3A_683 : i32 to index
        %get3A_687 = arith.constant 0 : index
        %get3A_688 = tpu.vector_load %arg8[%get3A_685, %get3A_686, %get3A_687] {strides = array<i32>} : memref<2x360x128xf32, #tpu.memory_space<vmem>>, vector<1x1x16xf32>,
        %get3A_689 = vector.shape_cast %get3A_688 : vector<1x1x16xf32> to vector<16xf32>
        %add3A_690 = arith.constant 1 : i32
        %add3A_691 = arith.addi %add3A_683, %add3A_690 : i32
        %get3A_692 = arith.constant 1 : i32
        %get3A_693 = arith.index_cast %get3A_692 : i32 to index
        %get3A_694 = arith.index_cast %add3A_691 : i32 to index
        %get3A_695 = arith.constant 0 : index
        %get3A_696 = tpu.vector_load %arg8[%get3A_693, %get3A_694, %get3A_695] {strides = array<i32>} : memref<2x360x128xf32, #tpu.memory_space<vmem>>, vector<1x1x16xf32>,
        %get3A_697 = vector.shape_cast %get3A_696 : vector<1x1x16xf32> to vector<16xf32>
        %add3A_698 = arith.addf %get3A_689, %get3A_697 : vector<16xf32>
        %add3A_699 = arith.constant 2 : i32
        %add3A_700 = arith.addi %add3A_683, %add3A_699 : i32
        %get3A_701 = arith.constant 1 : i32
        %get3A_702 = arith.index_cast %get3A_701 : i32 to index
        %get3A_703 = arith.index_cast %add3A_700 : i32 to index
        %get3A_704 = arith.constant 0 : index
        %get3A_705 = tpu.vector_load %arg8[%get3A_702, %get3A_703, %get3A_704] {strides = array<i32>} : memref<2x360x128xf32, #tpu.memory_space<vmem>>, vector<1x1x16xf32>,
        %get3A_706 = vector.shape_cast %get3A_705 : vector<1x1x16xf32> to vector<16xf32>
        %add3A_707 = arith.addf %add3A_698, %get3A_706 : vector<16xf32>
        %sub3A_708 = arith.subf %get3A_607, %add3A_707 : vector<16xf32>
        %swap3A_709 = arith.constant 2 : i32
        %swap3A_710 = arith.index_cast %swap3A_709 : i32 to index
        %swap3A_711 = arith.index_cast %scan3A_586 : i32 to index
        %swap3A_712 = arith.constant 0 : index
        %swap3A_713 = tpu.vector_load %arg10[%swap3A_710, %swap3A_711, %swap3A_712] {strides = array<i32>} : memref<3x40x128xf32, #tpu.memory_space<vmem>>, vector<1x1x16xf32>,
        %swap3A_714 = vector.shape_cast %swap3A_713 : vector<1x1x16xf32> to vector<16xf32>
        %swap3A_715 = vector.shape_cast %sub3A_708 : vector<16xf32> to vector<1x1x16xf32>
        tpu.vector_store %arg10[%swap3A_710, %swap3A_711, %swap3A_712], %swap3A_715 {strides = array<i32>} : memref<3x40x128xf32, #tpu.memory_space<vmem>>, vector<1x1x16xf32>,
        %add3A_716 = arith.addf %add3A_679, %sub3A_708 : vector<16xf32>
        %mul3A_717 = arith.mulf %sub3A_708, %sub3A_708 : vector<16xf32>
        %add3A_718 = arith.addf %add3A_681, %mul3A_717 : vector<16xf32>
        %get3A_719 = arith.index_cast %scan3A_586 : i32 to index
        %get3A_720 = arith.constant 16 : index
        %get3A_721 = tpu.vector_load %arg9[%get3A_719, %get3A_720] {strides = array<i32>} : memref<40x128xf32, #tpu.memory_space<vmem>>, vector<1x16xf32>,
        %get3A_722 = vector.shape_cast %get3A_721 : vector<1x16xf32> to vector<16xf32>
        %add3A_723 = arith.constant 0 : i32
        %add3A_724 = arith.addi %mul3A_604, %add3A_723 : i32
        %get3A_725 = arith.constant 1 : i32
        %get3A_726 = arith.index_cast %get3A_725 : i32 to index
        %get3A_727 = arith.index_cast %add3A_724 : i32 to index
        %get3A_728 = arith.constant 16 : index
        %get3A_729 = tpu.vector_load %arg8[%get3A_726, %get3A_727, %get3A_728] {strides = array<i32>} : memref<2x360x128xf32, #tpu.memory_space<vmem>>, vector<1x1x16xf32>,
        %get3A_730 = vector.shape_cast %get3A_729 : vector<1x1x16xf32> to vector<16xf32>
        %add3A_731 = arith.constant 1 : i32
        %add3A_732 = arith.addi %add3A_724, %add3A_731 : i32
        %get3A_733 = arith.constant 1 : i32
        %get3A_734 = arith.index_cast %get3A_733 : i32 to index
        %get3A_735 = arith.index_cast %add3A_732 : i32 to index
        %get3A_736 = arith.constant 16 : index
        %get3A_737 = tpu.vector_load %arg8[%get3A_734, %get3A_735, %get3A_736] {strides = array<i32>} : memref<2x360x128xf32, #tpu.memory_space<vmem>>, vector<1x1x16xf32>,
        %get3A_738 = vector.shape_cast %get3A_737 : vector<1x1x16xf32> to vector<16xf32>
        %add3A_739 = arith.addf %get3A_730, %get3A_738 : vector<16xf32>
        %add3A_740 = arith.constant 2 : i32
        %add3A_741 = arith.addi %add3A_724, %add3A_740 : i32
        %get3A_742 = arith.constant 1 : i32
        %get3A_743 = arith.index_cast %get3A_742 : i32 to index
        %get3A_744 = arith.index_cast %add3A_741 : i32 to index
        %get3A_745 = arith.constant 16 : index
        %get3A_746 = tpu.vector_load %arg8[%get3A_743, %get3A_744, %get3A_745] {strides = array<i32>} : memref<2x360x128xf32, #tpu.memory_space<vmem>>, vector<1x1x16xf32>,
        %get3A_747 = vector.shape_cast %get3A_746 : vector<1x1x16xf32> to vector<16xf32>
        %add3A_748 = arith.addf %add3A_739, %get3A_747 : vector<16xf32>
        %sub3A_749 = arith.subf %get3A_722, %add3A_748 : vector<16xf32>
        %swap3A_750 = arith.constant 0 : i32
        %swap3A_751 = arith.index_cast %swap3A_750 : i32 to index
        %swap3A_752 = arith.index_cast %scan3A_586 : i32 to index
        %swap3A_753 = arith.constant 16 : index
        %swap3A_754 = tpu.vector_load %arg10[%swap3A_751, %swap3A_752, %swap3A_753] {strides = array<i32>} : memref<3x40x128xf32, #tpu.memory_space<vmem>>, vector<1x1x16xf32>,
        %swap3A_755 = vector.shape_cast %swap3A_754 : vector<1x1x16xf32> to vector<16xf32>
        %swap3A_756 = vector.shape_cast %sub3A_749 : vector<16xf32> to vector<1x1x16xf32>
        tpu.vector_store %arg10[%swap3A_751, %swap3A_752, %swap3A_753], %swap3A_756 {strides = array<i32>} : memref<3x40x128xf32, #tpu.memory_space<vmem>>, vector<1x1x16xf32>,
        %add3A_757 = arith.addf %scan3A_588, %sub3A_749 : vector<16xf32>
        %mul3A_758 = arith.mulf %sub3A_749, %sub3A_749 : vector<16xf32>
        %add3A_759 = arith.addf %scan3A_596, %mul3A_758 : vector<16xf32>
        %add3A_760 = arith.constant 3 : i32
        %add3A_761 = arith.addi %mul3A_604, %add3A_760 : i32
        %get3A_762 = arith.constant 1 : i32
        %get3A_763 = arith.index_cast %get3A_762 : i32 to index
        %get3A_764 = arith.index_cast %add3A_761 : i32 to index
        %get3A_765 = arith.constant 16 : index
        %get3A_766 = tpu.vector_load %arg8[%get3A_763, %get3A_764, %get3A_765] {strides = array<i32>} : memref<2x360x128xf32, #tpu.memory_space<vmem>>, vector<1x1x16xf32>,
        %get3A_767 = vector.shape_cast %get3A_766 : vector<1x1x16xf32> to vector<16xf32>
        %add3A_768 = arith.constant 1 : i32
        %add3A_769 = arith.addi %add3A_761, %add3A_768 : i32
        %get3A_770 = arith.constant 1 : i32
        %get3A_771 = arith.index_cast %get3A_770 : i32 to index
        %get3A_772 = arith.index_cast %add3A_769 : i32 to index
        %get3A_773 = arith.constant 16 : index
        %get3A_774 = tpu.vector_load %arg8[%get3A_771, %get3A_772, %get3A_773] {strides = array<i32>} : memref<2x360x128xf32, #tpu.memory_space<vmem>>, vector<1x1x16xf32>,
        %get3A_775 = vector.shape_cast %get3A_774 : vector<1x1x16xf32> to vector<16xf32>
        %add3A_776 = arith.addf %get3A_767, %get3A_775 : vector<16xf32>
        %add3A_777 = arith.constant 2 : i32
        %add3A_778 = arith.addi %add3A_761, %add3A_777 : i32
        %get3A_779 = arith.constant 1 : i32
        %get3A_780 = arith.index_cast %get3A_779 : i32 to index
        %get3A_781 = arith.index_cast %add3A_778 : i32 to index
        %get3A_782 = arith.constant 16 : index
        %get3A_783 = tpu.vector_load %arg8[%get3A_780, %get3A_781, %get3A_782] {strides = array<i32>} : memref<2x360x128xf32, #tpu.memory_space<vmem>>, vector<1x1x16xf32>,
        %get3A_784 = vector.shape_cast %get3A_783 : vector<1x1x16xf32> to vector<16xf32>
        %add3A_785 = arith.addf %add3A_776, %get3A_784 : vector<16xf32>
        %sub3A_786 = arith.subf %get3A_722, %add3A_785 : vector<16xf32>
        %swap3A_787 = arith.constant 1 : i32
        %swap3A_788 = arith.index_cast %swap3A_787 : i32 to index
        %swap3A_789 = arith.index_cast %scan3A_586 : i32 to index
        %swap3A_790 = arith.constant 16 : index
        %swap3A_791 = tpu.vector_load %arg10[%swap3A_788, %swap3A_789, %swap3A_790] {strides = array<i32>} : memref<3x40x128xf32, #tpu.memory_space<vmem>>, vector<1x1x16xf32>,
        %swap3A_792 = vector.shape_cast %swap3A_791 : vector<1x1x16xf32> to vector<16xf32>
        %swap3A_793 = vector.shape_cast %sub3A_786 : vector<16xf32> to vector<1x1x16xf32>
        tpu.vector_store %arg10[%swap3A_788, %swap3A_789, %swap3A_790], %swap3A_793 {strides = array<i32>} : memref<3x40x128xf32, #tpu.memory_space<vmem>>, vector<1x1x16xf32>,
        %add3A_794 = arith.addf %add3A_757, %sub3A_786 : vector<16xf32>
        %mul3A_795 = arith.mulf %sub3A_786, %sub3A_786 : vector<16xf32>
        %add3A_796 = arith.addf %add3A_759, %mul3A_795 : vector<16xf32>
        %add3A_797 = arith.constant 6 : i32
        %add3A_798 = arith.addi %mul3A_604, %add3A_797 : i32
        %get3A_799 = arith.constant 1 : i32
        %get3A_800 = arith.index_cast %get3A_799 : i32 to index
        %get3A_801 = arith.index_cast %add3A_798 : i32 to index
        %get3A_802 = arith.constant 16 : index
        %get3A_803 = tpu.vector_load %arg8[%get3A_800, %get3A_801, %get3A_802] {strides = array<i32>} : memref<2x360x128xf32, #tpu.memory_space<vmem>>, vector<1x1x16xf32>,
        %get3A_804 = vector.shape_cast %get3A_803 : vector<1x1x16xf32> to vector<16xf32>
        %add3A_805 = arith.constant 1 : i32
        %add3A_806 = arith.addi %add3A_798, %add3A_805 : i32
        %get3A_807 = arith.constant 1 : i32
        %get3A_808 = arith.index_cast %get3A_807 : i32 to index
        %get3A_809 = arith.index_cast %add3A_806 : i32 to index
        %get3A_810 = arith.constant 16 : index
        %get3A_811 = tpu.vector_load %arg8[%get3A_808, %get3A_809, %get3A_810] {strides = array<i32>} : memref<2x360x128xf32, #tpu.memory_space<vmem>>, vector<1x1x16xf32>,
        %get3A_812 = vector.shape_cast %get3A_811 : vector<1x1x16xf32> to vector<16xf32>
        %add3A_813 = arith.addf %get3A_804, %get3A_812 : vector<16xf32>
        %add3A_814 = arith.constant 2 : i32
        %add3A_815 = arith.addi %add3A_798, %add3A_814 : i32
        %get3A_816 = arith.constant 1 : i32
        %get3A_817 = arith.index_cast %get3A_816 : i32 to index
        %get3A_818 = arith.index_cast %add3A_815 : i32 to index
        %get3A_819 = arith.constant 16 : index
        %get3A_820 = tpu.vector_load %arg8[%get3A_817, %get3A_818, %get3A_819] {strides = array<i32>} : memref<2x360x128xf32, #tpu.memory_space<vmem>>, vector<1x1x16xf32>,
        %get3A_821 = vector.shape_cast %get3A_820 : vector<1x1x16xf32> to vector<16xf32>
        %add3A_822 = arith.addf %add3A_813, %get3A_821 : vector<16xf32>
        %sub3A_823 = arith.subf %get3A_722, %add3A_822 : vector<16xf32>
        %swap3A_824 = arith.constant 2 : i32
        %swap3A_825 = arith.index_cast %swap3A_824 : i32 to index
        %swap3A_826 = arith.index_cast %scan3A_586 : i32 to index
        %swap3A_827 = arith.constant 16 : index
        %swap3A_828 = tpu.vector_load %arg10[%swap3A_825, %swap3A_826, %swap3A_827] {strides = array<i32>} : memref<3x40x128xf32, #tpu.memory_space<vmem>>, vector<1x1x16xf32>,
        %swap3A_829 = vector.shape_cast %swap3A_828 : vector<1x1x16xf32> to vector<16xf32>
        %swap3A_830 = vector.shape_cast %sub3A_823 : vector<16xf32> to vector<1x1x16xf32>
        tpu.vector_store %arg10[%swap3A_825, %swap3A_826, %swap3A_827], %swap3A_830 {strides = array<i32>} : memref<3x40x128xf32, #tpu.memory_space<vmem>>, vector<1x1x16xf32>,
        %add3A_831 = arith.addf %add3A_794, %sub3A_823 : vector<16xf32>
        %mul3A_832 = arith.mulf %sub3A_823, %sub3A_823 : vector<16xf32>
        %add3A_833 = arith.addf %add3A_796, %mul3A_832 : vector<16xf32>
        %get3A_834 = arith.index_cast %scan3A_586 : i32 to index
        %get3A_835 = arith.constant 32 : index
        %get3A_836 = tpu.vector_load %arg9[%get3A_834, %get3A_835] {strides = array<i32>} : memref<40x128xf32, #tpu.memory_space<vmem>>, vector<1x16xf32>,
        %get3A_837 = vector.shape_cast %get3A_836 : vector<1x16xf32> to vector<16xf32>
        %add3A_838 = arith.constant 0 : i32
        %add3A_839 = arith.addi %mul3A_604, %add3A_838 : i32
        %get3A_840 = arith.constant 1 : i32
        %get3A_841 = arith.index_cast %get3A_840 : i32 to index
        %get3A_842 = arith.index_cast %add3A_839 : i32 to index
        %get3A_843 = arith.constant 32 : index
        %get3A_844 = tpu.vector_load %arg8[%get3A_841, %get3A_842, %get3A_843] {strides = array<i32>} : memref<2x360x128xf32, #tpu.memory_space<vmem>>, vector<1x1x16xf32>,
        %get3A_845 = vector.shape_cast %get3A_844 : vector<1x1x16xf32> to vector<16xf32>
        %add3A_846 = arith.constant 1 : i32
        %add3A_847 = arith.addi %add3A_839, %add3A_846 : i32
        %get3A_848 = arith.constant 1 : i32
        %get3A_849 = arith.index_cast %get3A_848 : i32 to index
        %get3A_850 = arith.index_cast %add3A_847 : i32 to index
        %get3A_851 = arith.constant 32 : index
        %get3A_852 = tpu.vector_load %arg8[%get3A_849, %get3A_850, %get3A_851] {strides = array<i32>} : memref<2x360x128xf32, #tpu.memory_space<vmem>>, vector<1x1x16xf32>,
        %get3A_853 = vector.shape_cast %get3A_852 : vector<1x1x16xf32> to vector<16xf32>
        %add3A_854 = arith.addf %get3A_845, %get3A_853 : vector<16xf32>
        %add3A_855 = arith.constant 2 : i32
        %add3A_856 = arith.addi %add3A_839, %add3A_855 : i32
        %get3A_857 = arith.constant 1 : i32
        %get3A_858 = arith.index_cast %get3A_857 : i32 to index
        %get3A_859 = arith.index_cast %add3A_856 : i32 to index
        %get3A_860 = arith.constant 32 : index
        %get3A_861 = tpu.vector_load %arg8[%get3A_858, %get3A_859, %get3A_860] {strides = array<i32>} : memref<2x360x128xf32, #tpu.memory_space<vmem>>, vector<1x1x16xf32>,
        %get3A_862 = vector.shape_cast %get3A_861 : vector<1x1x16xf32> to vector<16xf32>
        %add3A_863 = arith.addf %add3A_854, %get3A_862 : vector<16xf32>
        %sub3A_864 = arith.subf %get3A_837, %add3A_863 : vector<16xf32>
        %swap3A_865 = arith.constant 0 : i32
        %swap3A_866 = arith.index_cast %swap3A_865 : i32 to index
        %swap3A_867 = arith.index_cast %scan3A_586 : i32 to index
        %swap3A_868 = arith.constant 32 : index
        %swap3A_869 = tpu.vector_load %arg10[%swap3A_866, %swap3A_867, %swap3A_868] {strides = array<i32>} : memref<3x40x128xf32, #tpu.memory_space<vmem>>, vector<1x1x16xf32>,
        %swap3A_870 = vector.shape_cast %swap3A_869 : vector<1x1x16xf32> to vector<16xf32>
        %swap3A_871 = vector.shape_cast %sub3A_864 : vector<16xf32> to vector<1x1x16xf32>
        tpu.vector_store %arg10[%swap3A_866, %swap3A_867, %swap3A_868], %swap3A_871 {strides = array<i32>} : memref<3x40x128xf32, #tpu.memory_space<vmem>>, vector<1x1x16xf32>,
        %add3A_872 = arith.addf %scan3A_589, %sub3A_864 : vector<16xf32>
        %mul3A_873 = arith.mulf %sub3A_864, %sub3A_864 : vector<16xf32>
        %add3A_874 = arith.addf %scan3A_597, %mul3A_873 : vector<16xf32>
        %add3A_875 = arith.constant 3 : i32
        %add3A_876 = arith.addi %mul3A_604, %add3A_875 : i32
        %get3A_877 = arith.constant 1 : i32
        %get3A_878 = arith.index_cast %get3A_877 : i32 to index
        %get3A_879 = arith.index_cast %add3A_876 : i32 to index
        %get3A_880 = arith.constant 32 : index
        %get3A_881 = tpu.vector_load %arg8[%get3A_878, %get3A_879, %get3A_880] {strides = array<i32>} : memref<2x360x128xf32, #tpu.memory_space<vmem>>, vector<1x1x16xf32>,
        %get3A_882 = vector.shape_cast %get3A_881 : vector<1x1x16xf32> to vector<16xf32>
        %add3A_883 = arith.constant 1 : i32
        %add3A_884 = arith.addi %add3A_876, %add3A_883 : i32
        %get3A_885 = arith.constant 1 : i32
        %get3A_886 = arith.index_cast %get3A_885 : i32 to index
        %get3A_887 = arith.index_cast %add3A_884 : i32 to index
        %get3A_888 = arith.constant 32 : index
        %get3A_889 = tpu.vector_load %arg8[%get3A_886, %get3A_887, %get3A_888] {strides = array<i32>} : memref<2x360x128xf32, #tpu.memory_space<vmem>>, vector<1x1x16xf32>,
        %get3A_890 = vector.shape_cast %get3A_889 : vector<1x1x16xf32> to vector<16xf32>
        %add3A_891 = arith.addf %get3A_882, %get3A_890 : vector<16xf32>
        %add3A_892 = arith.constant 2 : i32
        %add3A_893 = arith.addi %add3A_876, %add3A_892 : i32
        %get3A_894 = arith.constant 1 : i32
        %get3A_895 = arith.index_cast %get3A_894 : i32 to index
        %get3A_896 = arith.index_cast %add3A_893 : i32 to index
        %get3A_897 = arith.constant 32 : index
        %get3A_898 = tpu.vector_load %arg8[%get3A_895, %get3A_896, %get3A_897] {strides = array<i32>} : memref<2x360x128xf32, #tpu.memory_space<vmem>>, vector<1x1x16xf32>,
        %get3A_899 = vector.shape_cast %get3A_898 : vector<1x1x16xf32> to vector<16xf32>
        %add3A_900 = arith.addf %add3A_891, %get3A_899 : vector<16xf32>
        %sub3A_901 = arith.subf %get3A_837, %add3A_900 : vector<16xf32>
        %swap3A_902 = arith.constant 1 : i32
        %swap3A_903 = arith.index_cast %swap3A_902 : i32 to index
        %swap3A_904 = arith.index_cast %scan3A_586 : i32 to index
        %swap3A_905 = arith.constant 32 : index
        %swap3A_906 = tpu.vector_load %arg10[%swap3A_903, %swap3A_904, %swap3A_905] {strides = array<i32>} : memref<3x40x128xf32, #tpu.memory_space<vmem>>, vector<1x1x16xf32>,
        %swap3A_907 = vector.shape_cast %swap3A_906 : vector<1x1x16xf32> to vector<16xf32>
        %swap3A_908 = vector.shape_cast %sub3A_901 : vector<16xf32> to vector<1x1x16xf32>
        tpu.vector_store %arg10[%swap3A_903, %swap3A_904, %swap3A_905], %swap3A_908 {strides = array<i32>} : memref<3x40x128xf32, #tpu.memory_space<vmem>>, vector<1x1x16xf32>,
        %add3A_909 = arith.addf %add3A_872, %sub3A_901 : vector<16xf32>
        %mul3A_910 = arith.mulf %sub3A_901, %sub3A_901 : vector<16xf32>
        %add3A_911 = arith.addf %add3A_874, %mul3A_910 : vector<16xf32>
        %add3A_912 = arith.constant 6 : i32
        %add3A_913 = arith.addi %mul3A_604, %add3A_912 : i32
        %get3A_914 = arith.constant 1 : i32
        %get3A_915 = arith.index_cast %get3A_914 : i32 to index
        %get3A_916 = arith.index_cast %add3A_913 : i32 to index
        %get3A_917 = arith.constant 32 : index
        %get3A_918 = tpu.vector_load %arg8[%get3A_915, %get3A_916, %get3A_917] {strides = array<i32>} : memref<2x360x128xf32, #tpu.memory_space<vmem>>, vector<1x1x16xf32>,
        %get3A_919 = vector.shape_cast %get3A_918 : vector<1x1x16xf32> to vector<16xf32>
        %add3A_920 = arith.constant 1 : i32
        %add3A_921 = arith.addi %add3A_913, %add3A_920 : i32
        %get3A_922 = arith.constant 1 : i32
        %get3A_923 = arith.index_cast %get3A_922 : i32 to index
        %get3A_924 = arith.index_cast %add3A_921 : i32 to index
        %get3A_925 = arith.constant 32 : index
        %get3A_926 = tpu.vector_load %arg8[%get3A_923, %get3A_924, %get3A_925] {strides = array<i32>} : memref<2x360x128xf32, #tpu.memory_space<vmem>>, vector<1x1x16xf32>,
        %get3A_927 = vector.shape_cast %get3A_926 : vector<1x1x16xf32> to vector<16xf32>
        %add3A_928 = arith.addf %get3A_919, %get3A_927 : vector<16xf32>
        %add3A_929 = arith.constant 2 : i32
        %add3A_930 = arith.addi %add3A_913, %add3A_929 : i32
        %get3A_931 = arith.constant 1 : i32
        %get3A_932 = arith.index_cast %get3A_931 : i32 to index
        %get3A_933 = arith.index_cast %add3A_930 : i32 to index
        %get3A_934 = arith.constant 32 : index
        %get3A_935 = tpu.vector_load %arg8[%get3A_932, %get3A_933, %get3A_934] {strides = array<i32>} : memref<2x360x128xf32, #tpu.memory_space<vmem>>, vector<1x1x16xf32>,
        %get3A_936 = vector.shape_cast %get3A_935 : vector<1x1x16xf32> to vector<16xf32>
        %add3A_937 = arith.addf %add3A_928, %get3A_936 : vector<16xf32>
        %sub3A_938 = arith.subf %get3A_837, %add3A_937 : vector<16xf32>
        %swap3A_939 = arith.constant 2 : i32
        %swap3A_940 = arith.index_cast %swap3A_939 : i32 to index
        %swap3A_941 = arith.index_cast %scan3A_586 : i32 to index
        %swap3A_942 = arith.constant 32 : index
        %swap3A_943 = tpu.vector_load %arg10[%swap3A_940, %swap3A_941, %swap3A_942] {strides = array<i32>} : memref<3x40x128xf32, #tpu.memory_space<vmem>>, vector<1x1x16xf32>,
        %swap3A_944 = vector.shape_cast %swap3A_943 : vector<1x1x16xf32> to vector<16xf32>
        %swap3A_945 = vector.shape_cast %sub3A_938 : vector<16xf32> to vector<1x1x16xf32>
        tpu.vector_store %arg10[%swap3A_940, %swap3A_941, %swap3A_942], %swap3A_945 {strides = array<i32>} : memref<3x40x128xf32, #tpu.memory_space<vmem>>, vector<1x1x16xf32>,
        %add3A_946 = arith.addf %add3A_909, %sub3A_938 : vector<16xf32>
        %mul3A_947 = arith.mulf %sub3A_938, %sub3A_938 : vector<16xf32>
        %add3A_948 = arith.addf %add3A_911, %mul3A_947 : vector<16xf32>
        %get3A_949 = arith.index_cast %scan3A_586 : i32 to index
        %get3A_950 = arith.constant 48 : index
        %get3A_951 = tpu.vector_load %arg9[%get3A_949, %get3A_950] {strides = array<i32>} : memref<40x128xf32, #tpu.memory_space<vmem>>, vector<1x16xf32>,
        %get3A_952 = vector.shape_cast %get3A_951 : vector<1x16xf32> to vector<16xf32>
        %add3A_953 = arith.constant 0 : i32
        %add3A_954 = arith.addi %mul3A_604, %add3A_953 : i32
        %get3A_955 = arith.constant 1 : i32
        %get3A_956 = arith.index_cast %get3A_955 : i32 to index
        %get3A_957 = arith.index_cast %add3A_954 : i32 to index
        %get3A_958 = arith.constant 48 : index
        %get3A_959 = tpu.vector_load %arg8[%get3A_956, %get3A_957, %get3A_958] {strides = array<i32>} : memref<2x360x128xf32, #tpu.memory_space<vmem>>, vector<1x1x16xf32>,
        %get3A_960 = vector.shape_cast %get3A_959 : vector<1x1x16xf32> to vector<16xf32>
        %add3A_961 = arith.constant 1 : i32
        %add3A_962 = arith.addi %add3A_954, %add3A_961 : i32
        %get3A_963 = arith.constant 1 : i32
        %get3A_964 = arith.index_cast %get3A_963 : i32 to index
        %get3A_965 = arith.index_cast %add3A_962 : i32 to index
        %get3A_966 = arith.constant 48 : index
        %get3A_967 = tpu.vector_load %arg8[%get3A_964, %get3A_965, %get3A_966] {strides = array<i32>} : memref<2x360x128xf32, #tpu.memory_space<vmem>>, vector<1x1x16xf32>,
        %get3A_968 = vector.shape_cast %get3A_967 : vector<1x1x16xf32> to vector<16xf32>
        %add3A_969 = arith.addf %get3A_960, %get3A_968 : vector<16xf32>
        %add3A_970 = arith.constant 2 : i32
        %add3A_971 = arith.addi %add3A_954, %add3A_970 : i32
        %get3A_972 = arith.constant 1 : i32
        %get3A_973 = arith.index_cast %get3A_972 : i32 to index
        %get3A_974 = arith.index_cast %add3A_971 : i32 to index
        %get3A_975 = arith.constant 48 : index
        %get3A_976 = tpu.vector_load %arg8[%get3A_973, %get3A_974, %get3A_975] {strides = array<i32>} : memref<2x360x128xf32, #tpu.memory_space<vmem>>, vector<1x1x16xf32>,
        %get3A_977 = vector.shape_cast %get3A_976 : vector<1x1x16xf32> to vector<16xf32>
        %add3A_978 = arith.addf %add3A_969, %get3A_977 : vector<16xf32>
        %sub3A_979 = arith.subf %get3A_952, %add3A_978 : vector<16xf32>
        %swap3A_980 = arith.constant 0 : i32
        %swap3A_981 = arith.index_cast %swap3A_980 : i32 to index
        %swap3A_982 = arith.index_cast %scan3A_586 : i32 to index
        %swap3A_983 = arith.constant 48 : index
        %swap3A_984 = tpu.vector_load %arg10[%swap3A_981, %swap3A_982, %swap3A_983] {strides = array<i32>} : memref<3x40x128xf32, #tpu.memory_space<vmem>>, vector<1x1x16xf32>,
        %swap3A_985 = vector.shape_cast %swap3A_984 : vector<1x1x16xf32> to vector<16xf32>
        %swap3A_986 = vector.shape_cast %sub3A_979 : vector<16xf32> to vector<1x1x16xf32>
        tpu.vector_store %arg10[%swap3A_981, %swap3A_982, %swap3A_983], %swap3A_986 {strides = array<i32>} : memref<3x40x128xf32, #tpu.memory_space<vmem>>, vector<1x1x16xf32>,
        %add3A_987 = arith.addf %scan3A_590, %sub3A_979 : vector<16xf32>
        %mul3A_988 = arith.mulf %sub3A_979, %sub3A_979 : vector<16xf32>
        %add3A_989 = arith.addf %scan3A_598, %mul3A_988 : vector<16xf32>
        %add3A_990 = arith.constant 3 : i32
        %add3A_991 = arith.addi %mul3A_604, %add3A_990 : i32
        %get3A_992 = arith.constant 1 : i32
        %get3A_993 = arith.index_cast %get3A_992 : i32 to index
        %get3A_994 = arith.index_cast %add3A_991 : i32 to index
        %get3A_995 = arith.constant 48 : index
        %get3A_996 = tpu.vector_load %arg8[%get3A_993, %get3A_994, %get3A_995] {strides = array<i32>} : memref<2x360x128xf32, #tpu.memory_space<vmem>>, vector<1x1x16xf32>,
        %get3A_997 = vector.shape_cast %get3A_996 : vector<1x1x16xf32> to vector<16xf32>
        %add3A_998 = arith.constant 1 : i32
        %add3A_999 = arith.addi %add3A_991, %add3A_998 : i32
        %get3A_1000 = arith.constant 1 : i32
        %get3A_1001 = arith.index_cast %get3A_1000 : i32 to index
        %get3A_1002 = arith.index_cast %add3A_999 : i32 to index
        %get3A_1003 = arith.constant 48 : index
        %get3A_1004 = tpu.vector_load %arg8[%get3A_1001, %get3A_1002, %get3A_1003] {strides = array<i32>} : memref<2x360x128xf32, #tpu.memory_space<vmem>>, vector<1x1x16xf32>,
        %get3A_1005 = vector.shape_cast %get3A_1004 : vector<1x1x16xf32> to vector<16xf32>
        %add3A_1006 = arith.addf %get3A_997, %get3A_1005 : vector<16xf32>
        %add3A_1007 = arith.constant 2 : i32
        %add3A_1008 = arith.addi %add3A_991, %add3A_1007 : i32
        %get3A_1009 = arith.constant 1 : i32
        %get3A_1010 = arith.index_cast %get3A_1009 : i32 to index
        %get3A_1011 = arith.index_cast %add3A_1008 : i32 to index
        %get3A_1012 = arith.constant 48 : index
        %get3A_1013 = tpu.vector_load %arg8[%get3A_1010, %get3A_1011, %get3A_1012] {strides = array<i32>} : memref<2x360x128xf32, #tpu.memory_space<vmem>>, vector<1x1x16xf32>,
        %get3A_1014 = vector.shape_cast %get3A_1013 : vector<1x1x16xf32> to vector<16xf32>
        %add3A_1015 = arith.addf %add3A_1006, %get3A_1014 : vector<16xf32>
        %sub3A_1016 = arith.subf %get3A_952, %add3A_1015 : vector<16xf32>
        %swap3A_1017 = arith.constant 1 : i32
        %swap3A_1018 = arith.index_cast %swap3A_1017 : i32 to index
        %swap3A_1019 = arith.index_cast %scan3A_586 : i32 to index
        %swap3A_1020 = arith.constant 48 : index
        %swap3A_1021 = tpu.vector_load %arg10[%swap3A_1018, %swap3A_1019, %swap3A_1020] {strides = array<i32>} : memref<3x40x128xf32, #tpu.memory_space<vmem>>, vector<1x1x16xf32>,
        %swap3A_1022 = vector.shape_cast %swap3A_1021 : vector<1x1x16xf32> to vector<16xf32>
        %swap3A_1023 = vector.shape_cast %sub3A_1016 : vector<16xf32> to vector<1x1x16xf32>
        tpu.vector_store %arg10[%swap3A_1018, %swap3A_1019, %swap3A_1020], %swap3A_1023 {strides = array<i32>} : memref<3x40x128xf32, #tpu.memory_space<vmem>>, vector<1x1x16xf32>,
        %add3A_1024 = arith.addf %add3A_987, %sub3A_1016 : vector<16xf32>
        %mul3A_1025 = arith.mulf %sub3A_1016, %sub3A_1016 : vector<16xf32>
        %add3A_1026 = arith.addf %add3A_989, %mul3A_1025 : vector<16xf32>
        %add3A_1027 = arith.constant 6 : i32
        %add3A_1028 = arith.addi %mul3A_604, %add3A_1027 : i32
        %get3A_1029 = arith.constant 1 : i32
        %get3A_1030 = arith.index_cast %get3A_1029 : i32 to index
        %get3A_1031 = arith.index_cast %add3A_1028 : i32 to index
        %get3A_1032 = arith.constant 48 : index
        %get3A_1033 = tpu.vector_load %arg8[%get3A_1030, %get3A_1031, %get3A_1032] {strides = array<i32>} : memref<2x360x128xf32, #tpu.memory_space<vmem>>, vector<1x1x16xf32>,
        %get3A_1034 = vector.shape_cast %get3A_1033 : vector<1x1x16xf32> to vector<16xf32>
        %add3A_1035 = arith.constant 1 : i32
        %add3A_1036 = arith.addi %add3A_1028, %add3A_1035 : i32
        %get3A_1037 = arith.constant 1 : i32
        %get3A_1038 = arith.index_cast %get3A_1037 : i32 to index
        %get3A_1039 = arith.index_cast %add3A_1036 : i32 to index
        %get3A_1040 = arith.constant 48 : index
        %get3A_1041 = tpu.vector_load %arg8[%get3A_1038, %get3A_1039, %get3A_1040] {strides = array<i32>} : memref<2x360x128xf32, #tpu.memory_space<vmem>>, vector<1x1x16xf32>,
        %get3A_1042 = vector.shape_cast %get3A_1041 : vector<1x1x16xf32> to vector<16xf32>
        %add3A_1043 = arith.addf %get3A_1034, %get3A_1042 : vector<16xf32>
        %add3A_1044 = arith.constant 2 : i32
        %add3A_1045 = arith.addi %add3A_1028, %add3A_1044 : i32
        %get3A_1046 = arith.constant 1 : i32
        %get3A_1047 = arith.index_cast %get3A_1046 : i32 to index
        %get3A_1048 = arith.index_cast %add3A_1045 : i32 to index
        %get3A_1049 = arith.constant 48 : index
        %get3A_1050 = tpu.vector_load %arg8[%get3A_1047, %get3A_1048, %get3A_1049] {strides = array<i32>} : memref<2x360x128xf32, #tpu.memory_space<vmem>>, vector<1x1x16xf32>,
        %get3A_1051 = vector.shape_cast %get3A_1050 : vector<1x1x16xf32> to vector<16xf32>
        %add3A_1052 = arith.addf %add3A_1043, %get3A_1051 : vector<16xf32>
        %sub3A_1053 = arith.subf %get3A_952, %add3A_1052 : vector<16xf32>
        %swap3A_1054 = arith.constant 2 : i32
        %swap3A_1055 = arith.index_cast %swap3A_1054 : i32 to index
        %swap3A_1056 = arith.index_cast %scan3A_586 : i32 to index
        %swap3A_1057 = arith.constant 48 : index
        %swap3A_1058 = tpu.vector_load %arg10[%swap3A_1055, %swap3A_1056, %swap3A_1057] {strides = array<i32>} : memref<3x40x128xf32, #tpu.memory_space<vmem>>, vector<1x1x16xf32>,
        %swap3A_1059 = vector.shape_cast %swap3A_1058 : vector<1x1x16xf32> to vector<16xf32>
        %swap3A_1060 = vector.shape_cast %sub3A_1053 : vector<16xf32> to vector<1x1x16xf32>
        tpu.vector_store %arg10[%swap3A_1055, %swap3A_1056, %swap3A_1057], %swap3A_1060 {strides = array<i32>} : memref<3x40x128xf32, #tpu.memory_space<vmem>>, vector<1x1x16xf32>,
        %add3A_1061 = arith.addf %add3A_1024, %sub3A_1053 : vector<16xf32>
        %mul3A_1062 = arith.mulf %sub3A_1053, %sub3A_1053 : vector<16xf32>
        %add3A_1063 = arith.addf %add3A_1026, %mul3A_1062 : vector<16xf32>
        %get3A_1064 = arith.index_cast %scan3A_586 : i32 to index
        %get3A_1065 = arith.constant 64 : index
        %get3A_1066 = tpu.vector_load %arg9[%get3A_1064, %get3A_1065] {strides = array<i32>} : memref<40x128xf32, #tpu.memory_space<vmem>>, vector<1x16xf32>,
        %get3A_1067 = vector.shape_cast %get3A_1066 : vector<1x16xf32> to vector<16xf32>
        %add3A_1068 = arith.constant 0 : i32
        %add3A_1069 = arith.addi %mul3A_604, %add3A_1068 : i32
        %get3A_1070 = arith.constant 1 : i32
        %get3A_1071 = arith.index_cast %get3A_1070 : i32 to index
        %get3A_1072 = arith.index_cast %add3A_1069 : i32 to index
        %get3A_1073 = arith.constant 64 : index
        %get3A_1074 = tpu.vector_load %arg8[%get3A_1071, %get3A_1072, %get3A_1073] {strides = array<i32>} : memref<2x360x128xf32, #tpu.memory_space<vmem>>, vector<1x1x16xf32>,
        %get3A_1075 = vector.shape_cast %get3A_1074 : vector<1x1x16xf32> to vector<16xf32>
        %add3A_1076 = arith.constant 1 : i32
        %add3A_1077 = arith.addi %add3A_1069, %add3A_1076 : i32
        %get3A_1078 = arith.constant 1 : i32
        %get3A_1079 = arith.index_cast %get3A_1078 : i32 to index
        %get3A_1080 = arith.index_cast %add3A_1077 : i32 to index
        %get3A_1081 = arith.constant 64 : index
        %get3A_1082 = tpu.vector_load %arg8[%get3A_1079, %get3A_1080, %get3A_1081] {strides = array<i32>} : memref<2x360x128xf32, #tpu.memory_space<vmem>>, vector<1x1x16xf32>,
        %get3A_1083 = vector.shape_cast %get3A_1082 : vector<1x1x16xf32> to vector<16xf32>
        %add3A_1084 = arith.addf %get3A_1075, %get3A_1083 : vector<16xf32>
        %add3A_1085 = arith.constant 2 : i32
        %add3A_1086 = arith.addi %add3A_1069, %add3A_1085 : i32
        %get3A_1087 = arith.constant 1 : i32
        %get3A_1088 = arith.index_cast %get3A_1087 : i32 to index
        %get3A_1089 = arith.index_cast %add3A_1086 : i32 to index
        %get3A_1090 = arith.constant 64 : index
        %get3A_1091 = tpu.vector_load %arg8[%get3A_1088, %get3A_1089, %get3A_1090] {strides = array<i32>} : memref<2x360x128xf32, #tpu.memory_space<vmem>>, vector<1x1x16xf32>,
        %get3A_1092 = vector.shape_cast %get3A_1091 : vector<1x1x16xf32> to vector<16xf32>
        %add3A_1093 = arith.addf %add3A_1084, %get3A_1092 : vector<16xf32>
        %sub3A_1094 = arith.subf %get3A_1067, %add3A_1093 : vector<16xf32>
        %swap3A_1095 = arith.constant 0 : i32
        %swap3A_1096 = arith.index_cast %swap3A_1095 : i32 to index
        %swap3A_1097 = arith.index_cast %scan3A_586 : i32 to index
        %swap3A_1098 = arith.constant 64 : index
        %swap3A_1099 = tpu.vector_load %arg10[%swap3A_1096, %swap3A_1097, %swap3A_1098] {strides = array<i32>} : memref<3x40x128xf32, #tpu.memory_space<vmem>>, vector<1x1x16xf32>,
        %swap3A_1100 = vector.shape_cast %swap3A_1099 : vector<1x1x16xf32> to vector<16xf32>
        %swap3A_1101 = vector.shape_cast %sub3A_1094 : vector<16xf32> to vector<1x1x16xf32>
        tpu.vector_store %arg10[%swap3A_1096, %swap3A_1097, %swap3A_1098], %swap3A_1101 {strides = array<i32>} : memref<3x40x128xf32, #tpu.memory_space<vmem>>, vector<1x1x16xf32>,
        %add3A_1102 = arith.addf %scan3A_591, %sub3A_1094 : vector<16xf32>
        %mul3A_1103 = arith.mulf %sub3A_1094, %sub3A_1094 : vector<16xf32>
        %add3A_1104 = arith.addf %scan3A_599, %mul3A_1103 : vector<16xf32>
        %add3A_1105 = arith.constant 3 : i32
        %add3A_1106 = arith.addi %mul3A_604, %add3A_1105 : i32
        %get3A_1107 = arith.constant 1 : i32
        %get3A_1108 = arith.index_cast %get3A_1107 : i32 to index
        %get3A_1109 = arith.index_cast %add3A_1106 : i32 to index
        %get3A_1110 = arith.constant 64 : index
        %get3A_1111 = tpu.vector_load %arg8[%get3A_1108, %get3A_1109, %get3A_1110] {strides = array<i32>} : memref<2x360x128xf32, #tpu.memory_space<vmem>>, vector<1x1x16xf32>,
        %get3A_1112 = vector.shape_cast %get3A_1111 : vector<1x1x16xf32> to vector<16xf32>
        %add3A_1113 = arith.constant 1 : i32
        %add3A_1114 = arith.addi %add3A_1106, %add3A_1113 : i32
        %get3A_1115 = arith.constant 1 : i32
        %get3A_1116 = arith.index_cast %get3A_1115 : i32 to index
        %get3A_1117 = arith.index_cast %add3A_1114 : i32 to index
        %get3A_1118 = arith.constant 64 : index
        %get3A_1119 = tpu.vector_load %arg8[%get3A_1116, %get3A_1117, %get3A_1118] {strides = array<i32>} : memref<2x360x128xf32, #tpu.memory_space<vmem>>, vector<1x1x16xf32>,
        %get3A_1120 = vector.shape_cast %get3A_1119 : vector<1x1x16xf32> to vector<16xf32>
        %add3A_1121 = arith.addf %get3A_1112, %get3A_1120 : vector<16xf32>
        %add3A_1122 = arith.constant 2 : i32
        %add3A_1123 = arith.addi %add3A_1106, %add3A_1122 : i32
        %get3A_1124 = arith.constant 1 : i32
        %get3A_1125 = arith.index_cast %get3A_1124 : i32 to index
        %get3A_1126 = arith.index_cast %add3A_1123 : i32 to index
        %get3A_1127 = arith.constant 64 : index
        %get3A_1128 = tpu.vector_load %arg8[%get3A_1125, %get3A_1126, %get3A_1127] {strides = array<i32>} : memref<2x360x128xf32, #tpu.memory_space<vmem>>, vector<1x1x16xf32>,
        %get3A_1129 = vector.shape_cast %get3A_1128 : vector<1x1x16xf32> to vector<16xf32>
        %add3A_1130 = arith.addf %add3A_1121, %get3A_1129 : vector<16xf32>
        %sub3A_1131 = arith.subf %get3A_1067, %add3A_1130 : vector<16xf32>
        %swap3A_1132 = arith.constant 1 : i32
        %swap3A_1133 = arith.index_cast %swap3A_1132 : i32 to index
        %swap3A_1134 = arith.index_cast %scan3A_586 : i32 to index
        %swap3A_1135 = arith.constant 64 : index
        %swap3A_1136 = tpu.vector_load %arg10[%swap3A_1133, %swap3A_1134, %swap3A_1135] {strides = array<i32>} : memref<3x40x128xf32, #tpu.memory_space<vmem>>, vector<1x1x16xf32>,
        %swap3A_1137 = vector.shape_cast %swap3A_1136 : vector<1x1x16xf32> to vector<16xf32>
        %swap3A_1138 = vector.shape_cast %sub3A_1131 : vector<16xf32> to vector<1x1x16xf32>
        tpu.vector_store %arg10[%swap3A_1133, %swap3A_1134, %swap3A_1135], %swap3A_1138 {strides = array<i32>} : memref<3x40x128xf32, #tpu.memory_space<vmem>>, vector<1x1x16xf32>,
        %add3A_1139 = arith.addf %add3A_1102, %sub3A_1131 : vector<16xf32>
        %mul3A_1140 = arith.mulf %sub3A_1131, %sub3A_1131 : vector<16xf32>
        %add3A_1141 = arith.addf %add3A_1104, %mul3A_1140 : vector<16xf32>
        %add3A_1142 = arith.constant 6 : i32
        %add3A_1143 = arith.addi %mul3A_604, %add3A_1142 : i32
        %get3A_1144 = arith.constant 1 : i32
        %get3A_1145 = arith.index_cast %get3A_1144 : i32 to index
        %get3A_1146 = arith.index_cast %add3A_1143 : i32 to index
        %get3A_1147 = arith.constant 64 : index
        %get3A_1148 = tpu.vector_load %arg8[%get3A_1145, %get3A_1146, %get3A_1147] {strides = array<i32>} : memref<2x360x128xf32, #tpu.memory_space<vmem>>, vector<1x1x16xf32>,
        %get3A_1149 = vector.shape_cast %get3A_1148 : vector<1x1x16xf32> to vector<16xf32>
        %add3A_1150 = arith.constant 1 : i32
        %add3A_1151 = arith.addi %add3A_1143, %add3A_1150 : i32
        %get3A_1152 = arith.constant 1 : i32
        %get3A_1153 = arith.index_cast %get3A_1152 : i32 to index
        %get3A_1154 = arith.index_cast %add3A_1151 : i32 to index
        %get3A_1155 = arith.constant 64 : index
        %get3A_1156 = tpu.vector_load %arg8[%get3A_1153, %get3A_1154, %get3A_1155] {strides = array<i32>} : memref<2x360x128xf32, #tpu.memory_space<vmem>>, vector<1x1x16xf32>,
        %get3A_1157 = vector.shape_cast %get3A_1156 : vector<1x1x16xf32> to vector<16xf32>
        %add3A_1158 = arith.addf %get3A_1149, %get3A_1157 : vector<16xf32>
        %add3A_1159 = arith.constant 2 : i32
        %add3A_1160 = arith.addi %add3A_1143, %add3A_1159 : i32
        %get3A_1161 = arith.constant 1 : i32
        %get3A_1162 = arith.index_cast %get3A_1161 : i32 to index
        %get3A_1163 = arith.index_cast %add3A_1160 : i32 to index
        %get3A_1164 = arith.constant 64 : index
        %get3A_1165 = tpu.vector_load %arg8[%get3A_1162, %get3A_1163, %get3A_1164] {strides = array<i32>} : memref<2x360x128xf32, #tpu.memory_space<vmem>>, vector<1x1x16xf32>,
        %get3A_1166 = vector.shape_cast %get3A_1165 : vector<1x1x16xf32> to vector<16xf32>
        %add3A_1167 = arith.addf %add3A_1158, %get3A_1166 : vector<16xf32>
        %sub3A_1168 = arith.subf %get3A_1067, %add3A_1167 : vector<16xf32>
        %swap3A_1169 = arith.constant 2 : i32
        %swap3A_1170 = arith.index_cast %swap3A_1169 : i32 to index
        %swap3A_1171 = arith.index_cast %scan3A_586 : i32 to index
        %swap3A_1172 = arith.constant 64 : index
        %swap3A_1173 = tpu.vector_load %arg10[%swap3A_1170, %swap3A_1171, %swap3A_1172] {strides = array<i32>} : memref<3x40x128xf32, #tpu.memory_space<vmem>>, vector<1x1x16xf32>,
        %swap3A_1174 = vector.shape_cast %swap3A_1173 : vector<1x1x16xf32> to vector<16xf32>
        %swap3A_1175 = vector.shape_cast %sub3A_1168 : vector<16xf32> to vector<1x1x16xf32>
        tpu.vector_store %arg10[%swap3A_1170, %swap3A_1171, %swap3A_1172], %swap3A_1175 {strides = array<i32>} : memref<3x40x128xf32, #tpu.memory_space<vmem>>, vector<1x1x16xf32>,
        %add3A_1176 = arith.addf %add3A_1139, %sub3A_1168 : vector<16xf32>
        %mul3A_1177 = arith.mulf %sub3A_1168, %sub3A_1168 : vector<16xf32>
        %add3A_1178 = arith.addf %add3A_1141, %mul3A_1177 : vector<16xf32>
        %get3A_1179 = arith.index_cast %scan3A_586 : i32 to index
        %get3A_1180 = arith.constant 80 : index
        %get3A_1181 = tpu.vector_load %arg9[%get3A_1179, %get3A_1180] {strides = array<i32>} : memref<40x128xf32, #tpu.memory_space<vmem>>, vector<1x16xf32>,
        %get3A_1182 = vector.shape_cast %get3A_1181 : vector<1x16xf32> to vector<16xf32>
        %add3A_1183 = arith.constant 0 : i32
        %add3A_1184 = arith.addi %mul3A_604, %add3A_1183 : i32
        %get3A_1185 = arith.constant 1 : i32
        %get3A_1186 = arith.index_cast %get3A_1185 : i32 to index
        %get3A_1187 = arith.index_cast %add3A_1184 : i32 to index
        %get3A_1188 = arith.constant 80 : index
        %get3A_1189 = tpu.vector_load %arg8[%get3A_1186, %get3A_1187, %get3A_1188] {strides = array<i32>} : memref<2x360x128xf32, #tpu.memory_space<vmem>>, vector<1x1x16xf32>,
        %get3A_1190 = vector.shape_cast %get3A_1189 : vector<1x1x16xf32> to vector<16xf32>
        %add3A_1191 = arith.constant 1 : i32
        %add3A_1192 = arith.addi %add3A_1184, %add3A_1191 : i32
        %get3A_1193 = arith.constant 1 : i32
        %get3A_1194 = arith.index_cast %get3A_1193 : i32 to index
        %get3A_1195 = arith.index_cast %add3A_1192 : i32 to index
        %get3A_1196 = arith.constant 80 : index
        %get3A_1197 = tpu.vector_load %arg8[%get3A_1194, %get3A_1195, %get3A_1196] {strides = array<i32>} : memref<2x360x128xf32, #tpu.memory_space<vmem>>, vector<1x1x16xf32>,
        %get3A_1198 = vector.shape_cast %get3A_1197 : vector<1x1x16xf32> to vector<16xf32>
        %add3A_1199 = arith.addf %get3A_1190, %get3A_1198 : vector<16xf32>
        %add3A_1200 = arith.constant 2 : i32
        %add3A_1201 = arith.addi %add3A_1184, %add3A_1200 : i32
        %get3A_1202 = arith.constant 1 : i32
        %get3A_1203 = arith.index_cast %get3A_1202 : i32 to index
        %get3A_1204 = arith.index_cast %add3A_1201 : i32 to index
        %get3A_1205 = arith.constant 80 : index
        %get3A_1206 = tpu.vector_load %arg8[%get3A_1203, %get3A_1204, %get3A_1205] {strides = array<i32>} : memref<2x360x128xf32, #tpu.memory_space<vmem>>, vector<1x1x16xf32>,
        %get3A_1207 = vector.shape_cast %get3A_1206 : vector<1x1x16xf32> to vector<16xf32>
        %add3A_1208 = arith.addf %add3A_1199, %get3A_1207 : vector<16xf32>
        %sub3A_1209 = arith.subf %get3A_1182, %add3A_1208 : vector<16xf32>
        %swap3A_1210 = arith.constant 0 : i32
        %swap3A_1211 = arith.index_cast %swap3A_1210 : i32 to index
        %swap3A_1212 = arith.index_cast %scan3A_586 : i32 to index
        %swap3A_1213 = arith.constant 80 : index
        %swap3A_1214 = tpu.vector_load %arg10[%swap3A_1211, %swap3A_1212, %swap3A_1213] {strides = array<i32>} : memref<3x40x128xf32, #tpu.memory_space<vmem>>, vector<1x1x16xf32>,
        %swap3A_1215 = vector.shape_cast %swap3A_1214 : vector<1x1x16xf32> to vector<16xf32>
        %swap3A_1216 = vector.shape_cast %sub3A_1209 : vector<16xf32> to vector<1x1x16xf32>
        tpu.vector_store %arg10[%swap3A_1211, %swap3A_1212, %swap3A_1213], %swap3A_1216 {strides = array<i32>} : memref<3x40x128xf32, #tpu.memory_space<vmem>>, vector<1x1x16xf32>,
        %add3A_1217 = arith.addf %scan3A_592, %sub3A_1209 : vector<16xf32>
        %mul3A_1218 = arith.mulf %sub3A_1209, %sub3A_1209 : vector<16xf32>
        %add3A_1219 = arith.addf %scan3A_600, %mul3A_1218 : vector<16xf32>
        %add3A_1220 = arith.constant 3 : i32
        %add3A_1221 = arith.addi %mul3A_604, %add3A_1220 : i32
        %get3A_1222 = arith.constant 1 : i32
        %get3A_1223 = arith.index_cast %get3A_1222 : i32 to index
        %get3A_1224 = arith.index_cast %add3A_1221 : i32 to index
        %get3A_1225 = arith.constant 80 : index
        %get3A_1226 = tpu.vector_load %arg8[%get3A_1223, %get3A_1224, %get3A_1225] {strides = array<i32>} : memref<2x360x128xf32, #tpu.memory_space<vmem>>, vector<1x1x16xf32>,
        %get3A_1227 = vector.shape_cast %get3A_1226 : vector<1x1x16xf32> to vector<16xf32>
        %add3A_1228 = arith.constant 1 : i32
        %add3A_1229 = arith.addi %add3A_1221, %add3A_1228 : i32
        %get3A_1230 = arith.constant 1 : i32
        %get3A_1231 = arith.index_cast %get3A_1230 : i32 to index
        %get3A_1232 = arith.index_cast %add3A_1229 : i32 to index
        %get3A_1233 = arith.constant 80 : index
        %get3A_1234 = tpu.vector_load %arg8[%get3A_1231, %get3A_1232, %get3A_1233] {strides = array<i32>} : memref<2x360x128xf32, #tpu.memory_space<vmem>>, vector<1x1x16xf32>,
        %get3A_1235 = vector.shape_cast %get3A_1234 : vector<1x1x16xf32> to vector<16xf32>
        %add3A_1236 = arith.addf %get3A_1227, %get3A_1235 : vector<16xf32>
        %add3A_1237 = arith.constant 2 : i32
        %add3A_1238 = arith.addi %add3A_1221, %add3A_1237 : i32
        %get3A_1239 = arith.constant 1 : i32
        %get3A_1240 = arith.index_cast %get3A_1239 : i32 to index
        %get3A_1241 = arith.index_cast %add3A_1238 : i32 to index
        %get3A_1242 = arith.constant 80 : index
        %get3A_1243 = tpu.vector_load %arg8[%get3A_1240, %get3A_1241, %get3A_1242] {strides = array<i32>} : memref<2x360x128xf32, #tpu.memory_space<vmem>>, vector<1x1x16xf32>,
        %get3A_1244 = vector.shape_cast %get3A_1243 : vector<1x1x16xf32> to vector<16xf32>
        %add3A_1245 = arith.addf %add3A_1236, %get3A_1244 : vector<16xf32>
        %sub3A_1246 = arith.subf %get3A_1182, %add3A_1245 : vector<16xf32>
        %swap3A_1247 = arith.constant 1 : i32
        %swap3A_1248 = arith.index_cast %swap3A_1247 : i32 to index
        %swap3A_1249 = arith.index_cast %scan3A_586 : i32 to index
        %swap3A_1250 = arith.constant 80 : index
        %swap3A_1251 = tpu.vector_load %arg10[%swap3A_1248, %swap3A_1249, %swap3A_1250] {strides = array<i32>} : memref<3x40x128xf32, #tpu.memory_space<vmem>>, vector<1x1x16xf32>,
        %swap3A_1252 = vector.shape_cast %swap3A_1251 : vector<1x1x16xf32> to vector<16xf32>
        %swap3A_1253 = vector.shape_cast %sub3A_1246 : vector<16xf32> to vector<1x1x16xf32>
        tpu.vector_store %arg10[%swap3A_1248, %swap3A_1249, %swap3A_1250], %swap3A_1253 {strides = array<i32>} : memref<3x40x128xf32, #tpu.memory_space<vmem>>, vector<1x1x16xf32>,
        %add3A_1254 = arith.addf %add3A_1217, %sub3A_1246 : vector<16xf32>
        %mul3A_1255 = arith.mulf %sub3A_1246, %sub3A_1246 : vector<16xf32>
        %add3A_1256 = arith.addf %add3A_1219, %mul3A_1255 : vector<16xf32>
        %add3A_1257 = arith.constant 6 : i32
        %add3A_1258 = arith.addi %mul3A_604, %add3A_1257 : i32
        %get3A_1259 = arith.constant 1 : i32
        %get3A_1260 = arith.index_cast %get3A_1259 : i32 to index
        %get3A_1261 = arith.index_cast %add3A_1258 : i32 to index
        %get3A_1262 = arith.constant 80 : index
        %get3A_1263 = tpu.vector_load %arg8[%get3A_1260, %get3A_1261, %get3A_1262] {strides = array<i32>} : memref<2x360x128xf32, #tpu.memory_space<vmem>>, vector<1x1x16xf32>,
        %get3A_1264 = vector.shape_cast %get3A_1263 : vector<1x1x16xf32> to vector<16xf32>
        %add3A_1265 = arith.constant 1 : i32
        %add3A_1266 = arith.addi %add3A_1258, %add3A_1265 : i32
        %get3A_1267 = arith.constant 1 : i32
        %get3A_1268 = arith.index_cast %get3A_1267 : i32 to index
        %get3A_1269 = arith.index_cast %add3A_1266 : i32 to index
        %get3A_1270 = arith.constant 80 : index
        %get3A_1271 = tpu.vector_load %arg8[%get3A_1268, %get3A_1269, %get3A_1270] {strides = array<i32>} : memref<2x360x128xf32, #tpu.memory_space<vmem>>, vector<1x1x16xf32>,
        %get3A_1272 = vector.shape_cast %get3A_1271 : vector<1x1x16xf32> to vector<16xf32>
        %add3A_1273 = arith.addf %get3A_1264, %get3A_1272 : vector<16xf32>
        %add3A_1274 = arith.constant 2 : i32
        %add3A_1275 = arith.addi %add3A_1258, %add3A_1274 : i32
        %get3A_1276 = arith.constant 1 : i32
        %get3A_1277 = arith.index_cast %get3A_1276 : i32 to index
        %get3A_1278 = arith.index_cast %add3A_1275 : i32 to index
        %get3A_1279 = arith.constant 80 : index
        %get3A_1280 = tpu.vector_load %arg8[%get3A_1277, %get3A_1278, %get3A_1279] {strides = array<i32>} : memref<2x360x128xf32, #tpu.memory_space<vmem>>, vector<1x1x16xf32>,
        %get3A_1281 = vector.shape_cast %get3A_1280 : vector<1x1x16xf32> to vector<16xf32>
        %add3A_1282 = arith.addf %add3A_1273, %get3A_1281 : vector<16xf32>
        %sub3A_1283 = arith.subf %get3A_1182, %add3A_1282 : vector<16xf32>
        %swap3A_1284 = arith.constant 2 : i32
        %swap3A_1285 = arith.index_cast %swap3A_1284 : i32 to index
        %swap3A_1286 = arith.index_cast %scan3A_586 : i32 to index
        %swap3A_1287 = arith.constant 80 : index
        %swap3A_1288 = tpu.vector_load %arg10[%swap3A_1285, %swap3A_1286, %swap3A_1287] {strides = array<i32>} : memref<3x40x128xf32, #tpu.memory_space<vmem>>, vector<1x1x16xf32>,
        %swap3A_1289 = vector.shape_cast %swap3A_1288 : vector<1x1x16xf32> to vector<16xf32>
        %swap3A_1290 = vector.shape_cast %sub3A_1283 : vector<16xf32> to vector<1x1x16xf32>
        tpu.vector_store %arg10[%swap3A_1285, %swap3A_1286, %swap3A_1287], %swap3A_1290 {strides = array<i32>} : memref<3x40x128xf32, #tpu.memory_space<vmem>>, vector<1x1x16xf32>,
        %add3A_1291 = arith.addf %add3A_1254, %sub3A_1283 : vector<16xf32>
        %mul3A_1292 = arith.mulf %sub3A_1283, %sub3A_1283 : vector<16xf32>
        %add3A_1293 = arith.addf %add3A_1256, %mul3A_1292 : vector<16xf32>
        %get3A_1294 = arith.index_cast %scan3A_586 : i32 to index
        %get3A_1295 = arith.constant 96 : index
        %get3A_1296 = tpu.vector_load %arg9[%get3A_1294, %get3A_1295] {strides = array<i32>} : memref<40x128xf32, #tpu.memory_space<vmem>>, vector<1x16xf32>,
        %get3A_1297 = vector.shape_cast %get3A_1296 : vector<1x16xf32> to vector<16xf32>
        %add3A_1298 = arith.constant 0 : i32
        %add3A_1299 = arith.addi %mul3A_604, %add3A_1298 : i32
        %get3A_1300 = arith.constant 1 : i32
        %get3A_1301 = arith.index_cast %get3A_1300 : i32 to index
        %get3A_1302 = arith.index_cast %add3A_1299 : i32 to index
        %get3A_1303 = arith.constant 96 : index
        %get3A_1304 = tpu.vector_load %arg8[%get3A_1301, %get3A_1302, %get3A_1303] {strides = array<i32>} : memref<2x360x128xf32, #tpu.memory_space<vmem>>, vector<1x1x16xf32>,
        %get3A_1305 = vector.shape_cast %get3A_1304 : vector<1x1x16xf32> to vector<16xf32>
        %add3A_1306 = arith.constant 1 : i32
        %add3A_1307 = arith.addi %add3A_1299, %add3A_1306 : i32
        %get3A_1308 = arith.constant 1 : i32
        %get3A_1309 = arith.index_cast %get3A_1308 : i32 to index
        %get3A_1310 = arith.index_cast %add3A_1307 : i32 to index
        %get3A_1311 = arith.constant 96 : index
        %get3A_1312 = tpu.vector_load %arg8[%get3A_1309, %get3A_1310, %get3A_1311] {strides = array<i32>} : memref<2x360x128xf32, #tpu.memory_space<vmem>>, vector<1x1x16xf32>,
        %get3A_1313 = vector.shape_cast %get3A_1312 : vector<1x1x16xf32> to vector<16xf32>
        %add3A_1314 = arith.addf %get3A_1305, %get3A_1313 : vector<16xf32>
        %add3A_1315 = arith.constant 2 : i32
        %add3A_1316 = arith.addi %add3A_1299, %add3A_1315 : i32
        %get3A_1317 = arith.constant 1 : i32
        %get3A_1318 = arith.index_cast %get3A_1317 : i32 to index
        %get3A_1319 = arith.index_cast %add3A_1316 : i32 to index
        %get3A_1320 = arith.constant 96 : index
        %get3A_1321 = tpu.vector_load %arg8[%get3A_1318, %get3A_1319, %get3A_1320] {strides = array<i32>} : memref<2x360x128xf32, #tpu.memory_space<vmem>>, vector<1x1x16xf32>,
        %get3A_1322 = vector.shape_cast %get3A_1321 : vector<1x1x16xf32> to vector<16xf32>
        %add3A_1323 = arith.addf %add3A_1314, %get3A_1322 : vector<16xf32>
        %sub3A_1324 = arith.subf %get3A_1297, %add3A_1323 : vector<16xf32>
        %swap3A_1325 = arith.constant 0 : i32
        %swap3A_1326 = arith.index_cast %swap3A_1325 : i32 to index
        %swap3A_1327 = arith.index_cast %scan3A_586 : i32 to index
        %swap3A_1328 = arith.constant 96 : index
        %swap3A_1329 = tpu.vector_load %arg10[%swap3A_1326, %swap3A_1327, %swap3A_1328] {strides = array<i32>} : memref<3x40x128xf32, #tpu.memory_space<vmem>>, vector<1x1x16xf32>,
        %swap3A_1330 = vector.shape_cast %swap3A_1329 : vector<1x1x16xf32> to vector<16xf32>
        %swap3A_1331 = vector.shape_cast %sub3A_1324 : vector<16xf32> to vector<1x1x16xf32>
        tpu.vector_store %arg10[%swap3A_1326, %swap3A_1327, %swap3A_1328], %swap3A_1331 {strides = array<i32>} : memref<3x40x128xf32, #tpu.memory_space<vmem>>, vector<1x1x16xf32>,
        %add3A_1332 = arith.addf %scan3A_593, %sub3A_1324 : vector<16xf32>
        %mul3A_1333 = arith.mulf %sub3A_1324, %sub3A_1324 : vector<16xf32>
        %add3A_1334 = arith.addf %scan3A_601, %mul3A_1333 : vector<16xf32>
        %add3A_1335 = arith.constant 3 : i32
        %add3A_1336 = arith.addi %mul3A_604, %add3A_1335 : i32
        %get3A_1337 = arith.constant 1 : i32
        %get3A_1338 = arith.index_cast %get3A_1337 : i32 to index
        %get3A_1339 = arith.index_cast %add3A_1336 : i32 to index
        %get3A_1340 = arith.constant 96 : index
        %get3A_1341 = tpu.vector_load %arg8[%get3A_1338, %get3A_1339, %get3A_1340] {strides = array<i32>} : memref<2x360x128xf32, #tpu.memory_space<vmem>>, vector<1x1x16xf32>,
        %get3A_1342 = vector.shape_cast %get3A_1341 : vector<1x1x16xf32> to vector<16xf32>
        %add3A_1343 = arith.constant 1 : i32
        %add3A_1344 = arith.addi %add3A_1336, %add3A_1343 : i32
        %get3A_1345 = arith.constant 1 : i32
        %get3A_1346 = arith.index_cast %get3A_1345 : i32 to index
        %get3A_1347 = arith.index_cast %add3A_1344 : i32 to index
        %get3A_1348 = arith.constant 96 : index
        %get3A_1349 = tpu.vector_load %arg8[%get3A_1346, %get3A_1347, %get3A_1348] {strides = array<i32>} : memref<2x360x128xf32, #tpu.memory_space<vmem>>, vector<1x1x16xf32>,
        %get3A_1350 = vector.shape_cast %get3A_1349 : vector<1x1x16xf32> to vector<16xf32>
        %add3A_1351 = arith.addf %get3A_1342, %get3A_1350 : vector<16xf32>
        %add3A_1352 = arith.constant 2 : i32
        %add3A_1353 = arith.addi %add3A_1336, %add3A_1352 : i32
        %get3A_1354 = arith.constant 1 : i32
        %get3A_1355 = arith.index_cast %get3A_1354 : i32 to index
        %get3A_1356 = arith.index_cast %add3A_1353 : i32 to index
        %get3A_1357 = arith.constant 96 : index
        %get3A_1358 = tpu.vector_load %arg8[%get3A_1355, %get3A_1356, %get3A_1357] {strides = array<i32>} : memref<2x360x128xf32, #tpu.memory_space<vmem>>, vector<1x1x16xf32>,
        %get3A_1359 = vector.shape_cast %get3A_1358 : vector<1x1x16xf32> to vector<16xf32>
        %add3A_1360 = arith.addf %add3A_1351, %get3A_1359 : vector<16xf32>
        %sub3A_1361 = arith.subf %get3A_1297, %add3A_1360 : vector<16xf32>
        %swap3A_1362 = arith.constant 1 : i32
        %swap3A_1363 = arith.index_cast %swap3A_1362 : i32 to index
        %swap3A_1364 = arith.index_cast %scan3A_586 : i32 to index
        %swap3A_1365 = arith.constant 96 : index
        %swap3A_1366 = tpu.vector_load %arg10[%swap3A_1363, %swap3A_1364, %swap3A_1365] {strides = array<i32>} : memref<3x40x128xf32, #tpu.memory_space<vmem>>, vector<1x1x16xf32>,
        %swap3A_1367 = vector.shape_cast %swap3A_1366 : vector<1x1x16xf32> to vector<16xf32>
        %swap3A_1368 = vector.shape_cast %sub3A_1361 : vector<16xf32> to vector<1x1x16xf32>
        tpu.vector_store %arg10[%swap3A_1363, %swap3A_1364, %swap3A_1365], %swap3A_1368 {strides = array<i32>} : memref<3x40x128xf32, #tpu.memory_space<vmem>>, vector<1x1x16xf32>,
        %add3A_1369 = arith.addf %add3A_1332, %sub3A_1361 : vector<16xf32>
        %mul3A_1370 = arith.mulf %sub3A_1361, %sub3A_1361 : vector<16xf32>
        %add3A_1371 = arith.addf %add3A_1334, %mul3A_1370 : vector<16xf32>
        %add3A_1372 = arith.constant 6 : i32
        %add3A_1373 = arith.addi %mul3A_604, %add3A_1372 : i32
        %get3A_1374 = arith.constant 1 : i32
        %get3A_1375 = arith.index_cast %get3A_1374 : i32 to index
        %get3A_1376 = arith.index_cast %add3A_1373 : i32 to index
        %get3A_1377 = arith.constant 96 : index
        %get3A_1378 = tpu.vector_load %arg8[%get3A_1375, %get3A_1376, %get3A_1377] {strides = array<i32>} : memref<2x360x128xf32, #tpu.memory_space<vmem>>, vector<1x1x16xf32>,
        %get3A_1379 = vector.shape_cast %get3A_1378 : vector<1x1x16xf32> to vector<16xf32>
        %add3A_1380 = arith.constant 1 : i32
        %add3A_1381 = arith.addi %add3A_1373, %add3A_1380 : i32
        %get3A_1382 = arith.constant 1 : i32
        %get3A_1383 = arith.index_cast %get3A_1382 : i32 to index
        %get3A_1384 = arith.index_cast %add3A_1381 : i32 to index
        %get3A_1385 = arith.constant 96 : index
        %get3A_1386 = tpu.vector_load %arg8[%get3A_1383, %get3A_1384, %get3A_1385] {strides = array<i32>} : memref<2x360x128xf32, #tpu.memory_space<vmem>>, vector<1x1x16xf32>,
        %get3A_1387 = vector.shape_cast %get3A_1386 : vector<1x1x16xf32> to vector<16xf32>
        %add3A_1388 = arith.addf %get3A_1379, %get3A_1387 : vector<16xf32>
        %add3A_1389 = arith.constant 2 : i32
        %add3A_1390 = arith.addi %add3A_1373, %add3A_1389 : i32
        %get3A_1391 = arith.constant 1 : i32
        %get3A_1392 = arith.index_cast %get3A_1391 : i32 to index
        %get3A_1393 = arith.index_cast %add3A_1390 : i32 to index
        %get3A_1394 = arith.constant 96 : index
        %get3A_1395 = tpu.vector_load %arg8[%get3A_1392, %get3A_1393, %get3A_1394] {strides = array<i32>} : memref<2x360x128xf32, #tpu.memory_space<vmem>>, vector<1x1x16xf32>,
        %get3A_1396 = vector.shape_cast %get3A_1395 : vector<1x1x16xf32> to vector<16xf32>
        %add3A_1397 = arith.addf %add3A_1388, %get3A_1396 : vector<16xf32>
        %sub3A_1398 = arith.subf %get3A_1297, %add3A_1397 : vector<16xf32>
        %swap3A_1399 = arith.constant 2 : i32
        %swap3A_1400 = arith.index_cast %swap3A_1399 : i32 to index
        %swap3A_1401 = arith.index_cast %scan3A_586 : i32 to index
        %swap3A_1402 = arith.constant 96 : index
        %swap3A_1403 = tpu.vector_load %arg10[%swap3A_1400, %swap3A_1401, %swap3A_1402] {strides = array<i32>} : memref<3x40x128xf32, #tpu.memory_space<vmem>>, vector<1x1x16xf32>,
        %swap3A_1404 = vector.shape_cast %swap3A_1403 : vector<1x1x16xf32> to vector<16xf32>
        %swap3A_1405 = vector.shape_cast %sub3A_1398 : vector<16xf32> to vector<1x1x16xf32>
        tpu.vector_store %arg10[%swap3A_1400, %swap3A_1401, %swap3A_1402], %swap3A_1405 {strides = array<i32>} : memref<3x40x128xf32, #tpu.memory_space<vmem>>, vector<1x1x16xf32>,
        %add3A_1406 = arith.addf %add3A_1369, %sub3A_1398 : vector<16xf32>
        %mul3A_1407 = arith.mulf %sub3A_1398, %sub3A_1398 : vector<16xf32>
        %add3A_1408 = arith.addf %add3A_1371, %mul3A_1407 : vector<16xf32>
        %get3A_1409 = arith.index_cast %scan3A_586 : i32 to index
        %get3A_1410 = arith.constant 112 : index
        %get3A_1411 = tpu.vector_load %arg9[%get3A_1409, %get3A_1410] {strides = array<i32>} : memref<40x128xf32, #tpu.memory_space<vmem>>, vector<1x16xf32>,
        %get3A_1412 = vector.shape_cast %get3A_1411 : vector<1x16xf32> to vector<16xf32>
        %add3A_1413 = arith.constant 0 : i32
        %add3A_1414 = arith.addi %mul3A_604, %add3A_1413 : i32
        %get3A_1415 = arith.constant 1 : i32
        %get3A_1416 = arith.index_cast %get3A_1415 : i32 to index
        %get3A_1417 = arith.index_cast %add3A_1414 : i32 to index
        %get3A_1418 = arith.constant 112 : index
        %get3A_1419 = tpu.vector_load %arg8[%get3A_1416, %get3A_1417, %get3A_1418] {strides = array<i32>} : memref<2x360x128xf32, #tpu.memory_space<vmem>>, vector<1x1x16xf32>,
        %get3A_1420 = vector.shape_cast %get3A_1419 : vector<1x1x16xf32> to vector<16xf32>
        %add3A_1421 = arith.constant 1 : i32
        %add3A_1422 = arith.addi %add3A_1414, %add3A_1421 : i32
        %get3A_1423 = arith.constant 1 : i32
        %get3A_1424 = arith.index_cast %get3A_1423 : i32 to index
        %get3A_1425 = arith.index_cast %add3A_1422 : i32 to index
        %get3A_1426 = arith.constant 112 : index
        %get3A_1427 = tpu.vector_load %arg8[%get3A_1424, %get3A_1425, %get3A_1426] {strides = array<i32>} : memref<2x360x128xf32, #tpu.memory_space<vmem>>, vector<1x1x16xf32>,
        %get3A_1428 = vector.shape_cast %get3A_1427 : vector<1x1x16xf32> to vector<16xf32>
        %add3A_1429 = arith.addf %get3A_1420, %get3A_1428 : vector<16xf32>
        %add3A_1430 = arith.constant 2 : i32
        %add3A_1431 = arith.addi %add3A_1414, %add3A_1430 : i32
        %get3A_1432 = arith.constant 1 : i32
        %get3A_1433 = arith.index_cast %get3A_1432 : i32 to index
        %get3A_1434 = arith.index_cast %add3A_1431 : i32 to index
        %get3A_1435 = arith.constant 112 : index
        %get3A_1436 = tpu.vector_load %arg8[%get3A_1433, %get3A_1434, %get3A_1435] {strides = array<i32>} : memref<2x360x128xf32, #tpu.memory_space<vmem>>, vector<1x1x16xf32>,
        %get3A_1437 = vector.shape_cast %get3A_1436 : vector<1x1x16xf32> to vector<16xf32>
        %add3A_1438 = arith.addf %add3A_1429, %get3A_1437 : vector<16xf32>
        %sub3A_1439 = arith.subf %get3A_1412, %add3A_1438 : vector<16xf32>
        %swap3A_1440 = arith.constant 0 : i32
        %swap3A_1441 = arith.index_cast %swap3A_1440 : i32 to index
        %swap3A_1442 = arith.index_cast %scan3A_586 : i32 to index
        %swap3A_1443 = arith.constant 112 : index
        %swap3A_1444 = tpu.vector_load %arg10[%swap3A_1441, %swap3A_1442, %swap3A_1443] {strides = array<i32>} : memref<3x40x128xf32, #tpu.memory_space<vmem>>, vector<1x1x16xf32>,
        %swap3A_1445 = vector.shape_cast %swap3A_1444 : vector<1x1x16xf32> to vector<16xf32>
        %swap3A_1446 = vector.shape_cast %sub3A_1439 : vector<16xf32> to vector<1x1x16xf32>
        tpu.vector_store %arg10[%swap3A_1441, %swap3A_1442, %swap3A_1443], %swap3A_1446 {strides = array<i32>} : memref<3x40x128xf32, #tpu.memory_space<vmem>>, vector<1x1x16xf32>,
        %add3A_1447 = arith.addf %scan3A_594, %sub3A_1439 : vector<16xf32>
        %mul3A_1448 = arith.mulf %sub3A_1439, %sub3A_1439 : vector<16xf32>
        %add3A_1449 = arith.addf %scan3A_602, %mul3A_1448 : vector<16xf32>
        %add3A_1450 = arith.constant 3 : i32
        %add3A_1451 = arith.addi %mul3A_604, %add3A_1450 : i32
        %get3A_1452 = arith.constant 1 : i32
        %get3A_1453 = arith.index_cast %get3A_1452 : i32 to index
        %get3A_1454 = arith.index_cast %add3A_1451 : i32 to index
        %get3A_1455 = arith.constant 112 : index
        %get3A_1456 = tpu.vector_load %arg8[%get3A_1453, %get3A_1454, %get3A_1455] {strides = array<i32>} : memref<2x360x128xf32, #tpu.memory_space<vmem>>, vector<1x1x16xf32>,
        %get3A_1457 = vector.shape_cast %get3A_1456 : vector<1x1x16xf32> to vector<16xf32>
        %add3A_1458 = arith.constant 1 : i32
        %add3A_1459 = arith.addi %add3A_1451, %add3A_1458 : i32
        %get3A_1460 = arith.constant 1 : i32
        %get3A_1461 = arith.index_cast %get3A_1460 : i32 to index
        %get3A_1462 = arith.index_cast %add3A_1459 : i32 to index
        %get3A_1463 = arith.constant 112 : index
        %get3A_1464 = tpu.vector_load %arg8[%get3A_1461, %get3A_1462, %get3A_1463] {strides = array<i32>} : memref<2x360x128xf32, #tpu.memory_space<vmem>>, vector<1x1x16xf32>,
        %get3A_1465 = vector.shape_cast %get3A_1464 : vector<1x1x16xf32> to vector<16xf32>
        %add3A_1466 = arith.addf %get3A_1457, %get3A_1465 : vector<16xf32>
        %add3A_1467 = arith.constant 2 : i32
        %add3A_1468 = arith.addi %add3A_1451, %add3A_1467 : i32
        %get3A_1469 = arith.constant 1 : i32
        %get3A_1470 = arith.index_cast %get3A_1469 : i32 to index
        %get3A_1471 = arith.index_cast %add3A_1468 : i32 to index
        %get3A_1472 = arith.constant 112 : index
        %get3A_1473 = tpu.vector_load %arg8[%get3A_1470, %get3A_1471, %get3A_1472] {strides = array<i32>} : memref<2x360x128xf32, #tpu.memory_space<vmem>>, vector<1x1x16xf32>,
        %get3A_1474 = vector.shape_cast %get3A_1473 : vector<1x1x16xf32> to vector<16xf32>
        %add3A_1475 = arith.addf %add3A_1466, %get3A_1474 : vector<16xf32>
        %sub3A_1476 = arith.subf %get3A_1412, %add3A_1475 : vector<16xf32>
        %swap3A_1477 = arith.constant 1 : i32
        %swap3A_1478 = arith.index_cast %swap3A_1477 : i32 to index
        %swap3A_1479 = arith.index_cast %scan3A_586 : i32 to index
        %swap3A_1480 = arith.constant 112 : index
        %swap3A_1481 = tpu.vector_load %arg10[%swap3A_1478, %swap3A_1479, %swap3A_1480] {strides = array<i32>} : memref<3x40x128xf32, #tpu.memory_space<vmem>>, vector<1x1x16xf32>,
        %swap3A_1482 = vector.shape_cast %swap3A_1481 : vector<1x1x16xf32> to vector<16xf32>
        %swap3A_1483 = vector.shape_cast %sub3A_1476 : vector<16xf32> to vector<1x1x16xf32>
        tpu.vector_store %arg10[%swap3A_1478, %swap3A_1479, %swap3A_1480], %swap3A_1483 {strides = array<i32>} : memref<3x40x128xf32, #tpu.memory_space<vmem>>, vector<1x1x16xf32>,
        %add3A_1484 = arith.addf %add3A_1447, %sub3A_1476 : vector<16xf32>
        %mul3A_1485 = arith.mulf %sub3A_1476, %sub3A_1476 : vector<16xf32>
        %add3A_1486 = arith.addf %add3A_1449, %mul3A_1485 : vector<16xf32>
        %add3A_1487 = arith.constant 6 : i32
        %add3A_1488 = arith.addi %mul3A_604, %add3A_1487 : i32
        %get3A_1489 = arith.constant 1 : i32
        %get3A_1490 = arith.index_cast %get3A_1489 : i32 to index
        %get3A_1491 = arith.index_cast %add3A_1488 : i32 to index
        %get3A_1492 = arith.constant 112 : index
        %get3A_1493 = tpu.vector_load %arg8[%get3A_1490, %get3A_1491, %get3A_1492] {strides = array<i32>} : memref<2x360x128xf32, #tpu.memory_space<vmem>>, vector<1x1x16xf32>,
        %get3A_1494 = vector.shape_cast %get3A_1493 : vector<1x1x16xf32> to vector<16xf32>
        %add3A_1495 = arith.constant 1 : i32
        %add3A_1496 = arith.addi %add3A_1488, %add3A_1495 : i32
        %get3A_1497 = arith.constant 1 : i32
        %get3A_1498 = arith.index_cast %get3A_1497 : i32 to index
        %get3A_1499 = arith.index_cast %add3A_1496 : i32 to index
        %get3A_1500 = arith.constant 112 : index
        %get3A_1501 = tpu.vector_load %arg8[%get3A_1498, %get3A_1499, %get3A_1500] {strides = array<i32>} : memref<2x360x128xf32, #tpu.memory_space<vmem>>, vector<1x1x16xf32>,
        %get3A_1502 = vector.shape_cast %get3A_1501 : vector<1x1x16xf32> to vector<16xf32>
        %add3A_1503 = arith.addf %get3A_1494, %get3A_1502 : vector<16xf32>
        %add3A_1504 = arith.constant 2 : i32
        %add3A_1505 = arith.addi %add3A_1488, %add3A_1504 : i32
        %get3A_1506 = arith.constant 1 : i32
        %get3A_1507 = arith.index_cast %get3A_1506 : i32 to index
        %get3A_1508 = arith.index_cast %add3A_1505 : i32 to index
        %get3A_1509 = arith.constant 112 : index
        %get3A_1510 = tpu.vector_load %arg8[%get3A_1507, %get3A_1508, %get3A_1509] {strides = array<i32>} : memref<2x360x128xf32, #tpu.memory_space<vmem>>, vector<1x1x16xf32>,
        %get3A_1511 = vector.shape_cast %get3A_1510 : vector<1x1x16xf32> to vector<16xf32>
        %add3A_1512 = arith.addf %add3A_1503, %get3A_1511 : vector<16xf32>
        %sub3A_1513 = arith.subf %get3A_1412, %add3A_1512 : vector<16xf32>
        %swap3A_1514 = arith.constant 2 : i32
        %swap3A_1515 = arith.index_cast %swap3A_1514 : i32 to index
        %swap3A_1516 = arith.index_cast %scan3A_586 : i32 to index
        %swap3A_1517 = arith.constant 112 : index
        %swap3A_1518 = tpu.vector_load %arg10[%swap3A_1515, %swap3A_1516, %swap3A_1517] {strides = array<i32>} : memref<3x40x128xf32, #tpu.memory_space<vmem>>, vector<1x1x16xf32>,
        %swap3A_1519 = vector.shape_cast %swap3A_1518 : vector<1x1x16xf32> to vector<16xf32>
        %swap3A_1520 = vector.shape_cast %sub3A_1513 : vector<16xf32> to vector<1x1x16xf32>
        tpu.vector_store %arg10[%swap3A_1515, %swap3A_1516, %swap3A_1517], %swap3A_1520 {strides = array<i32>} : memref<3x40x128xf32, #tpu.memory_space<vmem>>, vector<1x1x16xf32>,
        %add3A_1521 = arith.addf %add3A_1484, %sub3A_1513 : vector<16xf32>
        %mul3A_1522 = arith.mulf %sub3A_1513, %sub3A_1513 : vector<16xf32>
        %add3A_1523 = arith.addf %add3A_1486, %mul3A_1522 : vector<16xf32>
        scf.yield %add3A_716, %add3A_831, %add3A_946, %add3A_1061, %add3A_1176, %add3A_1291, %add3A_1406, %add3A_1521, %add3A_718, %add3A_833, %add3A_948, %add3A_1063, %add3A_1178, %add3A_1293, %add3A_1408, %add3A_1523 : vector<16xf32>, vector<16xf32>, vector<16xf32>, vector<16xf32>, vector<16xf32>, vector<16xf32>, vector<16xf32>, vector<16xf32>, vector<16xf32>, vector<16xf32>, vector<16xf32>, vector<16xf32>, vector<16xf32>, vector<16xf32>, vector<16xf32>, vector<16xf32>
      }
      %scan3A_533 = arith.constant 40 : i32
      %jit3A_534 = arith.constant 2000 : i32
      %div3A_535 = arith.divsi %add3A_527, %jit3A_534 : i32
      %sign3A_536 = arith.constant 0 : i32
      %sign3A_537 = arith.cmpi sgt, %add3A_527, %sign3A_536 : i32
      %sign3A_538 = arith.extui %sign3A_537 : i1 to i32
      %sign3A_539 = arith.constant 0 : i32
      %sign3A_540 = arith.cmpi slt, %add3A_527, %sign3A_539 : i32
      %sign3A_541 = arith.extui %sign3A_540 : i1 to i32
      %sign3A_542 = arith.subi %sign3A_538, %sign3A_541 : i32
      %sign3A_543 = arith.constant 0 : i32
      %sign3A_544 = arith.cmpi sgt, %jit3A_534, %sign3A_543 : i32
      %sign3A_545 = arith.extui %sign3A_544 : i1 to i32
      %sign3A_546 = arith.constant 0 : i32
      %sign3A_547 = arith.cmpi slt, %jit3A_534, %sign3A_546 : i32
      %sign3A_548 = arith.extui %sign3A_547 : i1 to i32
      %sign3A_549 = arith.subi %sign3A_545, %sign3A_548 : i32
      %ne3A_550 = arith.cmpi ne, %sign3A_542, %sign3A_549 : i32
      %rem3A_551 = arith.remsi %add3A_527, %jit3A_534 : i32
      %ne3A_552 = arith.constant 0 : i32
      %ne3A_553 = arith.cmpi ne, %rem3A_551, %ne3A_552 : i32
      %and3A_554 = arith.andi %ne3A_550, %ne3A_553 : i1
      %sub3A_555 = arith.constant 1 : i32
      %sub3A_556 = arith.subi %div3A_535, %sub3A_555 : i32
      %select_n3A_557 = arith.select %and3A_554, %sub3A_556, %div3A_535 : i32
      %mul3A_558 = arith.constant 6000 : i32
      %mul3A_559 = arith.muli %select_n3A_557, %mul3A_558 : i32
      %jit3A_560 = arith.constant 2000 : i32
      %eq3A_561 = arith.constant 0 : i32
      %eq3A_562 = arith.cmpi eq, %jit3A_560, %eq3A_561 : i32
      %jit3A_563 = arith.constant 1 : i32
      %select_n3A_564 = arith.select %eq3A_562, %jit3A_563, %jit3A_560 : i32
      %rem3A_565 = arith.remsi %add3A_527, %select_n3A_564 : i32
      %ne3A_566 = arith.constant 0 : i32
      %ne3A_567 = arith.cmpi ne, %rem3A_565, %ne3A_566 : i32
      %lt3A_568 = arith.constant 0 : i32
      %lt3A_569 = arith.cmpi slt, %rem3A_565, %lt3A_568 : i32
      %lt3A_570 = arith.constant 0 : i32
      %lt3A_571 = arith.cmpi slt, %select_n3A_564, %lt3A_570 : i32
      %ne3A_572 = arith.xori %lt3A_569, %lt3A_571 : i1
      %and3A_573 = arith.andi %ne3A_572, %ne3A_567 : i1
      %add3A_574 = arith.addi %rem3A_565, %select_n3A_564 : i32
      %select_n3A_575 = arith.select %and3A_573, %add3A_574, %rem3A_565 : i32
      %add3A_576 = arith.addi %mul3A_559, %select_n3A_575 : i32
      %add3A_577 = arith.constant 0 : i32
      %add3A_578 = arith.addi %add3A_576, %add3A_577 : i32
      %run_scoped3A_579 = arith.constant 0 : i32
      "tpu.region"() ({
        %run_scoped3A_586 = tpu.sem_alloc : memref<!tpu.dma_semaphore, #tpu.memory_space<semaphore_mem>>
        %dma_start3A_587 = arith.constant 0 : i32
        %dma_start3A_588 = arith.constant 0 : i32
        %dma_start3A_589 = tpu.memref_slice %arg10[%run_scoped3A_579, %dma_start3A_587, %dma_start3A_588] : memref<3x40x128xf32, #tpu.memory_space<vmem>> -> memref<1x40x128xf32, #tpu.memory_space<vmem>>
        %dma_start3A_590 = tpu.memref_squeeze %dma_start3A_589 : memref<1x40x128xf32, #tpu.memory_space<vmem>> -> memref<40x128xf32, #tpu.memory_space<vmem>>
        %dma_start3A_591 = arith.constant 0 : i32
        %dma_start3A_592 = tpu.memref_slice %arg5[%add3A_578, %dma_start3A_591] : memref<96000x128xf32, #tpu.memory_space<hbm>> -> memref<40x128xf32, #tpu.memory_space<hbm>>
        %dma_start3A_593 = arith.constant 0 : i32
        %dma_start3A_594 = tpu.memref_slice %arg5[%add3A_578, %dma_start3A_593] : memref<96000x128xf32, #tpu.memory_space<hbm>> -> memref<40x128xf32, #tpu.memory_space<hbm>>
        %dma_start3A_595 = arith.constant 0 : i32
        %dma_start3A_596 = arith.constant 0 : i32
        %dma_start3A_597 = tpu.memref_slice %arg10[%run_scoped3A_579, %dma_start3A_595, %dma_start3A_596] : memref<3x40x128xf32, #tpu.memory_space<vmem>> -> memref<1x40x128xf32, #tpu.memory_space<vmem>>
        %dma_start3A_598 = tpu.memref_squeeze %dma_start3A_597 : memref<1x40x128xf32, #tpu.memory_space<vmem>> -> memref<40x128xf32, #tpu.memory_space<vmem>>
        tpu.enqueue_dma source(%dma_start3A_598 : memref<40x128xf32, #tpu.memory_space<vmem>>) target(%dma_start3A_594 : memref<40x128xf32, #tpu.memory_space<hbm>>) target_semaphore(%run_scoped3A_586 : memref<!tpu.dma_semaphore, #tpu.memory_space<semaphore_mem>>)
        %dma_wait3A_599 = arith.constant 0 : i32
        %dma_wait3A_600 = arith.constant 0 : i32
        %dma_wait3A_601 = tpu.memref_slice %arg10[%run_scoped3A_579, %dma_wait3A_599, %dma_wait3A_600] : memref<3x40x128xf32, #tpu.memory_space<vmem>> -> memref<1x40x128xf32, #tpu.memory_space<vmem>>
        %dma_wait3A_602 = tpu.memref_squeeze %dma_wait3A_601 : memref<1x40x128xf32, #tpu.memory_space<vmem>> -> memref<40x128xf32, #tpu.memory_space<vmem>>
        %dma_wait3A_603 = arith.constant 0 : i32
        %dma_wait3A_604 = tpu.memref_slice %arg5[%add3A_578, %dma_wait3A_603] : memref<96000x128xf32, #tpu.memory_space<hbm>> -> memref<40x128xf32, #tpu.memory_space<hbm>>
        %dma_wait3A_605 = arith.constant 0 : i32
        %dma_wait3A_606 = tpu.memref_slice %arg5[%add3A_578, %dma_wait3A_605] : memref<96000x128xf32, #tpu.memory_space<hbm>> -> memref<40x128xf32, #tpu.memory_space<hbm>>
        %dma_wait3A_607 = arith.constant 0 : i32
        %dma_wait3A_608 = arith.constant 0 : i32
        %dma_wait3A_609 = tpu.memref_slice %arg10[%run_scoped3A_579, %dma_wait3A_607, %dma_wait3A_608] : memref<3x40x128xf32, #tpu.memory_space<vmem>> -> memref<1x40x128xf32, #tpu.memory_space<vmem>>
        %dma_wait3A_610 = tpu.memref_squeeze %dma_wait3A_609 : memref<1x40x128xf32, #tpu.memory_space<vmem>> -> memref<40x128xf32, #tpu.memory_space<vmem>>
        tpu.wait_dma2 semaphore(%run_scoped3A_586 : memref<!tpu.dma_semaphore, #tpu.memory_space<semaphore_mem>>) src(%dma_wait3A_610 : memref<40x128xf32, #tpu.memory_space<vmem>>) dst(%dma_wait3A_606 : memref<40x128xf32, #tpu.memory_space<hbm>>)
        tpu.yield
      }) : () -> ()
      %add3A_580 = arith.constant 2000 : i32
      %add3A_581 = arith.addi %add3A_576, %add3A_580 : i32
      %run_scoped3A_582 = arith.constant 1 : i32
      "tpu.region"() ({
        %run_scoped3A_586 = tpu.sem_alloc : memref<!tpu.dma_semaphore, #tpu.memory_space<semaphore_mem>>
        %dma_start3A_587 = arith.constant 0 : i32
        %dma_start3A_588 = arith.constant 0 : i32
        %dma_start3A_589 = tpu.memref_slice %arg10[%run_scoped3A_582, %dma_start3A_587, %dma_start3A_588] : memref<3x40x128xf32, #tpu.memory_space<vmem>> -> memref<1x40x128xf32, #tpu.memory_space<vmem>>
        %dma_start3A_590 = tpu.memref_squeeze %dma_start3A_589 : memref<1x40x128xf32, #tpu.memory_space<vmem>> -> memref<40x128xf32, #tpu.memory_space<vmem>>
        %dma_start3A_591 = arith.constant 0 : i32
        %dma_start3A_592 = tpu.memref_slice %arg5[%add3A_581, %dma_start3A_591] : memref<96000x128xf32, #tpu.memory_space<hbm>> -> memref<40x128xf32, #tpu.memory_space<hbm>>
        %dma_start3A_593 = arith.constant 0 : i32
        %dma_start3A_594 = tpu.memref_slice %arg5[%add3A_581, %dma_start3A_593] : memref<96000x128xf32, #tpu.memory_space<hbm>> -> memref<40x128xf32, #tpu.memory_space<hbm>>
        %dma_start3A_595 = arith.constant 0 : i32
        %dma_start3A_596 = arith.constant 0 : i32
        %dma_start3A_597 = tpu.memref_slice %arg10[%run_scoped3A_582, %dma_start3A_595, %dma_start3A_596] : memref<3x40x128xf32, #tpu.memory_space<vmem>> -> memref<1x40x128xf32, #tpu.memory_space<vmem>>
        %dma_start3A_598 = tpu.memref_squeeze %dma_start3A_597 : memref<1x40x128xf32, #tpu.memory_space<vmem>> -> memref<40x128xf32, #tpu.memory_space<vmem>>
        tpu.enqueue_dma source(%dma_start3A_598 : memref<40x128xf32, #tpu.memory_space<vmem>>) target(%dma_start3A_594 : memref<40x128xf32, #tpu.memory_space<hbm>>) target_semaphore(%run_scoped3A_586 : memref<!tpu.dma_semaphore, #tpu.memory_space<semaphore_mem>>)
        %dma_wait3A_599 = arith.constant 0 : i32
        %dma_wait3A_600 = arith.constant 0 : i32
        %dma_wait3A_601 = tpu.memref_slice %arg10[%run_scoped3A_582, %dma_wait3A_599, %dma_wait3A_600] : memref<3x40x128xf32, #tpu.memory_space<vmem>> -> memref<1x40x128xf32, #tpu.memory_space<vmem>>
        %dma_wait3A_602 = tpu.memref_squeeze %dma_wait3A_601 : memref<1x40x128xf32, #tpu.memory_space<vmem>> -> memref<40x128xf32, #tpu.memory_space<vmem>>
        %dma_wait3A_603 = arith.constant 0 : i32
        %dma_wait3A_604 = tpu.memref_slice %arg5[%add3A_581, %dma_wait3A_603] : memref<96000x128xf32, #tpu.memory_space<hbm>> -> memref<40x128xf32, #tpu.memory_space<hbm>>
        %dma_wait3A_605 = arith.constant 0 : i32
        %dma_wait3A_606 = tpu.memref_slice %arg5[%add3A_581, %dma_wait3A_605] : memref<96000x128xf32, #tpu.memory_space<hbm>> -> memref<40x128xf32, #tpu.memory_space<hbm>>
        %dma_wait3A_607 = arith.constant 0 : i32
        %dma_wait3A_608 = arith.constant 0 : i32
        %dma_wait3A_609 = tpu.memref_slice %arg10[%run_scoped3A_582, %dma_wait3A_607, %dma_wait3A_608] : memref<3x40x128xf32, #tpu.memory_space<vmem>> -> memref<1x40x128xf32, #tpu.memory_space<vmem>>
        %dma_wait3A_610 = tpu.memref_squeeze %dma_wait3A_609 : memref<1x40x128xf32, #tpu.memory_space<vmem>> -> memref<40x128xf32, #tpu.memory_space<vmem>>
        tpu.wait_dma2 semaphore(%run_scoped3A_586 : memref<!tpu.dma_semaphore, #tpu.memory_space<semaphore_mem>>) src(%dma_wait3A_610 : memref<40x128xf32, #tpu.memory_space<vmem>>) dst(%dma_wait3A_606 : memref<40x128xf32, #tpu.memory_space<hbm>>)
        tpu.yield
      }) : () -> ()
      %add3A_583 = arith.constant 4000 : i32
      %add3A_584 = arith.addi %add3A_576, %add3A_583 : i32
      %run_scoped3A_585 = arith.constant 2 : i32
      "tpu.region"() ({
        %run_scoped3A_586 = tpu.sem_alloc : memref<!tpu.dma_semaphore, #tpu.memory_space<semaphore_mem>>
        %dma_start3A_587 = arith.constant 0 : i32
        %dma_start3A_588 = arith.constant 0 : i32
        %dma_start3A_589 = tpu.memref_slice %arg10[%run_scoped3A_585, %dma_start3A_587, %dma_start3A_588] : memref<3x40x128xf32, #tpu.memory_space<vmem>> -> memref<1x40x128xf32, #tpu.memory_space<vmem>>
        %dma_start3A_590 = tpu.memref_squeeze %dma_start3A_589 : memref<1x40x128xf32, #tpu.memory_space<vmem>> -> memref<40x128xf32, #tpu.memory_space<vmem>>
        %dma_start3A_591 = arith.constant 0 : i32
        %dma_start3A_592 = tpu.memref_slice %arg5[%add3A_584, %dma_start3A_591] : memref<96000x128xf32, #tpu.memory_space<hbm>> -> memref<40x128xf32, #tpu.memory_space<hbm>>
        %dma_start3A_593 = arith.constant 0 : i32
        %dma_start3A_594 = tpu.memref_slice %arg5[%add3A_584, %dma_start3A_593] : memref<96000x128xf32, #tpu.memory_space<hbm>> -> memref<40x128xf32, #tpu.memory_space<hbm>>
        %dma_start3A_595 = arith.constant 0 : i32
        %dma_start3A_596 = arith.constant 0 : i32
        %dma_start3A_597 = tpu.memref_slice %arg10[%run_scoped3A_585, %dma_start3A_595, %dma_start3A_596] : memref<3x40x128xf32, #tpu.memory_space<vmem>> -> memref<1x40x128xf32, #tpu.memory_space<vmem>>
        %dma_start3A_598 = tpu.memref_squeeze %dma_start3A_597 : memref<1x40x128xf32, #tpu.memory_space<vmem>> -> memref<40x128xf32, #tpu.memory_space<vmem>>
        tpu.enqueue_dma source(%dma_start3A_598 : memref<40x128xf32, #tpu.memory_space<vmem>>) target(%dma_start3A_594 : memref<40x128xf32, #tpu.memory_space<hbm>>) target_semaphore(%run_scoped3A_586 : memref<!tpu.dma_semaphore, #tpu.memory_space<semaphore_mem>>)
        %dma_wait3A_599 = arith.constant 0 : i32
        %dma_wait3A_600 = arith.constant 0 : i32
        %dma_wait3A_601 = tpu.memref_slice %arg10[%run_scoped3A_585, %dma_wait3A_599, %dma_wait3A_600] : memref<3x40x128xf32, #tpu.memory_space<vmem>> -> memref<1x40x128xf32, #tpu.memory_space<vmem>>
        %dma_wait3A_602 = tpu.memref_squeeze %dma_wait3A_601 : memref<1x40x128xf32, #tpu.memory_space<vmem>> -> memref<40x128xf32, #tpu.memory_space<vmem>>
        %dma_wait3A_603 = arith.constant 0 : i32
        %dma_wait3A_604 = tpu.memref_slice %arg5[%add3A_584, %dma_wait3A_603] : memref<96000x128xf32, #tpu.memory_space<hbm>> -> memref<40x128xf32, #tpu.memory_space<hbm>>
        %dma_wait3A_605 = arith.constant 0 : i32
        %dma_wait3A_606 = tpu.memref_slice %arg5[%add3A_584, %dma_wait3A_605] : memref<96000x128xf32, #tpu.memory_space<hbm>> -> memref<40x128xf32, #tpu.memory_space<hbm>>
        %dma_wait3A_607 = arith.constant 0 : i32
        %dma_wait3A_608 = arith.constant 0 : i32
        %dma_wait3A_609 = tpu.memref_slice %arg10[%run_scoped3A_585, %dma_wait3A_607, %dma_wait3A_608] : memref<3x40x128xf32, #tpu.memory_space<vmem>> -> memref<1x40x128xf32, #tpu.memory_space<vmem>>
        %dma_wait3A_610 = tpu.memref_squeeze %dma_wait3A_609 : memref<1x40x128xf32, #tpu.memory_space<vmem>> -> memref<40x128xf32, #tpu.memory_space<vmem>>
        tpu.wait_dma2 semaphore(%run_scoped3A_586 : memref<!tpu.dma_semaphore, #tpu.memory_space<semaphore_mem>>) src(%dma_wait3A_610 : memref<40x128xf32, #tpu.memory_space<vmem>>) dst(%dma_wait3A_606 : memref<40x128xf32, #tpu.memory_space<hbm>>)
        tpu.yield
      }) : () -> ()
      scf.yield %scan3A_532#0, %scan3A_532#1, %scan3A_532#2, %scan3A_532#3, %scan3A_532#4, %scan3A_532#5, %scan3A_532#6, %scan3A_532#7, %scan3A_532#8, %scan3A_532#9, %scan3A_532#10, %scan3A_532#11, %scan3A_532#12, %scan3A_532#13, %scan3A_532#14, %scan3A_532#15 : vector<16xf32>, vector<16xf32>, vector<16xf32>, vector<16xf32>, vector<16xf32>, vector<16xf32>, vector<16xf32>, vector<16xf32>, vector<16xf32>, vector<16xf32>, vector<16xf32>, vector<16xf32>, vector<16xf32>, vector<16xf32>, vector<16xf32>, vector<16xf32>
    }
    %scan3A_71 = arith.constant 12 : i32
    %dma_wait3A = arith.constant 72 : i32
    %dma_wait3A_72 = arith.constant 0 : i32
    %dma_wait3A_73 = arith.constant 0 : i32
    %dma_wait3A_74 = arith.constant 0 : i32
    %dma_wait3A_75 = tpu.memref_slice %arg8[%dma_wait3A_72, %dma_wait3A_73, %dma_wait3A_74] : memref<2x360x128xf32, #tpu.memory_space<vmem>> -> memref<1x120x128xf32, #tpu.memory_space<vmem>>
    %dma_wait3A_76 = tpu.memref_squeeze %dma_wait3A_75 : memref<1x120x128xf32, #tpu.memory_space<vmem>> -> memref<120x128xf32, #tpu.memory_space<vmem>>
    %dma_wait3A_77 = arith.constant 0 : i32
    %dma_wait3A_78 = tpu.memref_slice %arg7[%dma_wait3A, %dma_wait3A_77] : memref<75x120xi32, #tpu.memory_space<vmem>> -> memref<1x120xi32, #tpu.memory_space<vmem>>
    %dma_wait3A_79 = tpu.memref_squeeze %dma_wait3A_78 : memref<1x120xi32, #tpu.memory_space<vmem>> -> memref<120xi32, #tpu.memory_space<vmem>>
    %dma_wait3A_80 = arith.constant 0 : i32
    %dma_wait3A_81 = arith.constant 0 : i32
    %dma_wait3A_82 = tpu.memref_slice %arg2[%dma_wait3A_80, %dma_wait3A_81] : memref<96000x128xf32, #tpu.memory_space<hbm>> -> memref<96000x128xf32, #tpu.memory_space<hbm>>
    tpu.wait_indirect_dma semaphore(%arg12 : memref<!tpu.dma_semaphore, #tpu.memory_space<semaphore_mem>>) src(%dma_wait3A_82 : memref<96000x128xf32, #tpu.memory_space<hbm>>) dst(%dma_wait3A_76 : memref<120x128xf32, #tpu.memory_space<vmem>>)
    %dma_wait3A_83 = arith.constant 73 : i32
    %dma_wait3A_84 = arith.constant 0 : i32
    %dma_wait3A_85 = arith.constant 120 : i32
    %dma_wait3A_86 = arith.constant 0 : i32
    %dma_wait3A_87 = tpu.memref_slice %arg8[%dma_wait3A_84, %dma_wait3A_85, %dma_wait3A_86] : memref<2x360x128xf32, #tpu.memory_space<vmem>> -> memref<1x120x128xf32, #tpu.memory_space<vmem>>
    %dma_wait3A_88 = tpu.memref_squeeze %dma_wait3A_87 : memref<1x120x128xf32, #tpu.memory_space<vmem>> -> memref<120x128xf32, #tpu.memory_space<vmem>>
    %dma_wait3A_89 = arith.constant 0 : i32
    %dma_wait3A_90 = tpu.memref_slice %arg7[%dma_wait3A_83, %dma_wait3A_89] : memref<75x120xi32, #tpu.memory_space<vmem>> -> memref<1x120xi32, #tpu.memory_space<vmem>>
    %dma_wait3A_91 = tpu.memref_squeeze %dma_wait3A_90 : memref<1x120xi32, #tpu.memory_space<vmem>> -> memref<120xi32, #tpu.memory_space<vmem>>
    %dma_wait3A_92 = arith.constant 0 : i32
    %dma_wait3A_93 = arith.constant 0 : i32
    %dma_wait3A_94 = tpu.memref_slice %arg2[%dma_wait3A_92, %dma_wait3A_93] : memref<96000x128xf32, #tpu.memory_space<hbm>> -> memref<96000x128xf32, #tpu.memory_space<hbm>>
    tpu.wait_indirect_dma semaphore(%arg12 : memref<!tpu.dma_semaphore, #tpu.memory_space<semaphore_mem>>) src(%dma_wait3A_94 : memref<96000x128xf32, #tpu.memory_space<hbm>>) dst(%dma_wait3A_88 : memref<120x128xf32, #tpu.memory_space<vmem>>)
    %dma_wait3A_95 = arith.constant 74 : i32
    %dma_wait3A_96 = arith.constant 0 : i32
    %dma_wait3A_97 = arith.constant 240 : i32
    %dma_wait3A_98 = arith.constant 0 : i32
    %dma_wait3A_99 = tpu.memref_slice %arg8[%dma_wait3A_96, %dma_wait3A_97, %dma_wait3A_98] : memref<2x360x128xf32, #tpu.memory_space<vmem>> -> memref<1x120x128xf32, #tpu.memory_space<vmem>>
    %dma_wait3A_100 = tpu.memref_squeeze %dma_wait3A_99 : memref<1x120x128xf32, #tpu.memory_space<vmem>> -> memref<120x128xf32, #tpu.memory_space<vmem>>
    %dma_wait3A_101 = arith.constant 0 : i32
    %dma_wait3A_102 = tpu.memref_slice %arg7[%dma_wait3A_95, %dma_wait3A_101] : memref<75x120xi32, #tpu.memory_space<vmem>> -> memref<1x120xi32, #tpu.memory_space<vmem>>
    %dma_wait3A_103 = tpu.memref_squeeze %dma_wait3A_102 : memref<1x120xi32, #tpu.memory_space<vmem>> -> memref<120xi32, #tpu.memory_space<vmem>>
    %dma_wait3A_104 = arith.constant 0 : i32
    %dma_wait3A_105 = arith.constant 0 : i32
    %dma_wait3A_106 = tpu.memref_slice %arg2[%dma_wait3A_104, %dma_wait3A_105] : memref<96000x128xf32, #tpu.memory_space<hbm>> -> memref<96000x128xf32, #tpu.memory_space<hbm>>
    tpu.wait_indirect_dma semaphore(%arg12 : memref<!tpu.dma_semaphore, #tpu.memory_space<semaphore_mem>>) src(%dma_wait3A_106 : memref<96000x128xf32, #tpu.memory_space<hbm>>) dst(%dma_wait3A_100 : memref<120x128xf32, #tpu.memory_space<vmem>>)
    %mul3A_107 = arith.constant 1000 : i32
    %mul3A_108 = arith.muli %add3A, %mul3A_107 : i32
    %add3A_109 = arith.constant 960 : i32
    %add3A_110 = arith.addi %mul3A_108, %add3A_109 : i32
    "tpu.region"() ({
      %run_scoped3A_253 = tpu.sem_alloc : memref<!tpu.dma_semaphore, #tpu.memory_space<semaphore_mem>>
      %dma_start3A_254 = arith.constant 0 : i32
      %dma_start3A_255 = tpu.memref_slice %arg4[%add3A_110, %dma_start3A_254] : memref<32000x128xf32, #tpu.memory_space<hbm>> -> memref<40x128xf32, #tpu.memory_space<hbm>>
      %dma_start3A_256 = arith.constant 0 : i32
      %dma_start3A_257 = tpu.memref_slice %arg4[%add3A_110, %dma_start3A_256] : memref<32000x128xf32, #tpu.memory_space<hbm>> -> memref<40x128xf32, #tpu.memory_space<hbm>>
      tpu.enqueue_dma source(%dma_start3A_257 : memref<40x128xf32, #tpu.memory_space<hbm>>) target(%arg9 : memref<40x128xf32, #tpu.memory_space<vmem>>) target_semaphore(%run_scoped3A_253 : memref<!tpu.dma_semaphore, #tpu.memory_space<semaphore_mem>>)
      %dma_wait3A_258 = arith.constant 0 : i32
      %dma_wait3A_259 = tpu.memref_slice %arg4[%add3A_110, %dma_wait3A_258] : memref<32000x128xf32, #tpu.memory_space<hbm>> -> memref<40x128xf32, #tpu.memory_space<hbm>>
      %dma_wait3A_260 = arith.constant 0 : i32
      %dma_wait3A_261 = tpu.memref_slice %arg4[%add3A_110, %dma_wait3A_260] : memref<32000x128xf32, #tpu.memory_space<hbm>> -> memref<40x128xf32, #tpu.memory_space<hbm>>
      tpu.wait_dma2 semaphore(%run_scoped3A_253 : memref<!tpu.dma_semaphore, #tpu.memory_space<semaphore_mem>>) src(%dma_wait3A_261 : memref<40x128xf32, #tpu.memory_space<hbm>>) dst(%arg9 : memref<40x128xf32, #tpu.memory_space<vmem>>)
      tpu.yield
    }) : () -> ()
    %scan3A_111 = arith.constant 0 : i32
    %scan3A_112 = arith.constant 40 : i32
    %scan3A_113 = arith.addi %scan3A_111, %scan3A_112 : i32
    %scan3A_114 = arith.constant 1 : i32
    %scan3A_115:16 = scf.for %scan3A_253 = %scan3A_111 to %scan3A_113 step %scan3A_114 iter_args(%scan3A_254 = %scan3A_70#0, %scan3A_255 = %scan3A_70#1, %scan3A_256 = %scan3A_70#2, %scan3A_257 = %scan3A_70#3, %scan3A_258 = %scan3A_70#4, %scan3A_259 = %scan3A_70#5, %scan3A_260 = %scan3A_70#6, %scan3A_261 = %scan3A_70#7, %scan3A_262 = %scan3A_70#8, %scan3A_263 = %scan3A_70#9, %scan3A_264 = %scan3A_70#10, %scan3A_265 = %scan3A_70#11, %scan3A_266 = %scan3A_70#12, %scan3A_267 = %scan3A_70#13, %scan3A_268 = %scan3A_70#14, %scan3A_269 = %scan3A_70#15) -> (vector<16xf32>, vector<16xf32>, vector<16xf32>, vector<16xf32>, vector<16xf32>, vector<16xf32>, vector<16xf32>, vector<16xf32>, vector<16xf32>, vector<16xf32>, vector<16xf32>, vector<16xf32>, vector<16xf32>, vector<16xf32>, vector<16xf32>, vector<16xf32>)  : i32 {
      %mul3A_270 = arith.constant 9 : i32
      %mul3A_271 = arith.muli %scan3A_253, %mul3A_270 : i32
      %get3A = arith.index_cast %scan3A_253 : i32 to index
      %get3A_272 = arith.constant 0 : index
      %get3A_273 = tpu.vector_load %arg9[%get3A, %get3A_272] {strides = array<i32>} : memref<40x128xf32, #tpu.memory_space<vmem>>, vector<1x16xf32>,
      %get3A_274 = vector.shape_cast %get3A_273 : vector<1x16xf32> to vector<16xf32>
      %add3A_275 = arith.constant 0 : i32
      %add3A_276 = arith.addi %mul3A_271, %add3A_275 : i32
      %get3A_277 = arith.constant 0 : i32
      %get3A_278 = arith.index_cast %get3A_277 : i32 to index
      %get3A_279 = arith.index_cast %add3A_276 : i32 to index
      %get3A_280 = arith.constant 0 : index
      %get3A_281 = tpu.vector_load %arg8[%get3A_278, %get3A_279, %get3A_280] {strides = array<i32>} : memref<2x360x128xf32, #tpu.memory_space<vmem>>, vector<1x1x16xf32>,
      %get3A_282 = vector.shape_cast %get3A_281 : vector<1x1x16xf32> to vector<16xf32>
      %add3A_283 = arith.constant 1 : i32
      %add3A_284 = arith.addi %add3A_276, %add3A_283 : i32
      %get3A_285 = arith.constant 0 : i32
      %get3A_286 = arith.index_cast %get3A_285 : i32 to index
      %get3A_287 = arith.index_cast %add3A_284 : i32 to index
      %get3A_288 = arith.constant 0 : index
      %get3A_289 = tpu.vector_load %arg8[%get3A_286, %get3A_287, %get3A_288] {strides = array<i32>} : memref<2x360x128xf32, #tpu.memory_space<vmem>>, vector<1x1x16xf32>,
      %get3A_290 = vector.shape_cast %get3A_289 : vector<1x1x16xf32> to vector<16xf32>
      %add3A_291 = arith.addf %get3A_282, %get3A_290 : vector<16xf32>
      %add3A_292 = arith.constant 2 : i32
      %add3A_293 = arith.addi %add3A_276, %add3A_292 : i32
      %get3A_294 = arith.constant 0 : i32
      %get3A_295 = arith.index_cast %get3A_294 : i32 to index
      %get3A_296 = arith.index_cast %add3A_293 : i32 to index
      %get3A_297 = arith.constant 0 : index
      %get3A_298 = tpu.vector_load %arg8[%get3A_295, %get3A_296, %get3A_297] {strides = array<i32>} : memref<2x360x128xf32, #tpu.memory_space<vmem>>, vector<1x1x16xf32>,
      %get3A_299 = vector.shape_cast %get3A_298 : vector<1x1x16xf32> to vector<16xf32>
      %add3A_300 = arith.addf %add3A_291, %get3A_299 : vector<16xf32>
      %sub3A_301 = arith.subf %get3A_274, %add3A_300 : vector<16xf32>
      %swap3A_302 = arith.constant 0 : i32
      %swap3A_303 = arith.index_cast %swap3A_302 : i32 to index
      %swap3A_304 = arith.index_cast %scan3A_253 : i32 to index
      %swap3A_305 = arith.constant 0 : index
      %swap3A_306 = tpu.vector_load %arg10[%swap3A_303, %swap3A_304, %swap3A_305] {strides = array<i32>} : memref<3x40x128xf32, #tpu.memory_space<vmem>>, vector<1x1x16xf32>,
      %swap3A_307 = vector.shape_cast %swap3A_306 : vector<1x1x16xf32> to vector<16xf32>
      %swap3A_308 = vector.shape_cast %sub3A_301 : vector<16xf32> to vector<1x1x16xf32>
      tpu.vector_store %arg10[%swap3A_303, %swap3A_304, %swap3A_305], %swap3A_308 {strides = array<i32>} : memref<3x40x128xf32, #tpu.memory_space<vmem>>, vector<1x1x16xf32>,
      %add3A_309 = arith.addf %scan3A_254, %sub3A_301 : vector<16xf32>
      %mul3A_310 = arith.mulf %sub3A_301, %sub3A_301 : vector<16xf32>
      %add3A_311 = arith.addf %scan3A_262, %mul3A_310 : vector<16xf32>
      %add3A_312 = arith.constant 3 : i32
      %add3A_313 = arith.addi %mul3A_271, %add3A_312 : i32
      %get3A_314 = arith.constant 0 : i32
      %get3A_315 = arith.index_cast %get3A_314 : i32 to index
      %get3A_316 = arith.index_cast %add3A_313 : i32 to index
      %get3A_317 = arith.constant 0 : index
      %get3A_318 = tpu.vector_load %arg8[%get3A_315, %get3A_316, %get3A_317] {strides = array<i32>} : memref<2x360x128xf32, #tpu.memory_space<vmem>>, vector<1x1x16xf32>,
      %get3A_319 = vector.shape_cast %get3A_318 : vector<1x1x16xf32> to vector<16xf32>
      %add3A_320 = arith.constant 1 : i32
      %add3A_321 = arith.addi %add3A_313, %add3A_320 : i32
      %get3A_322 = arith.constant 0 : i32
      %get3A_323 = arith.index_cast %get3A_322 : i32 to index
      %get3A_324 = arith.index_cast %add3A_321 : i32 to index
      %get3A_325 = arith.constant 0 : index
      %get3A_326 = tpu.vector_load %arg8[%get3A_323, %get3A_324, %get3A_325] {strides = array<i32>} : memref<2x360x128xf32, #tpu.memory_space<vmem>>, vector<1x1x16xf32>,
      %get3A_327 = vector.shape_cast %get3A_326 : vector<1x1x16xf32> to vector<16xf32>
      %add3A_328 = arith.addf %get3A_319, %get3A_327 : vector<16xf32>
      %add3A_329 = arith.constant 2 : i32
      %add3A_330 = arith.addi %add3A_313, %add3A_329 : i32
      %get3A_331 = arith.constant 0 : i32
      %get3A_332 = arith.index_cast %get3A_331 : i32 to index
      %get3A_333 = arith.index_cast %add3A_330 : i32 to index
      %get3A_334 = arith.constant 0 : index
      %get3A_335 = tpu.vector_load %arg8[%get3A_332, %get3A_333, %get3A_334] {strides = array<i32>} : memref<2x360x128xf32, #tpu.memory_space<vmem>>, vector<1x1x16xf32>,
      %get3A_336 = vector.shape_cast %get3A_335 : vector<1x1x16xf32> to vector<16xf32>
      %add3A_337 = arith.addf %add3A_328, %get3A_336 : vector<16xf32>
      %sub3A_338 = arith.subf %get3A_274, %add3A_337 : vector<16xf32>
      %swap3A_339 = arith.constant 1 : i32
      %swap3A_340 = arith.index_cast %swap3A_339 : i32 to index
      %swap3A_341 = arith.index_cast %scan3A_253 : i32 to index
      %swap3A_342 = arith.constant 0 : index
      %swap3A_343 = tpu.vector_load %arg10[%swap3A_340, %swap3A_341, %swap3A_342] {strides = array<i32>} : memref<3x40x128xf32, #tpu.memory_space<vmem>>, vector<1x1x16xf32>,
      %swap3A_344 = vector.shape_cast %swap3A_343 : vector<1x1x16xf32> to vector<16xf32>
      %swap3A_345 = vector.shape_cast %sub3A_338 : vector<16xf32> to vector<1x1x16xf32>
      tpu.vector_store %arg10[%swap3A_340, %swap3A_341, %swap3A_342], %swap3A_345 {strides = array<i32>} : memref<3x40x128xf32, #tpu.memory_space<vmem>>, vector<1x1x16xf32>,
      %add3A_346 = arith.addf %add3A_309, %sub3A_338 : vector<16xf32>
      %mul3A_347 = arith.mulf %sub3A_338, %sub3A_338 : vector<16xf32>
      %add3A_348 = arith.addf %add3A_311, %mul3A_347 : vector<16xf32>
      %add3A_349 = arith.constant 6 : i32
      %add3A_350 = arith.addi %mul3A_271, %add3A_349 : i32
      %get3A_351 = arith.constant 0 : i32
      %get3A_352 = arith.index_cast %get3A_351 : i32 to index
      %get3A_353 = arith.index_cast %add3A_350 : i32 to index
      %get3A_354 = arith.constant 0 : index
      %get3A_355 = tpu.vector_load %arg8[%get3A_352, %get3A_353, %get3A_354] {strides = array<i32>} : memref<2x360x128xf32, #tpu.memory_space<vmem>>, vector<1x1x16xf32>,
      %get3A_356 = vector.shape_cast %get3A_355 : vector<1x1x16xf32> to vector<16xf32>
      %add3A_357 = arith.constant 1 : i32
      %add3A_358 = arith.addi %add3A_350, %add3A_357 : i32
      %get3A_359 = arith.constant 0 : i32
      %get3A_360 = arith.index_cast %get3A_359 : i32 to index
      %get3A_361 = arith.index_cast %add3A_358 : i32 to index
      %get3A_362 = arith.constant 0 : index
      %get3A_363 = tpu.vector_load %arg8[%get3A_360, %get3A_361, %get3A_362] {strides = array<i32>} : memref<2x360x128xf32, #tpu.memory_space<vmem>>, vector<1x1x16xf32>,
      %get3A_364 = vector.shape_cast %get3A_363 : vector<1x1x16xf32> to vector<16xf32>
      %add3A_365 = arith.addf %get3A_356, %get3A_364 : vector<16xf32>
      %add3A_366 = arith.constant 2 : i32
      %add3A_367 = arith.addi %add3A_350, %add3A_366 : i32
      %get3A_368 = arith.constant 0 : i32
      %get3A_369 = arith.index_cast %get3A_368 : i32 to index
      %get3A_370 = arith.index_cast %add3A_367 : i32 to index
      %get3A_371 = arith.constant 0 : index
      %get3A_372 = tpu.vector_load %arg8[%get3A_369, %get3A_370, %get3A_371] {strides = array<i32>} : memref<2x360x128xf32, #tpu.memory_space<vmem>>, vector<1x1x16xf32>,
      %get3A_373 = vector.shape_cast %get3A_372 : vector<1x1x16xf32> to vector<16xf32>
      %add3A_374 = arith.addf %add3A_365, %get3A_373 : vector<16xf32>
      %sub3A_375 = arith.subf %get3A_274, %add3A_374 : vector<16xf32>
      %swap3A_376 = arith.constant 2 : i32
      %swap3A_377 = arith.index_cast %swap3A_376 : i32 to index
      %swap3A_378 = arith.index_cast %scan3A_253 : i32 to index
      %swap3A_379 = arith.constant 0 : index
      %swap3A_380 = tpu.vector_load %arg10[%swap3A_377, %swap3A_378, %swap3A_379] {strides = array<i32>} : memref<3x40x128xf32, #tpu.memory_space<vmem>>, vector<1x1x16xf32>,
      %swap3A_381 = vector.shape_cast %swap3A_380 : vector<1x1x16xf32> to vector<16xf32>
      %swap3A_382 = vector.shape_cast %sub3A_375 : vector<16xf32> to vector<1x1x16xf32>
      tpu.vector_store %arg10[%swap3A_377, %swap3A_378, %swap3A_379], %swap3A_382 {strides = array<i32>} : memref<3x40x128xf32, #tpu.memory_space<vmem>>, vector<1x1x16xf32>,
      %add3A_383 = arith.addf %add3A_346, %sub3A_375 : vector<16xf32>
      %mul3A_384 = arith.mulf %sub3A_375, %sub3A_375 : vector<16xf32>
      %add3A_385 = arith.addf %add3A_348, %mul3A_384 : vector<16xf32>
      %get3A_386 = arith.index_cast %scan3A_253 : i32 to index
      %get3A_387 = arith.constant 16 : index
      %get3A_388 = tpu.vector_load %arg9[%get3A_386, %get3A_387] {strides = array<i32>} : memref<40x128xf32, #tpu.memory_space<vmem>>, vector<1x16xf32>,
      %get3A_389 = vector.shape_cast %get3A_388 : vector<1x16xf32> to vector<16xf32>
      %add3A_390 = arith.constant 0 : i32
      %add3A_391 = arith.addi %mul3A_271, %add3A_390 : i32
      %get3A_392 = arith.constant 0 : i32
      %get3A_393 = arith.index_cast %get3A_392 : i32 to index
      %get3A_394 = arith.index_cast %add3A_391 : i32 to index
      %get3A_395 = arith.constant 16 : index
      %get3A_396 = tpu.vector_load %arg8[%get3A_393, %get3A_394, %get3A_395] {strides = array<i32>} : memref<2x360x128xf32, #tpu.memory_space<vmem>>, vector<1x1x16xf32>,
      %get3A_397 = vector.shape_cast %get3A_396 : vector<1x1x16xf32> to vector<16xf32>
      %add3A_398 = arith.constant 1 : i32
      %add3A_399 = arith.addi %add3A_391, %add3A_398 : i32
      %get3A_400 = arith.constant 0 : i32
      %get3A_401 = arith.index_cast %get3A_400 : i32 to index
      %get3A_402 = arith.index_cast %add3A_399 : i32 to index
      %get3A_403 = arith.constant 16 : index
      %get3A_404 = tpu.vector_load %arg8[%get3A_401, %get3A_402, %get3A_403] {strides = array<i32>} : memref<2x360x128xf32, #tpu.memory_space<vmem>>, vector<1x1x16xf32>,
      %get3A_405 = vector.shape_cast %get3A_404 : vector<1x1x16xf32> to vector<16xf32>
      %add3A_406 = arith.addf %get3A_397, %get3A_405 : vector<16xf32>
      %add3A_407 = arith.constant 2 : i32
      %add3A_408 = arith.addi %add3A_391, %add3A_407 : i32
      %get3A_409 = arith.constant 0 : i32
      %get3A_410 = arith.index_cast %get3A_409 : i32 to index
      %get3A_411 = arith.index_cast %add3A_408 : i32 to index
      %get3A_412 = arith.constant 16 : index
      %get3A_413 = tpu.vector_load %arg8[%get3A_410, %get3A_411, %get3A_412] {strides = array<i32>} : memref<2x360x128xf32, #tpu.memory_space<vmem>>, vector<1x1x16xf32>,
      %get3A_414 = vector.shape_cast %get3A_413 : vector<1x1x16xf32> to vector<16xf32>
      %add3A_415 = arith.addf %add3A_406, %get3A_414 : vector<16xf32>
      %sub3A_416 = arith.subf %get3A_389, %add3A_415 : vector<16xf32>
      %swap3A_417 = arith.constant 0 : i32
      %swap3A_418 = arith.index_cast %swap3A_417 : i32 to index
      %swap3A_419 = arith.index_cast %scan3A_253 : i32 to index
      %swap3A_420 = arith.constant 16 : index
      %swap3A_421 = tpu.vector_load %arg10[%swap3A_418, %swap3A_419, %swap3A_420] {strides = array<i32>} : memref<3x40x128xf32, #tpu.memory_space<vmem>>, vector<1x1x16xf32>,
      %swap3A_422 = vector.shape_cast %swap3A_421 : vector<1x1x16xf32> to vector<16xf32>
      %swap3A_423 = vector.shape_cast %sub3A_416 : vector<16xf32> to vector<1x1x16xf32>
      tpu.vector_store %arg10[%swap3A_418, %swap3A_419, %swap3A_420], %swap3A_423 {strides = array<i32>} : memref<3x40x128xf32, #tpu.memory_space<vmem>>, vector<1x1x16xf32>,
      %add3A_424 = arith.addf %scan3A_255, %sub3A_416 : vector<16xf32>
      %mul3A_425 = arith.mulf %sub3A_416, %sub3A_416 : vector<16xf32>
      %add3A_426 = arith.addf %scan3A_263, %mul3A_425 : vector<16xf32>
      %add3A_427 = arith.constant 3 : i32
      %add3A_428 = arith.addi %mul3A_271, %add3A_427 : i32
      %get3A_429 = arith.constant 0 : i32
      %get3A_430 = arith.index_cast %get3A_429 : i32 to index
      %get3A_431 = arith.index_cast %add3A_428 : i32 to index
      %get3A_432 = arith.constant 16 : index
      %get3A_433 = tpu.vector_load %arg8[%get3A_430, %get3A_431, %get3A_432] {strides = array<i32>} : memref<2x360x128xf32, #tpu.memory_space<vmem>>, vector<1x1x16xf32>,
      %get3A_434 = vector.shape_cast %get3A_433 : vector<1x1x16xf32> to vector<16xf32>
      %add3A_435 = arith.constant 1 : i32
      %add3A_436 = arith.addi %add3A_428, %add3A_435 : i32
      %get3A_437 = arith.constant 0 : i32
      %get3A_438 = arith.index_cast %get3A_437 : i32 to index
      %get3A_439 = arith.index_cast %add3A_436 : i32 to index
      %get3A_440 = arith.constant 16 : index
      %get3A_441 = tpu.vector_load %arg8[%get3A_438, %get3A_439, %get3A_440] {strides = array<i32>} : memref<2x360x128xf32, #tpu.memory_space<vmem>>, vector<1x1x16xf32>,
      %get3A_442 = vector.shape_cast %get3A_441 : vector<1x1x16xf32> to vector<16xf32>
      %add3A_443 = arith.addf %get3A_434, %get3A_442 : vector<16xf32>
      %add3A_444 = arith.constant 2 : i32
      %add3A_445 = arith.addi %add3A_428, %add3A_444 : i32
      %get3A_446 = arith.constant 0 : i32
      %get3A_447 = arith.index_cast %get3A_446 : i32 to index
      %get3A_448 = arith.index_cast %add3A_445 : i32 to index
      %get3A_449 = arith.constant 16 : index
      %get3A_450 = tpu.vector_load %arg8[%get3A_447, %get3A_448, %get3A_449] {strides = array<i32>} : memref<2x360x128xf32, #tpu.memory_space<vmem>>, vector<1x1x16xf32>,
      %get3A_451 = vector.shape_cast %get3A_450 : vector<1x1x16xf32> to vector<16xf32>
      %add3A_452 = arith.addf %add3A_443, %get3A_451 : vector<16xf32>
      %sub3A_453 = arith.subf %get3A_389, %add3A_452 : vector<16xf32>
      %swap3A_454 = arith.constant 1 : i32
      %swap3A_455 = arith.index_cast %swap3A_454 : i32 to index
      %swap3A_456 = arith.index_cast %scan3A_253 : i32 to index
      %swap3A_457 = arith.constant 16 : index
      %swap3A_458 = tpu.vector_load %arg10[%swap3A_455, %swap3A_456, %swap3A_457] {strides = array<i32>} : memref<3x40x128xf32, #tpu.memory_space<vmem>>, vector<1x1x16xf32>,
      %swap3A_459 = vector.shape_cast %swap3A_458 : vector<1x1x16xf32> to vector<16xf32>
      %swap3A_460 = vector.shape_cast %sub3A_453 : vector<16xf32> to vector<1x1x16xf32>
      tpu.vector_store %arg10[%swap3A_455, %swap3A_456, %swap3A_457], %swap3A_460 {strides = array<i32>} : memref<3x40x128xf32, #tpu.memory_space<vmem>>, vector<1x1x16xf32>,
      %add3A_461 = arith.addf %add3A_424, %sub3A_453 : vector<16xf32>
      %mul3A_462 = arith.mulf %sub3A_453, %sub3A_453 : vector<16xf32>
      %add3A_463 = arith.addf %add3A_426, %mul3A_462 : vector<16xf32>
      %add3A_464 = arith.constant 6 : i32
      %add3A_465 = arith.addi %mul3A_271, %add3A_464 : i32
      %get3A_466 = arith.constant 0 : i32
      %get3A_467 = arith.index_cast %get3A_466 : i32 to index
      %get3A_468 = arith.index_cast %add3A_465 : i32 to index
      %get3A_469 = arith.constant 16 : index
      %get3A_470 = tpu.vector_load %arg8[%get3A_467, %get3A_468, %get3A_469] {strides = array<i32>} : memref<2x360x128xf32, #tpu.memory_space<vmem>>, vector<1x1x16xf32>,
      %get3A_471 = vector.shape_cast %get3A_470 : vector<1x1x16xf32> to vector<16xf32>
      %add3A_472 = arith.constant 1 : i32
      %add3A_473 = arith.addi %add3A_465, %add3A_472 : i32
      %get3A_474 = arith.constant 0 : i32
      %get3A_475 = arith.index_cast %get3A_474 : i32 to index
      %get3A_476 = arith.index_cast %add3A_473 : i32 to index
      %get3A_477 = arith.constant 16 : index
      %get3A_478 = tpu.vector_load %arg8[%get3A_475, %get3A_476, %get3A_477] {strides = array<i32>} : memref<2x360x128xf32, #tpu.memory_space<vmem>>, vector<1x1x16xf32>,
      %get3A_479 = vector.shape_cast %get3A_478 : vector<1x1x16xf32> to vector<16xf32>
      %add3A_480 = arith.addf %get3A_471, %get3A_479 : vector<16xf32>
      %add3A_481 = arith.constant 2 : i32
      %add3A_482 = arith.addi %add3A_465, %add3A_481 : i32
      %get3A_483 = arith.constant 0 : i32
      %get3A_484 = arith.index_cast %get3A_483 : i32 to index
      %get3A_485 = arith.index_cast %add3A_482 : i32 to index
      %get3A_486 = arith.constant 16 : index
      %get3A_487 = tpu.vector_load %arg8[%get3A_484, %get3A_485, %get3A_486] {strides = array<i32>} : memref<2x360x128xf32, #tpu.memory_space<vmem>>, vector<1x1x16xf32>,
      %get3A_488 = vector.shape_cast %get3A_487 : vector<1x1x16xf32> to vector<16xf32>
      %add3A_489 = arith.addf %add3A_480, %get3A_488 : vector<16xf32>
      %sub3A_490 = arith.subf %get3A_389, %add3A_489 : vector<16xf32>
      %swap3A_491 = arith.constant 2 : i32
      %swap3A_492 = arith.index_cast %swap3A_491 : i32 to index
      %swap3A_493 = arith.index_cast %scan3A_253 : i32 to index
      %swap3A_494 = arith.constant 16 : index
      %swap3A_495 = tpu.vector_load %arg10[%swap3A_492, %swap3A_493, %swap3A_494] {strides = array<i32>} : memref<3x40x128xf32, #tpu.memory_space<vmem>>, vector<1x1x16xf32>,
      %swap3A_496 = vector.shape_cast %swap3A_495 : vector<1x1x16xf32> to vector<16xf32>
      %swap3A_497 = vector.shape_cast %sub3A_490 : vector<16xf32> to vector<1x1x16xf32>
      tpu.vector_store %arg10[%swap3A_492, %swap3A_493, %swap3A_494], %swap3A_497 {strides = array<i32>} : memref<3x40x128xf32, #tpu.memory_space<vmem>>, vector<1x1x16xf32>,
      %add3A_498 = arith.addf %add3A_461, %sub3A_490 : vector<16xf32>
      %mul3A_499 = arith.mulf %sub3A_490, %sub3A_490 : vector<16xf32>
      %add3A_500 = arith.addf %add3A_463, %mul3A_499 : vector<16xf32>
      %get3A_501 = arith.index_cast %scan3A_253 : i32 to index
      %get3A_502 = arith.constant 32 : index
      %get3A_503 = tpu.vector_load %arg9[%get3A_501, %get3A_502] {strides = array<i32>} : memref<40x128xf32, #tpu.memory_space<vmem>>, vector<1x16xf32>,
      %get3A_504 = vector.shape_cast %get3A_503 : vector<1x16xf32> to vector<16xf32>
      %add3A_505 = arith.constant 0 : i32
      %add3A_506 = arith.addi %mul3A_271, %add3A_505 : i32
      %get3A_507 = arith.constant 0 : i32
      %get3A_508 = arith.index_cast %get3A_507 : i32 to index
      %get3A_509 = arith.index_cast %add3A_506 : i32 to index
      %get3A_510 = arith.constant 32 : index
      %get3A_511 = tpu.vector_load %arg8[%get3A_508, %get3A_509, %get3A_510] {strides = array<i32>} : memref<2x360x128xf32, #tpu.memory_space<vmem>>, vector<1x1x16xf32>,
      %get3A_512 = vector.shape_cast %get3A_511 : vector<1x1x16xf32> to vector<16xf32>
      %add3A_513 = arith.constant 1 : i32
      %add3A_514 = arith.addi %add3A_506, %add3A_513 : i32
      %get3A_515 = arith.constant 0 : i32
      %get3A_516 = arith.index_cast %get3A_515 : i32 to index
      %get3A_517 = arith.index_cast %add3A_514 : i32 to index
      %get3A_518 = arith.constant 32 : index
      %get3A_519 = tpu.vector_load %arg8[%get3A_516, %get3A_517, %get3A_518] {strides = array<i32>} : memref<2x360x128xf32, #tpu.memory_space<vmem>>, vector<1x1x16xf32>,
      %get3A_520 = vector.shape_cast %get3A_519 : vector<1x1x16xf32> to vector<16xf32>
      %add3A_521 = arith.addf %get3A_512, %get3A_520 : vector<16xf32>
      %add3A_522 = arith.constant 2 : i32
      %add3A_523 = arith.addi %add3A_506, %add3A_522 : i32
      %get3A_524 = arith.constant 0 : i32
      %get3A_525 = arith.index_cast %get3A_524 : i32 to index
      %get3A_526 = arith.index_cast %add3A_523 : i32 to index
      %get3A_527 = arith.constant 32 : index
      %get3A_528 = tpu.vector_load %arg8[%get3A_525, %get3A_526, %get3A_527] {strides = array<i32>} : memref<2x360x128xf32, #tpu.memory_space<vmem>>, vector<1x1x16xf32>,
      %get3A_529 = vector.shape_cast %get3A_528 : vector<1x1x16xf32> to vector<16xf32>
      %add3A_530 = arith.addf %add3A_521, %get3A_529 : vector<16xf32>
      %sub3A_531 = arith.subf %get3A_504, %add3A_530 : vector<16xf32>
      %swap3A_532 = arith.constant 0 : i32
      %swap3A_533 = arith.index_cast %swap3A_532 : i32 to index
      %swap3A_534 = arith.index_cast %scan3A_253 : i32 to index
      %swap3A_535 = arith.constant 32 : index
      %swap3A_536 = tpu.vector_load %arg10[%swap3A_533, %swap3A_534, %swap3A_535] {strides = array<i32>} : memref<3x40x128xf32, #tpu.memory_space<vmem>>, vector<1x1x16xf32>,
      %swap3A_537 = vector.shape_cast %swap3A_536 : vector<1x1x16xf32> to vector<16xf32>
      %swap3A_538 = vector.shape_cast %sub3A_531 : vector<16xf32> to vector<1x1x16xf32>
      tpu.vector_store %arg10[%swap3A_533, %swap3A_534, %swap3A_535], %swap3A_538 {strides = array<i32>} : memref<3x40x128xf32, #tpu.memory_space<vmem>>, vector<1x1x16xf32>,
      %add3A_539 = arith.addf %scan3A_256, %sub3A_531 : vector<16xf32>
      %mul3A_540 = arith.mulf %sub3A_531, %sub3A_531 : vector<16xf32>
      %add3A_541 = arith.addf %scan3A_264, %mul3A_540 : vector<16xf32>
      %add3A_542 = arith.constant 3 : i32
      %add3A_543 = arith.addi %mul3A_271, %add3A_542 : i32
      %get3A_544 = arith.constant 0 : i32
      %get3A_545 = arith.index_cast %get3A_544 : i32 to index
      %get3A_546 = arith.index_cast %add3A_543 : i32 to index
      %get3A_547 = arith.constant 32 : index
      %get3A_548 = tpu.vector_load %arg8[%get3A_545, %get3A_546, %get3A_547] {strides = array<i32>} : memref<2x360x128xf32, #tpu.memory_space<vmem>>, vector<1x1x16xf32>,
      %get3A_549 = vector.shape_cast %get3A_548 : vector<1x1x16xf32> to vector<16xf32>
      %add3A_550 = arith.constant 1 : i32
      %add3A_551 = arith.addi %add3A_543, %add3A_550 : i32
      %get3A_552 = arith.constant 0 : i32
      %get3A_553 = arith.index_cast %get3A_552 : i32 to index
      %get3A_554 = arith.index_cast %add3A_551 : i32 to index
      %get3A_555 = arith.constant 32 : index
      %get3A_556 = tpu.vector_load %arg8[%get3A_553, %get3A_554, %get3A_555] {strides = array<i32>} : memref<2x360x128xf32, #tpu.memory_space<vmem>>, vector<1x1x16xf32>,
      %get3A_557 = vector.shape_cast %get3A_556 : vector<1x1x16xf32> to vector<16xf32>
      %add3A_558 = arith.addf %get3A_549, %get3A_557 : vector<16xf32>
      %add3A_559 = arith.constant 2 : i32
      %add3A_560 = arith.addi %add3A_543, %add3A_559 : i32
      %get3A_561 = arith.constant 0 : i32
      %get3A_562 = arith.index_cast %get3A_561 : i32 to index
      %get3A_563 = arith.index_cast %add3A_560 : i32 to index
      %get3A_564 = arith.constant 32 : index
      %get3A_565 = tpu.vector_load %arg8[%get3A_562, %get3A_563, %get3A_564] {strides = array<i32>} : memref<2x360x128xf32, #tpu.memory_space<vmem>>, vector<1x1x16xf32>,
      %get3A_566 = vector.shape_cast %get3A_565 : vector<1x1x16xf32> to vector<16xf32>
      %add3A_567 = arith.addf %add3A_558, %get3A_566 : vector<16xf32>
      %sub3A_568 = arith.subf %get3A_504, %add3A_567 : vector<16xf32>
      %swap3A_569 = arith.constant 1 : i32
      %swap3A_570 = arith.index_cast %swap3A_569 : i32 to index
      %swap3A_571 = arith.index_cast %scan3A_253 : i32 to index
      %swap3A_572 = arith.constant 32 : index
      %swap3A_573 = tpu.vector_load %arg10[%swap3A_570, %swap3A_571, %swap3A_572] {strides = array<i32>} : memref<3x40x128xf32, #tpu.memory_space<vmem>>, vector<1x1x16xf32>,
      %swap3A_574 = vector.shape_cast %swap3A_573 : vector<1x1x16xf32> to vector<16xf32>
      %swap3A_575 = vector.shape_cast %sub3A_568 : vector<16xf32> to vector<1x1x16xf32>
      tpu.vector_store %arg10[%swap3A_570, %swap3A_571, %swap3A_572], %swap3A_575 {strides = array<i32>} : memref<3x40x128xf32, #tpu.memory_space<vmem>>, vector<1x1x16xf32>,
      %add3A_576 = arith.addf %add3A_539, %sub3A_568 : vector<16xf32>
      %mul3A_577 = arith.mulf %sub3A_568, %sub3A_568 : vector<16xf32>
      %add3A_578 = arith.addf %add3A_541, %mul3A_577 : vector<16xf32>
      %add3A_579 = arith.constant 6 : i32
      %add3A_580 = arith.addi %mul3A_271, %add3A_579 : i32
      %get3A_581 = arith.constant 0 : i32
      %get3A_582 = arith.index_cast %get3A_581 : i32 to index
      %get3A_583 = arith.index_cast %add3A_580 : i32 to index
      %get3A_584 = arith.constant 32 : index
      %get3A_585 = tpu.vector_load %arg8[%get3A_582, %get3A_583, %get3A_584] {strides = array<i32>} : memref<2x360x128xf32, #tpu.memory_space<vmem>>, vector<1x1x16xf32>,
      %get3A_586 = vector.shape_cast %get3A_585 : vector<1x1x16xf32> to vector<16xf32>
      %add3A_587 = arith.constant 1 : i32
      %add3A_588 = arith.addi %add3A_580, %add3A_587 : i32
      %get3A_589 = arith.constant 0 : i32
      %get3A_590 = arith.index_cast %get3A_589 : i32 to index
      %get3A_591 = arith.index_cast %add3A_588 : i32 to index
      %get3A_592 = arith.constant 32 : index
      %get3A_593 = tpu.vector_load %arg8[%get3A_590, %get3A_591, %get3A_592] {strides = array<i32>} : memref<2x360x128xf32, #tpu.memory_space<vmem>>, vector<1x1x16xf32>,
      %get3A_594 = vector.shape_cast %get3A_593 : vector<1x1x16xf32> to vector<16xf32>
      %add3A_595 = arith.addf %get3A_586, %get3A_594 : vector<16xf32>
      %add3A_596 = arith.constant 2 : i32
      %add3A_597 = arith.addi %add3A_580, %add3A_596 : i32
      %get3A_598 = arith.constant 0 : i32
      %get3A_599 = arith.index_cast %get3A_598 : i32 to index
      %get3A_600 = arith.index_cast %add3A_597 : i32 to index
      %get3A_601 = arith.constant 32 : index
      %get3A_602 = tpu.vector_load %arg8[%get3A_599, %get3A_600, %get3A_601] {strides = array<i32>} : memref<2x360x128xf32, #tpu.memory_space<vmem>>, vector<1x1x16xf32>,
      %get3A_603 = vector.shape_cast %get3A_602 : vector<1x1x16xf32> to vector<16xf32>
      %add3A_604 = arith.addf %add3A_595, %get3A_603 : vector<16xf32>
      %sub3A_605 = arith.subf %get3A_504, %add3A_604 : vector<16xf32>
      %swap3A_606 = arith.constant 2 : i32
      %swap3A_607 = arith.index_cast %swap3A_606 : i32 to index
      %swap3A_608 = arith.index_cast %scan3A_253 : i32 to index
      %swap3A_609 = arith.constant 32 : index
      %swap3A_610 = tpu.vector_load %arg10[%swap3A_607, %swap3A_608, %swap3A_609] {strides = array<i32>} : memref<3x40x128xf32, #tpu.memory_space<vmem>>, vector<1x1x16xf32>,
      %swap3A_611 = vector.shape_cast %swap3A_610 : vector<1x1x16xf32> to vector<16xf32>
      %swap3A_612 = vector.shape_cast %sub3A_605 : vector<16xf32> to vector<1x1x16xf32>
      tpu.vector_store %arg10[%swap3A_607, %swap3A_608, %swap3A_609], %swap3A_612 {strides = array<i32>} : memref<3x40x128xf32, #tpu.memory_space<vmem>>, vector<1x1x16xf32>,
      %add3A_613 = arith.addf %add3A_576, %sub3A_605 : vector<16xf32>
      %mul3A_614 = arith.mulf %sub3A_605, %sub3A_605 : vector<16xf32>
      %add3A_615 = arith.addf %add3A_578, %mul3A_614 : vector<16xf32>
      %get3A_616 = arith.index_cast %scan3A_253 : i32 to index
      %get3A_617 = arith.constant 48 : index
      %get3A_618 = tpu.vector_load %arg9[%get3A_616, %get3A_617] {strides = array<i32>} : memref<40x128xf32, #tpu.memory_space<vmem>>, vector<1x16xf32>,
      %get3A_619 = vector.shape_cast %get3A_618 : vector<1x16xf32> to vector<16xf32>
      %add3A_620 = arith.constant 0 : i32
      %add3A_621 = arith.addi %mul3A_271, %add3A_620 : i32
      %get3A_622 = arith.constant 0 : i32
      %get3A_623 = arith.index_cast %get3A_622 : i32 to index
      %get3A_624 = arith.index_cast %add3A_621 : i32 to index
      %get3A_625 = arith.constant 48 : index
      %get3A_626 = tpu.vector_load %arg8[%get3A_623, %get3A_624, %get3A_625] {strides = array<i32>} : memref<2x360x128xf32, #tpu.memory_space<vmem>>, vector<1x1x16xf32>,
      %get3A_627 = vector.shape_cast %get3A_626 : vector<1x1x16xf32> to vector<16xf32>
      %add3A_628 = arith.constant 1 : i32
      %add3A_629 = arith.addi %add3A_621, %add3A_628 : i32
      %get3A_630 = arith.constant 0 : i32
      %get3A_631 = arith.index_cast %get3A_630 : i32 to index
      %get3A_632 = arith.index_cast %add3A_629 : i32 to index
      %get3A_633 = arith.constant 48 : index
      %get3A_634 = tpu.vector_load %arg8[%get3A_631, %get3A_632, %get3A_633] {strides = array<i32>} : memref<2x360x128xf32, #tpu.memory_space<vmem>>, vector<1x1x16xf32>,
      %get3A_635 = vector.shape_cast %get3A_634 : vector<1x1x16xf32> to vector<16xf32>
      %add3A_636 = arith.addf %get3A_627, %get3A_635 : vector<16xf32>
      %add3A_637 = arith.constant 2 : i32
      %add3A_638 = arith.addi %add3A_621, %add3A_637 : i32
      %get3A_639 = arith.constant 0 : i32
      %get3A_640 = arith.index_cast %get3A_639 : i32 to index
      %get3A_641 = arith.index_cast %add3A_638 : i32 to index
      %get3A_642 = arith.constant 48 : index
      %get3A_643 = tpu.vector_load %arg8[%get3A_640, %get3A_641, %get3A_642] {strides = array<i32>} : memref<2x360x128xf32, #tpu.memory_space<vmem>>, vector<1x1x16xf32>,
      %get3A_644 = vector.shape_cast %get3A_643 : vector<1x1x16xf32> to vector<16xf32>
      %add3A_645 = arith.addf %add3A_636, %get3A_644 : vector<16xf32>
      %sub3A_646 = arith.subf %get3A_619, %add3A_645 : vector<16xf32>
      %swap3A_647 = arith.constant 0 : i32
      %swap3A_648 = arith.index_cast %swap3A_647 : i32 to index
      %swap3A_649 = arith.index_cast %scan3A_253 : i32 to index
      %swap3A_650 = arith.constant 48 : index
      %swap3A_651 = tpu.vector_load %arg10[%swap3A_648, %swap3A_649, %swap3A_650] {strides = array<i32>} : memref<3x40x128xf32, #tpu.memory_space<vmem>>, vector<1x1x16xf32>,
      %swap3A_652 = vector.shape_cast %swap3A_651 : vector<1x1x16xf32> to vector<16xf32>
      %swap3A_653 = vector.shape_cast %sub3A_646 : vector<16xf32> to vector<1x1x16xf32>
      tpu.vector_store %arg10[%swap3A_648, %swap3A_649, %swap3A_650], %swap3A_653 {strides = array<i32>} : memref<3x40x128xf32, #tpu.memory_space<vmem>>, vector<1x1x16xf32>,
      %add3A_654 = arith.addf %scan3A_257, %sub3A_646 : vector<16xf32>
      %mul3A_655 = arith.mulf %sub3A_646, %sub3A_646 : vector<16xf32>
      %add3A_656 = arith.addf %scan3A_265, %mul3A_655 : vector<16xf32>
      %add3A_657 = arith.constant 3 : i32
      %add3A_658 = arith.addi %mul3A_271, %add3A_657 : i32
      %get3A_659 = arith.constant 0 : i32
      %get3A_660 = arith.index_cast %get3A_659 : i32 to index
      %get3A_661 = arith.index_cast %add3A_658 : i32 to index
      %get3A_662 = arith.constant 48 : index
      %get3A_663 = tpu.vector_load %arg8[%get3A_660, %get3A_661, %get3A_662] {strides = array<i32>} : memref<2x360x128xf32, #tpu.memory_space<vmem>>, vector<1x1x16xf32>,
      %get3A_664 = vector.shape_cast %get3A_663 : vector<1x1x16xf32> to vector<16xf32>
      %add3A_665 = arith.constant 1 : i32
      %add3A_666 = arith.addi %add3A_658, %add3A_665 : i32
      %get3A_667 = arith.constant 0 : i32
      %get3A_668 = arith.index_cast %get3A_667 : i32 to index
      %get3A_669 = arith.index_cast %add3A_666 : i32 to index
      %get3A_670 = arith.constant 48 : index
      %get3A_671 = tpu.vector_load %arg8[%get3A_668, %get3A_669, %get3A_670] {strides = array<i32>} : memref<2x360x128xf32, #tpu.memory_space<vmem>>, vector<1x1x16xf32>,
      %get3A_672 = vector.shape_cast %get3A_671 : vector<1x1x16xf32> to vector<16xf32>
      %add3A_673 = arith.addf %get3A_664, %get3A_672 : vector<16xf32>
      %add3A_674 = arith.constant 2 : i32
      %add3A_675 = arith.addi %add3A_658, %add3A_674 : i32
      %get3A_676 = arith.constant 0 : i32
      %get3A_677 = arith.index_cast %get3A_676 : i32 to index
      %get3A_678 = arith.index_cast %add3A_675 : i32 to index
      %get3A_679 = arith.constant 48 : index
      %get3A_680 = tpu.vector_load %arg8[%get3A_677, %get3A_678, %get3A_679] {strides = array<i32>} : memref<2x360x128xf32, #tpu.memory_space<vmem>>, vector<1x1x16xf32>,
      %get3A_681 = vector.shape_cast %get3A_680 : vector<1x1x16xf32> to vector<16xf32>
      %add3A_682 = arith.addf %add3A_673, %get3A_681 : vector<16xf32>
      %sub3A_683 = arith.subf %get3A_619, %add3A_682 : vector<16xf32>
      %swap3A_684 = arith.constant 1 : i32
      %swap3A_685 = arith.index_cast %swap3A_684 : i32 to index
      %swap3A_686 = arith.index_cast %scan3A_253 : i32 to index
      %swap3A_687 = arith.constant 48 : index
      %swap3A_688 = tpu.vector_load %arg10[%swap3A_685, %swap3A_686, %swap3A_687] {strides = array<i32>} : memref<3x40x128xf32, #tpu.memory_space<vmem>>, vector<1x1x16xf32>,
      %swap3A_689 = vector.shape_cast %swap3A_688 : vector<1x1x16xf32> to vector<16xf32>
      %swap3A_690 = vector.shape_cast %sub3A_683 : vector<16xf32> to vector<1x1x16xf32>
      tpu.vector_store %arg10[%swap3A_685, %swap3A_686, %swap3A_687], %swap3A_690 {strides = array<i32>} : memref<3x40x128xf32, #tpu.memory_space<vmem>>, vector<1x1x16xf32>,
      %add3A_691 = arith.addf %add3A_654, %sub3A_683 : vector<16xf32>
      %mul3A_692 = arith.mulf %sub3A_683, %sub3A_683 : vector<16xf32>
      %add3A_693 = arith.addf %add3A_656, %mul3A_692 : vector<16xf32>
      %add3A_694 = arith.constant 6 : i32
      %add3A_695 = arith.addi %mul3A_271, %add3A_694 : i32
      %get3A_696 = arith.constant 0 : i32
      %get3A_697 = arith.index_cast %get3A_696 : i32 to index
      %get3A_698 = arith.index_cast %add3A_695 : i32 to index
      %get3A_699 = arith.constant 48 : index
      %get3A_700 = tpu.vector_load %arg8[%get3A_697, %get3A_698, %get3A_699] {strides = array<i32>} : memref<2x360x128xf32, #tpu.memory_space<vmem>>, vector<1x1x16xf32>,
      %get3A_701 = vector.shape_cast %get3A_700 : vector<1x1x16xf32> to vector<16xf32>
      %add3A_702 = arith.constant 1 : i32
      %add3A_703 = arith.addi %add3A_695, %add3A_702 : i32
      %get3A_704 = arith.constant 0 : i32
      %get3A_705 = arith.index_cast %get3A_704 : i32 to index
      %get3A_706 = arith.index_cast %add3A_703 : i32 to index
      %get3A_707 = arith.constant 48 : index
      %get3A_708 = tpu.vector_load %arg8[%get3A_705, %get3A_706, %get3A_707] {strides = array<i32>} : memref<2x360x128xf32, #tpu.memory_space<vmem>>, vector<1x1x16xf32>,
      %get3A_709 = vector.shape_cast %get3A_708 : vector<1x1x16xf32> to vector<16xf32>
      %add3A_710 = arith.addf %get3A_701, %get3A_709 : vector<16xf32>
      %add3A_711 = arith.constant 2 : i32
      %add3A_712 = arith.addi %add3A_695, %add3A_711 : i32
      %get3A_713 = arith.constant 0 : i32
      %get3A_714 = arith.index_cast %get3A_713 : i32 to index
      %get3A_715 = arith.index_cast %add3A_712 : i32 to index
      %get3A_716 = arith.constant 48 : index
      %get3A_717 = tpu.vector_load %arg8[%get3A_714, %get3A_715, %get3A_716] {strides = array<i32>} : memref<2x360x128xf32, #tpu.memory_space<vmem>>, vector<1x1x16xf32>,
      %get3A_718 = vector.shape_cast %get3A_717 : vector<1x1x16xf32> to vector<16xf32>
      %add3A_719 = arith.addf %add3A_710, %get3A_718 : vector<16xf32>
      %sub3A_720 = arith.subf %get3A_619, %add3A_719 : vector<16xf32>
      %swap3A_721 = arith.constant 2 : i32
      %swap3A_722 = arith.index_cast %swap3A_721 : i32 to index
      %swap3A_723 = arith.index_cast %scan3A_253 : i32 to index
      %swap3A_724 = arith.constant 48 : index
      %swap3A_725 = tpu.vector_load %arg10[%swap3A_722, %swap3A_723, %swap3A_724] {strides = array<i32>} : memref<3x40x128xf32, #tpu.memory_space<vmem>>, vector<1x1x16xf32>,
      %swap3A_726 = vector.shape_cast %swap3A_725 : vector<1x1x16xf32> to vector<16xf32>
      %swap3A_727 = vector.shape_cast %sub3A_720 : vector<16xf32> to vector<1x1x16xf32>
      tpu.vector_store %arg10[%swap3A_722, %swap3A_723, %swap3A_724], %swap3A_727 {strides = array<i32>} : memref<3x40x128xf32, #tpu.memory_space<vmem>>, vector<1x1x16xf32>,
      %add3A_728 = arith.addf %add3A_691, %sub3A_720 : vector<16xf32>
      %mul3A_729 = arith.mulf %sub3A_720, %sub3A_720 : vector<16xf32>
      %add3A_730 = arith.addf %add3A_693, %mul3A_729 : vector<16xf32>
      %get3A_731 = arith.index_cast %scan3A_253 : i32 to index
      %get3A_732 = arith.constant 64 : index
      %get3A_733 = tpu.vector_load %arg9[%get3A_731, %get3A_732] {strides = array<i32>} : memref<40x128xf32, #tpu.memory_space<vmem>>, vector<1x16xf32>,
      %get3A_734 = vector.shape_cast %get3A_733 : vector<1x16xf32> to vector<16xf32>
      %add3A_735 = arith.constant 0 : i32
      %add3A_736 = arith.addi %mul3A_271, %add3A_735 : i32
      %get3A_737 = arith.constant 0 : i32
      %get3A_738 = arith.index_cast %get3A_737 : i32 to index
      %get3A_739 = arith.index_cast %add3A_736 : i32 to index
      %get3A_740 = arith.constant 64 : index
      %get3A_741 = tpu.vector_load %arg8[%get3A_738, %get3A_739, %get3A_740] {strides = array<i32>} : memref<2x360x128xf32, #tpu.memory_space<vmem>>, vector<1x1x16xf32>,
      %get3A_742 = vector.shape_cast %get3A_741 : vector<1x1x16xf32> to vector<16xf32>
      %add3A_743 = arith.constant 1 : i32
      %add3A_744 = arith.addi %add3A_736, %add3A_743 : i32
      %get3A_745 = arith.constant 0 : i32
      %get3A_746 = arith.index_cast %get3A_745 : i32 to index
      %get3A_747 = arith.index_cast %add3A_744 : i32 to index
      %get3A_748 = arith.constant 64 : index
      %get3A_749 = tpu.vector_load %arg8[%get3A_746, %get3A_747, %get3A_748] {strides = array<i32>} : memref<2x360x128xf32, #tpu.memory_space<vmem>>, vector<1x1x16xf32>,
      %get3A_750 = vector.shape_cast %get3A_749 : vector<1x1x16xf32> to vector<16xf32>
      %add3A_751 = arith.addf %get3A_742, %get3A_750 : vector<16xf32>
      %add3A_752 = arith.constant 2 : i32
      %add3A_753 = arith.addi %add3A_736, %add3A_752 : i32
      %get3A_754 = arith.constant 0 : i32
      %get3A_755 = arith.index_cast %get3A_754 : i32 to index
      %get3A_756 = arith.index_cast %add3A_753 : i32 to index
      %get3A_757 = arith.constant 64 : index
      %get3A_758 = tpu.vector_load %arg8[%get3A_755, %get3A_756, %get3A_757] {strides = array<i32>} : memref<2x360x128xf32, #tpu.memory_space<vmem>>, vector<1x1x16xf32>,
      %get3A_759 = vector.shape_cast %get3A_758 : vector<1x1x16xf32> to vector<16xf32>
      %add3A_760 = arith.addf %add3A_751, %get3A_759 : vector<16xf32>
      %sub3A_761 = arith.subf %get3A_734, %add3A_760 : vector<16xf32>
      %swap3A_762 = arith.constant 0 : i32
      %swap3A_763 = arith.index_cast %swap3A_762 : i32 to index
      %swap3A_764 = arith.index_cast %scan3A_253 : i32 to index
      %swap3A_765 = arith.constant 64 : index
      %swap3A_766 = tpu.vector_load %arg10[%swap3A_763, %swap3A_764, %swap3A_765] {strides = array<i32>} : memref<3x40x128xf32, #tpu.memory_space<vmem>>, vector<1x1x16xf32>,
      %swap3A_767 = vector.shape_cast %swap3A_766 : vector<1x1x16xf32> to vector<16xf32>
      %swap3A_768 = vector.shape_cast %sub3A_761 : vector<16xf32> to vector<1x1x16xf32>
      tpu.vector_store %arg10[%swap3A_763, %swap3A_764, %swap3A_765], %swap3A_768 {strides = array<i32>} : memref<3x40x128xf32, #tpu.memory_space<vmem>>, vector<1x1x16xf32>,
      %add3A_769 = arith.addf %scan3A_258, %sub3A_761 : vector<16xf32>
      %mul3A_770 = arith.mulf %sub3A_761, %sub3A_761 : vector<16xf32>
      %add3A_771 = arith.addf %scan3A_266, %mul3A_770 : vector<16xf32>
      %add3A_772 = arith.constant 3 : i32
      %add3A_773 = arith.addi %mul3A_271, %add3A_772 : i32
      %get3A_774 = arith.constant 0 : i32
      %get3A_775 = arith.index_cast %get3A_774 : i32 to index
      %get3A_776 = arith.index_cast %add3A_773 : i32 to index
      %get3A_777 = arith.constant 64 : index
      %get3A_778 = tpu.vector_load %arg8[%get3A_775, %get3A_776, %get3A_777] {strides = array<i32>} : memref<2x360x128xf32, #tpu.memory_space<vmem>>, vector<1x1x16xf32>,
      %get3A_779 = vector.shape_cast %get3A_778 : vector<1x1x16xf32> to vector<16xf32>
      %add3A_780 = arith.constant 1 : i32
      %add3A_781 = arith.addi %add3A_773, %add3A_780 : i32
      %get3A_782 = arith.constant 0 : i32
      %get3A_783 = arith.index_cast %get3A_782 : i32 to index
      %get3A_784 = arith.index_cast %add3A_781 : i32 to index
      %get3A_785 = arith.constant 64 : index
      %get3A_786 = tpu.vector_load %arg8[%get3A_783, %get3A_784, %get3A_785] {strides = array<i32>} : memref<2x360x128xf32, #tpu.memory_space<vmem>>, vector<1x1x16xf32>,
      %get3A_787 = vector.shape_cast %get3A_786 : vector<1x1x16xf32> to vector<16xf32>
      %add3A_788 = arith.addf %get3A_779, %get3A_787 : vector<16xf32>
      %add3A_789 = arith.constant 2 : i32
      %add3A_790 = arith.addi %add3A_773, %add3A_789 : i32
      %get3A_791 = arith.constant 0 : i32
      %get3A_792 = arith.index_cast %get3A_791 : i32 to index
      %get3A_793 = arith.index_cast %add3A_790 : i32 to index
      %get3A_794 = arith.constant 64 : index
      %get3A_795 = tpu.vector_load %arg8[%get3A_792, %get3A_793, %get3A_794] {strides = array<i32>} : memref<2x360x128xf32, #tpu.memory_space<vmem>>, vector<1x1x16xf32>,
      %get3A_796 = vector.shape_cast %get3A_795 : vector<1x1x16xf32> to vector<16xf32>
      %add3A_797 = arith.addf %add3A_788, %get3A_796 : vector<16xf32>
      %sub3A_798 = arith.subf %get3A_734, %add3A_797 : vector<16xf32>
      %swap3A_799 = arith.constant 1 : i32
      %swap3A_800 = arith.index_cast %swap3A_799 : i32 to index
      %swap3A_801 = arith.index_cast %scan3A_253 : i32 to index
      %swap3A_802 = arith.constant 64 : index
      %swap3A_803 = tpu.vector_load %arg10[%swap3A_800, %swap3A_801, %swap3A_802] {strides = array<i32>} : memref<3x40x128xf32, #tpu.memory_space<vmem>>, vector<1x1x16xf32>,
      %swap3A_804 = vector.shape_cast %swap3A_803 : vector<1x1x16xf32> to vector<16xf32>
      %swap3A_805 = vector.shape_cast %sub3A_798 : vector<16xf32> to vector<1x1x16xf32>
      tpu.vector_store %arg10[%swap3A_800, %swap3A_801, %swap3A_802], %swap3A_805 {strides = array<i32>} : memref<3x40x128xf32, #tpu.memory_space<vmem>>, vector<1x1x16xf32>,
      %add3A_806 = arith.addf %add3A_769, %sub3A_798 : vector<16xf32>
      %mul3A_807 = arith.mulf %sub3A_798, %sub3A_798 : vector<16xf32>
      %add3A_808 = arith.addf %add3A_771, %mul3A_807 : vector<16xf32>
      %add3A_809 = arith.constant 6 : i32
      %add3A_810 = arith.addi %mul3A_271, %add3A_809 : i32
      %get3A_811 = arith.constant 0 : i32
      %get3A_812 = arith.index_cast %get3A_811 : i32 to index
      %get3A_813 = arith.index_cast %add3A_810 : i32 to index
      %get3A_814 = arith.constant 64 : index
      %get3A_815 = tpu.vector_load %arg8[%get3A_812, %get3A_813, %get3A_814] {strides = array<i32>} : memref<2x360x128xf32, #tpu.memory_space<vmem>>, vector<1x1x16xf32>,
      %get3A_816 = vector.shape_cast %get3A_815 : vector<1x1x16xf32> to vector<16xf32>
      %add3A_817 = arith.constant 1 : i32
      %add3A_818 = arith.addi %add3A_810, %add3A_817 : i32
      %get3A_819 = arith.constant 0 : i32
      %get3A_820 = arith.index_cast %get3A_819 : i32 to index
      %get3A_821 = arith.index_cast %add3A_818 : i32 to index
      %get3A_822 = arith.constant 64 : index
      %get3A_823 = tpu.vector_load %arg8[%get3A_820, %get3A_821, %get3A_822] {strides = array<i32>} : memref<2x360x128xf32, #tpu.memory_space<vmem>>, vector<1x1x16xf32>,
      %get3A_824 = vector.shape_cast %get3A_823 : vector<1x1x16xf32> to vector<16xf32>
      %add3A_825 = arith.addf %get3A_816, %get3A_824 : vector<16xf32>
      %add3A_826 = arith.constant 2 : i32
      %add3A_827 = arith.addi %add3A_810, %add3A_826 : i32
      %get3A_828 = arith.constant 0 : i32
      %get3A_829 = arith.index_cast %get3A_828 : i32 to index
      %get3A_830 = arith.index_cast %add3A_827 : i32 to index
      %get3A_831 = arith.constant 64 : index
      %get3A_832 = tpu.vector_load %arg8[%get3A_829, %get3A_830, %get3A_831] {strides = array<i32>} : memref<2x360x128xf32, #tpu.memory_space<vmem>>, vector<1x1x16xf32>,
      %get3A_833 = vector.shape_cast %get3A_832 : vector<1x1x16xf32> to vector<16xf32>
      %add3A_834 = arith.addf %add3A_825, %get3A_833 : vector<16xf32>
      %sub3A_835 = arith.subf %get3A_734, %add3A_834 : vector<16xf32>
      %swap3A_836 = arith.constant 2 : i32
      %swap3A_837 = arith.index_cast %swap3A_836 : i32 to index
      %swap3A_838 = arith.index_cast %scan3A_253 : i32 to index
      %swap3A_839 = arith.constant 64 : index
      %swap3A_840 = tpu.vector_load %arg10[%swap3A_837, %swap3A_838, %swap3A_839] {strides = array<i32>} : memref<3x40x128xf32, #tpu.memory_space<vmem>>, vector<1x1x16xf32>,
      %swap3A_841 = vector.shape_cast %swap3A_840 : vector<1x1x16xf32> to vector<16xf32>
      %swap3A_842 = vector.shape_cast %sub3A_835 : vector<16xf32> to vector<1x1x16xf32>
      tpu.vector_store %arg10[%swap3A_837, %swap3A_838, %swap3A_839], %swap3A_842 {strides = array<i32>} : memref<3x40x128xf32, #tpu.memory_space<vmem>>, vector<1x1x16xf32>,
      %add3A_843 = arith.addf %add3A_806, %sub3A_835 : vector<16xf32>
      %mul3A_844 = arith.mulf %sub3A_835, %sub3A_835 : vector<16xf32>
      %add3A_845 = arith.addf %add3A_808, %mul3A_844 : vector<16xf32>
      %get3A_846 = arith.index_cast %scan3A_253 : i32 to index
      %get3A_847 = arith.constant 80 : index
      %get3A_848 = tpu.vector_load %arg9[%get3A_846, %get3A_847] {strides = array<i32>} : memref<40x128xf32, #tpu.memory_space<vmem>>, vector<1x16xf32>,
      %get3A_849 = vector.shape_cast %get3A_848 : vector<1x16xf32> to vector<16xf32>
      %add3A_850 = arith.constant 0 : i32
      %add3A_851 = arith.addi %mul3A_271, %add3A_850 : i32
      %get3A_852 = arith.constant 0 : i32
      %get3A_853 = arith.index_cast %get3A_852 : i32 to index
      %get3A_854 = arith.index_cast %add3A_851 : i32 to index
      %get3A_855 = arith.constant 80 : index
      %get3A_856 = tpu.vector_load %arg8[%get3A_853, %get3A_854, %get3A_855] {strides = array<i32>} : memref<2x360x128xf32, #tpu.memory_space<vmem>>, vector<1x1x16xf32>,
      %get3A_857 = vector.shape_cast %get3A_856 : vector<1x1x16xf32> to vector<16xf32>
      %add3A_858 = arith.constant 1 : i32
      %add3A_859 = arith.addi %add3A_851, %add3A_858 : i32
      %get3A_860 = arith.constant 0 : i32
      %get3A_861 = arith.index_cast %get3A_860 : i32 to index
      %get3A_862 = arith.index_cast %add3A_859 : i32 to index
      %get3A_863 = arith.constant 80 : index
      %get3A_864 = tpu.vector_load %arg8[%get3A_861, %get3A_862, %get3A_863] {strides = array<i32>} : memref<2x360x128xf32, #tpu.memory_space<vmem>>, vector<1x1x16xf32>,
      %get3A_865 = vector.shape_cast %get3A_864 : vector<1x1x16xf32> to vector<16xf32>
      %add3A_866 = arith.addf %get3A_857, %get3A_865 : vector<16xf32>
      %add3A_867 = arith.constant 2 : i32
      %add3A_868 = arith.addi %add3A_851, %add3A_867 : i32
      %get3A_869 = arith.constant 0 : i32
      %get3A_870 = arith.index_cast %get3A_869 : i32 to index
      %get3A_871 = arith.index_cast %add3A_868 : i32 to index
      %get3A_872 = arith.constant 80 : index
      %get3A_873 = tpu.vector_load %arg8[%get3A_870, %get3A_871, %get3A_872] {strides = array<i32>} : memref<2x360x128xf32, #tpu.memory_space<vmem>>, vector<1x1x16xf32>,
      %get3A_874 = vector.shape_cast %get3A_873 : vector<1x1x16xf32> to vector<16xf32>
      %add3A_875 = arith.addf %add3A_866, %get3A_874 : vector<16xf32>
      %sub3A_876 = arith.subf %get3A_849, %add3A_875 : vector<16xf32>
      %swap3A_877 = arith.constant 0 : i32
      %swap3A_878 = arith.index_cast %swap3A_877 : i32 to index
      %swap3A_879 = arith.index_cast %scan3A_253 : i32 to index
      %swap3A_880 = arith.constant 80 : index
      %swap3A_881 = tpu.vector_load %arg10[%swap3A_878, %swap3A_879, %swap3A_880] {strides = array<i32>} : memref<3x40x128xf32, #tpu.memory_space<vmem>>, vector<1x1x16xf32>,
      %swap3A_882 = vector.shape_cast %swap3A_881 : vector<1x1x16xf32> to vector<16xf32>
      %swap3A_883 = vector.shape_cast %sub3A_876 : vector<16xf32> to vector<1x1x16xf32>
      tpu.vector_store %arg10[%swap3A_878, %swap3A_879, %swap3A_880], %swap3A_883 {strides = array<i32>} : memref<3x40x128xf32, #tpu.memory_space<vmem>>, vector<1x1x16xf32>,
      %add3A_884 = arith.addf %scan3A_259, %sub3A_876 : vector<16xf32>
      %mul3A_885 = arith.mulf %sub3A_876, %sub3A_876 : vector<16xf32>
      %add3A_886 = arith.addf %scan3A_267, %mul3A_885 : vector<16xf32>
      %add3A_887 = arith.constant 3 : i32
      %add3A_888 = arith.addi %mul3A_271, %add3A_887 : i32
      %get3A_889 = arith.constant 0 : i32
      %get3A_890 = arith.index_cast %get3A_889 : i32 to index
      %get3A_891 = arith.index_cast %add3A_888 : i32 to index
      %get3A_892 = arith.constant 80 : index
      %get3A_893 = tpu.vector_load %arg8[%get3A_890, %get3A_891, %get3A_892] {strides = array<i32>} : memref<2x360x128xf32, #tpu.memory_space<vmem>>, vector<1x1x16xf32>,
      %get3A_894 = vector.shape_cast %get3A_893 : vector<1x1x16xf32> to vector<16xf32>
      %add3A_895 = arith.constant 1 : i32
      %add3A_896 = arith.addi %add3A_888, %add3A_895 : i32
      %get3A_897 = arith.constant 0 : i32
      %get3A_898 = arith.index_cast %get3A_897 : i32 to index
      %get3A_899 = arith.index_cast %add3A_896 : i32 to index
      %get3A_900 = arith.constant 80 : index
      %get3A_901 = tpu.vector_load %arg8[%get3A_898, %get3A_899, %get3A_900] {strides = array<i32>} : memref<2x360x128xf32, #tpu.memory_space<vmem>>, vector<1x1x16xf32>,
      %get3A_902 = vector.shape_cast %get3A_901 : vector<1x1x16xf32> to vector<16xf32>
      %add3A_903 = arith.addf %get3A_894, %get3A_902 : vector<16xf32>
      %add3A_904 = arith.constant 2 : i32
      %add3A_905 = arith.addi %add3A_888, %add3A_904 : i32
      %get3A_906 = arith.constant 0 : i32
      %get3A_907 = arith.index_cast %get3A_906 : i32 to index
      %get3A_908 = arith.index_cast %add3A_905 : i32 to index
      %get3A_909 = arith.constant 80 : index
      %get3A_910 = tpu.vector_load %arg8[%get3A_907, %get3A_908, %get3A_909] {strides = array<i32>} : memref<2x360x128xf32, #tpu.memory_space<vmem>>, vector<1x1x16xf32>,
      %get3A_911 = vector.shape_cast %get3A_910 : vector<1x1x16xf32> to vector<16xf32>
      %add3A_912 = arith.addf %add3A_903, %get3A_911 : vector<16xf32>
      %sub3A_913 = arith.subf %get3A_849, %add3A_912 : vector<16xf32>
      %swap3A_914 = arith.constant 1 : i32
      %swap3A_915 = arith.index_cast %swap3A_914 : i32 to index
      %swap3A_916 = arith.index_cast %scan3A_253 : i32 to index
      %swap3A_917 = arith.constant 80 : index
      %swap3A_918 = tpu.vector_load %arg10[%swap3A_915, %swap3A_916, %swap3A_917] {strides = array<i32>} : memref<3x40x128xf32, #tpu.memory_space<vmem>>, vector<1x1x16xf32>,
      %swap3A_919 = vector.shape_cast %swap3A_918 : vector<1x1x16xf32> to vector<16xf32>
      %swap3A_920 = vector.shape_cast %sub3A_913 : vector<16xf32> to vector<1x1x16xf32>
      tpu.vector_store %arg10[%swap3A_915, %swap3A_916, %swap3A_917], %swap3A_920 {strides = array<i32>} : memref<3x40x128xf32, #tpu.memory_space<vmem>>, vector<1x1x16xf32>,
      %add3A_921 = arith.addf %add3A_884, %sub3A_913 : vector<16xf32>
      %mul3A_922 = arith.mulf %sub3A_913, %sub3A_913 : vector<16xf32>
      %add3A_923 = arith.addf %add3A_886, %mul3A_922 : vector<16xf32>
      %add3A_924 = arith.constant 6 : i32
      %add3A_925 = arith.addi %mul3A_271, %add3A_924 : i32
      %get3A_926 = arith.constant 0 : i32
      %get3A_927 = arith.index_cast %get3A_926 : i32 to index
      %get3A_928 = arith.index_cast %add3A_925 : i32 to index
      %get3A_929 = arith.constant 80 : index
      %get3A_930 = tpu.vector_load %arg8[%get3A_927, %get3A_928, %get3A_929] {strides = array<i32>} : memref<2x360x128xf32, #tpu.memory_space<vmem>>, vector<1x1x16xf32>,
      %get3A_931 = vector.shape_cast %get3A_930 : vector<1x1x16xf32> to vector<16xf32>
      %add3A_932 = arith.constant 1 : i32
      %add3A_933 = arith.addi %add3A_925, %add3A_932 : i32
      %get3A_934 = arith.constant 0 : i32
      %get3A_935 = arith.index_cast %get3A_934 : i32 to index
      %get3A_936 = arith.index_cast %add3A_933 : i32 to index
      %get3A_937 = arith.constant 80 : index
      %get3A_938 = tpu.vector_load %arg8[%get3A_935, %get3A_936, %get3A_937] {strides = array<i32>} : memref<2x360x128xf32, #tpu.memory_space<vmem>>, vector<1x1x16xf32>,
      %get3A_939 = vector.shape_cast %get3A_938 : vector<1x1x16xf32> to vector<16xf32>
      %add3A_940 = arith.addf %get3A_931, %get3A_939 : vector<16xf32>
      %add3A_941 = arith.constant 2 : i32
      %add3A_942 = arith.addi %add3A_925, %add3A_941 : i32
      %get3A_943 = arith.constant 0 : i32
      %get3A_944 = arith.index_cast %get3A_943 : i32 to index
      %get3A_945 = arith.index_cast %add3A_942 : i32 to index
      %get3A_946 = arith.constant 80 : index
      %get3A_947 = tpu.vector_load %arg8[%get3A_944, %get3A_945, %get3A_946] {strides = array<i32>} : memref<2x360x128xf32, #tpu.memory_space<vmem>>, vector<1x1x16xf32>,
      %get3A_948 = vector.shape_cast %get3A_947 : vector<1x1x16xf32> to vector<16xf32>
      %add3A_949 = arith.addf %add3A_940, %get3A_948 : vector<16xf32>
      %sub3A_950 = arith.subf %get3A_849, %add3A_949 : vector<16xf32>
      %swap3A_951 = arith.constant 2 : i32
      %swap3A_952 = arith.index_cast %swap3A_951 : i32 to index
      %swap3A_953 = arith.index_cast %scan3A_253 : i32 to index
      %swap3A_954 = arith.constant 80 : index
      %swap3A_955 = tpu.vector_load %arg10[%swap3A_952, %swap3A_953, %swap3A_954] {strides = array<i32>} : memref<3x40x128xf32, #tpu.memory_space<vmem>>, vector<1x1x16xf32>,
      %swap3A_956 = vector.shape_cast %swap3A_955 : vector<1x1x16xf32> to vector<16xf32>
      %swap3A_957 = vector.shape_cast %sub3A_950 : vector<16xf32> to vector<1x1x16xf32>
      tpu.vector_store %arg10[%swap3A_952, %swap3A_953, %swap3A_954], %swap3A_957 {strides = array<i32>} : memref<3x40x128xf32, #tpu.memory_space<vmem>>, vector<1x1x16xf32>,
      %add3A_958 = arith.addf %add3A_921, %sub3A_950 : vector<16xf32>
      %mul3A_959 = arith.mulf %sub3A_950, %sub3A_950 : vector<16xf32>
      %add3A_960 = arith.addf %add3A_923, %mul3A_959 : vector<16xf32>
      %get3A_961 = arith.index_cast %scan3A_253 : i32 to index
      %get3A_962 = arith.constant 96 : index
      %get3A_963 = tpu.vector_load %arg9[%get3A_961, %get3A_962] {strides = array<i32>} : memref<40x128xf32, #tpu.memory_space<vmem>>, vector<1x16xf32>,
      %get3A_964 = vector.shape_cast %get3A_963 : vector<1x16xf32> to vector<16xf32>
      %add3A_965 = arith.constant 0 : i32
      %add3A_966 = arith.addi %mul3A_271, %add3A_965 : i32
      %get3A_967 = arith.constant 0 : i32
      %get3A_968 = arith.index_cast %get3A_967 : i32 to index
      %get3A_969 = arith.index_cast %add3A_966 : i32 to index
      %get3A_970 = arith.constant 96 : index
      %get3A_971 = tpu.vector_load %arg8[%get3A_968, %get3A_969, %get3A_970] {strides = array<i32>} : memref<2x360x128xf32, #tpu.memory_space<vmem>>, vector<1x1x16xf32>,
      %get3A_972 = vector.shape_cast %get3A_971 : vector<1x1x16xf32> to vector<16xf32>
      %add3A_973 = arith.constant 1 : i32
      %add3A_974 = arith.addi %add3A_966, %add3A_973 : i32
      %get3A_975 = arith.constant 0 : i32
      %get3A_976 = arith.index_cast %get3A_975 : i32 to index
      %get3A_977 = arith.index_cast %add3A_974 : i32 to index
      %get3A_978 = arith.constant 96 : index
      %get3A_979 = tpu.vector_load %arg8[%get3A_976, %get3A_977, %get3A_978] {strides = array<i32>} : memref<2x360x128xf32, #tpu.memory_space<vmem>>, vector<1x1x16xf32>,
      %get3A_980 = vector.shape_cast %get3A_979 : vector<1x1x16xf32> to vector<16xf32>
      %add3A_981 = arith.addf %get3A_972, %get3A_980 : vector<16xf32>
      %add3A_982 = arith.constant 2 : i32
      %add3A_983 = arith.addi %add3A_966, %add3A_982 : i32
      %get3A_984 = arith.constant 0 : i32
      %get3A_985 = arith.index_cast %get3A_984 : i32 to index
      %get3A_986 = arith.index_cast %add3A_983 : i32 to index
      %get3A_987 = arith.constant 96 : index
      %get3A_988 = tpu.vector_load %arg8[%get3A_985, %get3A_986, %get3A_987] {strides = array<i32>} : memref<2x360x128xf32, #tpu.memory_space<vmem>>, vector<1x1x16xf32>,
      %get3A_989 = vector.shape_cast %get3A_988 : vector<1x1x16xf32> to vector<16xf32>
      %add3A_990 = arith.addf %add3A_981, %get3A_989 : vector<16xf32>
      %sub3A_991 = arith.subf %get3A_964, %add3A_990 : vector<16xf32>
      %swap3A_992 = arith.constant 0 : i32
      %swap3A_993 = arith.index_cast %swap3A_992 : i32 to index
      %swap3A_994 = arith.index_cast %scan3A_253 : i32 to index
      %swap3A_995 = arith.constant 96 : index
      %swap3A_996 = tpu.vector_load %arg10[%swap3A_993, %swap3A_994, %swap3A_995] {strides = array<i32>} : memref<3x40x128xf32, #tpu.memory_space<vmem>>, vector<1x1x16xf32>,
      %swap3A_997 = vector.shape_cast %swap3A_996 : vector<1x1x16xf32> to vector<16xf32>
      %swap3A_998 = vector.shape_cast %sub3A_991 : vector<16xf32> to vector<1x1x16xf32>
      tpu.vector_store %arg10[%swap3A_993, %swap3A_994, %swap3A_995], %swap3A_998 {strides = array<i32>} : memref<3x40x128xf32, #tpu.memory_space<vmem>>, vector<1x1x16xf32>,
      %add3A_999 = arith.addf %scan3A_260, %sub3A_991 : vector<16xf32>
      %mul3A_1000 = arith.mulf %sub3A_991, %sub3A_991 : vector<16xf32>
      %add3A_1001 = arith.addf %scan3A_268, %mul3A_1000 : vector<16xf32>
      %add3A_1002 = arith.constant 3 : i32
      %add3A_1003 = arith.addi %mul3A_271, %add3A_1002 : i32
      %get3A_1004 = arith.constant 0 : i32
      %get3A_1005 = arith.index_cast %get3A_1004 : i32 to index
      %get3A_1006 = arith.index_cast %add3A_1003 : i32 to index
      %get3A_1007 = arith.constant 96 : index
      %get3A_1008 = tpu.vector_load %arg8[%get3A_1005, %get3A_1006, %get3A_1007] {strides = array<i32>} : memref<2x360x128xf32, #tpu.memory_space<vmem>>, vector<1x1x16xf32>,
      %get3A_1009 = vector.shape_cast %get3A_1008 : vector<1x1x16xf32> to vector<16xf32>
      %add3A_1010 = arith.constant 1 : i32
      %add3A_1011 = arith.addi %add3A_1003, %add3A_1010 : i32
      %get3A_1012 = arith.constant 0 : i32
      %get3A_1013 = arith.index_cast %get3A_1012 : i32 to index
      %get3A_1014 = arith.index_cast %add3A_1011 : i32 to index
      %get3A_1015 = arith.constant 96 : index
      %get3A_1016 = tpu.vector_load %arg8[%get3A_1013, %get3A_1014, %get3A_1015] {strides = array<i32>} : memref<2x360x128xf32, #tpu.memory_space<vmem>>, vector<1x1x16xf32>,
      %get3A_1017 = vector.shape_cast %get3A_1016 : vector<1x1x16xf32> to vector<16xf32>
      %add3A_1018 = arith.addf %get3A_1009, %get3A_1017 : vector<16xf32>
      %add3A_1019 = arith.constant 2 : i32
      %add3A_1020 = arith.addi %add3A_1003, %add3A_1019 : i32
      %get3A_1021 = arith.constant 0 : i32
      %get3A_1022 = arith.index_cast %get3A_1021 : i32 to index
      %get3A_1023 = arith.index_cast %add3A_1020 : i32 to index
      %get3A_1024 = arith.constant 96 : index
      %get3A_1025 = tpu.vector_load %arg8[%get3A_1022, %get3A_1023, %get3A_1024] {strides = array<i32>} : memref<2x360x128xf32, #tpu.memory_space<vmem>>, vector<1x1x16xf32>,
      %get3A_1026 = vector.shape_cast %get3A_1025 : vector<1x1x16xf32> to vector<16xf32>
      %add3A_1027 = arith.addf %add3A_1018, %get3A_1026 : vector<16xf32>
      %sub3A_1028 = arith.subf %get3A_964, %add3A_1027 : vector<16xf32>
      %swap3A_1029 = arith.constant 1 : i32
      %swap3A_1030 = arith.index_cast %swap3A_1029 : i32 to index
      %swap3A_1031 = arith.index_cast %scan3A_253 : i32 to index
      %swap3A_1032 = arith.constant 96 : index
      %swap3A_1033 = tpu.vector_load %arg10[%swap3A_1030, %swap3A_1031, %swap3A_1032] {strides = array<i32>} : memref<3x40x128xf32, #tpu.memory_space<vmem>>, vector<1x1x16xf32>,
      %swap3A_1034 = vector.shape_cast %swap3A_1033 : vector<1x1x16xf32> to vector<16xf32>
      %swap3A_1035 = vector.shape_cast %sub3A_1028 : vector<16xf32> to vector<1x1x16xf32>
      tpu.vector_store %arg10[%swap3A_1030, %swap3A_1031, %swap3A_1032], %swap3A_1035 {strides = array<i32>} : memref<3x40x128xf32, #tpu.memory_space<vmem>>, vector<1x1x16xf32>,
      %add3A_1036 = arith.addf %add3A_999, %sub3A_1028 : vector<16xf32>
      %mul3A_1037 = arith.mulf %sub3A_1028, %sub3A_1028 : vector<16xf32>
      %add3A_1038 = arith.addf %add3A_1001, %mul3A_1037 : vector<16xf32>
      %add3A_1039 = arith.constant 6 : i32
      %add3A_1040 = arith.addi %mul3A_271, %add3A_1039 : i32
      %get3A_1041 = arith.constant 0 : i32
      %get3A_1042 = arith.index_cast %get3A_1041 : i32 to index
      %get3A_1043 = arith.index_cast %add3A_1040 : i32 to index
      %get3A_1044 = arith.constant 96 : index
      %get3A_1045 = tpu.vector_load %arg8[%get3A_1042, %get3A_1043, %get3A_1044] {strides = array<i32>} : memref<2x360x128xf32, #tpu.memory_space<vmem>>, vector<1x1x16xf32>,
      %get3A_1046 = vector.shape_cast %get3A_1045 : vector<1x1x16xf32> to vector<16xf32>
      %add3A_1047 = arith.constant 1 : i32
      %add3A_1048 = arith.addi %add3A_1040, %add3A_1047 : i32
      %get3A_1049 = arith.constant 0 : i32
      %get3A_1050 = arith.index_cast %get3A_1049 : i32 to index
      %get3A_1051 = arith.index_cast %add3A_1048 : i32 to index
      %get3A_1052 = arith.constant 96 : index
      %get3A_1053 = tpu.vector_load %arg8[%get3A_1050, %get3A_1051, %get3A_1052] {strides = array<i32>} : memref<2x360x128xf32, #tpu.memory_space<vmem>>, vector<1x1x16xf32>,
      %get3A_1054 = vector.shape_cast %get3A_1053 : vector<1x1x16xf32> to vector<16xf32>
      %add3A_1055 = arith.addf %get3A_1046, %get3A_1054 : vector<16xf32>
      %add3A_1056 = arith.constant 2 : i32
      %add3A_1057 = arith.addi %add3A_1040, %add3A_1056 : i32
      %get3A_1058 = arith.constant 0 : i32
      %get3A_1059 = arith.index_cast %get3A_1058 : i32 to index
      %get3A_1060 = arith.index_cast %add3A_1057 : i32 to index
      %get3A_1061 = arith.constant 96 : index
      %get3A_1062 = tpu.vector_load %arg8[%get3A_1059, %get3A_1060, %get3A_1061] {strides = array<i32>} : memref<2x360x128xf32, #tpu.memory_space<vmem>>, vector<1x1x16xf32>,
      %get3A_1063 = vector.shape_cast %get3A_1062 : vector<1x1x16xf32> to vector<16xf32>
      %add3A_1064 = arith.addf %add3A_1055, %get3A_1063 : vector<16xf32>
      %sub3A_1065 = arith.subf %get3A_964, %add3A_1064 : vector<16xf32>
      %swap3A_1066 = arith.constant 2 : i32
      %swap3A_1067 = arith.index_cast %swap3A_1066 : i32 to index
      %swap3A_1068 = arith.index_cast %scan3A_253 : i32 to index
      %swap3A_1069 = arith.constant 96 : index
      %swap3A_1070 = tpu.vector_load %arg10[%swap3A_1067, %swap3A_1068, %swap3A_1069] {strides = array<i32>} : memref<3x40x128xf32, #tpu.memory_space<vmem>>, vector<1x1x16xf32>,
      %swap3A_1071 = vector.shape_cast %swap3A_1070 : vector<1x1x16xf32> to vector<16xf32>
      %swap3A_1072 = vector.shape_cast %sub3A_1065 : vector<16xf32> to vector<1x1x16xf32>
      tpu.vector_store %arg10[%swap3A_1067, %swap3A_1068, %swap3A_1069], %swap3A_1072 {strides = array<i32>} : memref<3x40x128xf32, #tpu.memory_space<vmem>>, vector<1x1x16xf32>,
      %add3A_1073 = arith.addf %add3A_1036, %sub3A_1065 : vector<16xf32>
      %mul3A_1074 = arith.mulf %sub3A_1065, %sub3A_1065 : vector<16xf32>
      %add3A_1075 = arith.addf %add3A_1038, %mul3A_1074 : vector<16xf32>
      %get3A_1076 = arith.index_cast %scan3A_253 : i32 to index
      %get3A_1077 = arith.constant 112 : index
      %get3A_1078 = tpu.vector_load %arg9[%get3A_1076, %get3A_1077] {strides = array<i32>} : memref<40x128xf32, #tpu.memory_space<vmem>>, vector<1x16xf32>,
      %get3A_1079 = vector.shape_cast %get3A_1078 : vector<1x16xf32> to vector<16xf32>
      %add3A_1080 = arith.constant 0 : i32
      %add3A_1081 = arith.addi %mul3A_271, %add3A_1080 : i32
      %get3A_1082 = arith.constant 0 : i32
      %get3A_1083 = arith.index_cast %get3A_1082 : i32 to index
      %get3A_1084 = arith.index_cast %add3A_1081 : i32 to index
      %get3A_1085 = arith.constant 112 : index
      %get3A_1086 = tpu.vector_load %arg8[%get3A_1083, %get3A_1084, %get3A_1085] {strides = array<i32>} : memref<2x360x128xf32, #tpu.memory_space<vmem>>, vector<1x1x16xf32>,
      %get3A_1087 = vector.shape_cast %get3A_1086 : vector<1x1x16xf32> to vector<16xf32>
      %add3A_1088 = arith.constant 1 : i32
      %add3A_1089 = arith.addi %add3A_1081, %add3A_1088 : i32
      %get3A_1090 = arith.constant 0 : i32
      %get3A_1091 = arith.index_cast %get3A_1090 : i32 to index
      %get3A_1092 = arith.index_cast %add3A_1089 : i32 to index
      %get3A_1093 = arith.constant 112 : index
      %get3A_1094 = tpu.vector_load %arg8[%get3A_1091, %get3A_1092, %get3A_1093] {strides = array<i32>} : memref<2x360x128xf32, #tpu.memory_space<vmem>>, vector<1x1x16xf32>,
      %get3A_1095 = vector.shape_cast %get3A_1094 : vector<1x1x16xf32> to vector<16xf32>
      %add3A_1096 = arith.addf %get3A_1087, %get3A_1095 : vector<16xf32>
      %add3A_1097 = arith.constant 2 : i32
      %add3A_1098 = arith.addi %add3A_1081, %add3A_1097 : i32
      %get3A_1099 = arith.constant 0 : i32
      %get3A_1100 = arith.index_cast %get3A_1099 : i32 to index
      %get3A_1101 = arith.index_cast %add3A_1098 : i32 to index
      %get3A_1102 = arith.constant 112 : index
      %get3A_1103 = tpu.vector_load %arg8[%get3A_1100, %get3A_1101, %get3A_1102] {strides = array<i32>} : memref<2x360x128xf32, #tpu.memory_space<vmem>>, vector<1x1x16xf32>,
      %get3A_1104 = vector.shape_cast %get3A_1103 : vector<1x1x16xf32> to vector<16xf32>
      %add3A_1105 = arith.addf %add3A_1096, %get3A_1104 : vector<16xf32>
      %sub3A_1106 = arith.subf %get3A_1079, %add3A_1105 : vector<16xf32>
      %swap3A_1107 = arith.constant 0 : i32
      %swap3A_1108 = arith.index_cast %swap3A_1107 : i32 to index
      %swap3A_1109 = arith.index_cast %scan3A_253 : i32 to index
      %swap3A_1110 = arith.constant 112 : index
      %swap3A_1111 = tpu.vector_load %arg10[%swap3A_1108, %swap3A_1109, %swap3A_1110] {strides = array<i32>} : memref<3x40x128xf32, #tpu.memory_space<vmem>>, vector<1x1x16xf32>,
      %swap3A_1112 = vector.shape_cast %swap3A_1111 : vector<1x1x16xf32> to vector<16xf32>
      %swap3A_1113 = vector.shape_cast %sub3A_1106 : vector<16xf32> to vector<1x1x16xf32>
      tpu.vector_store %arg10[%swap3A_1108, %swap3A_1109, %swap3A_1110], %swap3A_1113 {strides = array<i32>} : memref<3x40x128xf32, #tpu.memory_space<vmem>>, vector<1x1x16xf32>,
      %add3A_1114 = arith.addf %scan3A_261, %sub3A_1106 : vector<16xf32>
      %mul3A_1115 = arith.mulf %sub3A_1106, %sub3A_1106 : vector<16xf32>
      %add3A_1116 = arith.addf %scan3A_269, %mul3A_1115 : vector<16xf32>
      %add3A_1117 = arith.constant 3 : i32
      %add3A_1118 = arith.addi %mul3A_271, %add3A_1117 : i32
      %get3A_1119 = arith.constant 0 : i32
      %get3A_1120 = arith.index_cast %get3A_1119 : i32 to index
      %get3A_1121 = arith.index_cast %add3A_1118 : i32 to index
      %get3A_1122 = arith.constant 112 : index
      %get3A_1123 = tpu.vector_load %arg8[%get3A_1120, %get3A_1121, %get3A_1122] {strides = array<i32>} : memref<2x360x128xf32, #tpu.memory_space<vmem>>, vector<1x1x16xf32>,
      %get3A_1124 = vector.shape_cast %get3A_1123 : vector<1x1x16xf32> to vector<16xf32>
      %add3A_1125 = arith.constant 1 : i32
      %add3A_1126 = arith.addi %add3A_1118, %add3A_1125 : i32
      %get3A_1127 = arith.constant 0 : i32
      %get3A_1128 = arith.index_cast %get3A_1127 : i32 to index
      %get3A_1129 = arith.index_cast %add3A_1126 : i32 to index
      %get3A_1130 = arith.constant 112 : index
      %get3A_1131 = tpu.vector_load %arg8[%get3A_1128, %get3A_1129, %get3A_1130] {strides = array<i32>} : memref<2x360x128xf32, #tpu.memory_space<vmem>>, vector<1x1x16xf32>,
      %get3A_1132 = vector.shape_cast %get3A_1131 : vector<1x1x16xf32> to vector<16xf32>
      %add3A_1133 = arith.addf %get3A_1124, %get3A_1132 : vector<16xf32>
      %add3A_1134 = arith.constant 2 : i32
      %add3A_1135 = arith.addi %add3A_1118, %add3A_1134 : i32
      %get3A_1136 = arith.constant 0 : i32
      %get3A_1137 = arith.index_cast %get3A_1136 : i32 to index
      %get3A_1138 = arith.index_cast %add3A_1135 : i32 to index
      %get3A_1139 = arith.constant 112 : index
      %get3A_1140 = tpu.vector_load %arg8[%get3A_1137, %get3A_1138, %get3A_1139] {strides = array<i32>} : memref<2x360x128xf32, #tpu.memory_space<vmem>>, vector<1x1x16xf32>,
      %get3A_1141 = vector.shape_cast %get3A_1140 : vector<1x1x16xf32> to vector<16xf32>
      %add3A_1142 = arith.addf %add3A_1133, %get3A_1141 : vector<16xf32>
      %sub3A_1143 = arith.subf %get3A_1079, %add3A_1142 : vector<16xf32>
      %swap3A_1144 = arith.constant 1 : i32
      %swap3A_1145 = arith.index_cast %swap3A_1144 : i32 to index
      %swap3A_1146 = arith.index_cast %scan3A_253 : i32 to index
      %swap3A_1147 = arith.constant 112 : index
      %swap3A_1148 = tpu.vector_load %arg10[%swap3A_1145, %swap3A_1146, %swap3A_1147] {strides = array<i32>} : memref<3x40x128xf32, #tpu.memory_space<vmem>>, vector<1x1x16xf32>,
      %swap3A_1149 = vector.shape_cast %swap3A_1148 : vector<1x1x16xf32> to vector<16xf32>
      %swap3A_1150 = vector.shape_cast %sub3A_1143 : vector<16xf32> to vector<1x1x16xf32>
      tpu.vector_store %arg10[%swap3A_1145, %swap3A_1146, %swap3A_1147], %swap3A_1150 {strides = array<i32>} : memref<3x40x128xf32, #tpu.memory_space<vmem>>, vector<1x1x16xf32>,
      %add3A_1151 = arith.addf %add3A_1114, %sub3A_1143 : vector<16xf32>
      %mul3A_1152 = arith.mulf %sub3A_1143, %sub3A_1143 : vector<16xf32>
      %add3A_1153 = arith.addf %add3A_1116, %mul3A_1152 : vector<16xf32>
      %add3A_1154 = arith.constant 6 : i32
      %add3A_1155 = arith.addi %mul3A_271, %add3A_1154 : i32
      %get3A_1156 = arith.constant 0 : i32
      %get3A_1157 = arith.index_cast %get3A_1156 : i32 to index
      %get3A_1158 = arith.index_cast %add3A_1155 : i32 to index
      %get3A_1159 = arith.constant 112 : index
      %get3A_1160 = tpu.vector_load %arg8[%get3A_1157, %get3A_1158, %get3A_1159] {strides = array<i32>} : memref<2x360x128xf32, #tpu.memory_space<vmem>>, vector<1x1x16xf32>,
      %get3A_1161 = vector.shape_cast %get3A_1160 : vector<1x1x16xf32> to vector<16xf32>
      %add3A_1162 = arith.constant 1 : i32
      %add3A_1163 = arith.addi %add3A_1155, %add3A_1162 : i32
      %get3A_1164 = arith.constant 0 : i32
      %get3A_1165 = arith.index_cast %get3A_1164 : i32 to index
      %get3A_1166 = arith.index_cast %add3A_1163 : i32 to index
      %get3A_1167 = arith.constant 112 : index
      %get3A_1168 = tpu.vector_load %arg8[%get3A_1165, %get3A_1166, %get3A_1167] {strides = array<i32>} : memref<2x360x128xf32, #tpu.memory_space<vmem>>, vector<1x1x16xf32>,
      %get3A_1169 = vector.shape_cast %get3A_1168 : vector<1x1x16xf32> to vector<16xf32>
      %add3A_1170 = arith.addf %get3A_1161, %get3A_1169 : vector<16xf32>
      %add3A_1171 = arith.constant 2 : i32
      %add3A_1172 = arith.addi %add3A_1155, %add3A_1171 : i32
      %get3A_1173 = arith.constant 0 : i32
      %get3A_1174 = arith.index_cast %get3A_1173 : i32 to index
      %get3A_1175 = arith.index_cast %add3A_1172 : i32 to index
      %get3A_1176 = arith.constant 112 : index
      %get3A_1177 = tpu.vector_load %arg8[%get3A_1174, %get3A_1175, %get3A_1176] {strides = array<i32>} : memref<2x360x128xf32, #tpu.memory_space<vmem>>, vector<1x1x16xf32>,
      %get3A_1178 = vector.shape_cast %get3A_1177 : vector<1x1x16xf32> to vector<16xf32>
      %add3A_1179 = arith.addf %add3A_1170, %get3A_1178 : vector<16xf32>
      %sub3A_1180 = arith.subf %get3A_1079, %add3A_1179 : vector<16xf32>
      %swap3A_1181 = arith.constant 2 : i32
      %swap3A_1182 = arith.index_cast %swap3A_1181 : i32 to index
      %swap3A_1183 = arith.index_cast %scan3A_253 : i32 to index
      %swap3A_1184 = arith.constant 112 : index
      %swap3A_1185 = tpu.vector_load %arg10[%swap3A_1182, %swap3A_1183, %swap3A_1184] {strides = array<i32>} : memref<3x40x128xf32, #tpu.memory_space<vmem>>, vector<1x1x16xf32>,
      %swap3A_1186 = vector.shape_cast %swap3A_1185 : vector<1x1x16xf32> to vector<16xf32>
      %swap3A_1187 = vector.shape_cast %sub3A_1180 : vector<16xf32> to vector<1x1x16xf32>
      tpu.vector_store %arg10[%swap3A_1182, %swap3A_1183, %swap3A_1184], %swap3A_1187 {strides = array<i32>} : memref<3x40x128xf32, #tpu.memory_space<vmem>>, vector<1x1x16xf32>,
      %add3A_1188 = arith.addf %add3A_1151, %sub3A_1180 : vector<16xf32>
      %mul3A_1189 = arith.mulf %sub3A_1180, %sub3A_1180 : vector<16xf32>
      %add3A_1190 = arith.addf %add3A_1153, %mul3A_1189 : vector<16xf32>
      scf.yield %add3A_383, %add3A_498, %add3A_613, %add3A_728, %add3A_843, %add3A_958, %add3A_1073, %add3A_1188, %add3A_385, %add3A_500, %add3A_615, %add3A_730, %add3A_845, %add3A_960, %add3A_1075, %add3A_1190 : vector<16xf32>, vector<16xf32>, vector<16xf32>, vector<16xf32>, vector<16xf32>, vector<16xf32>, vector<16xf32>, vector<16xf32>, vector<16xf32>, vector<16xf32>, vector<16xf32>, vector<16xf32>, vector<16xf32>, vector<16xf32>, vector<16xf32>, vector<16xf32>
    }
    %scan3A_116 = arith.constant 40 : i32
    %jit3A = arith.constant 2000 : i32
    %div3A = arith.divsi %add3A_110, %jit3A : i32
    %sign3A = arith.constant 0 : i32
    %sign3A_117 = arith.cmpi sgt, %add3A_110, %sign3A : i32
    %sign3A_118 = arith.extui %sign3A_117 : i1 to i32
    %sign3A_119 = arith.constant 0 : i32
    %sign3A_120 = arith.cmpi slt, %add3A_110, %sign3A_119 : i32
    %sign3A_121 = arith.extui %sign3A_120 : i1 to i32
    %sign3A_122 = arith.subi %sign3A_118, %sign3A_121 : i32
    %sign3A_123 = arith.constant 0 : i32
    %sign3A_124 = arith.cmpi sgt, %jit3A, %sign3A_123 : i32
    %sign3A_125 = arith.extui %sign3A_124 : i1 to i32
    %sign3A_126 = arith.constant 0 : i32
    %sign3A_127 = arith.cmpi slt, %jit3A, %sign3A_126 : i32
    %sign3A_128 = arith.extui %sign3A_127 : i1 to i32
    %sign3A_129 = arith.subi %sign3A_125, %sign3A_128 : i32
    %ne3A = arith.cmpi ne, %sign3A_122, %sign3A_129 : i32
    %rem3A = arith.remsi %add3A_110, %jit3A : i32
    %ne3A_130 = arith.constant 0 : i32
    %ne3A_131 = arith.cmpi ne, %rem3A, %ne3A_130 : i32
    %and3A = arith.andi %ne3A, %ne3A_131 : i1
    %sub3A = arith.constant 1 : i32
    %sub3A_132 = arith.subi %div3A, %sub3A : i32
    %select_n3A = arith.select %and3A, %sub3A_132, %div3A : i32
    %mul3A_133 = arith.constant 6000 : i32
    %mul3A_134 = arith.muli %select_n3A, %mul3A_133 : i32
    %jit3A_135 = arith.constant 2000 : i32
    %eq3A = arith.constant 0 : i32
    %eq3A_136 = arith.cmpi eq, %jit3A_135, %eq3A : i32
    %jit3A_137 = arith.constant 1 : i32
    %select_n3A_138 = arith.select %eq3A_136, %jit3A_137, %jit3A_135 : i32
    %rem3A_139 = arith.remsi %add3A_110, %select_n3A_138 : i32
    %ne3A_140 = arith.constant 0 : i32
    %ne3A_141 = arith.cmpi ne, %rem3A_139, %ne3A_140 : i32
    %lt3A = arith.constant 0 : i32
    %lt3A_142 = arith.cmpi slt, %rem3A_139, %lt3A : i32
    %lt3A_143 = arith.constant 0 : i32
    %lt3A_144 = arith.cmpi slt, %select_n3A_138, %lt3A_143 : i32
    %ne3A_145 = arith.xori %lt3A_142, %lt3A_144 : i1
    %and3A_146 = arith.andi %ne3A_145, %ne3A_141 : i1
    %add3A_147 = arith.addi %rem3A_139, %select_n3A_138 : i32
    %select_n3A_148 = arith.select %and3A_146, %add3A_147, %rem3A_139 : i32
    %add3A_149 = arith.addi %mul3A_134, %select_n3A_148 : i32
    %add3A_150 = arith.constant 0 : i32
    %add3A_151 = arith.addi %add3A_149, %add3A_150 : i32
    %run_scoped3A = arith.constant 0 : i32
    "tpu.region"() ({
      %run_scoped3A_253 = tpu.sem_alloc : memref<!tpu.dma_semaphore, #tpu.memory_space<semaphore_mem>>
      %dma_start3A_254 = arith.constant 0 : i32
      %dma_start3A_255 = arith.constant 0 : i32
      %dma_start3A_256 = tpu.memref_slice %arg10[%run_scoped3A, %dma_start3A_254, %dma_start3A_255] : memref<3x40x128xf32, #tpu.memory_space<vmem>> -> memref<1x40x128xf32, #tpu.memory_space<vmem>>
      %dma_start3A_257 = tpu.memref_squeeze %dma_start3A_256 : memref<1x40x128xf32, #tpu.memory_space<vmem>> -> memref<40x128xf32, #tpu.memory_space<vmem>>
      %dma_start3A_258 = arith.constant 0 : i32
      %dma_start3A_259 = tpu.memref_slice %arg5[%add3A_151, %dma_start3A_258] : memref<96000x128xf32, #tpu.memory_space<hbm>> -> memref<40x128xf32, #tpu.memory_space<hbm>>
      %dma_start3A_260 = arith.constant 0 : i32
      %dma_start3A_261 = tpu.memref_slice %arg5[%add3A_151, %dma_start3A_260] : memref<96000x128xf32, #tpu.memory_space<hbm>> -> memref<40x128xf32, #tpu.memory_space<hbm>>
      %dma_start3A_262 = arith.constant 0 : i32
      %dma_start3A_263 = arith.constant 0 : i32
      %dma_start3A_264 = tpu.memref_slice %arg10[%run_scoped3A, %dma_start3A_262, %dma_start3A_263] : memref<3x40x128xf32, #tpu.memory_space<vmem>> -> memref<1x40x128xf32, #tpu.memory_space<vmem>>
      %dma_start3A_265 = tpu.memref_squeeze %dma_start3A_264 : memref<1x40x128xf32, #tpu.memory_space<vmem>> -> memref<40x128xf32, #tpu.memory_space<vmem>>
      tpu.enqueue_dma source(%dma_start3A_265 : memref<40x128xf32, #tpu.memory_space<vmem>>) target(%dma_start3A_261 : memref<40x128xf32, #tpu.memory_space<hbm>>) target_semaphore(%run_scoped3A_253 : memref<!tpu.dma_semaphore, #tpu.memory_space<semaphore_mem>>)
      %dma_wait3A_266 = arith.constant 0 : i32
      %dma_wait3A_267 = arith.constant 0 : i32
      %dma_wait3A_268 = tpu.memref_slice %arg10[%run_scoped3A, %dma_wait3A_266, %dma_wait3A_267] : memref<3x40x128xf32, #tpu.memory_space<vmem>> -> memref<1x40x128xf32, #tpu.memory_space<vmem>>
      %dma_wait3A_269 = tpu.memref_squeeze %dma_wait3A_268 : memref<1x40x128xf32, #tpu.memory_space<vmem>> -> memref<40x128xf32, #tpu.memory_space<vmem>>
      %dma_wait3A_270 = arith.constant 0 : i32
      %dma_wait3A_271 = tpu.memref_slice %arg5[%add3A_151, %dma_wait3A_270] : memref<96000x128xf32, #tpu.memory_space<hbm>> -> memref<40x128xf32, #tpu.memory_space<hbm>>
      %dma_wait3A_272 = arith.constant 0 : i32
      %dma_wait3A_273 = tpu.memref_slice %arg5[%add3A_151, %dma_wait3A_272] : memref<96000x128xf32, #tpu.memory_space<hbm>> -> memref<40x128xf32, #tpu.memory_space<hbm>>
      %dma_wait3A_274 = arith.constant 0 : i32
      %dma_wait3A_275 = arith.constant 0 : i32
      %dma_wait3A_276 = tpu.memref_slice %arg10[%run_scoped3A, %dma_wait3A_274, %dma_wait3A_275] : memref<3x40x128xf32, #tpu.memory_space<vmem>> -> memref<1x40x128xf32, #tpu.memory_space<vmem>>
      %dma_wait3A_277 = tpu.memref_squeeze %dma_wait3A_276 : memref<1x40x128xf32, #tpu.memory_space<vmem>> -> memref<40x128xf32, #tpu.memory_space<vmem>>
      tpu.wait_dma2 semaphore(%run_scoped3A_253 : memref<!tpu.dma_semaphore, #tpu.memory_space<semaphore_mem>>) src(%dma_wait3A_277 : memref<40x128xf32, #tpu.memory_space<vmem>>) dst(%dma_wait3A_273 : memref<40x128xf32, #tpu.memory_space<hbm>>)
      tpu.yield
    }) : () -> ()
    %add3A_152 = arith.constant 2000 : i32
    %add3A_153 = arith.addi %add3A_149, %add3A_152 : i32
    %run_scoped3A_154 = arith.constant 1 : i32
    "tpu.region"() ({
      %run_scoped3A_253 = tpu.sem_alloc : memref<!tpu.dma_semaphore, #tpu.memory_space<semaphore_mem>>
      %dma_start3A_254 = arith.constant 0 : i32
      %dma_start3A_255 = arith.constant 0 : i32
      %dma_start3A_256 = tpu.memref_slice %arg10[%run_scoped3A_154, %dma_start3A_254, %dma_start3A_255] : memref<3x40x128xf32, #tpu.memory_space<vmem>> -> memref<1x40x128xf32, #tpu.memory_space<vmem>>
      %dma_start3A_257 = tpu.memref_squeeze %dma_start3A_256 : memref<1x40x128xf32, #tpu.memory_space<vmem>> -> memref<40x128xf32, #tpu.memory_space<vmem>>
      %dma_start3A_258 = arith.constant 0 : i32
      %dma_start3A_259 = tpu.memref_slice %arg5[%add3A_153, %dma_start3A_258] : memref<96000x128xf32, #tpu.memory_space<hbm>> -> memref<40x128xf32, #tpu.memory_space<hbm>>
      %dma_start3A_260 = arith.constant 0 : i32
      %dma_start3A_261 = tpu.memref_slice %arg5[%add3A_153, %dma_start3A_260] : memref<96000x128xf32, #tpu.memory_space<hbm>> -> memref<40x128xf32, #tpu.memory_space<hbm>>
      %dma_start3A_262 = arith.constant 0 : i32
      %dma_start3A_263 = arith.constant 0 : i32
      %dma_start3A_264 = tpu.memref_slice %arg10[%run_scoped3A_154, %dma_start3A_262, %dma_start3A_263] : memref<3x40x128xf32, #tpu.memory_space<vmem>> -> memref<1x40x128xf32, #tpu.memory_space<vmem>>
      %dma_start3A_265 = tpu.memref_squeeze %dma_start3A_264 : memref<1x40x128xf32, #tpu.memory_space<vmem>> -> memref<40x128xf32, #tpu.memory_space<vmem>>
      tpu.enqueue_dma source(%dma_start3A_265 : memref<40x128xf32, #tpu.memory_space<vmem>>) target(%dma_start3A_261 : memref<40x128xf32, #tpu.memory_space<hbm>>) target_semaphore(%run_scoped3A_253 : memref<!tpu.dma_semaphore, #tpu.memory_space<semaphore_mem>>)
      %dma_wait3A_266 = arith.constant 0 : i32
      %dma_wait3A_267 = arith.constant 0 : i32
      %dma_wait3A_268 = tpu.memref_slice %arg10[%run_scoped3A_154, %dma_wait3A_266, %dma_wait3A_267] : memref<3x40x128xf32, #tpu.memory_space<vmem>> -> memref<1x40x128xf32, #tpu.memory_space<vmem>>
      %dma_wait3A_269 = tpu.memref_squeeze %dma_wait3A_268 : memref<1x40x128xf32, #tpu.memory_space<vmem>> -> memref<40x128xf32, #tpu.memory_space<vmem>>
      %dma_wait3A_270 = arith.constant 0 : i32
      %dma_wait3A_271 = tpu.memref_slice %arg5[%add3A_153, %dma_wait3A_270] : memref<96000x128xf32, #tpu.memory_space<hbm>> -> memref<40x128xf32, #tpu.memory_space<hbm>>
      %dma_wait3A_272 = arith.constant 0 : i32
      %dma_wait3A_273 = tpu.memref_slice %arg5[%add3A_153, %dma_wait3A_272] : memref<96000x128xf32, #tpu.memory_space<hbm>> -> memref<40x128xf32, #tpu.memory_space<hbm>>
      %dma_wait3A_274 = arith.constant 0 : i32
      %dma_wait3A_275 = arith.constant 0 : i32
      %dma_wait3A_276 = tpu.memref_slice %arg10[%run_scoped3A_154, %dma_wait3A_274, %dma_wait3A_275] : memref<3x40x128xf32, #tpu.memory_space<vmem>> -> memref<1x40x128xf32, #tpu.memory_space<vmem>>
      %dma_wait3A_277 = tpu.memref_squeeze %dma_wait3A_276 : memref<1x40x128xf32, #tpu.memory_space<vmem>> -> memref<40x128xf32, #tpu.memory_space<vmem>>
      tpu.wait_dma2 semaphore(%run_scoped3A_253 : memref<!tpu.dma_semaphore, #tpu.memory_space<semaphore_mem>>) src(%dma_wait3A_277 : memref<40x128xf32, #tpu.memory_space<vmem>>) dst(%dma_wait3A_273 : memref<40x128xf32, #tpu.memory_space<hbm>>)
      tpu.yield
    }) : () -> ()
    %add3A_155 = arith.constant 4000 : i32
    %add3A_156 = arith.addi %add3A_149, %add3A_155 : i32
    %run_scoped3A_157 = arith.constant 2 : i32
    "tpu.region"() ({
      %run_scoped3A_253 = tpu.sem_alloc : memref<!tpu.dma_semaphore, #tpu.memory_space<semaphore_mem>>
      %dma_start3A_254 = arith.constant 0 : i32
      %dma_start3A_255 = arith.constant 0 : i32
      %dma_start3A_256 = tpu.memref_slice %arg10[%run_scoped3A_157, %dma_start3A_254, %dma_start3A_255] : memref<3x40x128xf32, #tpu.memory_space<vmem>> -> memref<1x40x128xf32, #tpu.memory_space<vmem>>
      %dma_start3A_257 = tpu.memref_squeeze %dma_start3A_256 : memref<1x40x128xf32, #tpu.memory_space<vmem>> -> memref<40x128xf32, #tpu.memory_space<vmem>>
      %dma_start3A_258 = arith.constant 0 : i32
      %dma_start3A_259 = tpu.memref_slice %arg5[%add3A_156, %dma_start3A_258] : memref<96000x128xf32, #tpu.memory_space<hbm>> -> memref<40x128xf32, #tpu.memory_space<hbm>>
      %dma_start3A_260 = arith.constant 0 : i32
      %dma_start3A_261 = tpu.memref_slice %arg5[%add3A_156, %dma_start3A_260] : memref<96000x128xf32, #tpu.memory_space<hbm>> -> memref<40x128xf32, #tpu.memory_space<hbm>>
      %dma_start3A_262 = arith.constant 0 : i32
      %dma_start3A_263 = arith.constant 0 : i32
      %dma_start3A_264 = tpu.memref_slice %arg10[%run_scoped3A_157, %dma_start3A_262, %dma_start3A_263] : memref<3x40x128xf32, #tpu.memory_space<vmem>> -> memref<1x40x128xf32, #tpu.memory_space<vmem>>
      %dma_start3A_265 = tpu.memref_squeeze %dma_start3A_264 : memref<1x40x128xf32, #tpu.memory_space<vmem>> -> memref<40x128xf32, #tpu.memory_space<vmem>>
      tpu.enqueue_dma source(%dma_start3A_265 : memref<40x128xf32, #tpu.memory_space<vmem>>) target(%dma_start3A_261 : memref<40x128xf32, #tpu.memory_space<hbm>>) target_semaphore(%run_scoped3A_253 : memref<!tpu.dma_semaphore, #tpu.memory_space<semaphore_mem>>)
      %dma_wait3A_266 = arith.constant 0 : i32
      %dma_wait3A_267 = arith.constant 0 : i32
      %dma_wait3A_268 = tpu.memref_slice %arg10[%run_scoped3A_157, %dma_wait3A_266, %dma_wait3A_267] : memref<3x40x128xf32, #tpu.memory_space<vmem>> -> memref<1x40x128xf32, #tpu.memory_space<vmem>>
      %dma_wait3A_269 = tpu.memref_squeeze %dma_wait3A_268 : memref<1x40x128xf32, #tpu.memory_space<vmem>> -> memref<40x128xf32, #tpu.memory_space<vmem>>
      %dma_wait3A_270 = arith.constant 0 : i32
      %dma_wait3A_271 = tpu.memref_slice %arg5[%add3A_156, %dma_wait3A_270] : memref<96000x128xf32, #tpu.memory_space<hbm>> -> memref<40x128xf32, #tpu.memory_space<hbm>>
      %dma_wait3A_272 = arith.constant 0 : i32
      %dma_wait3A_273 = tpu.memref_slice %arg5[%add3A_156, %dma_wait3A_272] : memref<96000x128xf32, #tpu.memory_space<hbm>> -> memref<40x128xf32, #tpu.memory_space<hbm>>
      %dma_wait3A_274 = arith.constant 0 : i32
      %dma_wait3A_275 = arith.constant 0 : i32
      %dma_wait3A_276 = tpu.memref_slice %arg10[%run_scoped3A_157, %dma_wait3A_274, %dma_wait3A_275] : memref<3x40x128xf32, #tpu.memory_space<vmem>> -> memref<1x40x128xf32, #tpu.memory_space<vmem>>
      %dma_wait3A_277 = tpu.memref_squeeze %dma_wait3A_276 : memref<1x40x128xf32, #tpu.memory_space<vmem>> -> memref<40x128xf32, #tpu.memory_space<vmem>>
      tpu.wait_dma2 semaphore(%run_scoped3A_253 : memref<!tpu.dma_semaphore, #tpu.memory_space<semaphore_mem>>) src(%dma_wait3A_277 : memref<40x128xf32, #tpu.memory_space<vmem>>) dst(%dma_wait3A_273 : memref<40x128xf32, #tpu.memory_space<hbm>>)
      tpu.yield
    }) : () -> ()
    %swap3A = arith.constant 0 : i32
    %swap3A_158 = arith.index_cast %swap3A : i32 to index
    %swap3A_159 = arith.constant 0 : index
    %swap3A_160 = tpu.vector_load %arg11[%swap3A_158, %swap3A_159] {strides = array<i32>} : memref<2x128xf32, #tpu.memory_space<vmem>>, vector<1x16xf32>,
    %swap3A_161 = vector.shape_cast %swap3A_160 : vector<1x16xf32> to vector<16xf32>
    %swap3A_162 = vector.shape_cast %scan3A_115#0 : vector<16xf32> to vector<1x16xf32>
    tpu.vector_store %arg11[%swap3A_158, %swap3A_159], %swap3A_162 {strides = array<i32>} : memref<2x128xf32, #tpu.memory_space<vmem>>, vector<1x16xf32>,
    %swap3A_163 = arith.constant 1 : i32
    %swap3A_164 = arith.index_cast %swap3A_163 : i32 to index
    %swap3A_165 = arith.constant 0 : index
    %swap3A_166 = tpu.vector_load %arg11[%swap3A_164, %swap3A_165] {strides = array<i32>} : memref<2x128xf32, #tpu.memory_space<vmem>>, vector<1x16xf32>,
    %swap3A_167 = vector.shape_cast %swap3A_166 : vector<1x16xf32> to vector<16xf32>
    %swap3A_168 = vector.shape_cast %scan3A_115#8 : vector<16xf32> to vector<1x16xf32>
    tpu.vector_store %arg11[%swap3A_164, %swap3A_165], %swap3A_168 {strides = array<i32>} : memref<2x128xf32, #tpu.memory_space<vmem>>, vector<1x16xf32>,
    %swap3A_169 = arith.constant 0 : i32
    %swap3A_170 = arith.index_cast %swap3A_169 : i32 to index
    %swap3A_171 = arith.constant 16 : index
    %swap3A_172 = tpu.vector_load %arg11[%swap3A_170, %swap3A_171] {strides = array<i32>} : memref<2x128xf32, #tpu.memory_space<vmem>>, vector<1x16xf32>,
    %swap3A_173 = vector.shape_cast %swap3A_172 : vector<1x16xf32> to vector<16xf32>
    %swap3A_174 = vector.shape_cast %scan3A_115#1 : vector<16xf32> to vector<1x16xf32>
    tpu.vector_store %arg11[%swap3A_170, %swap3A_171], %swap3A_174 {strides = array<i32>} : memref<2x128xf32, #tpu.memory_space<vmem>>, vector<1x16xf32>,
    %swap3A_175 = arith.constant 1 : i32
    %swap3A_176 = arith.index_cast %swap3A_175 : i32 to index
    %swap3A_177 = arith.constant 16 : index
    %swap3A_178 = tpu.vector_load %arg11[%swap3A_176, %swap3A_177] {strides = array<i32>} : memref<2x128xf32, #tpu.memory_space<vmem>>, vector<1x16xf32>,
    %swap3A_179 = vector.shape_cast %swap3A_178 : vector<1x16xf32> to vector<16xf32>
    %swap3A_180 = vector.shape_cast %scan3A_115#9 : vector<16xf32> to vector<1x16xf32>
    tpu.vector_store %arg11[%swap3A_176, %swap3A_177], %swap3A_180 {strides = array<i32>} : memref<2x128xf32, #tpu.memory_space<vmem>>, vector<1x16xf32>,
    %swap3A_181 = arith.constant 0 : i32
    %swap3A_182 = arith.index_cast %swap3A_181 : i32 to index
    %swap3A_183 = arith.constant 32 : index
    %swap3A_184 = tpu.vector_load %arg11[%swap3A_182, %swap3A_183] {strides = array<i32>} : memref<2x128xf32, #tpu.memory_space<vmem>>, vector<1x16xf32>,
    %swap3A_185 = vector.shape_cast %swap3A_184 : vector<1x16xf32> to vector<16xf32>
    %swap3A_186 = vector.shape_cast %scan3A_115#2 : vector<16xf32> to vector<1x16xf32>
    tpu.vector_store %arg11[%swap3A_182, %swap3A_183], %swap3A_186 {strides = array<i32>} : memref<2x128xf32, #tpu.memory_space<vmem>>, vector<1x16xf32>,
    %swap3A_187 = arith.constant 1 : i32
    %swap3A_188 = arith.index_cast %swap3A_187 : i32 to index
    %swap3A_189 = arith.constant 32 : index
    %swap3A_190 = tpu.vector_load %arg11[%swap3A_188, %swap3A_189] {strides = array<i32>} : memref<2x128xf32, #tpu.memory_space<vmem>>, vector<1x16xf32>,
    %swap3A_191 = vector.shape_cast %swap3A_190 : vector<1x16xf32> to vector<16xf32>
    %swap3A_192 = vector.shape_cast %scan3A_115#10 : vector<16xf32> to vector<1x16xf32>
    tpu.vector_store %arg11[%swap3A_188, %swap3A_189], %swap3A_192 {strides = array<i32>} : memref<2x128xf32, #tpu.memory_space<vmem>>, vector<1x16xf32>,
    %swap3A_193 = arith.constant 0 : i32
    %swap3A_194 = arith.index_cast %swap3A_193 : i32 to index
    %swap3A_195 = arith.constant 48 : index
    %swap3A_196 = tpu.vector_load %arg11[%swap3A_194, %swap3A_195] {strides = array<i32>} : memref<2x128xf32, #tpu.memory_space<vmem>>, vector<1x16xf32>,
    %swap3A_197 = vector.shape_cast %swap3A_196 : vector<1x16xf32> to vector<16xf32>
    %swap3A_198 = vector.shape_cast %scan3A_115#3 : vector<16xf32> to vector<1x16xf32>
    tpu.vector_store %arg11[%swap3A_194, %swap3A_195], %swap3A_198 {strides = array<i32>} : memref<2x128xf32, #tpu.memory_space<vmem>>, vector<1x16xf32>,
    %swap3A_199 = arith.constant 1 : i32
    %swap3A_200 = arith.index_cast %swap3A_199 : i32 to index
    %swap3A_201 = arith.constant 48 : index
    %swap3A_202 = tpu.vector_load %arg11[%swap3A_200, %swap3A_201] {strides = array<i32>} : memref<2x128xf32, #tpu.memory_space<vmem>>, vector<1x16xf32>,
    %swap3A_203 = vector.shape_cast %swap3A_202 : vector<1x16xf32> to vector<16xf32>
    %swap3A_204 = vector.shape_cast %scan3A_115#11 : vector<16xf32> to vector<1x16xf32>
    tpu.vector_store %arg11[%swap3A_200, %swap3A_201], %swap3A_204 {strides = array<i32>} : memref<2x128xf32, #tpu.memory_space<vmem>>, vector<1x16xf32>,
    %swap3A_205 = arith.constant 0 : i32
    %swap3A_206 = arith.index_cast %swap3A_205 : i32 to index
    %swap3A_207 = arith.constant 64 : index
    %swap3A_208 = tpu.vector_load %arg11[%swap3A_206, %swap3A_207] {strides = array<i32>} : memref<2x128xf32, #tpu.memory_space<vmem>>, vector<1x16xf32>,
    %swap3A_209 = vector.shape_cast %swap3A_208 : vector<1x16xf32> to vector<16xf32>
    %swap3A_210 = vector.shape_cast %scan3A_115#4 : vector<16xf32> to vector<1x16xf32>
    tpu.vector_store %arg11[%swap3A_206, %swap3A_207], %swap3A_210 {strides = array<i32>} : memref<2x128xf32, #tpu.memory_space<vmem>>, vector<1x16xf32>,
    %swap3A_211 = arith.constant 1 : i32
    %swap3A_212 = arith.index_cast %swap3A_211 : i32 to index
    %swap3A_213 = arith.constant 64 : index
    %swap3A_214 = tpu.vector_load %arg11[%swap3A_212, %swap3A_213] {strides = array<i32>} : memref<2x128xf32, #tpu.memory_space<vmem>>, vector<1x16xf32>,
    %swap3A_215 = vector.shape_cast %swap3A_214 : vector<1x16xf32> to vector<16xf32>
    %swap3A_216 = vector.shape_cast %scan3A_115#12 : vector<16xf32> to vector<1x16xf32>
    tpu.vector_store %arg11[%swap3A_212, %swap3A_213], %swap3A_216 {strides = array<i32>} : memref<2x128xf32, #tpu.memory_space<vmem>>, vector<1x16xf32>,
    %swap3A_217 = arith.constant 0 : i32
    %swap3A_218 = arith.index_cast %swap3A_217 : i32 to index
    %swap3A_219 = arith.constant 80 : index
    %swap3A_220 = tpu.vector_load %arg11[%swap3A_218, %swap3A_219] {strides = array<i32>} : memref<2x128xf32, #tpu.memory_space<vmem>>, vector<1x16xf32>,
    %swap3A_221 = vector.shape_cast %swap3A_220 : vector<1x16xf32> to vector<16xf32>
    %swap3A_222 = vector.shape_cast %scan3A_115#5 : vector<16xf32> to vector<1x16xf32>
    tpu.vector_store %arg11[%swap3A_218, %swap3A_219], %swap3A_222 {strides = array<i32>} : memref<2x128xf32, #tpu.memory_space<vmem>>, vector<1x16xf32>,
    %swap3A_223 = arith.constant 1 : i32
    %swap3A_224 = arith.index_cast %swap3A_223 : i32 to index
    %swap3A_225 = arith.constant 80 : index
    %swap3A_226 = tpu.vector_load %arg11[%swap3A_224, %swap3A_225] {strides = array<i32>} : memref<2x128xf32, #tpu.memory_space<vmem>>, vector<1x16xf32>,
    %swap3A_227 = vector.shape_cast %swap3A_226 : vector<1x16xf32> to vector<16xf32>
    %swap3A_228 = vector.shape_cast %scan3A_115#13 : vector<16xf32> to vector<1x16xf32>
    tpu.vector_store %arg11[%swap3A_224, %swap3A_225], %swap3A_228 {strides = array<i32>} : memref<2x128xf32, #tpu.memory_space<vmem>>, vector<1x16xf32>,
    %swap3A_229 = arith.constant 0 : i32
    %swap3A_230 = arith.index_cast %swap3A_229 : i32 to index
    %swap3A_231 = arith.constant 96 : index
    %swap3A_232 = tpu.vector_load %arg11[%swap3A_230, %swap3A_231] {strides = array<i32>} : memref<2x128xf32, #tpu.memory_space<vmem>>, vector<1x16xf32>,
    %swap3A_233 = vector.shape_cast %swap3A_232 : vector<1x16xf32> to vector<16xf32>
    %swap3A_234 = vector.shape_cast %scan3A_115#6 : vector<16xf32> to vector<1x16xf32>
    tpu.vector_store %arg11[%swap3A_230, %swap3A_231], %swap3A_234 {strides = array<i32>} : memref<2x128xf32, #tpu.memory_space<vmem>>, vector<1x16xf32>,
    %swap3A_235 = arith.constant 1 : i32
    %swap3A_236 = arith.index_cast %swap3A_235 : i32 to index
    %swap3A_237 = arith.constant 96 : index
    %swap3A_238 = tpu.vector_load %arg11[%swap3A_236, %swap3A_237] {strides = array<i32>} : memref<2x128xf32, #tpu.memory_space<vmem>>, vector<1x16xf32>,
    %swap3A_239 = vector.shape_cast %swap3A_238 : vector<1x16xf32> to vector<16xf32>
    %swap3A_240 = vector.shape_cast %scan3A_115#14 : vector<16xf32> to vector<1x16xf32>
    tpu.vector_store %arg11[%swap3A_236, %swap3A_237], %swap3A_240 {strides = array<i32>} : memref<2x128xf32, #tpu.memory_space<vmem>>, vector<1x16xf32>,
    %swap3A_241 = arith.constant 0 : i32
    %swap3A_242 = arith.index_cast %swap3A_241 : i32 to index
    %swap3A_243 = arith.constant 112 : index
    %swap3A_244 = tpu.vector_load %arg11[%swap3A_242, %swap3A_243] {strides = array<i32>} : memref<2x128xf32, #tpu.memory_space<vmem>>, vector<1x16xf32>,
    %swap3A_245 = vector.shape_cast %swap3A_244 : vector<1x16xf32> to vector<16xf32>
    %swap3A_246 = vector.shape_cast %scan3A_115#7 : vector<16xf32> to vector<1x16xf32>
    tpu.vector_store %arg11[%swap3A_242, %swap3A_243], %swap3A_246 {strides = array<i32>} : memref<2x128xf32, #tpu.memory_space<vmem>>, vector<1x16xf32>,
    %swap3A_247 = arith.constant 1 : i32
    %swap3A_248 = arith.index_cast %swap3A_247 : i32 to index
    %swap3A_249 = arith.constant 112 : index
    %swap3A_250 = tpu.vector_load %arg11[%swap3A_248, %swap3A_249] {strides = array<i32>} : memref<2x128xf32, #tpu.memory_space<vmem>>, vector<1x16xf32>,
    %swap3A_251 = vector.shape_cast %swap3A_250 : vector<1x16xf32> to vector<16xf32>
    %swap3A_252 = vector.shape_cast %scan3A_115#15 : vector<16xf32> to vector<1x16xf32>
    tpu.vector_store %arg11[%swap3A_248, %swap3A_249], %swap3A_252 {strides = array<i32>} : memref<2x128xf32, #tpu.memory_space<vmem>>, vector<1x16xf32>,
    "tpu.region"() ({
      %run_scoped3A_253 = tpu.sem_alloc : memref<!tpu.dma_semaphore, #tpu.memory_space<semaphore_mem>>
      %dma_start3A_254 = arith.constant 0 : i32
      %dma_start3A_255 = arith.constant 0 : i32
      %dma_start3A_256 = tpu.memref_slice %arg6[%add3A, %dma_start3A_254, %dma_start3A_255] : memref<32x2x128xf32, #tpu.memory_space<hbm>> -> memref<1x2x128xf32, #tpu.memory_space<hbm>>
      %dma_start3A_257 = tpu.memref_squeeze %dma_start3A_256 : memref<1x2x128xf32, #tpu.memory_space<hbm>> -> memref<2x128xf32, #tpu.memory_space<hbm>>
      %dma_start3A_258 = arith.constant 0 : i32
      %dma_start3A_259 = arith.constant 0 : i32
      %dma_start3A_260 = tpu.memref_slice %arg6[%add3A, %dma_start3A_258, %dma_start3A_259] : memref<32x2x128xf32, #tpu.memory_space<hbm>> -> memref<1x2x128xf32, #tpu.memory_space<hbm>>
      %dma_start3A_261 = tpu.memref_squeeze %dma_start3A_260 : memref<1x2x128xf32, #tpu.memory_space<hbm>> -> memref<2x128xf32, #tpu.memory_space<hbm>>
      tpu.enqueue_dma source(%arg11 : memref<2x128xf32, #tpu.memory_space<vmem>>) target(%dma_start3A_261 : memref<2x128xf32, #tpu.memory_space<hbm>>) target_semaphore(%run_scoped3A_253 : memref<!tpu.dma_semaphore, #tpu.memory_space<semaphore_mem>>)
      %dma_wait3A_262 = arith.constant 0 : i32
      %dma_wait3A_263 = arith.constant 0 : i32
      %dma_wait3A_264 = tpu.memref_slice %arg6[%add3A, %dma_wait3A_262, %dma_wait3A_263] : memref<32x2x128xf32, #tpu.memory_space<hbm>> -> memref<1x2x128xf32, #tpu.memory_space<hbm>>
      %dma_wait3A_265 = tpu.memref_squeeze %dma_wait3A_264 : memref<1x2x128xf32, #tpu.memory_space<hbm>> -> memref<2x128xf32, #tpu.memory_space<hbm>>
      %dma_wait3A_266 = arith.constant 0 : i32
      %dma_wait3A_267 = arith.constant 0 : i32
      %dma_wait3A_268 = tpu.memref_slice %arg6[%add3A, %dma_wait3A_266, %dma_wait3A_267] : memref<32x2x128xf32, #tpu.memory_space<hbm>> -> memref<1x2x128xf32, #tpu.memory_space<hbm>>
      %dma_wait3A_269 = tpu.memref_squeeze %dma_wait3A_268 : memref<1x2x128xf32, #tpu.memory_space<hbm>> -> memref<2x128xf32, #tpu.memory_space<hbm>>
      tpu.wait_dma2 semaphore(%run_scoped3A_253 : memref<!tpu.dma_semaphore, #tpu.memory_space<semaphore_mem>>) src(%arg11 : memref<2x128xf32, #tpu.memory_space<vmem>>) dst(%dma_wait3A_269 : memref<2x128xf32, #tpu.memory_space<hbm>>)
      tpu.yield
    }) : () -> ()
    return
  }
}

module attributes {stable_mosaic.version = 14 : i64} {
  func.func @_topka_body(%arg0: i32, %arg1: i32, %arg2: memref<1x400x128xf32, #tpu.memory_space<vmem>>, %arg3: memref<1x128x2000xf32, #tpu.memory_space<vmem>>, %arg4: memref<128x1024xf32, #tpu.memory_space<vmem>>, %arg5: memref<1x400x9xi32, #tpu.memory_space<vmem>>, %arg6: memref<6x1x400x128xf32, #tpu.memory_space<vmem>>, %arg7: memref<2x1x400x128xf32, #tpu.memory_space<vmem>>) attributes {dimension_semantics = [#tpu.dimension_semantics<arbitrary>, #tpu.dimension_semantics<arbitrary>], iteration_bounds = array<i64: 8, 5>, scalar_prefetch = 0 : i64, scratch_operands = 0 : i64, tpu.core_type = #tpu.core_type<tc>, window_params = [{transform_indices = @transform_0, window_bounds = array<i64: 1, 400, 128>}, {transform_indices = @transform_1, window_bounds = array<i64: 1, 128, 2000>}, {pipeline_mode = #tpu.pipeline_mode<synchronous>, transform_indices = @transform_2, window_bounds = array<i64: 128, 1024>}, {transform_indices = @transform_3, window_bounds = array<i64: 1, 400, 9>}, {transform_indices = @transform_4, window_bounds = array<i64: 6, 1, 400, 128>}, {transform_indices = @transform_5, window_bounds = array<i64: 2, 1, 400, 128>}]} {
    %get3A = arith.constant 0 : index
    %get3A_0 = arith.constant 0 : index
    %get3A_1 = arith.constant 0 : index
    %get3A_2 = vector.load %arg2[%get3A, %get3A_0, %get3A_1] : memref<1x400x128xf32, #tpu.memory_space<vmem>>, vector<1x400x128xf32>
    %get3A_3 = vector.shape_cast %get3A_2 : vector<1x400x128xf32> to vector<400x128xf32>
    %get3A_4 = arith.constant 0 : index
    %get3A_5 = arith.constant 0 : index
    %get3A_6 = arith.constant 0 : index
    %get3A_7 = vector.load %arg3[%get3A_4, %get3A_5, %get3A_6] : memref<1x128x2000xf32, #tpu.memory_space<vmem>>, vector<1x128x2000xf32>
    %get3A_8 = vector.shape_cast %get3A_7 : vector<1x128x2000xf32> to vector<128x2000xf32>
    %add3A = arith.addf %get3A_3, %get3A_3 : vector<400x128xf32>
    %dot_general3A = arith.constant dense<0.000000e+00> : vector<400x2000xf32>
    %dot_general3A_9 = tpu.matmul %add3A, %get3A_8, %dot_general3A {dimension_numbers = #tpu.dot_dimension_numbers<[1], [0], [0], [1], [0, 0, 1, 1], [], []>, transpose_lhs_hint = false} : vector<400x128xf32>, vector<128x2000xf32>, vector<400x2000xf32> -> vector<400x2000xf32>
    %mul3A = arith.mulf %get3A_8, %get3A_8 : vector<128x2000xf32>
    %reduce_sum3A = arith.constant dense<0.000000e+00> : vector<2000xf32>
    %reduce_sum3A_10 = vector.multi_reduction <add>, %mul3A, %reduce_sum3A [0] : vector<128x2000xf32> to vector<2000xf32>
    %broadcast_in_dim3A = vector.shape_cast %reduce_sum3A_10 : vector<2000xf32> to vector<1x2000xf32>
    %sub3A = vector.broadcast %broadcast_in_dim3A : vector<1x2000xf32> to vector<400x2000xf32>
    %sub3A_11 = arith.subf %dot_general3A_9, %sub3A : vector<400x2000xf32>
    %iota3A = tpu.iota {dimensions = array<i32: 1>} : vector<400x2000xi32>
    %convert_element_type3A = arith.sitofp %iota3A : vector<400x2000xi32> to vector<400x2000xf32>
    %iota3A_12 = tpu.iota {dimensions = array<i32: 1>} : vector<400x9xi32>
    %broadcast_in_dim3A_13 = arith.constant 0 : i32
    %broadcast_in_dim3A_14 = vector.broadcast %broadcast_in_dim3A_13 : i32 to vector<400x9xi32>
    %reduce_max3A = arith.constant dense<0xFF800000> : vector<400xf32>
    %reduce_max3A_15 = vector.multi_reduction <maximumf>, %sub3A_11, %reduce_max3A [1] : vector<400x2000xf32> to vector<400xf32>
    %broadcast_in_dim3A_16 = vector.shape_cast %reduce_max3A_15 : vector<400xf32> to vector<400x1xf32>
    %ge3A = vector.broadcast %broadcast_in_dim3A_16 : vector<400x1xf32> to vector<400x2000xf32>
    %ge3A_17 = arith.cmpf oge, %sub3A_11, %ge3A : vector<400x2000xf32>
    %jit3A = arith.constant 2.007000e+03 : f32
    %broadcast_in_dim3A_18 = vector.broadcast %jit3A : f32 to vector<400x2000xf32>
    %select_n3A = arith.select %ge3A_17, %convert_element_type3A, %broadcast_in_dim3A_18 : vector<400x2000xi1>, vector<400x2000xf32>
    %reduce_min3A = arith.constant dense<0x7F800000> : vector<400xf32>
    %reduce_min3A_19 = vector.multi_reduction <minimumf>, %select_n3A, %reduce_min3A [1] : vector<400x2000xf32> to vector<400xf32>
    %broadcast_in_dim3A_20 = vector.shape_cast %reduce_min3A_19 : vector<400xf32> to vector<400x1xf32>
    %jit3A_21 = arith.constant 0xFF800000 : f32
    %broadcast_in_dim3A_22 = vector.broadcast %jit3A_21 : f32 to vector<400x2000xf32>
    %select_n3A_23 = arith.select %ge3A_17, %broadcast_in_dim3A_22, %sub3A_11 : vector<400x2000xi1>, vector<400x2000xf32>
    %eq3A = arith.constant 0 : i32
    %eq3A_24 = vector.broadcast %eq3A : i32 to vector<400x9xi32>
    %eq3A_25 = arith.cmpi eq, %iota3A_12, %eq3A_24 : vector<400x9xi32>
    %convert_element_type3A_26 = arith.fptosi %broadcast_in_dim3A_20 : vector<400x1xf32> to vector<400x1xi32>
    %broadcast_in_dim3A_27 = vector.shape_cast %convert_element_type3A_26 : vector<400x1xi32> to vector<400x1xi32>
    %broadcast_in_dim3A_28 = vector.broadcast %broadcast_in_dim3A_27 : vector<400x1xi32> to vector<400x9xi32>
    %select_n3A_29 = arith.select %eq3A_25, %broadcast_in_dim3A_28, %broadcast_in_dim3A_14 : vector<400x9xi1>, vector<400x9xi32>
    %reduce_max3A_30 = arith.constant dense<0xFF800000> : vector<400xf32>
    %reduce_max3A_31 = vector.multi_reduction <maximumf>, %select_n3A_23, %reduce_max3A_30 [1] : vector<400x2000xf32> to vector<400xf32>
    %broadcast_in_dim3A_32 = vector.shape_cast %reduce_max3A_31 : vector<400xf32> to vector<400x1xf32>
    %ge3A_33 = vector.broadcast %broadcast_in_dim3A_32 : vector<400x1xf32> to vector<400x2000xf32>
    %ge3A_34 = arith.cmpf oge, %select_n3A_23, %ge3A_33 : vector<400x2000xf32>
    %jit3A_35 = arith.constant 2.007000e+03 : f32
    %broadcast_in_dim3A_36 = vector.broadcast %jit3A_35 : f32 to vector<400x2000xf32>
    %select_n3A_37 = arith.select %ge3A_34, %convert_element_type3A, %broadcast_in_dim3A_36 : vector<400x2000xi1>, vector<400x2000xf32>
    %reduce_min3A_38 = arith.constant dense<0x7F800000> : vector<400xf32>
    %reduce_min3A_39 = vector.multi_reduction <minimumf>, %select_n3A_37, %reduce_min3A_38 [1] : vector<400x2000xf32> to vector<400xf32>
    %broadcast_in_dim3A_40 = vector.shape_cast %reduce_min3A_39 : vector<400xf32> to vector<400x1xf32>
    %jit3A_41 = arith.constant 0xFF800000 : f32
    %broadcast_in_dim3A_42 = vector.broadcast %jit3A_41 : f32 to vector<400x2000xf32>
    %select_n3A_43 = arith.select %ge3A_34, %broadcast_in_dim3A_42, %select_n3A_23 : vector<400x2000xi1>, vector<400x2000xf32>
    %eq3A_44 = arith.constant 1 : i32
    %eq3A_45 = vector.broadcast %eq3A_44 : i32 to vector<400x9xi32>
    %eq3A_46 = arith.cmpi eq, %iota3A_12, %eq3A_45 : vector<400x9xi32>
    %convert_element_type3A_47 = arith.fptosi %broadcast_in_dim3A_40 : vector<400x1xf32> to vector<400x1xi32>
    %broadcast_in_dim3A_48 = vector.shape_cast %convert_element_type3A_47 : vector<400x1xi32> to vector<400x1xi32>
    %broadcast_in_dim3A_49 = vector.broadcast %broadcast_in_dim3A_48 : vector<400x1xi32> to vector<400x9xi32>
    %select_n3A_50 = arith.select %eq3A_46, %broadcast_in_dim3A_49, %select_n3A_29 : vector<400x9xi1>, vector<400x9xi32>
    %reduce_max3A_51 = arith.constant dense<0xFF800000> : vector<400xf32>
    %reduce_max3A_52 = vector.multi_reduction <maximumf>, %select_n3A_43, %reduce_max3A_51 [1] : vector<400x2000xf32> to vector<400xf32>
    %broadcast_in_dim3A_53 = vector.shape_cast %reduce_max3A_52 : vector<400xf32> to vector<400x1xf32>
    %ge3A_54 = vector.broadcast %broadcast_in_dim3A_53 : vector<400x1xf32> to vector<400x2000xf32>
    %ge3A_55 = arith.cmpf oge, %select_n3A_43, %ge3A_54 : vector<400x2000xf32>
    %jit3A_56 = arith.constant 2.007000e+03 : f32
    %broadcast_in_dim3A_57 = vector.broadcast %jit3A_56 : f32 to vector<400x2000xf32>
    %select_n3A_58 = arith.select %ge3A_55, %convert_element_type3A, %broadcast_in_dim3A_57 : vector<400x2000xi1>, vector<400x2000xf32>
    %reduce_min3A_59 = arith.constant dense<0x7F800000> : vector<400xf32>
    %reduce_min3A_60 = vector.multi_reduction <minimumf>, %select_n3A_58, %reduce_min3A_59 [1] : vector<400x2000xf32> to vector<400xf32>
    %broadcast_in_dim3A_61 = vector.shape_cast %reduce_min3A_60 : vector<400xf32> to vector<400x1xf32>
    %jit3A_62 = arith.constant 0xFF800000 : f32
    %broadcast_in_dim3A_63 = vector.broadcast %jit3A_62 : f32 to vector<400x2000xf32>
    %select_n3A_64 = arith.select %ge3A_55, %broadcast_in_dim3A_63, %select_n3A_43 : vector<400x2000xi1>, vector<400x2000xf32>
    %eq3A_65 = arith.constant 2 : i32
    %eq3A_66 = vector.broadcast %eq3A_65 : i32 to vector<400x9xi32>
    %eq3A_67 = arith.cmpi eq, %iota3A_12, %eq3A_66 : vector<400x9xi32>
    %convert_element_type3A_68 = arith.fptosi %broadcast_in_dim3A_61 : vector<400x1xf32> to vector<400x1xi32>
    %broadcast_in_dim3A_69 = vector.shape_cast %convert_element_type3A_68 : vector<400x1xi32> to vector<400x1xi32>
    %broadcast_in_dim3A_70 = vector.broadcast %broadcast_in_dim3A_69 : vector<400x1xi32> to vector<400x9xi32>
    %select_n3A_71 = arith.select %eq3A_67, %broadcast_in_dim3A_70, %select_n3A_50 : vector<400x9xi1>, vector<400x9xi32>
    %reduce_max3A_72 = arith.constant dense<0xFF800000> : vector<400xf32>
    %reduce_max3A_73 = vector.multi_reduction <maximumf>, %select_n3A_64, %reduce_max3A_72 [1] : vector<400x2000xf32> to vector<400xf32>
    %broadcast_in_dim3A_74 = vector.shape_cast %reduce_max3A_73 : vector<400xf32> to vector<400x1xf32>
    %ge3A_75 = vector.broadcast %broadcast_in_dim3A_74 : vector<400x1xf32> to vector<400x2000xf32>
    %ge3A_76 = arith.cmpf oge, %select_n3A_64, %ge3A_75 : vector<400x2000xf32>
    %jit3A_77 = arith.constant 2.007000e+03 : f32
    %broadcast_in_dim3A_78 = vector.broadcast %jit3A_77 : f32 to vector<400x2000xf32>
    %select_n3A_79 = arith.select %ge3A_76, %convert_element_type3A, %broadcast_in_dim3A_78 : vector<400x2000xi1>, vector<400x2000xf32>
    %reduce_min3A_80 = arith.constant dense<0x7F800000> : vector<400xf32>
    %reduce_min3A_81 = vector.multi_reduction <minimumf>, %select_n3A_79, %reduce_min3A_80 [1] : vector<400x2000xf32> to vector<400xf32>
    %broadcast_in_dim3A_82 = vector.shape_cast %reduce_min3A_81 : vector<400xf32> to vector<400x1xf32>
    %jit3A_83 = arith.constant 0xFF800000 : f32
    %broadcast_in_dim3A_84 = vector.broadcast %jit3A_83 : f32 to vector<400x2000xf32>
    %select_n3A_85 = arith.select %ge3A_76, %broadcast_in_dim3A_84, %select_n3A_64 : vector<400x2000xi1>, vector<400x2000xf32>
    %eq3A_86 = arith.constant 3 : i32
    %eq3A_87 = vector.broadcast %eq3A_86 : i32 to vector<400x9xi32>
    %eq3A_88 = arith.cmpi eq, %iota3A_12, %eq3A_87 : vector<400x9xi32>
    %convert_element_type3A_89 = arith.fptosi %broadcast_in_dim3A_82 : vector<400x1xf32> to vector<400x1xi32>
    %broadcast_in_dim3A_90 = vector.shape_cast %convert_element_type3A_89 : vector<400x1xi32> to vector<400x1xi32>
    %broadcast_in_dim3A_91 = vector.broadcast %broadcast_in_dim3A_90 : vector<400x1xi32> to vector<400x9xi32>
    %select_n3A_92 = arith.select %eq3A_88, %broadcast_in_dim3A_91, %select_n3A_71 : vector<400x9xi1>, vector<400x9xi32>
    %reduce_max3A_93 = arith.constant dense<0xFF800000> : vector<400xf32>
    %reduce_max3A_94 = vector.multi_reduction <maximumf>, %select_n3A_85, %reduce_max3A_93 [1] : vector<400x2000xf32> to vector<400xf32>
    %broadcast_in_dim3A_95 = vector.shape_cast %reduce_max3A_94 : vector<400xf32> to vector<400x1xf32>
    %ge3A_96 = vector.broadcast %broadcast_in_dim3A_95 : vector<400x1xf32> to vector<400x2000xf32>
    %ge3A_97 = arith.cmpf oge, %select_n3A_85, %ge3A_96 : vector<400x2000xf32>
    %jit3A_98 = arith.constant 2.007000e+03 : f32
    %broadcast_in_dim3A_99 = vector.broadcast %jit3A_98 : f32 to vector<400x2000xf32>
    %select_n3A_100 = arith.select %ge3A_97, %convert_element_type3A, %broadcast_in_dim3A_99 : vector<400x2000xi1>, vector<400x2000xf32>
    %reduce_min3A_101 = arith.constant dense<0x7F800000> : vector<400xf32>
    %reduce_min3A_102 = vector.multi_reduction <minimumf>, %select_n3A_100, %reduce_min3A_101 [1] : vector<400x2000xf32> to vector<400xf32>
    %broadcast_in_dim3A_103 = vector.shape_cast %reduce_min3A_102 : vector<400xf32> to vector<400x1xf32>
    %jit3A_104 = arith.constant 0xFF800000 : f32
    %broadcast_in_dim3A_105 = vector.broadcast %jit3A_104 : f32 to vector<400x2000xf32>
    %select_n3A_106 = arith.select %ge3A_97, %broadcast_in_dim3A_105, %select_n3A_85 : vector<400x2000xi1>, vector<400x2000xf32>
    %eq3A_107 = arith.constant 4 : i32
    %eq3A_108 = vector.broadcast %eq3A_107 : i32 to vector<400x9xi32>
    %eq3A_109 = arith.cmpi eq, %iota3A_12, %eq3A_108 : vector<400x9xi32>
    %convert_element_type3A_110 = arith.fptosi %broadcast_in_dim3A_103 : vector<400x1xf32> to vector<400x1xi32>
    %broadcast_in_dim3A_111 = vector.shape_cast %convert_element_type3A_110 : vector<400x1xi32> to vector<400x1xi32>
    %broadcast_in_dim3A_112 = vector.broadcast %broadcast_in_dim3A_111 : vector<400x1xi32> to vector<400x9xi32>
    %select_n3A_113 = arith.select %eq3A_109, %broadcast_in_dim3A_112, %select_n3A_92 : vector<400x9xi1>, vector<400x9xi32>
    %reduce_max3A_114 = arith.constant dense<0xFF800000> : vector<400xf32>
    %reduce_max3A_115 = vector.multi_reduction <maximumf>, %select_n3A_106, %reduce_max3A_114 [1] : vector<400x2000xf32> to vector<400xf32>
    %broadcast_in_dim3A_116 = vector.shape_cast %reduce_max3A_115 : vector<400xf32> to vector<400x1xf32>
    %ge3A_117 = vector.broadcast %broadcast_in_dim3A_116 : vector<400x1xf32> to vector<400x2000xf32>
    %ge3A_118 = arith.cmpf oge, %select_n3A_106, %ge3A_117 : vector<400x2000xf32>
    %jit3A_119 = arith.constant 2.007000e+03 : f32
    %broadcast_in_dim3A_120 = vector.broadcast %jit3A_119 : f32 to vector<400x2000xf32>
    %select_n3A_121 = arith.select %ge3A_118, %convert_element_type3A, %broadcast_in_dim3A_120 : vector<400x2000xi1>, vector<400x2000xf32>
    %reduce_min3A_122 = arith.constant dense<0x7F800000> : vector<400xf32>
    %reduce_min3A_123 = vector.multi_reduction <minimumf>, %select_n3A_121, %reduce_min3A_122 [1] : vector<400x2000xf32> to vector<400xf32>
    %broadcast_in_dim3A_124 = vector.shape_cast %reduce_min3A_123 : vector<400xf32> to vector<400x1xf32>
    %jit3A_125 = arith.constant 0xFF800000 : f32
    %broadcast_in_dim3A_126 = vector.broadcast %jit3A_125 : f32 to vector<400x2000xf32>
    %select_n3A_127 = arith.select %ge3A_118, %broadcast_in_dim3A_126, %select_n3A_106 : vector<400x2000xi1>, vector<400x2000xf32>
    %eq3A_128 = arith.constant 5 : i32
    %eq3A_129 = vector.broadcast %eq3A_128 : i32 to vector<400x9xi32>
    %eq3A_130 = arith.cmpi eq, %iota3A_12, %eq3A_129 : vector<400x9xi32>
    %convert_element_type3A_131 = arith.fptosi %broadcast_in_dim3A_124 : vector<400x1xf32> to vector<400x1xi32>
    %broadcast_in_dim3A_132 = vector.shape_cast %convert_element_type3A_131 : vector<400x1xi32> to vector<400x1xi32>
    %broadcast_in_dim3A_133 = vector.broadcast %broadcast_in_dim3A_132 : vector<400x1xi32> to vector<400x9xi32>
    %select_n3A_134 = arith.select %eq3A_130, %broadcast_in_dim3A_133, %select_n3A_113 : vector<400x9xi1>, vector<400x9xi32>
    %reduce_max3A_135 = arith.constant dense<0xFF800000> : vector<400xf32>
    %reduce_max3A_136 = vector.multi_reduction <maximumf>, %select_n3A_127, %reduce_max3A_135 [1] : vector<400x2000xf32> to vector<400xf32>
    %broadcast_in_dim3A_137 = vector.shape_cast %reduce_max3A_136 : vector<400xf32> to vector<400x1xf32>
    %ge3A_138 = vector.broadcast %broadcast_in_dim3A_137 : vector<400x1xf32> to vector<400x2000xf32>
    %ge3A_139 = arith.cmpf oge, %select_n3A_127, %ge3A_138 : vector<400x2000xf32>
    %jit3A_140 = arith.constant 2.007000e+03 : f32
    %broadcast_in_dim3A_141 = vector.broadcast %jit3A_140 : f32 to vector<400x2000xf32>
    %select_n3A_142 = arith.select %ge3A_139, %convert_element_type3A, %broadcast_in_dim3A_141 : vector<400x2000xi1>, vector<400x2000xf32>
    %reduce_min3A_143 = arith.constant dense<0x7F800000> : vector<400xf32>
    %reduce_min3A_144 = vector.multi_reduction <minimumf>, %select_n3A_142, %reduce_min3A_143 [1] : vector<400x2000xf32> to vector<400xf32>
    %broadcast_in_dim3A_145 = vector.shape_cast %reduce_min3A_144 : vector<400xf32> to vector<400x1xf32>
    %jit3A_146 = arith.constant 0xFF800000 : f32
    %broadcast_in_dim3A_147 = vector.broadcast %jit3A_146 : f32 to vector<400x2000xf32>
    %select_n3A_148 = arith.select %ge3A_139, %broadcast_in_dim3A_147, %select_n3A_127 : vector<400x2000xi1>, vector<400x2000xf32>
    %eq3A_149 = arith.constant 6 : i32
    %eq3A_150 = vector.broadcast %eq3A_149 : i32 to vector<400x9xi32>
    %eq3A_151 = arith.cmpi eq, %iota3A_12, %eq3A_150 : vector<400x9xi32>
    %convert_element_type3A_152 = arith.fptosi %broadcast_in_dim3A_145 : vector<400x1xf32> to vector<400x1xi32>
    %broadcast_in_dim3A_153 = vector.shape_cast %convert_element_type3A_152 : vector<400x1xi32> to vector<400x1xi32>
    %broadcast_in_dim3A_154 = vector.broadcast %broadcast_in_dim3A_153 : vector<400x1xi32> to vector<400x9xi32>
    %select_n3A_155 = arith.select %eq3A_151, %broadcast_in_dim3A_154, %select_n3A_134 : vector<400x9xi1>, vector<400x9xi32>
    %reduce_max3A_156 = arith.constant dense<0xFF800000> : vector<400xf32>
    %reduce_max3A_157 = vector.multi_reduction <maximumf>, %select_n3A_148, %reduce_max3A_156 [1] : vector<400x2000xf32> to vector<400xf32>
    %broadcast_in_dim3A_158 = vector.shape_cast %reduce_max3A_157 : vector<400xf32> to vector<400x1xf32>
    %ge3A_159 = vector.broadcast %broadcast_in_dim3A_158 : vector<400x1xf32> to vector<400x2000xf32>
    %ge3A_160 = arith.cmpf oge, %select_n3A_148, %ge3A_159 : vector<400x2000xf32>
    %jit3A_161 = arith.constant 2.007000e+03 : f32
    %broadcast_in_dim3A_162 = vector.broadcast %jit3A_161 : f32 to vector<400x2000xf32>
    %select_n3A_163 = arith.select %ge3A_160, %convert_element_type3A, %broadcast_in_dim3A_162 : vector<400x2000xi1>, vector<400x2000xf32>
    %reduce_min3A_164 = arith.constant dense<0x7F800000> : vector<400xf32>
    %reduce_min3A_165 = vector.multi_reduction <minimumf>, %select_n3A_163, %reduce_min3A_164 [1] : vector<400x2000xf32> to vector<400xf32>
    %broadcast_in_dim3A_166 = vector.shape_cast %reduce_min3A_165 : vector<400xf32> to vector<400x1xf32>
    %jit3A_167 = arith.constant 0xFF800000 : f32
    %broadcast_in_dim3A_168 = vector.broadcast %jit3A_167 : f32 to vector<400x2000xf32>
    %select_n3A_169 = arith.select %ge3A_160, %broadcast_in_dim3A_168, %select_n3A_148 : vector<400x2000xi1>, vector<400x2000xf32>
    %eq3A_170 = arith.constant 7 : i32
    %eq3A_171 = vector.broadcast %eq3A_170 : i32 to vector<400x9xi32>
    %eq3A_172 = arith.cmpi eq, %iota3A_12, %eq3A_171 : vector<400x9xi32>
    %convert_element_type3A_173 = arith.fptosi %broadcast_in_dim3A_166 : vector<400x1xf32> to vector<400x1xi32>
    %broadcast_in_dim3A_174 = vector.shape_cast %convert_element_type3A_173 : vector<400x1xi32> to vector<400x1xi32>
    %broadcast_in_dim3A_175 = vector.broadcast %broadcast_in_dim3A_174 : vector<400x1xi32> to vector<400x9xi32>
    %select_n3A_176 = arith.select %eq3A_172, %broadcast_in_dim3A_175, %select_n3A_155 : vector<400x9xi1>, vector<400x9xi32>
    %reduce_max3A_177 = arith.constant dense<0xFF800000> : vector<400xf32>
    %reduce_max3A_178 = vector.multi_reduction <maximumf>, %select_n3A_169, %reduce_max3A_177 [1] : vector<400x2000xf32> to vector<400xf32>
    %broadcast_in_dim3A_179 = vector.shape_cast %reduce_max3A_178 : vector<400xf32> to vector<400x1xf32>
    %ge3A_180 = vector.broadcast %broadcast_in_dim3A_179 : vector<400x1xf32> to vector<400x2000xf32>
    %ge3A_181 = arith.cmpf oge, %select_n3A_169, %ge3A_180 : vector<400x2000xf32>
    %jit3A_182 = arith.constant 2.007000e+03 : f32
    %broadcast_in_dim3A_183 = vector.broadcast %jit3A_182 : f32 to vector<400x2000xf32>
    %select_n3A_184 = arith.select %ge3A_181, %convert_element_type3A, %broadcast_in_dim3A_183 : vector<400x2000xi1>, vector<400x2000xf32>
    %reduce_min3A_185 = arith.constant dense<0x7F800000> : vector<400xf32>
    %reduce_min3A_186 = vector.multi_reduction <minimumf>, %select_n3A_184, %reduce_min3A_185 [1] : vector<400x2000xf32> to vector<400xf32>
    %broadcast_in_dim3A_187 = vector.shape_cast %reduce_min3A_186 : vector<400xf32> to vector<400x1xf32>
    %eq3A_188 = arith.constant 8 : i32
    %eq3A_189 = vector.broadcast %eq3A_188 : i32 to vector<400x9xi32>
    %eq3A_190 = arith.cmpi eq, %iota3A_12, %eq3A_189 : vector<400x9xi32>
    %convert_element_type3A_191 = arith.fptosi %broadcast_in_dim3A_187 : vector<400x1xf32> to vector<400x1xi32>
    %broadcast_in_dim3A_192 = vector.shape_cast %convert_element_type3A_191 : vector<400x1xi32> to vector<400x1xi32>
    %broadcast_in_dim3A_193 = vector.broadcast %broadcast_in_dim3A_192 : vector<400x1xi32> to vector<400x9xi32>
    %select_n3A_194 = arith.select %eq3A_190, %broadcast_in_dim3A_193, %select_n3A_176 : vector<400x9xi1>, vector<400x9xi32>
    %jit3A_195 = arith.constant 3 : i32
    %eq3A_196 = arith.constant 0 : i32
    %eq3A_197 = arith.cmpi eq, %jit3A_195, %eq3A_196 : i32
    %jit3A_198 = arith.constant 1 : i32
    %select_n3A_199 = arith.select %eq3A_197, %jit3A_198, %jit3A_195 : i32
    %rem3A = vector.broadcast %select_n3A_199 : i32 to vector<400x9xi32>
    %rem3A_200 = arith.remsi %iota3A_12, %rem3A : vector<400x9xi32>
    %ne3A = arith.constant 0 : i32
    %ne3A_201 = vector.broadcast %ne3A : i32 to vector<400x9xi32>
    %ne3A_202 = arith.cmpi ne, %rem3A_200, %ne3A_201 : vector<400x9xi32>
    %lt3A = arith.constant 0 : i32
    %lt3A_203 = vector.broadcast %lt3A : i32 to vector<400x9xi32>
    %lt3A_204 = arith.cmpi slt, %rem3A_200, %lt3A_203 : vector<400x9xi32>
    %lt3A_205 = arith.constant 0 : i32
    %lt3A_206 = arith.cmpi slt, %select_n3A_199, %lt3A_205 : i32
    %ne3A_207 = vector.broadcast %lt3A_206 : i1 to vector<400x9xi1>
    %ne3A_208 = vector.broadcast %ne3A_207 : vector<400x9xi1> to vector<400x9xi1>
    %ne3A_209 = arith.xori %lt3A_204, %ne3A_208 : vector<400x9xi1>
    %and3A = arith.andi %ne3A_209, %ne3A_202 : vector<400x9xi1>
    %add3A_210 = vector.broadcast %select_n3A_199 : i32 to vector<400x9xi32>
    %add3A_211 = arith.addi %rem3A_200, %add3A_210 : vector<400x9xi32>
    %select_n3A_212 = arith.select %and3A, %add3A_211, %rem3A_200 : vector<400x9xi1>, vector<400x9xi32>
    %mul3A_213 = arith.constant 16000 : i32
    %mul3A_214 = vector.broadcast %mul3A_213 : i32 to vector<400x9xi32>
    %mul3A_215 = arith.muli %select_n3A_212, %mul3A_214 : vector<400x9xi32>
    %mul3A_216 = arith.constant 2000 : i32
    %mul3A_217 = arith.muli %arg0, %mul3A_216 : i32
    %add3A_218 = vector.broadcast %mul3A_217 : i32 to vector<400x9xi32>
    %add3A_219 = arith.addi %mul3A_215, %add3A_218 : vector<400x9xi32>
    %add3A_220 = arith.addi %select_n3A_194, %add3A_219 : vector<400x9xi32>
    %swap3A = arith.constant 0 : index
    %swap3A_221 = arith.constant 0 : index
    %swap3A_222 = arith.constant 0 : index
    %swap3A_223 = vector.load %arg5[%swap3A, %swap3A_221, %swap3A_222] : memref<1x400x9xi32, #tpu.memory_space<vmem>>, vector<1x400x9xi32>
    %swap3A_224 = vector.shape_cast %swap3A_223 : vector<1x400x9xi32> to vector<400x9xi32>
    %swap3A_225 = vector.shape_cast %add3A_220 : vector<400x9xi32> to vector<1x400x9xi32>
    tpu.vector_store %arg5[%swap3A, %swap3A_221, %swap3A_222], %swap3A_225 {strides = array<i32>} : memref<1x400x9xi32, #tpu.memory_space<vmem>>, vector<1x400x9xi32>,
    %get3A_226 = arith.constant 0 : index
    %get3A_227 = arith.constant 0 : index
    %get3A_228 = vector.load %arg4[%get3A_226, %get3A_227] : memref<128x1024xf32, #tpu.memory_space<vmem>>, vector<128x1024xf32>
    %dot_general3A_229 = arith.constant dense<0.000000e+00> : vector<400x1024xf32>
    %dot_general3A_230 = tpu.matmul %get3A_3, %get3A_228, %dot_general3A_229 {dimension_numbers = #tpu.dot_dimension_numbers<[1], [0], [0], [1], [0, 0, 1, 1], [], []>, transpose_lhs_hint = false} : vector<400x128xf32>, vector<128x1024xf32>, vector<400x1024xf32> -> vector<400x1024xf32>
    %slice3A = vector.extract_strided_slice %dot_general3A_230 {offsets = [0, 0], sizes = [400, 128], strides = [1, 1]} : vector<400x1024xf32> to vector<400x128xf32>
    %swap3A_231 = arith.constant 0 : index
    %swap3A_232 = arith.constant 0 : index
    %swap3A_233 = arith.constant 0 : index
    %swap3A_234 = arith.constant 0 : index
    %swap3A_235 = vector.load %arg6[%swap3A_231, %swap3A_232, %swap3A_233, %swap3A_234] : memref<6x1x400x128xf32, #tpu.memory_space<vmem>>, vector<1x1x400x128xf32>
    %swap3A_236 = vector.shape_cast %swap3A_235 : vector<1x1x400x128xf32> to vector<400x128xf32>
    %swap3A_237 = vector.shape_cast %slice3A : vector<400x128xf32> to vector<1x1x400x128xf32>
    tpu.vector_store %arg6[%swap3A_231, %swap3A_232, %swap3A_233, %swap3A_234], %swap3A_237 {strides = array<i32>} : memref<6x1x400x128xf32, #tpu.memory_space<vmem>>, vector<1x1x400x128xf32>,
    %slice3A_238 = vector.extract_strided_slice %dot_general3A_230 {offsets = [0, 128], sizes = [400, 128], strides = [1, 1]} : vector<400x1024xf32> to vector<400x128xf32>
    %swap3A_239 = arith.constant 1 : index
    %swap3A_240 = arith.constant 0 : index
    %swap3A_241 = arith.constant 0 : index
    %swap3A_242 = arith.constant 0 : index
    %swap3A_243 = vector.load %arg6[%swap3A_239, %swap3A_240, %swap3A_241, %swap3A_242] : memref<6x1x400x128xf32, #tpu.memory_space<vmem>>, vector<1x1x400x128xf32>
    %swap3A_244 = vector.shape_cast %swap3A_243 : vector<1x1x400x128xf32> to vector<400x128xf32>
    %swap3A_245 = vector.shape_cast %slice3A_238 : vector<400x128xf32> to vector<1x1x400x128xf32>
    tpu.vector_store %arg6[%swap3A_239, %swap3A_240, %swap3A_241, %swap3A_242], %swap3A_245 {strides = array<i32>} : memref<6x1x400x128xf32, #tpu.memory_space<vmem>>, vector<1x1x400x128xf32>,
    %slice3A_246 = vector.extract_strided_slice %dot_general3A_230 {offsets = [0, 256], sizes = [400, 128], strides = [1, 1]} : vector<400x1024xf32> to vector<400x128xf32>
    %swap3A_247 = arith.constant 2 : index
    %swap3A_248 = arith.constant 0 : index
    %swap3A_249 = arith.constant 0 : index
    %swap3A_250 = arith.constant 0 : index
    %swap3A_251 = vector.load %arg6[%swap3A_247, %swap3A_248, %swap3A_249, %swap3A_250] : memref<6x1x400x128xf32, #tpu.memory_space<vmem>>, vector<1x1x400x128xf32>
    %swap3A_252 = vector.shape_cast %swap3A_251 : vector<1x1x400x128xf32> to vector<400x128xf32>
    %swap3A_253 = vector.shape_cast %slice3A_246 : vector<400x128xf32> to vector<1x1x400x128xf32>
    tpu.vector_store %arg6[%swap3A_247, %swap3A_248, %swap3A_249, %swap3A_250], %swap3A_253 {strides = array<i32>} : memref<6x1x400x128xf32, #tpu.memory_space<vmem>>, vector<1x1x400x128xf32>,
    %slice3A_254 = vector.extract_strided_slice %dot_general3A_230 {offsets = [0, 384], sizes = [400, 128], strides = [1, 1]} : vector<400x1024xf32> to vector<400x128xf32>
    %swap3A_255 = arith.constant 3 : index
    %swap3A_256 = arith.constant 0 : index
    %swap3A_257 = arith.constant 0 : index
    %swap3A_258 = arith.constant 0 : index
    %swap3A_259 = vector.load %arg6[%swap3A_255, %swap3A_256, %swap3A_257, %swap3A_258] : memref<6x1x400x128xf32, #tpu.memory_space<vmem>>, vector<1x1x400x128xf32>
    %swap3A_260 = vector.shape_cast %swap3A_259 : vector<1x1x400x128xf32> to vector<400x128xf32>
    %swap3A_261 = vector.shape_cast %slice3A_254 : vector<400x128xf32> to vector<1x1x400x128xf32>
    tpu.vector_store %arg6[%swap3A_255, %swap3A_256, %swap3A_257, %swap3A_258], %swap3A_261 {strides = array<i32>} : memref<6x1x400x128xf32, #tpu.memory_space<vmem>>, vector<1x1x400x128xf32>,
    %slice3A_262 = vector.extract_strided_slice %dot_general3A_230 {offsets = [0, 512], sizes = [400, 128], strides = [1, 1]} : vector<400x1024xf32> to vector<400x128xf32>
    %swap3A_263 = arith.constant 4 : index
    %swap3A_264 = arith.constant 0 : index
    %swap3A_265 = arith.constant 0 : index
    %swap3A_266 = arith.constant 0 : index
    %swap3A_267 = vector.load %arg6[%swap3A_263, %swap3A_264, %swap3A_265, %swap3A_266] : memref<6x1x400x128xf32, #tpu.memory_space<vmem>>, vector<1x1x400x128xf32>
    %swap3A_268 = vector.shape_cast %swap3A_267 : vector<1x1x400x128xf32> to vector<400x128xf32>
    %swap3A_269 = vector.shape_cast %slice3A_262 : vector<400x128xf32> to vector<1x1x400x128xf32>
    tpu.vector_store %arg6[%swap3A_263, %swap3A_264, %swap3A_265, %swap3A_266], %swap3A_269 {strides = array<i32>} : memref<6x1x400x128xf32, #tpu.memory_space<vmem>>, vector<1x1x400x128xf32>,
    %slice3A_270 = vector.extract_strided_slice %dot_general3A_230 {offsets = [0, 640], sizes = [400, 128], strides = [1, 1]} : vector<400x1024xf32> to vector<400x128xf32>
    %swap3A_271 = arith.constant 5 : index
    %swap3A_272 = arith.constant 0 : index
    %swap3A_273 = arith.constant 0 : index
    %swap3A_274 = arith.constant 0 : index
    %swap3A_275 = vector.load %arg6[%swap3A_271, %swap3A_272, %swap3A_273, %swap3A_274] : memref<6x1x400x128xf32, #tpu.memory_space<vmem>>, vector<1x1x400x128xf32>
    %swap3A_276 = vector.shape_cast %swap3A_275 : vector<1x1x400x128xf32> to vector<400x128xf32>
    %swap3A_277 = vector.shape_cast %slice3A_270 : vector<400x128xf32> to vector<1x1x400x128xf32>
    tpu.vector_store %arg6[%swap3A_271, %swap3A_272, %swap3A_273, %swap3A_274], %swap3A_277 {strides = array<i32>} : memref<6x1x400x128xf32, #tpu.memory_space<vmem>>, vector<1x1x400x128xf32>,
    %slice3A_278 = vector.extract_strided_slice %dot_general3A_230 {offsets = [0, 768], sizes = [400, 128], strides = [1, 1]} : vector<400x1024xf32> to vector<400x128xf32>
    %swap3A_279 = arith.constant 0 : index
    %swap3A_280 = arith.constant 0 : index
    %swap3A_281 = arith.constant 0 : index
    %swap3A_282 = arith.constant 0 : index
    %swap3A_283 = vector.load %arg7[%swap3A_279, %swap3A_280, %swap3A_281, %swap3A_282] : memref<2x1x400x128xf32, #tpu.memory_space<vmem>>, vector<1x1x400x128xf32>
    %swap3A_284 = vector.shape_cast %swap3A_283 : vector<1x1x400x128xf32> to vector<400x128xf32>
    %swap3A_285 = vector.shape_cast %slice3A_278 : vector<400x128xf32> to vector<1x1x400x128xf32>
    tpu.vector_store %arg7[%swap3A_279, %swap3A_280, %swap3A_281, %swap3A_282], %swap3A_285 {strides = array<i32>} : memref<2x1x400x128xf32, #tpu.memory_space<vmem>>, vector<1x1x400x128xf32>,
    %slice3A_286 = vector.extract_strided_slice %dot_general3A_230 {offsets = [0, 896], sizes = [400, 128], strides = [1, 1]} : vector<400x1024xf32> to vector<400x128xf32>
    %swap3A_287 = arith.constant 1 : index
    %swap3A_288 = arith.constant 0 : index
    %swap3A_289 = arith.constant 0 : index
    %swap3A_290 = arith.constant 0 : index
    %swap3A_291 = vector.load %arg7[%swap3A_287, %swap3A_288, %swap3A_289, %swap3A_290] : memref<2x1x400x128xf32, #tpu.memory_space<vmem>>, vector<1x1x400x128xf32>
    %swap3A_292 = vector.shape_cast %swap3A_291 : vector<1x1x400x128xf32> to vector<400x128xf32>
    %swap3A_293 = vector.shape_cast %slice3A_286 : vector<400x128xf32> to vector<1x1x400x128xf32>
    tpu.vector_store %arg7[%swap3A_287, %swap3A_288, %swap3A_289, %swap3A_290], %swap3A_293 {strides = array<i32>} : memref<2x1x400x128xf32, #tpu.memory_space<vmem>>, vector<1x1x400x128xf32>,
    return
  }
  func.func @transform_0(%arg0: i32, %arg1: i32) -> (i32, i32, i32) {
    %c0_i32 = arith.constant 0 : i32
    %c0_i32_0 = arith.constant 0 : i32
    return %arg0, %arg1, %c0_i32 : i32, i32, i32
  }
  func.func @transform_1(%arg0: i32, %arg1: i32) -> (i32, i32, i32) {
    %c0_i32 = arith.constant 0 : i32
    %c0_i32_0 = arith.constant 0 : i32
    %c0_i32_1 = arith.constant 0 : i32
    return %arg0, %c0_i32, %c0_i32_0 : i32, i32, i32
  }
  func.func @transform_2(%arg0: i32, %arg1: i32) -> (i32, i32) {
    %c0_i32 = arith.constant 0 : i32
    %c0_i32_0 = arith.constant 0 : i32
    %c0_i32_1 = arith.constant 0 : i32
    return %c0_i32, %c0_i32_0 : i32, i32
  }
  func.func @transform_3(%arg0: i32, %arg1: i32) -> (i32, i32, i32) {
    %c0_i32 = arith.constant 0 : i32
    %c0_i32_0 = arith.constant 0 : i32
    return %arg0, %arg1, %c0_i32 : i32, i32, i32
  }
  func.func @transform_4(%arg0: i32, %arg1: i32) -> (i32, i32, i32, i32) {
    %c0_i32 = arith.constant 0 : i32
    %c0_i32_0 = arith.constant 0 : i32
    %c0_i32_1 = arith.constant 0 : i32
    return %c0_i32, %arg0, %arg1, %c0_i32_0 : i32, i32, i32, i32
  }
  func.func @transform_5(%arg0: i32, %arg1: i32) -> (i32, i32, i32, i32) {
    %c0_i32 = arith.constant 0 : i32
    %c0_i32_0 = arith.constant 0 : i32
    %c0_i32_1 = arith.constant 0 : i32
    return %c0_i32, %arg0, %arg1, %c0_i32_0 : i32, i32, i32, i32
  }
}

module attributes {stable_mosaic.version = 14 : i64} {
  func.func @_topkb_body(%arg0: i32, %arg1: i32, %arg2: memref<1x400x8xf32, #tpu.memory_space<vmem>>, %arg3: memref<1x8x2000xf32, #tpu.memory_space<vmem>>, %arg4: memref<1x400x9xi32, #tpu.memory_space<vmem>>) attributes {dimension_semantics = [#tpu.dimension_semantics<arbitrary>, #tpu.dimension_semantics<arbitrary>], iteration_bounds = array<i64: 8, 5>, scalar_prefetch = 0 : i64, scratch_operands = 0 : i64, tpu.core_type = #tpu.core_type<tc>, window_params = [{transform_indices = @transform_0, window_bounds = array<i64: 1, 400, 8>}, {transform_indices = @transform_1, window_bounds = array<i64: 1, 8, 2000>}, {transform_indices = @transform_2, window_bounds = array<i64: 1, 400, 9>}]} {
    %get3A = arith.constant 0 : index
    %get3A_0 = arith.constant 0 : index
    %get3A_1 = arith.constant 0 : index
    %get3A_2 = vector.load %arg2[%get3A, %get3A_0, %get3A_1] : memref<1x400x8xf32, #tpu.memory_space<vmem>>, vector<1x400x8xf32>
    %get3A_3 = vector.shape_cast %get3A_2 : vector<1x400x8xf32> to vector<400x8xf32>
    %get3A_4 = arith.constant 0 : index
    %get3A_5 = arith.constant 0 : index
    %get3A_6 = arith.constant 0 : index
    %get3A_7 = vector.load %arg2[%get3A_4, %get3A_5, %get3A_6] : memref<1x400x8xf32, #tpu.memory_space<vmem>>, vector<1x400x8xf32>
    %get3A_8 = vector.shape_cast %get3A_7 : vector<1x400x8xf32> to vector<400x8xf32>
    %add3A = arith.addf %get3A_3, %get3A_8 : vector<400x8xf32>
    %get3A_9 = arith.constant 0 : index
    %get3A_10 = arith.constant 0 : index
    %get3A_11 = arith.constant 0 : index
    %get3A_12 = vector.load %arg3[%get3A_9, %get3A_10, %get3A_11] : memref<1x8x2000xf32, #tpu.memory_space<vmem>>, vector<1x8x2000xf32>
    %get3A_13 = vector.shape_cast %get3A_12 : vector<1x8x2000xf32> to vector<8x2000xf32>
    %dot_general3A = arith.constant dense<0.000000e+00> : vector<400x2000xf32>
    %dot_general3A_14 = tpu.matmul %add3A, %get3A_13, %dot_general3A {dimension_numbers = #tpu.dot_dimension_numbers<[1], [0], [0], [1], [0, 0, 1, 1], [], []>, transpose_lhs_hint = false} : vector<400x8xf32>, vector<8x2000xf32>, vector<400x2000xf32> -> vector<400x2000xf32>
    %get3A_15 = arith.constant 0 : index
    %get3A_16 = arith.constant 0 : index
    %get3A_17 = arith.constant 0 : index
    %get3A_18 = vector.load %arg3[%get3A_15, %get3A_16, %get3A_17] : memref<1x8x2000xf32, #tpu.memory_space<vmem>>, vector<1x8x2000xf32>
    %get3A_19 = vector.shape_cast %get3A_18 : vector<1x8x2000xf32> to vector<8x2000xf32>
    %get3A_20 = arith.constant 0 : index
    %get3A_21 = arith.constant 0 : index
    %get3A_22 = arith.constant 0 : index
    %get3A_23 = vector.load %arg3[%get3A_20, %get3A_21, %get3A_22] : memref<1x8x2000xf32, #tpu.memory_space<vmem>>, vector<1x8x2000xf32>
    %get3A_24 = vector.shape_cast %get3A_23 : vector<1x8x2000xf32> to vector<8x2000xf32>
    %mul3A = arith.mulf %get3A_19, %get3A_24 : vector<8x2000xf32>
    %reduce_sum3A = arith.constant dense<0.000000e+00> : vector<2000xf32>
    %reduce_sum3A_25 = vector.multi_reduction <add>, %mul3A, %reduce_sum3A [0] : vector<8x2000xf32> to vector<2000xf32>
    %broadcast_in_dim3A = vector.shape_cast %reduce_sum3A_25 : vector<2000xf32> to vector<1x2000xf32>
    %sub3A = vector.broadcast %broadcast_in_dim3A : vector<1x2000xf32> to vector<400x2000xf32>
    %sub3A_26 = arith.subf %dot_general3A_14, %sub3A : vector<400x2000xf32>
    %iota3A = tpu.iota {dimensions = array<i32: 1>} : vector<400x2000xi32>
    %convert_element_type3A = arith.sitofp %iota3A : vector<400x2000xi32> to vector<400x2000xf32>
    %iota3A_27 = tpu.iota {dimensions = array<i32: 1>} : vector<400x9xi32>
    %broadcast_in_dim3A_28 = arith.constant 0 : i32
    %broadcast_in_dim3A_29 = vector.broadcast %broadcast_in_dim3A_28 : i32 to vector<400x9xi32>
    %reduce_max3A = arith.constant dense<0xFF800000> : vector<400xf32>
    %reduce_max3A_30 = vector.multi_reduction <maximumf>, %sub3A_26, %reduce_max3A [1] : vector<400x2000xf32> to vector<400xf32>
    %broadcast_in_dim3A_31 = vector.shape_cast %reduce_max3A_30 : vector<400xf32> to vector<400x1xf32>
    %ge3A = vector.broadcast %broadcast_in_dim3A_31 : vector<400x1xf32> to vector<400x2000xf32>
    %ge3A_32 = arith.cmpf oge, %sub3A_26, %ge3A : vector<400x2000xf32>
    %jit3A = arith.constant 2.007000e+03 : f32
    %broadcast_in_dim3A_33 = vector.broadcast %jit3A : f32 to vector<400x2000xf32>
    %select_n3A = arith.select %ge3A_32, %convert_element_type3A, %broadcast_in_dim3A_33 : vector<400x2000xi1>, vector<400x2000xf32>
    %reduce_min3A = arith.constant dense<0x7F800000> : vector<400xf32>
    %reduce_min3A_34 = vector.multi_reduction <minimumf>, %select_n3A, %reduce_min3A [1] : vector<400x2000xf32> to vector<400xf32>
    %broadcast_in_dim3A_35 = vector.shape_cast %reduce_min3A_34 : vector<400xf32> to vector<400x1xf32>
    %jit3A_36 = arith.constant 0xFF800000 : f32
    %broadcast_in_dim3A_37 = vector.broadcast %jit3A_36 : f32 to vector<400x2000xf32>
    %select_n3A_38 = arith.select %ge3A_32, %broadcast_in_dim3A_37, %sub3A_26 : vector<400x2000xi1>, vector<400x2000xf32>
    %eq3A = arith.constant 0 : i32
    %eq3A_39 = vector.broadcast %eq3A : i32 to vector<400x9xi32>
    %eq3A_40 = arith.cmpi eq, %iota3A_27, %eq3A_39 : vector<400x9xi32>
    %convert_element_type3A_41 = arith.fptosi %broadcast_in_dim3A_35 : vector<400x1xf32> to vector<400x1xi32>
    %broadcast_in_dim3A_42 = vector.shape_cast %convert_element_type3A_41 : vector<400x1xi32> to vector<400x1xi32>
    %broadcast_in_dim3A_43 = vector.broadcast %broadcast_in_dim3A_42 : vector<400x1xi32> to vector<400x9xi32>
    %select_n3A_44 = arith.select %eq3A_40, %broadcast_in_dim3A_43, %broadcast_in_dim3A_29 : vector<400x9xi1>, vector<400x9xi32>
    %reduce_max3A_45 = arith.constant dense<0xFF800000> : vector<400xf32>
    %reduce_max3A_46 = vector.multi_reduction <maximumf>, %select_n3A_38, %reduce_max3A_45 [1] : vector<400x2000xf32> to vector<400xf32>
    %broadcast_in_dim3A_47 = vector.shape_cast %reduce_max3A_46 : vector<400xf32> to vector<400x1xf32>
    %ge3A_48 = vector.broadcast %broadcast_in_dim3A_47 : vector<400x1xf32> to vector<400x2000xf32>
    %ge3A_49 = arith.cmpf oge, %select_n3A_38, %ge3A_48 : vector<400x2000xf32>
    %jit3A_50 = arith.constant 2.007000e+03 : f32
    %broadcast_in_dim3A_51 = vector.broadcast %jit3A_50 : f32 to vector<400x2000xf32>
    %select_n3A_52 = arith.select %ge3A_49, %convert_element_type3A, %broadcast_in_dim3A_51 : vector<400x2000xi1>, vector<400x2000xf32>
    %reduce_min3A_53 = arith.constant dense<0x7F800000> : vector<400xf32>
    %reduce_min3A_54 = vector.multi_reduction <minimumf>, %select_n3A_52, %reduce_min3A_53 [1] : vector<400x2000xf32> to vector<400xf32>
    %broadcast_in_dim3A_55 = vector.shape_cast %reduce_min3A_54 : vector<400xf32> to vector<400x1xf32>
    %jit3A_56 = arith.constant 0xFF800000 : f32
    %broadcast_in_dim3A_57 = vector.broadcast %jit3A_56 : f32 to vector<400x2000xf32>
    %select_n3A_58 = arith.select %ge3A_49, %broadcast_in_dim3A_57, %select_n3A_38 : vector<400x2000xi1>, vector<400x2000xf32>
    %eq3A_59 = arith.constant 1 : i32
    %eq3A_60 = vector.broadcast %eq3A_59 : i32 to vector<400x9xi32>
    %eq3A_61 = arith.cmpi eq, %iota3A_27, %eq3A_60 : vector<400x9xi32>
    %convert_element_type3A_62 = arith.fptosi %broadcast_in_dim3A_55 : vector<400x1xf32> to vector<400x1xi32>
    %broadcast_in_dim3A_63 = vector.shape_cast %convert_element_type3A_62 : vector<400x1xi32> to vector<400x1xi32>
    %broadcast_in_dim3A_64 = vector.broadcast %broadcast_in_dim3A_63 : vector<400x1xi32> to vector<400x9xi32>
    %select_n3A_65 = arith.select %eq3A_61, %broadcast_in_dim3A_64, %select_n3A_44 : vector<400x9xi1>, vector<400x9xi32>
    %reduce_max3A_66 = arith.constant dense<0xFF800000> : vector<400xf32>
    %reduce_max3A_67 = vector.multi_reduction <maximumf>, %select_n3A_58, %reduce_max3A_66 [1] : vector<400x2000xf32> to vector<400xf32>
    %broadcast_in_dim3A_68 = vector.shape_cast %reduce_max3A_67 : vector<400xf32> to vector<400x1xf32>
    %ge3A_69 = vector.broadcast %broadcast_in_dim3A_68 : vector<400x1xf32> to vector<400x2000xf32>
    %ge3A_70 = arith.cmpf oge, %select_n3A_58, %ge3A_69 : vector<400x2000xf32>
    %jit3A_71 = arith.constant 2.007000e+03 : f32
    %broadcast_in_dim3A_72 = vector.broadcast %jit3A_71 : f32 to vector<400x2000xf32>
    %select_n3A_73 = arith.select %ge3A_70, %convert_element_type3A, %broadcast_in_dim3A_72 : vector<400x2000xi1>, vector<400x2000xf32>
    %reduce_min3A_74 = arith.constant dense<0x7F800000> : vector<400xf32>
    %reduce_min3A_75 = vector.multi_reduction <minimumf>, %select_n3A_73, %reduce_min3A_74 [1] : vector<400x2000xf32> to vector<400xf32>
    %broadcast_in_dim3A_76 = vector.shape_cast %reduce_min3A_75 : vector<400xf32> to vector<400x1xf32>
    %jit3A_77 = arith.constant 0xFF800000 : f32
    %broadcast_in_dim3A_78 = vector.broadcast %jit3A_77 : f32 to vector<400x2000xf32>
    %select_n3A_79 = arith.select %ge3A_70, %broadcast_in_dim3A_78, %select_n3A_58 : vector<400x2000xi1>, vector<400x2000xf32>
    %eq3A_80 = arith.constant 2 : i32
    %eq3A_81 = vector.broadcast %eq3A_80 : i32 to vector<400x9xi32>
    %eq3A_82 = arith.cmpi eq, %iota3A_27, %eq3A_81 : vector<400x9xi32>
    %convert_element_type3A_83 = arith.fptosi %broadcast_in_dim3A_76 : vector<400x1xf32> to vector<400x1xi32>
    %broadcast_in_dim3A_84 = vector.shape_cast %convert_element_type3A_83 : vector<400x1xi32> to vector<400x1xi32>
    %broadcast_in_dim3A_85 = vector.broadcast %broadcast_in_dim3A_84 : vector<400x1xi32> to vector<400x9xi32>
    %select_n3A_86 = arith.select %eq3A_82, %broadcast_in_dim3A_85, %select_n3A_65 : vector<400x9xi1>, vector<400x9xi32>
    %reduce_max3A_87 = arith.constant dense<0xFF800000> : vector<400xf32>
    %reduce_max3A_88 = vector.multi_reduction <maximumf>, %select_n3A_79, %reduce_max3A_87 [1] : vector<400x2000xf32> to vector<400xf32>
    %broadcast_in_dim3A_89 = vector.shape_cast %reduce_max3A_88 : vector<400xf32> to vector<400x1xf32>
    %ge3A_90 = vector.broadcast %broadcast_in_dim3A_89 : vector<400x1xf32> to vector<400x2000xf32>
    %ge3A_91 = arith.cmpf oge, %select_n3A_79, %ge3A_90 : vector<400x2000xf32>
    %jit3A_92 = arith.constant 2.007000e+03 : f32
    %broadcast_in_dim3A_93 = vector.broadcast %jit3A_92 : f32 to vector<400x2000xf32>
    %select_n3A_94 = arith.select %ge3A_91, %convert_element_type3A, %broadcast_in_dim3A_93 : vector<400x2000xi1>, vector<400x2000xf32>
    %reduce_min3A_95 = arith.constant dense<0x7F800000> : vector<400xf32>
    %reduce_min3A_96 = vector.multi_reduction <minimumf>, %select_n3A_94, %reduce_min3A_95 [1] : vector<400x2000xf32> to vector<400xf32>
    %broadcast_in_dim3A_97 = vector.shape_cast %reduce_min3A_96 : vector<400xf32> to vector<400x1xf32>
    %jit3A_98 = arith.constant 0xFF800000 : f32
    %broadcast_in_dim3A_99 = vector.broadcast %jit3A_98 : f32 to vector<400x2000xf32>
    %select_n3A_100 = arith.select %ge3A_91, %broadcast_in_dim3A_99, %select_n3A_79 : vector<400x2000xi1>, vector<400x2000xf32>
    %eq3A_101 = arith.constant 3 : i32
    %eq3A_102 = vector.broadcast %eq3A_101 : i32 to vector<400x9xi32>
    %eq3A_103 = arith.cmpi eq, %iota3A_27, %eq3A_102 : vector<400x9xi32>
    %convert_element_type3A_104 = arith.fptosi %broadcast_in_dim3A_97 : vector<400x1xf32> to vector<400x1xi32>
    %broadcast_in_dim3A_105 = vector.shape_cast %convert_element_type3A_104 : vector<400x1xi32> to vector<400x1xi32>
    %broadcast_in_dim3A_106 = vector.broadcast %broadcast_in_dim3A_105 : vector<400x1xi32> to vector<400x9xi32>
    %select_n3A_107 = arith.select %eq3A_103, %broadcast_in_dim3A_106, %select_n3A_86 : vector<400x9xi1>, vector<400x9xi32>
    %reduce_max3A_108 = arith.constant dense<0xFF800000> : vector<400xf32>
    %reduce_max3A_109 = vector.multi_reduction <maximumf>, %select_n3A_100, %reduce_max3A_108 [1] : vector<400x2000xf32> to vector<400xf32>
    %broadcast_in_dim3A_110 = vector.shape_cast %reduce_max3A_109 : vector<400xf32> to vector<400x1xf32>
    %ge3A_111 = vector.broadcast %broadcast_in_dim3A_110 : vector<400x1xf32> to vector<400x2000xf32>
    %ge3A_112 = arith.cmpf oge, %select_n3A_100, %ge3A_111 : vector<400x2000xf32>
    %jit3A_113 = arith.constant 2.007000e+03 : f32
    %broadcast_in_dim3A_114 = vector.broadcast %jit3A_113 : f32 to vector<400x2000xf32>
    %select_n3A_115 = arith.select %ge3A_112, %convert_element_type3A, %broadcast_in_dim3A_114 : vector<400x2000xi1>, vector<400x2000xf32>
    %reduce_min3A_116 = arith.constant dense<0x7F800000> : vector<400xf32>
    %reduce_min3A_117 = vector.multi_reduction <minimumf>, %select_n3A_115, %reduce_min3A_116 [1] : vector<400x2000xf32> to vector<400xf32>
    %broadcast_in_dim3A_118 = vector.shape_cast %reduce_min3A_117 : vector<400xf32> to vector<400x1xf32>
    %jit3A_119 = arith.constant 0xFF800000 : f32
    %broadcast_in_dim3A_120 = vector.broadcast %jit3A_119 : f32 to vector<400x2000xf32>
    %select_n3A_121 = arith.select %ge3A_112, %broadcast_in_dim3A_120, %select_n3A_100 : vector<400x2000xi1>, vector<400x2000xf32>
    %eq3A_122 = arith.constant 4 : i32
    %eq3A_123 = vector.broadcast %eq3A_122 : i32 to vector<400x9xi32>
    %eq3A_124 = arith.cmpi eq, %iota3A_27, %eq3A_123 : vector<400x9xi32>
    %convert_element_type3A_125 = arith.fptosi %broadcast_in_dim3A_118 : vector<400x1xf32> to vector<400x1xi32>
    %broadcast_in_dim3A_126 = vector.shape_cast %convert_element_type3A_125 : vector<400x1xi32> to vector<400x1xi32>
    %broadcast_in_dim3A_127 = vector.broadcast %broadcast_in_dim3A_126 : vector<400x1xi32> to vector<400x9xi32>
    %select_n3A_128 = arith.select %eq3A_124, %broadcast_in_dim3A_127, %select_n3A_107 : vector<400x9xi1>, vector<400x9xi32>
    %reduce_max3A_129 = arith.constant dense<0xFF800000> : vector<400xf32>
    %reduce_max3A_130 = vector.multi_reduction <maximumf>, %select_n3A_121, %reduce_max3A_129 [1] : vector<400x2000xf32> to vector<400xf32>
    %broadcast_in_dim3A_131 = vector.shape_cast %reduce_max3A_130 : vector<400xf32> to vector<400x1xf32>
    %ge3A_132 = vector.broadcast %broadcast_in_dim3A_131 : vector<400x1xf32> to vector<400x2000xf32>
    %ge3A_133 = arith.cmpf oge, %select_n3A_121, %ge3A_132 : vector<400x2000xf32>
    %jit3A_134 = arith.constant 2.007000e+03 : f32
    %broadcast_in_dim3A_135 = vector.broadcast %jit3A_134 : f32 to vector<400x2000xf32>
    %select_n3A_136 = arith.select %ge3A_133, %convert_element_type3A, %broadcast_in_dim3A_135 : vector<400x2000xi1>, vector<400x2000xf32>
    %reduce_min3A_137 = arith.constant dense<0x7F800000> : vector<400xf32>
    %reduce_min3A_138 = vector.multi_reduction <minimumf>, %select_n3A_136, %reduce_min3A_137 [1] : vector<400x2000xf32> to vector<400xf32>
    %broadcast_in_dim3A_139 = vector.shape_cast %reduce_min3A_138 : vector<400xf32> to vector<400x1xf32>
    %jit3A_140 = arith.constant 0xFF800000 : f32
    %broadcast_in_dim3A_141 = vector.broadcast %jit3A_140 : f32 to vector<400x2000xf32>
    %select_n3A_142 = arith.select %ge3A_133, %broadcast_in_dim3A_141, %select_n3A_121 : vector<400x2000xi1>, vector<400x2000xf32>
    %eq3A_143 = arith.constant 5 : i32
    %eq3A_144 = vector.broadcast %eq3A_143 : i32 to vector<400x9xi32>
    %eq3A_145 = arith.cmpi eq, %iota3A_27, %eq3A_144 : vector<400x9xi32>
    %convert_element_type3A_146 = arith.fptosi %broadcast_in_dim3A_139 : vector<400x1xf32> to vector<400x1xi32>
    %broadcast_in_dim3A_147 = vector.shape_cast %convert_element_type3A_146 : vector<400x1xi32> to vector<400x1xi32>
    %broadcast_in_dim3A_148 = vector.broadcast %broadcast_in_dim3A_147 : vector<400x1xi32> to vector<400x9xi32>
    %select_n3A_149 = arith.select %eq3A_145, %broadcast_in_dim3A_148, %select_n3A_128 : vector<400x9xi1>, vector<400x9xi32>
    %reduce_max3A_150 = arith.constant dense<0xFF800000> : vector<400xf32>
    %reduce_max3A_151 = vector.multi_reduction <maximumf>, %select_n3A_142, %reduce_max3A_150 [1] : vector<400x2000xf32> to vector<400xf32>
    %broadcast_in_dim3A_152 = vector.shape_cast %reduce_max3A_151 : vector<400xf32> to vector<400x1xf32>
    %ge3A_153 = vector.broadcast %broadcast_in_dim3A_152 : vector<400x1xf32> to vector<400x2000xf32>
    %ge3A_154 = arith.cmpf oge, %select_n3A_142, %ge3A_153 : vector<400x2000xf32>
    %jit3A_155 = arith.constant 2.007000e+03 : f32
    %broadcast_in_dim3A_156 = vector.broadcast %jit3A_155 : f32 to vector<400x2000xf32>
    %select_n3A_157 = arith.select %ge3A_154, %convert_element_type3A, %broadcast_in_dim3A_156 : vector<400x2000xi1>, vector<400x2000xf32>
    %reduce_min3A_158 = arith.constant dense<0x7F800000> : vector<400xf32>
    %reduce_min3A_159 = vector.multi_reduction <minimumf>, %select_n3A_157, %reduce_min3A_158 [1] : vector<400x2000xf32> to vector<400xf32>
    %broadcast_in_dim3A_160 = vector.shape_cast %reduce_min3A_159 : vector<400xf32> to vector<400x1xf32>
    %jit3A_161 = arith.constant 0xFF800000 : f32
    %broadcast_in_dim3A_162 = vector.broadcast %jit3A_161 : f32 to vector<400x2000xf32>
    %select_n3A_163 = arith.select %ge3A_154, %broadcast_in_dim3A_162, %select_n3A_142 : vector<400x2000xi1>, vector<400x2000xf32>
    %eq3A_164 = arith.constant 6 : i32
    %eq3A_165 = vector.broadcast %eq3A_164 : i32 to vector<400x9xi32>
    %eq3A_166 = arith.cmpi eq, %iota3A_27, %eq3A_165 : vector<400x9xi32>
    %convert_element_type3A_167 = arith.fptosi %broadcast_in_dim3A_160 : vector<400x1xf32> to vector<400x1xi32>
    %broadcast_in_dim3A_168 = vector.shape_cast %convert_element_type3A_167 : vector<400x1xi32> to vector<400x1xi32>
    %broadcast_in_dim3A_169 = vector.broadcast %broadcast_in_dim3A_168 : vector<400x1xi32> to vector<400x9xi32>
    %select_n3A_170 = arith.select %eq3A_166, %broadcast_in_dim3A_169, %select_n3A_149 : vector<400x9xi1>, vector<400x9xi32>
    %reduce_max3A_171 = arith.constant dense<0xFF800000> : vector<400xf32>
    %reduce_max3A_172 = vector.multi_reduction <maximumf>, %select_n3A_163, %reduce_max3A_171 [1] : vector<400x2000xf32> to vector<400xf32>
    %broadcast_in_dim3A_173 = vector.shape_cast %reduce_max3A_172 : vector<400xf32> to vector<400x1xf32>
    %ge3A_174 = vector.broadcast %broadcast_in_dim3A_173 : vector<400x1xf32> to vector<400x2000xf32>
    %ge3A_175 = arith.cmpf oge, %select_n3A_163, %ge3A_174 : vector<400x2000xf32>
    %jit3A_176 = arith.constant 2.007000e+03 : f32
    %broadcast_in_dim3A_177 = vector.broadcast %jit3A_176 : f32 to vector<400x2000xf32>
    %select_n3A_178 = arith.select %ge3A_175, %convert_element_type3A, %broadcast_in_dim3A_177 : vector<400x2000xi1>, vector<400x2000xf32>
    %reduce_min3A_179 = arith.constant dense<0x7F800000> : vector<400xf32>
    %reduce_min3A_180 = vector.multi_reduction <minimumf>, %select_n3A_178, %reduce_min3A_179 [1] : vector<400x2000xf32> to vector<400xf32>
    %broadcast_in_dim3A_181 = vector.shape_cast %reduce_min3A_180 : vector<400xf32> to vector<400x1xf32>
    %jit3A_182 = arith.constant 0xFF800000 : f32
    %broadcast_in_dim3A_183 = vector.broadcast %jit3A_182 : f32 to vector<400x2000xf32>
    %select_n3A_184 = arith.select %ge3A_175, %broadcast_in_dim3A_183, %select_n3A_163 : vector<400x2000xi1>, vector<400x2000xf32>
    %eq3A_185 = arith.constant 7 : i32
    %eq3A_186 = vector.broadcast %eq3A_185 : i32 to vector<400x9xi32>
    %eq3A_187 = arith.cmpi eq, %iota3A_27, %eq3A_186 : vector<400x9xi32>
    %convert_element_type3A_188 = arith.fptosi %broadcast_in_dim3A_181 : vector<400x1xf32> to vector<400x1xi32>
    %broadcast_in_dim3A_189 = vector.shape_cast %convert_element_type3A_188 : vector<400x1xi32> to vector<400x1xi32>
    %broadcast_in_dim3A_190 = vector.broadcast %broadcast_in_dim3A_189 : vector<400x1xi32> to vector<400x9xi32>
    %select_n3A_191 = arith.select %eq3A_187, %broadcast_in_dim3A_190, %select_n3A_170 : vector<400x9xi1>, vector<400x9xi32>
    %reduce_max3A_192 = arith.constant dense<0xFF800000> : vector<400xf32>
    %reduce_max3A_193 = vector.multi_reduction <maximumf>, %select_n3A_184, %reduce_max3A_192 [1] : vector<400x2000xf32> to vector<400xf32>
    %broadcast_in_dim3A_194 = vector.shape_cast %reduce_max3A_193 : vector<400xf32> to vector<400x1xf32>
    %ge3A_195 = vector.broadcast %broadcast_in_dim3A_194 : vector<400x1xf32> to vector<400x2000xf32>
    %ge3A_196 = arith.cmpf oge, %select_n3A_184, %ge3A_195 : vector<400x2000xf32>
    %jit3A_197 = arith.constant 2.007000e+03 : f32
    %broadcast_in_dim3A_198 = vector.broadcast %jit3A_197 : f32 to vector<400x2000xf32>
    %select_n3A_199 = arith.select %ge3A_196, %convert_element_type3A, %broadcast_in_dim3A_198 : vector<400x2000xi1>, vector<400x2000xf32>
    %reduce_min3A_200 = arith.constant dense<0x7F800000> : vector<400xf32>
    %reduce_min3A_201 = vector.multi_reduction <minimumf>, %select_n3A_199, %reduce_min3A_200 [1] : vector<400x2000xf32> to vector<400xf32>
    %broadcast_in_dim3A_202 = vector.shape_cast %reduce_min3A_201 : vector<400xf32> to vector<400x1xf32>
    %eq3A_203 = arith.constant 8 : i32
    %eq3A_204 = vector.broadcast %eq3A_203 : i32 to vector<400x9xi32>
    %eq3A_205 = arith.cmpi eq, %iota3A_27, %eq3A_204 : vector<400x9xi32>
    %convert_element_type3A_206 = arith.fptosi %broadcast_in_dim3A_202 : vector<400x1xf32> to vector<400x1xi32>
    %broadcast_in_dim3A_207 = vector.shape_cast %convert_element_type3A_206 : vector<400x1xi32> to vector<400x1xi32>
    %broadcast_in_dim3A_208 = vector.broadcast %broadcast_in_dim3A_207 : vector<400x1xi32> to vector<400x9xi32>
    %select_n3A_209 = arith.select %eq3A_205, %broadcast_in_dim3A_208, %select_n3A_191 : vector<400x9xi1>, vector<400x9xi32>
    %jit3A_210 = arith.constant 3 : i32
    %eq3A_211 = arith.constant 0 : i32
    %eq3A_212 = arith.cmpi eq, %jit3A_210, %eq3A_211 : i32
    %jit3A_213 = arith.constant 1 : i32
    %select_n3A_214 = arith.select %eq3A_212, %jit3A_213, %jit3A_210 : i32
    %rem3A = vector.broadcast %select_n3A_214 : i32 to vector<400x9xi32>
    %rem3A_215 = arith.remsi %iota3A_27, %rem3A : vector<400x9xi32>
    %ne3A = arith.constant 0 : i32
    %ne3A_216 = vector.broadcast %ne3A : i32 to vector<400x9xi32>
    %ne3A_217 = arith.cmpi ne, %rem3A_215, %ne3A_216 : vector<400x9xi32>
    %lt3A = arith.constant 0 : i32
    %lt3A_218 = vector.broadcast %lt3A : i32 to vector<400x9xi32>
    %lt3A_219 = arith.cmpi slt, %rem3A_215, %lt3A_218 : vector<400x9xi32>
    %lt3A_220 = arith.constant 0 : i32
    %lt3A_221 = arith.cmpi slt, %select_n3A_214, %lt3A_220 : i32
    %ne3A_222 = vector.broadcast %lt3A_221 : i1 to vector<400x9xi1>
    %ne3A_223 = vector.broadcast %ne3A_222 : vector<400x9xi1> to vector<400x9xi1>
    %ne3A_224 = arith.xori %lt3A_219, %ne3A_223 : vector<400x9xi1>
    %and3A = arith.andi %ne3A_224, %ne3A_217 : vector<400x9xi1>
    %add3A_225 = vector.broadcast %select_n3A_214 : i32 to vector<400x9xi32>
    %add3A_226 = arith.addi %rem3A_215, %add3A_225 : vector<400x9xi32>
    %select_n3A_227 = arith.select %and3A, %add3A_226, %rem3A_215 : vector<400x9xi1>, vector<400x9xi32>
    %add3A_228 = arith.constant 3 : i32
    %add3A_229 = vector.broadcast %add3A_228 : i32 to vector<400x9xi32>
    %add3A_230 = arith.addi %select_n3A_227, %add3A_229 : vector<400x9xi32>
    %mul3A_231 = arith.constant 16000 : i32
    %mul3A_232 = vector.broadcast %mul3A_231 : i32 to vector<400x9xi32>
    %mul3A_233 = arith.muli %add3A_230, %mul3A_232 : vector<400x9xi32>
    %mul3A_234 = arith.constant 2000 : i32
    %mul3A_235 = arith.muli %arg0, %mul3A_234 : i32
    %add3A_236 = vector.broadcast %mul3A_235 : i32 to vector<400x9xi32>
    %add3A_237 = arith.addi %mul3A_233, %add3A_236 : vector<400x9xi32>
    %add3A_238 = arith.addi %select_n3A_209, %add3A_237 : vector<400x9xi32>
    %swap3A = arith.constant 0 : index
    %swap3A_239 = arith.constant 0 : index
    %swap3A_240 = arith.constant 0 : index
    %swap3A_241 = vector.load %arg4[%swap3A, %swap3A_239, %swap3A_240] : memref<1x400x9xi32, #tpu.memory_space<vmem>>, vector<1x400x9xi32>
    %swap3A_242 = vector.shape_cast %swap3A_241 : vector<1x400x9xi32> to vector<400x9xi32>
    %swap3A_243 = vector.shape_cast %add3A_238 : vector<400x9xi32> to vector<1x400x9xi32>
    tpu.vector_store %arg4[%swap3A, %swap3A_239, %swap3A_240], %swap3A_243 {strides = array<i32>} : memref<1x400x9xi32, #tpu.memory_space<vmem>>, vector<1x400x9xi32>,
    return
  }
  func.func @transform_0(%arg0: i32, %arg1: i32) -> (i32, i32, i32) {
    %c0_i32 = arith.constant 0 : i32
    %c0_i32_0 = arith.constant 0 : i32
    return %arg0, %arg1, %c0_i32 : i32, i32, i32
  }
  func.func @transform_1(%arg0: i32, %arg1: i32) -> (i32, i32, i32) {
    %c0_i32 = arith.constant 0 : i32
    %c0_i32_0 = arith.constant 0 : i32
    %c0_i32_1 = arith.constant 0 : i32
    return %arg0, %c0_i32, %c0_i32_0 : i32, i32, i32
  }
  func.func @transform_2(%arg0: i32, %arg1: i32) -> (i32, i32, i32) {
    %c0_i32 = arith.constant 0 : i32
    %c0_i32_0 = arith.constant 0 : i32
    return %arg0, %arg1, %c0_i32 : i32, i32, i32
  }
}

module attributes {stable_mosaic.version = 14 : i64} {
  func.func @_conv2_body(%arg0: i32, %arg1: i32, %arg2: i32, %arg3: memref<1x1x3x400x128xf32, #tpu.memory_space<vmem>>, %arg4: memref<1x16x2x128xf32, #tpu.memory_space<vmem>>, %arg5: memref<1x2x128xf32, #tpu.memory_space<vmem>>, %arg6: memref<1x3x128x128xf32, #tpu.memory_space<vmem>>, %arg7: memref<1x1x400x128xf32, #tpu.memory_space<vmem>>, %arg8: memref<1x2x128xf32, #tpu.memory_space<vmem>>) attributes {dimension_semantics = [#tpu.dimension_semantics<arbitrary>, #tpu.dimension_semantics<arbitrary>, #tpu.dimension_semantics<arbitrary>], iteration_bounds = array<i64: 2, 8, 5>, scalar_prefetch = 0 : i64, scratch_operands = 0 : i64, tpu.core_type = #tpu.core_type<tc>, window_params = [{transform_indices = @transform_0, window_bounds = array<i64: 1, 1, 3, 400, 128>}, {transform_indices = @transform_1, window_bounds = array<i64: 1, 16, 2, 128>}, {transform_indices = @transform_2, window_bounds = array<i64: 1, 2, 128>}, {transform_indices = @transform_3, window_bounds = array<i64: 1, 3, 128, 128>}, {transform_indices = @transform_4, window_bounds = array<i64: 1, 1, 400, 128>}, {transform_indices = @transform_5, window_bounds = array<i64: 1, 2, 128>}]} {
    %get3A = arith.constant 0 : index
    %get3A_0 = arith.constant 0 : index
    %get3A_1 = arith.constant 0 : index
    %get3A_2 = arith.constant 0 : index
    %get3A_3 = vector.load %arg4[%get3A, %get3A_0, %get3A_1, %get3A_2] : memref<1x16x2x128xf32, #tpu.memory_space<vmem>>, vector<1x16x2x128xf32>
    %get3A_4 = vector.shape_cast %get3A_3 : vector<1x16x2x128xf32> to vector<16x2x128xf32>
    %reduce_sum3A = arith.constant dense<0.000000e+00> : vector<2x128xf32>
    %reduce_sum3A_5 = vector.multi_reduction <add>, %get3A_4, %reduce_sum3A [0] : vector<16x2x128xf32> to vector<2x128xf32>
    %slice3A = vector.extract_strided_slice %reduce_sum3A_5 {offsets = [0, 0], sizes = [1, 128], strides = [1, 1]} : vector<2x128xf32> to vector<1x128xf32>
    %mul3A = arith.constant 2.08333331E-5 : f32
    %mul3A_6 = vector.broadcast %mul3A : f32 to vector<1x128xf32>
    %mul3A_7 = arith.mulf %slice3A, %mul3A_6 : vector<1x128xf32>
    %slice3A_8 = vector.extract_strided_slice %reduce_sum3A_5 {offsets = [1, 0], sizes = [1, 128], strides = [1, 1]} : vector<2x128xf32> to vector<1x128xf32>
    %mul3A_9 = arith.constant 2.08333331E-5 : f32
    %mul3A_10 = vector.broadcast %mul3A_9 : f32 to vector<1x128xf32>
    %mul3A_11 = arith.mulf %slice3A_8, %mul3A_10 : vector<1x128xf32>
    %mul3A_12 = arith.mulf %mul3A_7, %mul3A_7 : vector<1x128xf32>
    %sub3A = arith.subf %mul3A_11, %mul3A_12 : vector<1x128xf32>
    %get3A_13 = arith.constant 0 : index
    %get3A_14 = arith.constant 0 : index
    %get3A_15 = arith.constant 0 : index
    %get3A_16 = vector.load %arg5[%get3A_13, %get3A_14, %get3A_15] : memref<1x2x128xf32, #tpu.memory_space<vmem>>, vector<1x1x128xf32>
    %get3A_17 = vector.shape_cast %get3A_16 : vector<1x1x128xf32> to vector<1x128xf32>
    %add3A = arith.constant 9.99999974E-6 : f32
    %add3A_18 = vector.broadcast %add3A : f32 to vector<1x128xf32>
    %add3A_19 = arith.addf %sub3A, %add3A_18 : vector<1x128xf32>
    %rsqrt3A = math.rsqrt %add3A_19 : vector<1x128xf32>
    %mul3A_20 = arith.mulf %get3A_17, %rsqrt3A : vector<1x128xf32>
    %get3A_21 = arith.constant 0 : index
    %get3A_22 = arith.constant 1 : index
    %get3A_23 = arith.constant 0 : index
    %get3A_24 = vector.load %arg5[%get3A_21, %get3A_22, %get3A_23] : memref<1x2x128xf32, #tpu.memory_space<vmem>>, vector<1x1x128xf32>
    %get3A_25 = vector.shape_cast %get3A_24 : vector<1x1x128xf32> to vector<1x128xf32>
    %mul3A_26 = arith.mulf %mul3A_7, %mul3A_20 : vector<1x128xf32>
    %sub3A_27 = arith.subf %get3A_25, %mul3A_26 : vector<1x128xf32>
    %broadcast_in_dim3A = arith.constant 0.000000e+00 : f32
    %broadcast_in_dim3A_28 = vector.broadcast %broadcast_in_dim3A : f32 to vector<400x128xf32>
    %get3A_29 = arith.constant 0 : index
    %get3A_30 = arith.constant 0 : index
    %get3A_31 = arith.constant 0 : index
    %get3A_32 = arith.constant 0 : index
    %get3A_33 = arith.constant 0 : index
    %get3A_34 = vector.load %arg3[%get3A_29, %get3A_30, %get3A_31, %get3A_32, %get3A_33] : memref<1x1x3x400x128xf32, #tpu.memory_space<vmem>>, vector<1x1x1x400x128xf32>
    %get3A_35 = vector.shape_cast %get3A_34 : vector<1x1x1x400x128xf32> to vector<400x128xf32>
    %mul3A_36 = vector.broadcast %mul3A_20 : vector<1x128xf32> to vector<400x128xf32>
    %mul3A_37 = arith.mulf %get3A_35, %mul3A_36 : vector<400x128xf32>
    %add3A_38 = vector.broadcast %sub3A_27 : vector<1x128xf32> to vector<400x128xf32>
    %add3A_39 = arith.addf %mul3A_37, %add3A_38 : vector<400x128xf32>
    %max3A = arith.constant 0.000000e+00 : f32
    %max3A_40 = vector.broadcast %max3A : f32 to vector<400x128xf32>
    %max3A_41 = arith.maximumf %add3A_39, %max3A_40 : vector<400x128xf32>
    %get3A_42 = arith.constant 0 : index
    %get3A_43 = arith.constant 0 : index
    %get3A_44 = arith.constant 0 : index
    %get3A_45 = arith.constant 0 : index
    %get3A_46 = vector.load %arg6[%get3A_42, %get3A_43, %get3A_44, %get3A_45] : memref<1x3x128x128xf32, #tpu.memory_space<vmem>>, vector<1x1x128x128xf32>
    %get3A_47 = vector.shape_cast %get3A_46 : vector<1x1x128x128xf32> to vector<128x128xf32>
    %dot_general3A = arith.constant dense<0.000000e+00> : vector<400x128xf32>
    %dot_general3A_48 = tpu.matmul %max3A_41, %get3A_47, %dot_general3A {dimension_numbers = #tpu.dot_dimension_numbers<[1], [0], [0], [1], [0, 0, 1, 1], [], []>, transpose_lhs_hint = false} : vector<400x128xf32>, vector<128x128xf32>, vector<400x128xf32> -> vector<400x128xf32>
    %add3A_49 = arith.addf %broadcast_in_dim3A_28, %dot_general3A_48 : vector<400x128xf32>
    %get3A_50 = arith.constant 0 : index
    %get3A_51 = arith.constant 0 : index
    %get3A_52 = arith.constant 1 : index
    %get3A_53 = arith.constant 0 : index
    %get3A_54 = arith.constant 0 : index
    %get3A_55 = vector.load %arg3[%get3A_50, %get3A_51, %get3A_52, %get3A_53, %get3A_54] : memref<1x1x3x400x128xf32, #tpu.memory_space<vmem>>, vector<1x1x1x400x128xf32>
    %get3A_56 = vector.shape_cast %get3A_55 : vector<1x1x1x400x128xf32> to vector<400x128xf32>
    %mul3A_57 = vector.broadcast %mul3A_20 : vector<1x128xf32> to vector<400x128xf32>
    %mul3A_58 = arith.mulf %get3A_56, %mul3A_57 : vector<400x128xf32>
    %add3A_59 = vector.broadcast %sub3A_27 : vector<1x128xf32> to vector<400x128xf32>
    %add3A_60 = arith.addf %mul3A_58, %add3A_59 : vector<400x128xf32>
    %max3A_61 = arith.constant 0.000000e+00 : f32
    %max3A_62 = vector.broadcast %max3A_61 : f32 to vector<400x128xf32>
    %max3A_63 = arith.maximumf %add3A_60, %max3A_62 : vector<400x128xf32>
    %get3A_64 = arith.constant 0 : index
    %get3A_65 = arith.constant 1 : index
    %get3A_66 = arith.constant 0 : index
    %get3A_67 = arith.constant 0 : index
    %get3A_68 = vector.load %arg6[%get3A_64, %get3A_65, %get3A_66, %get3A_67] : memref<1x3x128x128xf32, #tpu.memory_space<vmem>>, vector<1x1x128x128xf32>
    %get3A_69 = vector.shape_cast %get3A_68 : vector<1x1x128x128xf32> to vector<128x128xf32>
    %dot_general3A_70 = arith.constant dense<0.000000e+00> : vector<400x128xf32>
    %dot_general3A_71 = tpu.matmul %max3A_63, %get3A_69, %dot_general3A_70 {dimension_numbers = #tpu.dot_dimension_numbers<[1], [0], [0], [1], [0, 0, 1, 1], [], []>, transpose_lhs_hint = false} : vector<400x128xf32>, vector<128x128xf32>, vector<400x128xf32> -> vector<400x128xf32>
    %add3A_72 = arith.addf %add3A_49, %dot_general3A_71 : vector<400x128xf32>
    %get3A_73 = arith.constant 0 : index
    %get3A_74 = arith.constant 0 : index
    %get3A_75 = arith.constant 2 : index
    %get3A_76 = arith.constant 0 : index
    %get3A_77 = arith.constant 0 : index
    %get3A_78 = vector.load %arg3[%get3A_73, %get3A_74, %get3A_75, %get3A_76, %get3A_77] : memref<1x1x3x400x128xf32, #tpu.memory_space<vmem>>, vector<1x1x1x400x128xf32>
    %get3A_79 = vector.shape_cast %get3A_78 : vector<1x1x1x400x128xf32> to vector<400x128xf32>
    %mul3A_80 = vector.broadcast %mul3A_20 : vector<1x128xf32> to vector<400x128xf32>
    %mul3A_81 = arith.mulf %get3A_79, %mul3A_80 : vector<400x128xf32>
    %add3A_82 = vector.broadcast %sub3A_27 : vector<1x128xf32> to vector<400x128xf32>
    %add3A_83 = arith.addf %mul3A_81, %add3A_82 : vector<400x128xf32>
    %max3A_84 = arith.constant 0.000000e+00 : f32
    %max3A_85 = vector.broadcast %max3A_84 : f32 to vector<400x128xf32>
    %max3A_86 = arith.maximumf %add3A_83, %max3A_85 : vector<400x128xf32>
    %get3A_87 = arith.constant 0 : index
    %get3A_88 = arith.constant 2 : index
    %get3A_89 = arith.constant 0 : index
    %get3A_90 = arith.constant 0 : index
    %get3A_91 = vector.load %arg6[%get3A_87, %get3A_88, %get3A_89, %get3A_90] : memref<1x3x128x128xf32, #tpu.memory_space<vmem>>, vector<1x1x128x128xf32>
    %get3A_92 = vector.shape_cast %get3A_91 : vector<1x1x128x128xf32> to vector<128x128xf32>
    %dot_general3A_93 = arith.constant dense<0.000000e+00> : vector<400x128xf32>
    %dot_general3A_94 = tpu.matmul %max3A_86, %get3A_92, %dot_general3A_93 {dimension_numbers = #tpu.dot_dimension_numbers<[1], [0], [0], [1], [0, 0, 1, 1], [], []>, transpose_lhs_hint = false} : vector<400x128xf32>, vector<128x128xf32>, vector<400x128xf32> -> vector<400x128xf32>
    %add3A_95 = arith.addf %add3A_72, %dot_general3A_94 : vector<400x128xf32>
    %swap3A = arith.constant 0 : index
    %swap3A_96 = arith.constant 0 : index
    %swap3A_97 = arith.constant 0 : index
    %swap3A_98 = arith.constant 0 : index
    %swap3A_99 = vector.load %arg7[%swap3A, %swap3A_96, %swap3A_97, %swap3A_98] : memref<1x1x400x128xf32, #tpu.memory_space<vmem>>, vector<1x1x400x128xf32>
    %swap3A_100 = vector.shape_cast %swap3A_99 : vector<1x1x400x128xf32> to vector<400x128xf32>
    %swap3A_101 = vector.shape_cast %add3A_95 : vector<400x128xf32> to vector<1x1x400x128xf32>
    tpu.vector_store %arg7[%swap3A, %swap3A_96, %swap3A_97, %swap3A_98], %swap3A_101 {strides = array<i32>} : memref<1x1x400x128xf32, #tpu.memory_space<vmem>>, vector<1x1x400x128xf32>,
    %reduce_sum3A_102 = arith.constant dense<0.000000e+00> : vector<128xf32>
    %reduce_sum3A_103 = vector.multi_reduction <add>, %add3A_95, %reduce_sum3A_102 [0] : vector<400x128xf32> to vector<128xf32>
    %broadcast_in_dim3A_104 = vector.shape_cast %reduce_sum3A_103 : vector<128xf32> to vector<1x128xf32>
    %mul3A_105 = arith.mulf %add3A_95, %add3A_95 : vector<400x128xf32>
    %reduce_sum3A_106 = arith.constant dense<0.000000e+00> : vector<128xf32>
    %reduce_sum3A_107 = vector.multi_reduction <add>, %mul3A_105, %reduce_sum3A_106 [0] : vector<400x128xf32> to vector<128xf32>
    %broadcast_in_dim3A_108 = vector.shape_cast %reduce_sum3A_107 : vector<128xf32> to vector<1x128xf32>
    %concatenate3A = tpu.concatenate %broadcast_in_dim3A_104, %broadcast_in_dim3A_108 in 0 : vector<1x128xf32>, vector<1x128xf32> -> vector<2x128xf32>
    %eq3A = arith.constant 0 : i32
    %eq3A_109 = arith.cmpi eq, %arg1, %eq3A : i32
    %eq3A_110 = arith.constant 0 : i32
    %eq3A_111 = arith.cmpi eq, %arg2, %eq3A_110 : i32
    %and3A = arith.andi %eq3A_109, %eq3A_111 : i1
    %convert_element_type3A = arith.extui %and3A : i1 to i32
    %cond3A = arith.constant 0 : i32
    %cond3A_112 = arith.cmpi ne, %convert_element_type3A, %cond3A : i32
    scf.if %cond3A_112 {
      %swap3A_119 = arith.constant 0 : index
      %swap3A_120 = arith.constant 0 : index
      %swap3A_121 = arith.constant 0 : index
      %swap3A_122 = vector.load %arg8[%swap3A_119, %swap3A_120, %swap3A_121] : memref<1x2x128xf32, #tpu.memory_space<vmem>>, vector<1x2x128xf32>
      %swap3A_123 = vector.shape_cast %swap3A_122 : vector<1x2x128xf32> to vector<2x128xf32>
      %swap3A_124 = vector.shape_cast %concatenate3A : vector<2x128xf32> to vector<1x2x128xf32>
      tpu.vector_store %arg8[%swap3A_119, %swap3A_120, %swap3A_121], %swap3A_124 {strides = array<i32>} : memref<1x2x128xf32, #tpu.memory_space<vmem>>, vector<1x2x128xf32>,
    } else {
    }
    %gt3A = arith.constant 0 : i32
    %gt3A_113 = arith.cmpi sgt, %arg1, %gt3A : i32
    %gt3A_114 = arith.constant 0 : i32
    %gt3A_115 = arith.cmpi sgt, %arg2, %gt3A_114 : i32
    %or3A = arith.ori %gt3A_113, %gt3A_115 : i1
    %convert_element_type3A_116 = arith.extui %or3A : i1 to i32
    %cond3A_117 = arith.constant 0 : i32
    %cond3A_118 = arith.cmpi ne, %convert_element_type3A_116, %cond3A_117 : i32
    scf.if %cond3A_118 {
      %get3A_119 = arith.constant 0 : index
      %get3A_120 = arith.constant 0 : index
      %get3A_121 = arith.constant 0 : index
      %get3A_122 = vector.load %arg8[%get3A_119, %get3A_120, %get3A_121] : memref<1x2x128xf32, #tpu.memory_space<vmem>>, vector<1x2x128xf32>
      %get3A_123 = vector.shape_cast %get3A_122 : vector<1x2x128xf32> to vector<2x128xf32>
      %add3A_124 = arith.addf %get3A_123, %concatenate3A : vector<2x128xf32>
      %swap3A_125 = arith.constant 0 : index
      %swap3A_126 = arith.constant 0 : index
      %swap3A_127 = arith.constant 0 : index
      %swap3A_128 = vector.load %arg8[%swap3A_125, %swap3A_126, %swap3A_127] : memref<1x2x128xf32, #tpu.memory_space<vmem>>, vector<1x2x128xf32>
      %swap3A_129 = vector.shape_cast %swap3A_128 : vector<1x2x128xf32> to vector<2x128xf32>
      %swap3A_130 = vector.shape_cast %add3A_124 : vector<2x128xf32> to vector<1x2x128xf32>
      tpu.vector_store %arg8[%swap3A_125, %swap3A_126, %swap3A_127], %swap3A_130 {strides = array<i32>} : memref<1x2x128xf32, #tpu.memory_space<vmem>>, vector<1x2x128xf32>,
    } else {
    }
    return
  }
  func.func @transform_0(%arg0: i32, %arg1: i32, %arg2: i32) -> (i32, i32, i32, i32, i32) {
    %c0_i32 = arith.constant 0 : i32
    %c0_i32_0 = arith.constant 0 : i32
    %c0_i32_1 = arith.constant 0 : i32
    return %arg0, %arg1, %c0_i32, %arg2, %c0_i32_0 : i32, i32, i32, i32, i32
  }
  func.func @transform_1(%arg0: i32, %arg1: i32, %arg2: i32) -> (i32, i32, i32, i32) {
    %c0_i32 = arith.constant 0 : i32
    %c0_i32_0 = arith.constant 0 : i32
    %c0_i32_1 = arith.constant 0 : i32
    %c0_i32_2 = arith.constant 0 : i32
    return %arg0, %c0_i32, %c0_i32_0, %c0_i32_1 : i32, i32, i32, i32
  }
  func.func @transform_2(%arg0: i32, %arg1: i32, %arg2: i32) -> (i32, i32, i32) {
    %c0_i32 = arith.constant 0 : i32
    %c0_i32_0 = arith.constant 0 : i32
    %c0_i32_1 = arith.constant 0 : i32
    return %arg0, %c0_i32, %c0_i32_0 : i32, i32, i32
  }
  func.func @transform_3(%arg0: i32, %arg1: i32, %arg2: i32) -> (i32, i32, i32, i32) {
    %c0_i32 = arith.constant 0 : i32
    %c0_i32_0 = arith.constant 0 : i32
    %c0_i32_1 = arith.constant 0 : i32
    %c0_i32_2 = arith.constant 0 : i32
    return %arg0, %c0_i32, %c0_i32_0, %c0_i32_1 : i32, i32, i32, i32
  }
  func.func @transform_4(%arg0: i32, %arg1: i32, %arg2: i32) -> (i32, i32, i32, i32) {
    %c0_i32 = arith.constant 0 : i32
    %c0_i32_0 = arith.constant 0 : i32
    return %arg0, %arg1, %arg2, %c0_i32 : i32, i32, i32, i32
  }
  func.func @transform_5(%arg0: i32, %arg1: i32, %arg2: i32) -> (i32, i32, i32) {
    %c0_i32 = arith.constant 0 : i32
    %c0_i32_0 = arith.constant 0 : i32
    %c0_i32_1 = arith.constant 0 : i32
    return %arg0, %c0_i32, %c0_i32_0 : i32, i32, i32
  }
}

module attributes {stable_mosaic.version = 14 : i64} {
  func.func @_final_body(%arg0: i32, %arg1: memref<2x1x2000x128xf32, #tpu.memory_space<vmem>>, %arg2: memref<2x2x128xf32, #tpu.memory_space<vmem>>, %arg3: memref<2x2x128xf32, #tpu.memory_space<vmem>>, %arg4: memref<1x1xf32, #tpu.memory_space<vmem>>, %arg5: memref<1x128x2000xf32, #tpu.memory_space<vmem>>) attributes {dimension_semantics = [#tpu.dimension_semantics<arbitrary>], iteration_bounds = array<i64: 8>, scalar_prefetch = 0 : i64, scratch_operands = 0 : i64, tpu.core_type = #tpu.core_type<tc>, window_params = [{transform_indices = @transform_0, window_bounds = array<i64: 2, 1, 2000, 128>}, {pipeline_mode = #tpu.pipeline_mode<synchronous>, transform_indices = @transform_1, window_bounds = array<i64: 2, 2, 128>}, {pipeline_mode = #tpu.pipeline_mode<synchronous>, transform_indices = @transform_2, window_bounds = array<i64: 2, 2, 128>}, {pipeline_mode = #tpu.pipeline_mode<synchronous>, transform_indices = @transform_3, window_bounds = array<i64: 1, 1>}, {transform_indices = @transform_4, window_bounds = array<i64: 1, 128, 2000>}]} {
    %get3A = arith.constant 0 : index
    %get3A_0 = arith.constant 0 : index
    %get3A_1 = arith.constant 0 : index
    %get3A_2 = vector.load %arg2[%get3A, %get3A_0, %get3A_1] : memref<2x2x128xf32, #tpu.memory_space<vmem>>, vector<1x1x128xf32>
    %get3A_3 = vector.shape_cast %get3A_2 : vector<1x1x128xf32> to vector<1x128xf32>
    %mul3A = arith.constant 6.250000e-05 : f32
    %mul3A_4 = vector.broadcast %mul3A : f32 to vector<1x128xf32>
    %mul3A_5 = arith.mulf %get3A_3, %mul3A_4 : vector<1x128xf32>
    %get3A_6 = arith.constant 0 : index
    %get3A_7 = arith.constant 1 : index
    %get3A_8 = arith.constant 0 : index
    %get3A_9 = vector.load %arg2[%get3A_6, %get3A_7, %get3A_8] : memref<2x2x128xf32, #tpu.memory_space<vmem>>, vector<1x1x128xf32>
    %get3A_10 = vector.shape_cast %get3A_9 : vector<1x1x128xf32> to vector<1x128xf32>
    %mul3A_11 = arith.constant 6.250000e-05 : f32
    %mul3A_12 = vector.broadcast %mul3A_11 : f32 to vector<1x128xf32>
    %mul3A_13 = arith.mulf %get3A_10, %mul3A_12 : vector<1x128xf32>
    %mul3A_14 = arith.mulf %mul3A_5, %mul3A_5 : vector<1x128xf32>
    %sub3A = arith.subf %mul3A_13, %mul3A_14 : vector<1x128xf32>
    %get3A_15 = arith.constant 0 : index
    %get3A_16 = arith.constant 0 : index
    %get3A_17 = arith.constant 0 : index
    %get3A_18 = vector.load %arg3[%get3A_15, %get3A_16, %get3A_17] : memref<2x2x128xf32, #tpu.memory_space<vmem>>, vector<1x1x128xf32>
    %get3A_19 = vector.shape_cast %get3A_18 : vector<1x1x128xf32> to vector<1x128xf32>
    %add3A = arith.constant 9.99999974E-6 : f32
    %add3A_20 = vector.broadcast %add3A : f32 to vector<1x128xf32>
    %add3A_21 = arith.addf %sub3A, %add3A_20 : vector<1x128xf32>
    %rsqrt3A = math.rsqrt %add3A_21 : vector<1x128xf32>
    %mul3A_22 = arith.mulf %get3A_19, %rsqrt3A : vector<1x128xf32>
    %get3A_23 = arith.constant 0 : index
    %get3A_24 = arith.constant 1 : index
    %get3A_25 = arith.constant 0 : index
    %get3A_26 = vector.load %arg3[%get3A_23, %get3A_24, %get3A_25] : memref<2x2x128xf32, #tpu.memory_space<vmem>>, vector<1x1x128xf32>
    %get3A_27 = vector.shape_cast %get3A_26 : vector<1x1x128xf32> to vector<1x128xf32>
    %mul3A_28 = arith.mulf %mul3A_5, %mul3A_22 : vector<1x128xf32>
    %sub3A_29 = arith.subf %get3A_27, %mul3A_28 : vector<1x128xf32>
    %get3A_30 = arith.constant 0 : index
    %get3A_31 = arith.constant 0 : index
    %get3A_32 = arith.constant 0 : index
    %get3A_33 = arith.constant 0 : index
    %get3A_34 = vector.load %arg1[%get3A_30, %get3A_31, %get3A_32, %get3A_33] : memref<2x1x2000x128xf32, #tpu.memory_space<vmem>>, vector<1x1x2000x128xf32>
    %get3A_35 = vector.shape_cast %get3A_34 : vector<1x1x2000x128xf32> to vector<2000x128xf32>
    %mul3A_36 = vector.broadcast %mul3A_22 : vector<1x128xf32> to vector<2000x128xf32>
    %mul3A_37 = arith.mulf %get3A_35, %mul3A_36 : vector<2000x128xf32>
    %add3A_38 = vector.broadcast %sub3A_29 : vector<1x128xf32> to vector<2000x128xf32>
    %add3A_39 = arith.addf %mul3A_37, %add3A_38 : vector<2000x128xf32>
    %max3A = arith.constant 0.000000e+00 : f32
    %max3A_40 = vector.broadcast %max3A : f32 to vector<2000x128xf32>
    %max3A_41 = arith.maximumf %add3A_39, %max3A_40 : vector<2000x128xf32>
    %get3A_42 = arith.constant 1 : index
    %get3A_43 = arith.constant 0 : index
    %get3A_44 = arith.constant 0 : index
    %get3A_45 = vector.load %arg2[%get3A_42, %get3A_43, %get3A_44] : memref<2x2x128xf32, #tpu.memory_space<vmem>>, vector<1x1x128xf32>
    %get3A_46 = vector.shape_cast %get3A_45 : vector<1x1x128xf32> to vector<1x128xf32>
    %mul3A_47 = arith.constant 6.250000e-05 : f32
    %mul3A_48 = vector.broadcast %mul3A_47 : f32 to vector<1x128xf32>
    %mul3A_49 = arith.mulf %get3A_46, %mul3A_48 : vector<1x128xf32>
    %get3A_50 = arith.constant 1 : index
    %get3A_51 = arith.constant 1 : index
    %get3A_52 = arith.constant 0 : index
    %get3A_53 = vector.load %arg2[%get3A_50, %get3A_51, %get3A_52] : memref<2x2x128xf32, #tpu.memory_space<vmem>>, vector<1x1x128xf32>
    %get3A_54 = vector.shape_cast %get3A_53 : vector<1x1x128xf32> to vector<1x128xf32>
    %mul3A_55 = arith.constant 6.250000e-05 : f32
    %mul3A_56 = vector.broadcast %mul3A_55 : f32 to vector<1x128xf32>
    %mul3A_57 = arith.mulf %get3A_54, %mul3A_56 : vector<1x128xf32>
    %mul3A_58 = arith.mulf %mul3A_49, %mul3A_49 : vector<1x128xf32>
    %sub3A_59 = arith.subf %mul3A_57, %mul3A_58 : vector<1x128xf32>
    %get3A_60 = arith.constant 1 : index
    %get3A_61 = arith.constant 0 : index
    %get3A_62 = arith.constant 0 : index
    %get3A_63 = vector.load %arg3[%get3A_60, %get3A_61, %get3A_62] : memref<2x2x128xf32, #tpu.memory_space<vmem>>, vector<1x1x128xf32>
    %get3A_64 = vector.shape_cast %get3A_63 : vector<1x1x128xf32> to vector<1x128xf32>
    %add3A_65 = arith.constant 9.99999974E-6 : f32
    %add3A_66 = vector.broadcast %add3A_65 : f32 to vector<1x128xf32>
    %add3A_67 = arith.addf %sub3A_59, %add3A_66 : vector<1x128xf32>
    %rsqrt3A_68 = math.rsqrt %add3A_67 : vector<1x128xf32>
    %mul3A_69 = arith.mulf %get3A_64, %rsqrt3A_68 : vector<1x128xf32>
    %get3A_70 = arith.constant 1 : index
    %get3A_71 = arith.constant 1 : index
    %get3A_72 = arith.constant 0 : index
    %get3A_73 = vector.load %arg3[%get3A_70, %get3A_71, %get3A_72] : memref<2x2x128xf32, #tpu.memory_space<vmem>>, vector<1x1x128xf32>
    %get3A_74 = vector.shape_cast %get3A_73 : vector<1x1x128xf32> to vector<1x128xf32>
    %mul3A_75 = arith.mulf %mul3A_49, %mul3A_69 : vector<1x128xf32>
    %sub3A_76 = arith.subf %get3A_74, %mul3A_75 : vector<1x128xf32>
    %get3A_77 = arith.constant 1 : index
    %get3A_78 = arith.constant 0 : index
    %get3A_79 = arith.constant 0 : index
    %get3A_80 = arith.constant 0 : index
    %get3A_81 = vector.load %arg1[%get3A_77, %get3A_78, %get3A_79, %get3A_80] : memref<2x1x2000x128xf32, #tpu.memory_space<vmem>>, vector<1x1x2000x128xf32>
    %get3A_82 = vector.shape_cast %get3A_81 : vector<1x1x2000x128xf32> to vector<2000x128xf32>
    %mul3A_83 = vector.broadcast %mul3A_69 : vector<1x128xf32> to vector<2000x128xf32>
    %mul3A_84 = arith.mulf %get3A_82, %mul3A_83 : vector<2000x128xf32>
    %add3A_85 = vector.broadcast %sub3A_76 : vector<1x128xf32> to vector<2000x128xf32>
    %add3A_86 = arith.addf %mul3A_84, %add3A_85 : vector<2000x128xf32>
    %max3A_87 = arith.constant 0.000000e+00 : f32
    %max3A_88 = vector.broadcast %max3A_87 : f32 to vector<2000x128xf32>
    %max3A_89 = arith.maximumf %add3A_86, %max3A_88 : vector<2000x128xf32>
    %get3A_90 = arith.constant 0 : index
    %get3A_91 = arith.constant 0 : index
    %get3A_92 = vector.load %arg4[%get3A_90, %get3A_91] : memref<1x1xf32, #tpu.memory_space<vmem>>, vector<1x1xf32>
    %get3A_93 = vector.extract %get3A_92[0, 0] : f32 from vector<1x1xf32>
    %mul3A_94 = vector.broadcast %get3A_93 : f32 to vector<2000x128xf32>
    %mul3A_95 = arith.mulf %mul3A_94, %max3A_89 : vector<2000x128xf32>
    %add3A_96 = arith.addf %max3A_41, %mul3A_95 : vector<2000x128xf32>
    %transpose3A = tpu.transpose %add3A_96, [1, 0] : vector<2000x128xf32> -> vector<128x2000xf32>
    %swap3A = arith.constant 0 : index
    %swap3A_97 = arith.constant 0 : index
    %swap3A_98 = arith.constant 0 : index
    %swap3A_99 = vector.load %arg5[%swap3A, %swap3A_97, %swap3A_98] : memref<1x128x2000xf32, #tpu.memory_space<vmem>>, vector<1x128x2000xf32>
    %swap3A_100 = vector.shape_cast %swap3A_99 : vector<1x128x2000xf32> to vector<128x2000xf32>
    %swap3A_101 = vector.shape_cast %transpose3A : vector<128x2000xf32> to vector<1x128x2000xf32>
    tpu.vector_store %arg5[%swap3A, %swap3A_97, %swap3A_98], %swap3A_101 {strides = array<i32>} : memref<1x128x2000xf32, #tpu.memory_space<vmem>>, vector<1x128x2000xf32>,
    return
  }
  func.func @transform_0(%arg0: i32) -> (i32, i32, i32, i32) {
    %c0_i32 = arith.constant 0 : i32
    %c0_i32_0 = arith.constant 0 : i32
    %c0_i32_1 = arith.constant 0 : i32
    %c0_i32_2 = arith.constant 0 : i32
    return %c0_i32, %arg0, %c0_i32_0, %c0_i32_1 : i32, i32, i32, i32
  }
  func.func @transform_1(%arg0: i32) -> (i32, i32, i32) {
    %c0_i32 = arith.constant 0 : i32
    %c0_i32_0 = arith.constant 0 : i32
    %c0_i32_1 = arith.constant 0 : i32
    %c0_i32_2 = arith.constant 0 : i32
    return %c0_i32, %c0_i32_0, %c0_i32_1 : i32, i32, i32
  }
  func.func @transform_2(%arg0: i32) -> (i32, i32, i32) {
    %c0_i32 = arith.constant 0 : i32
    %c0_i32_0 = arith.constant 0 : i32
    %c0_i32_1 = arith.constant 0 : i32
    %c0_i32_2 = arith.constant 0 : i32
    return %c0_i32, %c0_i32_0, %c0_i32_1 : i32, i32, i32
  }
  func.func @transform_3(%arg0: i32) -> (i32, i32) {
    %c0_i32 = arith.constant 0 : i32
    %c0_i32_0 = arith.constant 0 : i32
    %c0_i32_1 = arith.constant 0 : i32
    return %c0_i32, %c0_i32_0 : i32, i32
  }
  func.func @transform_4(%arg0: i32) -> (i32, i32, i32) {
    %c0_i32 = arith.constant 0 : i32
    %c0_i32_0 = arith.constant 0 : i32
    %c0_i32_1 = arith.constant 0 : i32
    return %arg0, %c0_i32, %c0_i32_0 : i32, i32, i32
  }
}

</mosaic_0001>

<sc_bundles>
// kernel: kernel.7.cloned.1.call-start
scs
__scs_entry_jumppad:
0x0: {  	(pc) =	sbr.rel $0x88, $3  }
0x1: {  	(tag) =	ssettag $0x0;
	lr =	simm.s32 $0x1  }
0x2: {  	[smem:$0x3F92] =	sst lr;
	_ =	strace $0xD0000000  }
0x3: {  	_ = 	snop  }
0x4: {  	_ = 	snop  }
0x5: {  	_ = 	snop  }
0x6: {  	_ = 	snop  }
0x7: {  	_ = 	snop  }
__scs_overlays_trampoline_lowered:
0x8: {  	[smem:$0x3FA1] =	sst s0  }
0x9: {  	[smem:$0x3FA2] =	sst s1  }
0xa: {  	[smem:$0x3FA3] =	sst s2  }
0xb: {  	[smem:$0x3FA4] =	sst s3  }
0xc: {  	[smem:$0x3FA5] =	sst s4  }
0xd: {  	[smem:$0x3FA6] =	sst s5  }
0xe: {  	[smem:$0x3FA7] =	sst s6  }
0xf: {  	[smem:$0x3FA8] =	sst s7  }
0x10: {  	[smem:$0x3FA9] =	sst s8  }
0x11: {  	[smem:$0x3FAA] =	sst s9;
	s0 =	simm.s32 @!p0 $0x0  }
0x12: {  	s1 =	sld [smem:$0x3F90];
	s0 =	simm.s32 @p0 $0x1  }
0x13: {  	[smem:$0x3FAB] =	sst s0;
	s0 =	simm.s32 @!p1 $0x0  }
0x14: {  	s2 =	sld [smem:$0x3F8F];
	s0 =	simm.s32 @p1 $0x1  }
0x15: {  	[smem:$0x3FAC] =	sst s0;
	s0 =	simm.s32 @!p2 $0x0  }
0x16: {  	s3 =	sld [smem:$0x3FDB];
	s0 =	simm.s32 @p2 $0x1  }
0x17: {  	s4 =	simm.s32 $0x1BF5;
	[smem:$0x3FAE] =	sst s0  }
0x18: {  	s0 =	sld [smem:$0x3F91];
	_ =	swait.ge [sflag:s4], $0x0  }
0x19: {  	s7 =	sld [smem:$0x3F92]  }
0x1a: {  	s8 =	sadd.s32 $0xFFFFE003, lr  }
0x1b: {  	s9 =	sadd.s32 $0xFFFFFEF7, lr;
	s5 =	simm.s32 $0xFFFFFFFF;
	p2 =	slt.u32 s8, $0xFFFFF086  }
0x1c: {  	p1 =	slt.u32 s9, $0xF7A;
	s5 =	simm.s32 @!p2 $0x0  }
0x1d: {  	s5 =	simm.s32 @p1 $0x1;
	p0 =	seq.s32 s7, s2  }
0x1e: {  	s7 =	smul.u32 @!p0 $0xF7A, s2;
	p2 =	seq.s32 @!p0 s5, $0x0  }
0x1f: {  	s9 =	smul.u32 $0xF7A, s1;
	s8 =	simm.s32 @!p0 $0x1BF5;
	p2 =	por !p2, p0  }
0x20: {  	[sflag:s8] =	ssyncset.s32 @!p0 $0xFFFFF086;
	s6 =	sadd.s32 @!p0 s3, s7;
	s7 =	simm.s32 @!p0 $0x108  }
0x21: {  	s3 =	sadd.s32 s3, s9;
	s6 =	sadd.s32 @!p0 $0x88, s6;
	s7 =	simm.s32 @p2 $0x1082  }
0x22: {  	[simem:s7], [sflag:s8] =	dma.local @!p0 [hbm:s6], $0xF7A  }
0x23: {  	s9 =	sor.u32 $0xD0000000, s2;
	s6 =	simm.s32 $0x108;
	_ =	swait.ge @!p0 [sflag:s8], $0x0  }
0x24: {  	s3 =	sadd.s32 $0x88, s3;
	s6 =	simm.s32 @!p1 $0x1082;
	[sflag:s4] =	ssyncset.s32 $0xFFFFF086  }
0x25: {  	[simem:s6], [sflag:s4] =	dma.local [hbm:s3], $0xF7A  }
0x26: {  	[smem:$0x3F92] =	sst s1;
	(tag) =	ssettag s2;
	_ =	strace s9  }
0x27: {  	s1 =	sld [smem:$0x3FA2]  }
0x28: {  	s2 =	sld [smem:$0x3FA3]  }
0x29: {  	s4 =	sld [smem:$0x3FA5]  }
0x2a: {  	p0 =	seq.s32 s5, $0x0;
	s5 =	sld [smem:$0x3FA6]  }
0x2b: {  	s6 =	sld [smem:$0x3FA7]  }
0x2c: {  	s7 =	sld [smem:$0x3FA8]  }
0x2d: {  	s3 =	simm.s32 $0x108;
	s8 =	sld [smem:$0x3FA9]  }
0x2e: {  	s3 =	simm.s32 @!p0 $0x1082;
	s9 =	sld [smem:$0x3FAA]  }
0x2f: {  	lr =	sadd.s32 s0, s3;
	s0 =	sld [smem:$0x3FA1]  }
0x30: {  	s3 =	sld [smem:$0x3FA4]  }
0x31: {  	[smem:$0x3FAD] =	sst s10  }
0x32: {  	s10 =	sld [smem:$0x3FAB];
	_ =	sdelay $0x3  }
0x33: {  	p0 =	seq.s32 s10, $0x1;
	s10 =	sld [smem:$0x3FAD];
	_ =	sdelay $0x3  }
0x34: {  	[smem:$0x3FAD] =	sst s10  }
0x35: {  	s10 =	sld [smem:$0x3FAC];
	_ =	sdelay $0x3  }
0x36: {  	p1 =	seq.s32 s10, $0x1;
	s10 =	sld [smem:$0x3FAD];
	_ =	sdelay $0x3  }
0x37: {  	[smem:$0x3FAD] =	sst s10  }
0x38: {  	s10 =	sld [smem:$0x3FAE]  }
0x39: {  	_ = 	snop;
	(pc) =	sbr.ind lr, $3  }
0x3a: {  	_ = 	snop  }
0x3b: {  	_ = 	snop  }
0x3c: {  	p2 =	seq.s32 s10, $0x1;
	s10 =	sld [smem:$0x3FAD]  }
0x3d: {  	_ =	shalt  }
0x3e: {  	_ =	shalt  }
0x3f: {  	_ =	shalt  }
0x40: {  	_ =	shalt  }
0x41: {  	_ =	shalt  }
0x42: {  	_ =	shalt  }
0x43: {  	_ =	shalt  }
0x44: {  	_ =	shalt  }
0x45: {  	_ =	shalt  }
0x46: {  	_ =	shalt  }
0x47: {  	_ =	shalt  }
0x48: {  	_ =	shalt  }
0x49: {  	_ =	shalt  }
0x4a: {  	_ =	shalt  }
0x4b: {  	_ =	shalt  }
0x4c: {  	_ =	shalt  }
0x4d: {  	_ =	shalt  }
0x4e: {  	_ =	shalt  }
0x4f: {  	_ =	shalt  }
0x50: {  	_ =	shalt  }
0x51: {  	_ =	shalt  }
0x52: {  	_ =	shalt  }
0x53: {  	_ =	shalt  }
0x54: {  	_ =	shalt  }
0x55: {  	_ =	shalt  }
0x56: {  	_ =	shalt  }
0x57: {  	_ =	shalt  }
0x58: {  	_ =	shalt  }
0x59: {  	_ =	shalt  }
0x5a: {  	_ =	shalt  }
0x5b: {  	_ =	shalt  }
0x5c: {  	_ =	shalt  }
0x5d: {  	_ =	shalt  }
0x5e: {  	_ =	shalt  }
0x5f: {  	_ =	shalt  }
0x60: {  	_ =	shalt  }
0x61: {  	_ =	shalt  }
0x62: {  	_ =	shalt  }
0x63: {  	_ =	shalt  }
0x64: {  	_ =	shalt  }
0x65: {  	_ =	shalt  }
0x66: {  	_ =	shalt  }
0x67: {  	_ =	shalt  }
0x68: {  	_ =	shalt  }
0x69: {  	_ =	shalt  }
0x6a: {  	_ =	shalt  }
0x6b: {  	_ =	shalt  }
0x6c: {  	_ =	shalt  }
0x6d: {  	_ =	shalt  }
0x6e: {  	_ =	shalt  }
0x6f: {  	_ =	shalt  }
0x70: {  	_ =	shalt  }
0x71: {  	_ =	shalt  }
0x72: {  	_ =	shalt  }
0x73: {  	_ =	shalt  }
0x74: {  	_ =	shalt  }
0x75: {  	_ =	shalt  }
0x76: {  	_ =	shalt  }
0x77: {  	_ =	shalt  }
0x78: {  	_ =	shalt  }
0x79: {  	_ =	shalt  }
0x7a: {  	_ =	shalt  }
0x7b: {  	_ =	shalt  }
0x7c: {  	_ =	shalt  }
0x7d: {  	_ =	shalt  }
0x7e: {  	_ =	shalt  }
0x7f: {  	_ =	shalt  }
0x80: {  	_ =	shalt  }
0x81: {  	_ =	shalt  }
0x82: {  	_ =	shalt  }
0x83: {  	_ =	shalt  }
0x84: {  	_ =	shalt  }
0x85: {  	_ =	shalt  }
0x86: {  	_ =	shalt  }
0x87: {  	_ =	shalt  }
.Lfunc_end0:
.L_simem_size_0:
called_computation_lowered:
.L_overlay_start_0:
0x88: {  	s2 =	sld [smem:$0x3FD9]  }
0x89: {  	s3 =	sld [smem:$0x3FFE];
	_ =	sdelay $0x1  }
0x8a: {  	s1 =	srdreg.scid  }
0x8b: {  	s0 =	sand.u32 $0x1, s1  }
0x8c: {  	s17 =	sshll.u32 s0, $0xA;
	s2 =	sadd.s32 s3, s2  }
0x8d: {  	s2 =	sadd.s32 s2, s17  }
0x8e: {  	[smem:$0x3FB9] =	sst s2  }
0x8f: {  	_ = 	snop  }
0x90: {  	s2 =	sld [smem:$0x3FD0];
	(tm) =	ssettm $0x1  }
0x91: {  	s18 =	sld [smem:$0x3FFB];
	_ =	sdelay $0x3  }
0x92: {  	_ =	strace s18  }
0x93: {  	s3 =	sld [smem:$0x3FFC];
	_ =	sdelay $0x3  }
0x94: {  	_ =	strace s3  }
0x95: {  	s3 =	sld [smem:$0x3FFD];
	_ =	sdelay $0x3  }
0x96: {  	_ =	strace s3  }
0x97: {  	_ =	strace $0x8FFFFFFF  }
0x98: {  	s19 =	sld [smem:$0x3FDB];
	_ =	sdelay $0x1  }
0x99: {  	s4 =	simm.s32 $_scs_section_size  }
0x9a: {  	s5 =	simm.s32 $_size__tile_overlayer_lowered;
	s6 =	simm.s32 $_tile_overlayer_lowered  }
0x9b: {  	s22 =	simm.s32 $0x1BFF;
	s21 =	sshll.u32 s6, $0x1;
	s3 =	sadd.s32 s4, s19  }
0x9c: {  	s7 =	simm.s32 $0x0;
	s20 =	sshll.u32 s5, $0x1;
	s5 =	sadd.s32 s21, s3  }
0x9d: {  	[timem:s7], [sflag:s22] =	dma.local [hbm:s5], s20  }
0x9e: {  	_ =	swait.ge [sflag:s22], s20  }
0x9f: {  	s4 =	ssub.s32 $0x0, s20;
	[sflag:s22] =	ssyncset.done $0x0  }
0xa0: {  	[sflag:s22] =	ssyncadd.s32 s4;
	_ =	sdelay $0x1  }
0xa1: {  	s23 =	simm.s32 $0x1B8B  }
0xa2: {  	_ =	swait.ge [sflag:s23], $0x1  }
0xa3: {  	[sflag:s23] =	ssyncset.done $0x0  }
0xa4: {  	s25 =	simm.s32 $0x1B8E;
	s24 =	sld [smem:$0x3FFE];
	[sflag:s23] =	ssyncadd.s32 $0xFFFFFFFF  }
0xa5: {  	s26 =	simm.s32 $execute0_lowered;
	[smem:$0x3FD2] =	sst s25  }
0xa6: {  	s5 =	sshll.u32 s26, $0x1;
	_ =	strace $0x80000046;
	[dreg:$0x1] =	wrdreg $0xFFFFFFFF  }
0xa7: {  	s28 =	simm.s32 $_size_execute0_lowered;
	s3 =	sadd.s32 s3, s5;
	[dreg:$0x0] =	wrdreg $0x0  }
0xa8: {  	s5 =	sshll.u32 s28, $0x1;
	[dreg:$0x2] =	wrdreg s3  }
0xa9: {  	[dreg:$0x3] =	wrdreg s5  }
0xaa: {  	[dreg:$0x4] =	wrdreg $0xC0  }
0xab: {  	_ =	task [dreg:s7], $0x5FFFF  }
0xac: {  	[dreg:$0x1] =	wrdreg $0xFFFFFFFF  }
0xad: {  	[dreg:$0x0] =	wrdreg $0x60  }
0xae: {  	[dreg:$0x2] =	wrdreg s24  }
0xaf: {  	[dreg:$0x3] =	wrdreg s2  }
0xb0: {  	[dreg:$0x4] =	wrdreg $0x9  }
0xb1: {  	_ =	task.clear_ibuf [dreg:s7], $0x5FFFF;
	_ =	strace $0x90000046  }
0xb2: {  	s29 =	simm.s32 $0x9;
	_ =	strace $0x80000048  }
0xb3: {  	_ =	swait.ge [sflag:s29], $0x1  }
0xb4: {  	[sflag:s29] =	ssyncadd.s32 $0xFFFFFFFF  }
0xb5: {  	_ =	strace $0x90000048  }
0xb6: {  	_ =	sfence  }
0xb7: {  	s30 =	sld [smem:$0x0];
	_ =	sdelay $0x2  }
0xb8: {  	s31 =	sshll.u32 s1, $0xD;
	s1 =	sshrl.u32 s1, $0x2  }
0xb9: {  	s3 =	sand.u32 $0x4000, s31;
	s1 =	sadd.s32 s1, s30  }
0xba: {  	s0 =	sor.u32 s3, s0;
	s1 =	sshll.u32 s1, $0x11  }
0xbb: {  	s0 =	sor.u32 s1, s0  }
0xbc: {  	s0 =	sadd.s32 $0x8F2B, s0  }
0xbd: {  	[sflag:s0] =	ssyncadd.remote.s32 $0x1  }
0xbe: {  	_ =	sfence.sel $0xFFFF  }
0xbf: {  	[dreg:$0x0] =	wrdreg $0xFFFFFFFF;
	(pc) =	sbr.abs _section_cstart, $3  }
0xc0: {  	[dreg:$0x1] =	wrdreg $0xFFFFFFFF  }
0xc1: {  	_ =	task.clear_ibuf [dreg:s7], $0x2FFFF;
	_ =	strace $0x9FFFFFFF  }
0xc2: {  	(tm) =	ssettm $0x7FFFFFFF  }
0xc3: {  	_ =	shalt  }
tec
execute0_lowered:
.L_overlay_start_1:
0x0: {  	(tag) =	ssettag $0x1  }
0x1: {  	s0 =	srdreg.scid;
	s1 =	stileid.u32  }
0x2: {  	s0 =	sand.u32 $0x1, s0;
	s1 =	sshll.u32 s1, $0x1  }
0x3: {  	s8 =	rddreg [dreg:$0x0];
	s1 =	sor.u32 s0, s1  }
0x4: {  	s9 =	rddreg [dreg:$0x1];
	s14 =	simm.s32 $0x3;
	s2 =	smul.u32 $0x3E8, s1  }
0x5: {  	s15 =	simm.s32 $0x78;
	s16 =	simm.s32 $0x2800;
	s18 =	simm.s32 $0x6400  }
0x6: {  	s20 =	simm.s32 $0xA000;
	s21 =	simm.s32 $0xDC00;
	s7 =	sadd.s32 $0x3C0, s2  }
0x7: {  	s22 =	simm.s32 $0x11800;
	s28 =	simm.s32 $0x1B800;
	s3 =	sshrl.u32 s7, $0x4  }
0x8: {  	s29 =	simm.s32 $0x1CC00;
	s30 =	simm.s32 $0x2;
	s4 =	smul.u32 $0x1063, s3  }
0x9: {  	s5 =	sadd.s32 $0x1B9A00, s8;
	s0 =	ssub.s32 $0x2, s0;
	s12 =	sshll.u32 s1, $0x5  }
0xa: {  	s23 =	sshrl.u32 s0, $0x1;
	s1 =	smul.u32 $0x500, s1;
	s6 =	sshrl.u32 s4, $0x13  }
0xb: {  	s0 =	ssub.s32 s0, s23;
	s23 =	simm.s32 $0x15400;
	s10 =	smul.u32 $0x7D0, s6  }
0xc: {  	s1 =	sadd.s32 s9, s1;
	s13 =	smax.u32 s0, $0x1;
	s24 =	sshll.u32 s7, $0x4  }
0xd: {  	s3 =	simm.s32 $0x0;
	s11 =	smul.u32 $0x1770, s6;
	s10 =	ssub.s32 s7, s10  }
0xe: {  	s25 =	sadd.s32 s5, s24;
	[smem:$0x7FF] =	sst s3;
	s10 =	sand.u32 $0xFFF8, s10  }
0xf: {  	s24 =	simm.s32 $0x1;
	_ =	strace $0x80000047;
	s10 =	sadd.s32 s10, s11  }
0x10: {  	[dreg:$0x3] =	wrdreg s1;
	s6 =	sadd.s32 $0x236A00, s8;
	s10 =	sshll.u32 s10, $0x4  }
0x11: {  	s4 =	sadd.s32 $0x42A00, s8;
	[dreg:$0x4] =	wrdreg s25;
	s7 =	sadd.s32 s6, s10  }
0x12: {  	s25 =	simm.s32 $0x19000;
	s1 =	simm.s32 $0x0;
	s26 =	sadd.s32 $0x7D00, s7  }
0x13: {  	s8 =	sadd.s32 s12, s8;
	s31 =	sadd.s32 $0xFA00, s7;
	[dreg:$0x5] =	wrdreg s26  }
0x14: {  	s12 =	sadd.s32 $0x2A00, s8;
	[dreg:$0x6] =	wrdreg s31;
	s26 =	simm.s32 $0x1A400  }
.LBB2_1:
0x15: {  	s0 =	rddreg [dreg:$0x3]  }
0x16: {  	[tilespmem:s3], [sflag:$0x3] =	stream.linear.gather [hbm4b:s0+s3], $0x2580, $0x38;
	[tilespmem:$0x1E100] =	vst v63  }
0x17: {  	_ =	swait.ge [sflag:s14], $0x2580  }
0x18: {  	[sflag:s14] =	ssyncset.done $0x0  }
0x19: {  	v0 =	vimm.f32 $0.0e+00;
	[sflag:s14] =	ssyncadd.s32 $0xFFFFDA80  }
0x1a: {  	v6 =	vimm.f32 $0.0e+00;
	v2 =	vimm.f32 $0.0e+00;
	v3 =	vimm.f32 $0.0e+00;
	[tilespmem:s16], [sflag:$0x1] =	stream.indirect.gather [hbm4b:s4+s15], $0x80, s3, s15, $0xb8;
	[tilespmem:$0x1E100] =	vst v63  }
0x1b: {  	s19 =	simm.s32 $0x80;
	v7 =	vimm.f32 $0.0e+00;
	v8 =	vimm.f32 $0.0e+00;
	v15 =	vimm.f32 $0.0e+00  }
0x1c: {  	v13 =	vimm.f32 $0.0e+00;
	v1 =	vimm.f32 $0.0e+00;
	v9 =	vimm.f32 $0.0e+00;
	[tilespmem:s18], [sflag:$0x1] =	stream.indirect.gather [hbm4b:s4+s15], $0x80, s19, s15, $0xb8;
	[tilespmem:$0x1E100] =	vst v63  }
0x1d: {  	s31 =	simm.s32 $0x100;
	v4 =	vimm.f32 $0.0e+00;
	v5 =	vimm.f32 $0.0e+00;
	v10 =	vimm.f32 $0.0e+00;
	s0 =	simm.s32 $0x0  }
0x1e: {  	v11 =	vimm.f32 $0.0e+00;
	v12 =	vimm.f32 $0.0e+00;
	v14 =	vimm.f32 $0.0e+00;
	[tilespmem:s20], [sflag:$0x1] =	stream.indirect.gather [hbm4b:s4+s15], $0x80, s31, s15, $0xb8;
	[tilespmem:$0x1E100] =	vst v63  }
.LBB2_2:
0x1f: {  	s17 =	sshllo.u32 s0, $0x1  }
0x20: {  	s8 =	smul.u32 $0x600, s17;
	_ =	sdelay $0x1  }
0x21: {  	s8 =	sshra.s32 s8, $0x2  }
0x22: {  	[tilespmem:s21], [sflag:$0x2] =	stream.indirect.gather [hbm4b:s4+s15], $0x80, s8, s15, $0xb8;
	[tilespmem:$0x1E100] =	vst v63  }
0x23: {  	s9 =	sadd.s32 $0x80, s8  }
0x24: {  	[tilespmem:s22], [sflag:$0x2] =	stream.indirect.gather [hbm4b:s4+s15], $0x80, s9, s15, $0xb8;
	[tilespmem:$0x1E100] =	vst v63  }
0x25: {  	s8 =	sadd.s32 $0x100, s8  }
0x26: {  	[tilespmem:s23], [sflag:$0x2] =	stream.indirect.gather [hbm4b:s4+s15], $0x80, s8, s15, $0xb8;
	[tilespmem:$0x1E100] =	vst v63  }
0x27: {  	_ =	swait.ge [sflag:s24], $0x3C00  }
0x28: {  	[sflag:s24] =	ssyncset.done $0x0  }
0x29: {  	[sflag:s24] =	ssyncadd.s32 $0xFFFFC400  }
0x2a: {  	_ =	swait.ge [sflag:s24], $0x3C00  }
0x2b: {  	s10 =	smul.u32 $0x50, s0;
	[sflag:s24] =	ssyncset.done $0x0  }
0x2c: {  	[sflag:s24] =	ssyncadd.s32 $0xFFFFC400  }
0x2d: {  	s19 =	sadd.s32 s2, s10;
	_ =	swait.ge [sflag:s24], $0x3C00  }
0x2e: {  	s8 =	sshll.u32 s19, $0x4;
	[sflag:s24] =	ssyncset.done $0x0  }
0x2f: {  	s11 =	simm.s32 $0x0;
	s8 =	sadd.s32 s5, s8;
	[sflag:s24] =	ssyncadd.s32 $0xFFFFC400  }
0x30: {  	[tilespmem:s25], [sflag:$0x3] =	stream.linear.gather [hbm4b:s8+s11], $0x1400, $0x38;
	[tilespmem:$0x1E100] =	vst v63  }
0x31: {  	_ =	swait.ge [sflag:s14], $0x1400  }
0x32: {  	[sflag:s14] =	ssyncset.done $0x0  }
0x33: {  	s8 =	simm.s32 $0x2A40;
	[sflag:s14] =	ssyncadd.s32 $0xFFFFEC00  }
0x34: {  	v16 =	vld [tilespmem:s8+$0xFFFFFDC0]  }
0x35: {  	v17 =	vld [tilespmem:s8+$0xFFFFFE40];
	_ =	sdelay $0x1  }
0x36: {  	v18 =	vld [tilespmem:s8+$0xFFFFFEC0]  }
0x37: {  	s31 =	simm.s32 $0x0  }
0x38: {  	v19 =	vld [tilespmem:s31+$0x19000]  }
0x39: {  	v16 =	vadd.f32 v17, v16;
	_ =	sdelay $0x1  }
0x3a: {  	v16 =	vadd.f32 v18, v16;
	_ =	sdelay $0x1  }
0x3b: {  	v16 =	vsub.f32 v19, v16;
	_ =	sdelay $0x1  }
0x3c: {  	[tilespmem:s31+$0x1A400] =	vst v16  }
0x3d: {  	v17 =	vld [tilespmem:s8+$0xFFFFFF40]  }
0x3e: {  	v18 =	vld [tilespmem:s8+$0xFFFFFFC0];
	_ =	sdelay $0x1  }
0x3f: {  	v20 =	vld [tilespmem:s8+$0x40];
	_ =	sdelay $0x2  }
0x40: {  	v17 =	vadd.f32 v18, v17;
	_ =	sdelay $0x1  }
0x41: {  	v17 =	vadd.f32 v20, v17;
	_ =	sdelay $0x1  }
0x42: {  	v17 =	vsub.f32 v19, v17;
	_ =	sdelay $0x1  }
0x43: {  	[tilespmem:s31+$0x1B800] =	vst v17  }
0x44: {  	v18 =	vld [tilespmem:s8+$0xC0]  }
0x45: {  	v20 =	vld [tilespmem:s8+$0x140];
	_ =	sdelay $0x1  }
0x46: {  	v21 =	vld [tilespmem:s8+$0x1C0];
	_ =	sdelay $0x2  }
0x47: {  	v18 =	vadd.f32 v20, v18;
	_ =	sdelay $0x1  }
0x48: {  	v18 =	vadd.f32 v21, v18;
	_ =	sdelay $0x1  }
0x49: {  	v18 =	vsub.f32 v19, v18;
	_ =	sdelay $0x1  }
0x4a: {  	[tilespmem:s31+$0x1CC00] =	vst v18  }
0x4b: {  	v19 =	vld [tilespmem:s8+$0xFFFFFDD0]  }
0x4c: {  	v20 =	vld [tilespmem:s8+$0xFFFFFE50];
	_ =	sdelay $0x1  }
0x4d: {  	v21 =	vld [tilespmem:s8+$0xFFFFFED0];
	_ =	sdelay $0x1  }
0x4e: {  	v22 =	vld [tilespmem:s31+$0x19010]  }
0x4f: {  	v19 =	vadd.f32 v20, v19;
	_ =	sdelay $0x1  }
0x50: {  	v19 =	vadd.f32 v21, v19;
	_ =	sdelay $0x1  }
0x51: {  	v19 =	vsub.f32 v22, v19;
	_ =	sdelay $0x1  }
0x52: {  	[tilespmem:s31+$0x1A410] =	vst v19  }
0x53: {  	v20 =	vld [tilespmem:s8+$0xFFFFFF50]  }
0x54: {  	v21 =	vld [tilespmem:s8+$0xFFFFFFD0];
	_ =	sdelay $0x1  }
0x55: {  	v23 =	vld [tilespmem:s8+$0x50];
	_ =	sdelay $0x2  }
0x56: {  	v20 =	vadd.f32 v21, v20;
	_ =	sdelay $0x1  }
0x57: {  	v20 =	vadd.f32 v23, v20;
	_ =	sdelay $0x1  }
0x58: {  	v20 =	vsub.f32 v22, v20;
	_ =	sdelay $0x1  }
0x59: {  	[tilespmem:s31+$0x1B810] =	vst v20  }
0x5a: {  	v21 =	vld [tilespmem:s8+$0xD0]  }
0x5b: {  	v23 =	vld [tilespmem:s8+$0x150];
	_ =	sdelay $0x1  }
0x5c: {  	v24 =	vld [tilespmem:s8+$0x1D0];
	_ =	sdelay $0x2  }
0x5d: {  	v21 =	vadd.f32 v23, v21;
	_ =	sdelay $0x1  }
0x5e: {  	v21 =	vadd.f32 v24, v21;
	_ =	sdelay $0x1  }
0x5f: {  	v21 =	vsub.f32 v22, v21;
	_ =	sdelay $0x1  }
0x60: {  	[tilespmem:s31+$0x1CC10] =	vst v21  }
0x61: {  	v22 =	vld [tilespmem:s8+$0xFFFFFDE0]  }
0x62: {  	v23 =	vld [tilespmem:s8+$0xFFFFFE60];
	_ =	sdelay $0x1  }
0x63: {  	v31 =	vld [tilespmem:s8+$0xFFFFFEE0];
	_ =	sdelay $0x1  }
0x64: {  	v25 =	vld [tilespmem:s31+$0x19020]  }
0x65: {  	v22 =	vadd.f32 v23, v22;
	_ =	sdelay $0x1  }
0x66: {  	v22 =	vadd.f32 v31, v22;
	_ =	sdelay $0x1  }
0x67: {  	v22 =	vsub.f32 v25, v22;
	_ =	sdelay $0x1  }
0x68: {  	[tilespmem:s31+$0x1A420] =	vst v22  }
0x69: {  	v23 =	vld [tilespmem:s8+$0xFFFFFF60]  }
0x6a: {  	v32 =	vld [tilespmem:s8+$0xFFFFFFE0];
	_ =	sdelay $0x1  }
0x6b: {  	v26 =	vld [tilespmem:s8+$0x60];
	_ =	sdelay $0x2  }
0x6c: {  	v23 =	vadd.f32 v32, v23;
	_ =	sdelay $0x1  }
0x6d: {  	v23 =	vadd.f32 v26, v23;
	_ =	sdelay $0x1  }
0x6e: {  	v23 =	vsub.f32 v25, v23;
	_ =	sdelay $0x1  }
0x6f: {  	[tilespmem:s31+$0x1B820] =	vst v23  }
0x70: {  	v33 =	vld [tilespmem:s8+$0xE0]  }
0x71: {  	v34 =	vld [tilespmem:s8+$0x160];
	_ =	sdelay $0x1  }
0x72: {  	v27 =	vld [tilespmem:s8+$0x1E0];
	_ =	sdelay $0x2  }
0x73: {  	v24 =	vadd.f32 v34, v33;
	_ =	sdelay $0x1  }
0x74: {  	v24 =	vadd.f32 v27, v24;
	_ =	sdelay $0x1  }
0x75: {  	v24 =	vsub.f32 v25, v24;
	_ =	sdelay $0x1  }
0x76: {  	[tilespmem:s31+$0x1CC20] =	vst v24  }
0x77: {  	v35 =	vld [tilespmem:s8+$0xFFFFFDF0]  }
0x78: {  	v36 =	vld [tilespmem:s8+$0xFFFFFE70];
	_ =	sdelay $0x1  }
0x79: {  	v37 =	vld [tilespmem:s8+$0xFFFFFEF0];
	_ =	sdelay $0x1  }
0x7a: {  	v28 =	vld [tilespmem:s31+$0x19030]  }
0x7b: {  	v25 =	vadd.f32 v36, v35;
	_ =	sdelay $0x1  }
0x7c: {  	v25 =	vadd.f32 v37, v25;
	_ =	sdelay $0x1  }
0x7d: {  	v25 =	vsub.f32 v28, v25;
	_ =	sdelay $0x1  }
0x7e: {  	[tilespmem:s31+$0x1A430] =	vst v25  }
0x7f: {  	v38 =	vld [tilespmem:s8+$0xFFFFFF70]  }
0x80: {  	v39 =	vld [tilespmem:s8+$0xFFFFFFF0];
	_ =	sdelay $0x1  }
0x81: {  	v29 =	vld [tilespmem:s8+$0x70];
	_ =	sdelay $0x2  }
0x82: {  	v26 =	vadd.f32 v39, v38;
	_ =	sdelay $0x1  }
0x83: {  	v26 =	vadd.f32 v29, v26;
	_ =	sdelay $0x1  }
0x84: {  	v26 =	vsub.f32 v28, v26;
	_ =	sdelay $0x1  }
0x85: {  	[tilespmem:s31+$0x1B830] =	vst v26  }
0x86: {  	v40 =	vld [tilespmem:s8+$0xF0]  }
0x87: {  	v41 =	vld [tilespmem:s8+$0x170];
	_ =	sdelay $0x1  }
0x88: {  	v30 =	vld [tilespmem:s8+$0x1F0];
	_ =	sdelay $0x2  }
0x89: {  	v27 =	vadd.f32 v41, v40;
	_ =	sdelay $0x1  }
0x8a: {  	v27 =	vadd.f32 v30, v27;
	_ =	sdelay $0x1  }
0x8b: {  	v27 =	vsub.f32 v28, v27;
	_ =	sdelay $0x1  }
0x8c: {  	[tilespmem:s31+$0x1CC30] =	vst v27  }
0x8d: {  	v42 =	vld [tilespmem:s8+$0xFFFFFE00]  }
0x8e: {  	v43 =	vld [tilespmem:s8+$0xFFFFFE80];
	_ =	sdelay $0x1  }
0x8f: {  	v44 =	vld [tilespmem:s8+$0xFFFFFF00];
	_ =	sdelay $0x1  }
0x90: {  	v31 =	vld [tilespmem:s31+$0x19040]  }
0x91: {  	v28 =	vadd.f32 v43, v42;
	_ =	sdelay $0x1  }
0x92: {  	v28 =	vadd.f32 v44, v28;
	_ =	sdelay $0x1  }
0x93: {  	v28 =	vsub.f32 v31, v28;
	_ =	sdelay $0x1  }
0x94: {  	[tilespmem:s31+$0x1A440] =	vst v28  }
0x95: {  	v45 =	vld [tilespmem:s8+$0xFFFFFF80]  }
0x96: {  	v46 =	vld [tilespmem:s8+$0x0];
	_ =	sdelay $0x1  }
0x97: {  	v32 =	vld [tilespmem:s8+$0x80];
	_ =	sdelay $0x2  }
0x98: {  	v29 =	vadd.f32 v46, v45;
	_ =	sdelay $0x1  }
0x99: {  	v29 =	vadd.f32 v32, v29;
	_ =	sdelay $0x1  }
0x9a: {  	v29 =	vsub.f32 v31, v29;
	_ =	sdelay $0x1  }
0x9b: {  	[tilespmem:s31+$0x1B840] =	vst v29  }
0x9c: {  	v47 =	vld [tilespmem:s8+$0x100]  }
0x9d: {  	v48 =	vld [tilespmem:s8+$0x180];
	_ =	sdelay $0x1  }
0x9e: {  	v33 =	vld [tilespmem:s8+$0x200];
	_ =	sdelay $0x2  }
0x9f: {  	v30 =	vadd.f32 v48, v47;
	_ =	sdelay $0x1  }
0xa0: {  	v30 =	vadd.f32 v33, v30;
	_ =	sdelay $0x1  }
0xa1: {  	v30 =	vsub.f32 v31, v30;
	_ =	sdelay $0x1  }
0xa2: {  	[tilespmem:s31+$0x1CC40] =	vst v30  }
0xa3: {  	v49 =	vld [tilespmem:s8+$0xFFFFFE10]  }
0xa4: {  	v50 =	vld [tilespmem:s8+$0xFFFFFE90];
	_ =	sdelay $0x1  }
0xa5: {  	v51 =	vld [tilespmem:s8+$0xFFFFFF10];
	_ =	sdelay $0x1  }
0xa6: {  	v34 =	vld [tilespmem:s31+$0x19050]  }
0xa7: {  	v31 =	vadd.f32 v50, v49;
	_ =	sdelay $0x1  }
0xa8: {  	v31 =	vadd.f32 v51, v31;
	_ =	sdelay $0x1  }
0xa9: {  	v31 =	vsub.f32 v34, v31;
	_ =	sdelay $0x1  }
0xaa: {  	[tilespmem:s31+$0x1A450] =	vst v31  }
0xab: {  	v52 =	vld [tilespmem:s8+$0xFFFFFF90]  }
0xac: {  	v53 =	vld [tilespmem:s8+$0x10];
	_ =	sdelay $0x1  }
0xad: {  	v35 =	vld [tilespmem:s8+$0x90];
	_ =	sdelay $0x2  }
0xae: {  	v32 =	vadd.f32 v53, v52;
	_ =	sdelay $0x1  }
0xaf: {  	v32 =	vadd.f32 v35, v32;
	_ =	sdelay $0x1  }
0xb0: {  	v32 =	vsub.f32 v34, v32;
	_ =	sdelay $0x1  }
0xb1: {  	[tilespmem:s31+$0x1B850] =	vst v32  }
0xb2: {  	v54 =	vld [tilespmem:s8+$0x110]  }
0xb3: {  	v55 =	vld [tilespmem:s8+$0x190];
	_ =	sdelay $0x1  }
0xb4: {  	v36 =	vld [tilespmem:s8+$0x210];
	_ =	sdelay $0x2  }
0xb5: {  	v33 =	vadd.f32 v55, v54;
	_ =	sdelay $0x1  }
0xb6: {  	v33 =	vadd.f32 v36, v33;
	_ =	sdelay $0x1  }
0xb7: {  	v33 =	vsub.f32 v34, v33;
	_ =	sdelay $0x1  }
0xb8: {  	[tilespmem:s31+$0x1CC50] =	vst v33  }
0xb9: {  	v56 =	vld [tilespmem:s8+$0xFFFFFE20]  }
0xba: {  	v57 =	vld [tilespmem:s8+$0xFFFFFEA0];
	_ =	sdelay $0x1  }
0xbb: {  	v58 =	vld [tilespmem:s8+$0xFFFFFF20];
	_ =	sdelay $0x1  }
0xbc: {  	v37 =	vld [tilespmem:s31+$0x19060]  }
0xbd: {  	v34 =	vadd.f32 v57, v56;
	_ =	sdelay $0x1  }
0xbe: {  	v34 =	vadd.f32 v58, v34;
	_ =	sdelay $0x1  }
0xbf: {  	v34 =	vsub.f32 v37, v34;
	_ =	sdelay $0x1  }
0xc0: {  	[tilespmem:s31+$0x1A460] =	vst v34  }
0xc1: {  	v59 =	vld [tilespmem:s8+$0xFFFFFFA0]  }
0xc2: {  	v60 =	vld [tilespmem:s8+$0x20];
	_ =	sdelay $0x1  }
0xc3: {  	v38 =	vld [tilespmem:s8+$0xA0];
	_ =	sdelay $0x2  }
0xc4: {  	v35 =	vadd.f32 v60, v59;
	_ =	sdelay $0x1  }
0xc5: {  	v35 =	vadd.f32 v38, v35;
	_ =	sdelay $0x1  }
0xc6: {  	v35 =	vsub.f32 v37, v35;
	_ =	sdelay $0x1  }
0xc7: {  	[tilespmem:s31+$0x1B860] =	vst v35  }
0xc8: {  	v62 =	vmul.f32 v16, v16;
	v61 =	vld [tilespmem:s8+$0x120]  }
0xc9: {  	v14 =	vadd.f32 v16, v14;
	v39 =	vld [tilespmem:s8+$0x1A0]  }
0xca: {  	v13 =	vadd.f32 v62, v13;
	v16 =	vmul.f32 v17, v17  }
0xcb: {  	v14 =	vadd.f32 v17, v14;
	v63 =	vld [tilespmem:s8+$0x220]  }
0xcc: {  	v16 =	vadd.f32 v16, v13;
	v17 =	vmul.f32 v19, v19  }
0xcd: {  	v13 =	vadd.f32 v18, v14;
	v14 =	vmul.f32 v18, v18;
	v12 =	vadd.f32 v19, v12  }
0xce: {  	v15 =	vadd.f32 v17, v15;
	v17 =	vmul.f32 v20, v20;
	v36 =	vadd.f32 v39, v61  }
0xcf: {  	v14 =	vadd.f32 v14, v16;
	v12 =	vadd.f32 v20, v12  }
0xd0: {  	v15 =	vadd.f32 v17, v15;
	v17 =	vmul.f32 v22, v22;
	v16 =	vadd.f32 v63, v36  }
0xd1: {  	v18 =	vadd.f32 v22, v11;
	v11 =	vadd.f32 v21, v12  }
0xd2: {  	v12 =	vadd.f32 v17, v8;
	v17 =	vmul.f32 v23, v23;
	v22 =	vsub.f32 v37, v16  }
0xd3: {  	v16 =	vmul.f32 v21, v21  }
0xd4: {  	v12 =	vadd.f32 v17, v12;
	v19 =	vmul.f32 v24, v24;
	[tilespmem:s31+$0x1CC60] =	vst v22  }
0xd5: {  	v8 =	vadd.f32 v16, v15;
	v15 =	vadd.f32 v23, v18;
	v16 =	vmul.f32 v25, v25;
	v18 =	vld [tilespmem:s8+$0xFFFFFE30]  }
0xd6: {  	v17 =	vadd.f32 v25, v10;
	v20 =	vld [tilespmem:s8+$0xFFFFFEB0]  }
0xd7: {  	v12 =	vadd.f32 v19, v12;
	v7 =	vadd.f32 v16, v7;
	v16 =	vmul.f32 v26, v26  }
0xd8: {  	v21 =	vld [tilespmem:s8+$0xFFFFFF30];
	v10 =	vadd.f32 v24, v15;
	v15 =	vadd.f32 v26, v17;
	v17 =	vmul.f32 v28, v28  }
0xd9: {  	v5 =	vadd.f32 v28, v5;
	v23 =	vmul.f32 v29, v29;
	v16 =	vadd.f32 v16, v7  }
0xda: {  	v19 =	vld [tilespmem:s31+$0x19070];
	v7 =	vadd.f32 v27, v15;
	v15 =	vmul.f32 v27, v27;
	v3 =	vadd.f32 v17, v3  }
0xdb: {  	v5 =	vadd.f32 v29, v5;
	v17 =	vadd.f32 v20, v18  }
0xdc: {  	v16 =	vadd.f32 v15, v16;
	v3 =	vadd.f32 v23, v3;
	v15 =	vmul.f32 v30, v30  }
0xdd: {  	v5 =	vadd.f32 v30, v5;
	v18 =	vmul.f32 v31, v31;
	v17 =	vadd.f32 v21, v17  }
0xde: {  	v4 =	vadd.f32 v31, v4;
	v20 =	vmul.f32 v34, v34;
	v3 =	vadd.f32 v15, v3  }
0xdf: {  	v2 =	vadd.f32 v18, v2;
	v18 =	vmul.f32 v32, v32;
	v15 =	vsub.f32 v19, v17  }
0xe0: {  	v9 =	vadd.f32 v34, v9;
	v6 =	vadd.f32 v20, v6;
	v17 =	vmul.f32 v35, v35  }
0xe1: {  	v4 =	vadd.f32 v32, v4;
	v20 =	vmul.f32 v33, v33;
	v2 =	vadd.f32 v18, v2;
	[tilespmem:s31+$0x1A470] =	vst v15  }
0xe2: {  	v9 =	vadd.f32 v35, v9;
	v21 =	vmul.f32 v22, v22;
	v17 =	vadd.f32 v17, v6;
	v18 =	vld [tilespmem:s8+$0xFFFFFFB0]  }
0xe3: {  	v4 =	vadd.f32 v33, v4;
	v6 =	vadd.f32 v20, v2;
	v20 =	vld [tilespmem:s8+$0x30]  }
0xe4: {  	s10 =	simm.s32 $0x200;
	s9 =	simm.s32 $0x2A40;
	v2 =	vadd.f32 v22, v9;
	v9 =	vadd.f32 v21, v17;
	v17 =	vmul.f32 v15, v15;
	v21 =	vld [tilespmem:s8+$0xB0]  }
.LBB2_3:
0xe5: {  	p0 =	sne.s32 s10, $0x4E00  }
0xe6: {  	s8 =	sadd.s32 $0x480, s8;
	s11 =	smov.u32 s10;
	s10 =	sadd.s32 $0x200, s10  }
0xe7: {  	_ =	sdelay $0x1  }
0xe8: {  	v18 =	vadd.f32 v20, v18;
	_ =	sdelay $0x1  }
0xe9: {  	v18 =	vadd.f32 v21, v18;
	_ =	sdelay $0x1  }
0xea: {  	v18 =	vsub.f32 v19, v18;
	_ =	sdelay $0x1  }
0xeb: {  	[tilespmem:s31+$0x1B870] =	vst v18;
	v20 =	vmul.f32 v18, v18  }
0xec: {  	v21 =	vld [tilespmem:s9+$0x130]  }
0xed: {  	v22 =	vld [tilespmem:s9+$0x1B0]  }
0xee: {  	v23 =	vld [tilespmem:s9+$0x230];
	s9 =	smov.u32 s8;
	_ =	sdelay $0x3  }
0xef: {  	v21 =	vadd.f32 v22, v21;
	_ =	sdelay $0x1  }
0xf0: {  	v1 =	vadd.f32 v15, v1;
	v15 =	vadd.f32 v23, v21  }
0xf1: {  	v0 =	vadd.f32 v17, v0  }
0xf2: {  	v1 =	vadd.f32 v18, v1;
	v15 =	vsub.f32 v19, v15  }
0xf3: {  	v0 =	vadd.f32 v20, v0  }
0xf4: {  	[tilespmem:s31+$0x1CC70] =	vst v15;
	v1 =	vadd.f32 v15, v1;
	v15 =	vmul.f32 v15, v15  }
0xf5: {  	v17 =	vld [tilespmem:s8+$0xFFFFFDC0]  }
0xf6: {  	v18 =	vld [tilespmem:s8+$0xFFFFFE40];
	v0 =	vadd.f32 v15, v0  }
0xf7: {  	v15 =	vld [tilespmem:s8+$0xFFFFFEC0];
	_ =	sdelay $0x1  }
0xf8: {  	s31 =	sshra.s32 s11, $0x2  }
0xf9: {  	v19 =	vld [tilespmem:s31+$0x19000]  }
0xfa: {  	v17 =	vadd.f32 v18, v17;
	_ =	sdelay $0x1  }
0xfb: {  	v15 =	vadd.f32 v15, v17;
	_ =	sdelay $0x1  }
0xfc: {  	v15 =	vsub.f32 v19, v15;
	_ =	sdelay $0x1  }
0xfd: {  	[tilespmem:s31+$0x1A400] =	vst v15;
	v17 =	vmul.f32 v15, v15  }
0xfe: {  	v18 =	vld [tilespmem:s8+$0xFFFFFF40]  }
0xff: {  	v14 =	vadd.f32 v17, v14;
	v17 =	vld [tilespmem:s8+$0xFFFFFFC0];
	_ =	sdelay $0x1  }
0x100: {  	v20 =	vld [tilespmem:s8+$0x40];
	_ =	sdelay $0x2  }
0x101: {  	v17 =	vadd.f32 v17, v18;
	_ =	sdelay $0x1  }
0x102: {  	v17 =	vadd.f32 v20, v17;
	_ =	sdelay $0x1  }
0x103: {  	v17 =	vsub.f32 v19, v17;
	_ =	sdelay $0x1  }
0x104: {  	[tilespmem:s31+$0x1B800] =	vst v17;
	v18 =	vmul.f32 v17, v17  }
0x105: {  	v20 =	vld [tilespmem:s8+$0xC0]  }
0x106: {  	v14 =	vadd.f32 v18, v14;
	v18 =	vld [tilespmem:s8+$0x140];
	_ =	sdelay $0x1  }
0x107: {  	v21 =	vld [tilespmem:s8+$0x1C0];
	_ =	sdelay $0x2  }
0x108: {  	v18 =	vadd.f32 v18, v20;
	_ =	sdelay $0x1  }
0x109: {  	v13 =	vadd.f32 v15, v13;
	v15 =	vadd.f32 v21, v18;
	_ =	sdelay $0x1  }
0x10a: {  	v13 =	vadd.f32 v17, v13;
	v15 =	vsub.f32 v19, v15;
	_ =	sdelay $0x1  }
0x10b: {  	[tilespmem:s31+$0x1CC00] =	vst v15;
	v13 =	vadd.f32 v15, v13;
	v15 =	vmul.f32 v15, v15  }
0x10c: {  	v17 =	vld [tilespmem:s8+$0xFFFFFDD0]  }
0x10d: {  	v14 =	vadd.f32 v15, v14;
	v15 =	vld [tilespmem:s8+$0xFFFFFE50];
	_ =	sdelay $0x1  }
0x10e: {  	v18 =	vld [tilespmem:s8+$0xFFFFFED0];
	_ =	sdelay $0x1  }
0x10f: {  	v19 =	vld [tilespmem:s31+$0x19010]  }
0x110: {  	v15 =	vadd.f32 v15, v17;
	_ =	sdelay $0x1  }
0x111: {  	v15 =	vadd.f32 v18, v15;
	_ =	sdelay $0x1  }
0x112: {  	v15 =	vsub.f32 v19, v15;
	_ =	sdelay $0x1  }
0x113: {  	[tilespmem:s31+$0x1A410] =	vst v15;
	v17 =	vmul.f32 v15, v15  }
0x114: {  	v18 =	vld [tilespmem:s8+$0xFFFFFF50]  }
0x115: {  	v20 =	vld [tilespmem:s8+$0xFFFFFFD0];
	_ =	sdelay $0x1  }
0x116: {  	v21 =	vld [tilespmem:s8+$0x50];
	_ =	sdelay $0x2  }
0x117: {  	v18 =	vadd.f32 v20, v18;
	_ =	sdelay $0x1  }
0x118: {  	v18 =	vadd.f32 v21, v18;
	_ =	sdelay $0x1  }
0x119: {  	v18 =	vsub.f32 v19, v18;
	_ =	sdelay $0x1  }
0x11a: {  	[tilespmem:s31+$0x1B810] =	vst v18;
	v20 =	vmul.f32 v18, v18  }
0x11b: {  	v21 =	vld [tilespmem:s8+$0xD0]  }
0x11c: {  	v22 =	vld [tilespmem:s8+$0x150];
	_ =	sdelay $0x1  }
0x11d: {  	v23 =	vld [tilespmem:s8+$0x1D0];
	_ =	sdelay $0x2  }
0x11e: {  	v21 =	vadd.f32 v22, v21;
	_ =	sdelay $0x1  }
0x11f: {  	v11 =	vadd.f32 v15, v11;
	v15 =	vadd.f32 v23, v21  }
0x120: {  	v8 =	vadd.f32 v17, v8  }
0x121: {  	v11 =	vadd.f32 v18, v11;
	v15 =	vsub.f32 v19, v15;
	_ =	sdelay $0x1  }
0x122: {  	v8 =	vadd.f32 v20, v8;
	[tilespmem:s31+$0x1CC10] =	vst v15;
	v11 =	vadd.f32 v15, v11;
	v15 =	vmul.f32 v15, v15  }
0x123: {  	v17 =	vld [tilespmem:s8+$0xFFFFFDE0]  }
0x124: {  	v8 =	vadd.f32 v15, v8;
	v15 =	vld [tilespmem:s8+$0xFFFFFE60];
	_ =	sdelay $0x1  }
0x125: {  	v18 =	vld [tilespmem:s8+$0xFFFFFEE0];
	_ =	sdelay $0x1  }
0x126: {  	v19 =	vld [tilespmem:s31+$0x19020]  }
0x127: {  	v15 =	vadd.f32 v15, v17;
	_ =	sdelay $0x1  }
0x128: {  	v15 =	vadd.f32 v18, v15;
	_ =	sdelay $0x1  }
0x129: {  	v15 =	vsub.f32 v19, v15;
	_ =	sdelay $0x1  }
0x12a: {  	[tilespmem:s31+$0x1A420] =	vst v15;
	v17 =	vmul.f32 v15, v15  }
0x12b: {  	v18 =	vld [tilespmem:s8+$0xFFFFFF60]  }
0x12c: {  	v20 =	vld [tilespmem:s8+$0xFFFFFFE0];
	_ =	sdelay $0x1  }
0x12d: {  	v21 =	vld [tilespmem:s8+$0x60];
	_ =	sdelay $0x2  }
0x12e: {  	v18 =	vadd.f32 v20, v18;
	_ =	sdelay $0x1  }
0x12f: {  	v18 =	vadd.f32 v21, v18;
	_ =	sdelay $0x1  }
0x130: {  	v18 =	vsub.f32 v19, v18;
	_ =	sdelay $0x1  }
0x131: {  	[tilespmem:s31+$0x1B820] =	vst v18  }
0x132: {  	v20 =	vld [tilespmem:s8+$0xE0]  }
0x133: {  	v21 =	vld [tilespmem:s8+$0x160]  }
0x134: {  	v22 =	vld [tilespmem:s8+$0x1E0];
	_ =	sdelay $0x3  }
0x135: {  	v20 =	vadd.f32 v21, v20;
	_ =	sdelay $0x1  }
0x136: {  	v10 =	vadd.f32 v15, v10;
	v15 =	vadd.f32 v22, v20  }
0x137: {  	v12 =	vadd.f32 v17, v12  }
0x138: {  	v10 =	vadd.f32 v18, v10;
	v17 =	vmul.f32 v18, v18;
	v15 =	vsub.f32 v19, v15;
	_ =	sdelay $0x1  }
0x139: {  	v12 =	vadd.f32 v17, v12;
	[tilespmem:s31+$0x1CC20] =	vst v15;
	v10 =	vadd.f32 v15, v10;
	v15 =	vmul.f32 v15, v15  }
0x13a: {  	v17 =	vld [tilespmem:s8+$0xFFFFFDF0]  }
0x13b: {  	v12 =	vadd.f32 v15, v12;
	v15 =	vld [tilespmem:s8+$0xFFFFFE70];
	_ =	sdelay $0x1  }
0x13c: {  	v18 =	vld [tilespmem:s8+$0xFFFFFEF0];
	_ =	sdelay $0x1  }
0x13d: {  	v19 =	vld [tilespmem:s31+$0x19030]  }
0x13e: {  	v15 =	vadd.f32 v15, v17;
	_ =	sdelay $0x1  }
0x13f: {  	v15 =	vadd.f32 v18, v15;
	_ =	sdelay $0x1  }
0x140: {  	v15 =	vsub.f32 v19, v15;
	_ =	sdelay $0x1  }
0x141: {  	[tilespmem:s31+$0x1A430] =	vst v15;
	v17 =	vmul.f32 v15, v15  }
0x142: {  	v18 =	vld [tilespmem:s8+$0xFFFFFF70]  }
0x143: {  	v16 =	vadd.f32 v17, v16;
	v17 =	vld [tilespmem:s8+$0xFFFFFFF0]  }
0x144: {  	v20 =	vld [tilespmem:s8+$0x70];
	_ =	sdelay $0x3  }
0x145: {  	v17 =	vadd.f32 v17, v18;
	_ =	sdelay $0x1  }
0x146: {  	v17 =	vadd.f32 v20, v17;
	_ =	sdelay $0x1  }
0x147: {  	v17 =	vsub.f32 v19, v17;
	_ =	sdelay $0x1  }
0x148: {  	[tilespmem:s31+$0x1B830] =	vst v17;
	v18 =	vmul.f32 v17, v17  }
0x149: {  	v20 =	vld [tilespmem:s8+$0xF0]  }
0x14a: {  	v16 =	vadd.f32 v18, v16;
	v18 =	vld [tilespmem:s8+$0x170]  }
0x14b: {  	v21 =	vld [tilespmem:s8+$0x1F0];
	_ =	sdelay $0x3  }
0x14c: {  	v18 =	vadd.f32 v18, v20;
	_ =	sdelay $0x1  }
0x14d: {  	v7 =	vadd.f32 v15, v7;
	v15 =	vadd.f32 v21, v18;
	_ =	sdelay $0x1  }
0x14e: {  	v7 =	vadd.f32 v17, v7;
	v15 =	vsub.f32 v19, v15;
	_ =	sdelay $0x1  }
0x14f: {  	[tilespmem:s31+$0x1CC30] =	vst v15;
	v7 =	vadd.f32 v15, v7;
	v15 =	vmul.f32 v15, v15  }
0x150: {  	v17 =	vld [tilespmem:s8+$0xFFFFFE00]  }
0x151: {  	v16 =	vadd.f32 v15, v16;
	v15 =	vld [tilespmem:s8+$0xFFFFFE80];
	_ =	sdelay $0x1  }
0x152: {  	v18 =	vld [tilespmem:s8+$0xFFFFFF00];
	_ =	sdelay $0x1  }
0x153: {  	v19 =	vld [tilespmem:s31+$0x19040]  }
0x154: {  	v15 =	vadd.f32 v15, v17;
	_ =	sdelay $0x1  }
0x155: {  	v15 =	vadd.f32 v18, v15;
	_ =	sdelay $0x1  }
0x156: {  	v15 =	vsub.f32 v19, v15;
	_ =	sdelay $0x1  }
0x157: {  	[tilespmem:s31+$0x1A440] =	vst v15;
	v5 =	vadd.f32 v15, v5  }
0x158: {  	v17 =	vld [tilespmem:s8+$0xFFFFFF80]  }
0x159: {  	v18 =	vld [tilespmem:s8+$0x0]  }
0x15a: {  	v20 =	vld [tilespmem:s8+$0x80];
	_ =	sdelay $0x3  }
0x15b: {  	v17 =	vadd.f32 v18, v17;
	_ =	sdelay $0x1  }
0x15c: {  	v17 =	vadd.f32 v20, v17;
	_ =	sdelay $0x1  }
0x15d: {  	v17 =	vsub.f32 v19, v17;
	_ =	sdelay $0x1  }
0x15e: {  	[tilespmem:s31+$0x1B840] =	vst v17;
	v5 =	vadd.f32 v17, v5;
	v17 =	vmul.f32 v17, v17  }
0x15f: {  	v18 =	vld [tilespmem:s8+$0x100]  }
0x160: {  	v20 =	vld [tilespmem:s8+$0x180]  }
0x161: {  	v21 =	vld [tilespmem:s8+$0x200];
	_ =	sdelay $0x3  }
0x162: {  	v18 =	vadd.f32 v20, v18;
	_ =	sdelay $0x1  }
0x163: {  	v15 =	vmul.f32 v15, v15;
	v18 =	vadd.f32 v21, v18;
	_ =	sdelay $0x1  }
0x164: {  	v3 =	vadd.f32 v15, v3;
	v15 =	vsub.f32 v19, v18;
	_ =	sdelay $0x1  }
0x165: {  	v3 =	vadd.f32 v17, v3;
	[tilespmem:s31+$0x1CC40] =	vst v15;
	v5 =	vadd.f32 v15, v5;
	v15 =	vmul.f32 v15, v15  }
0x166: {  	v17 =	vld [tilespmem:s8+$0xFFFFFE10]  }
0x167: {  	v3 =	vadd.f32 v15, v3;
	v15 =	vld [tilespmem:s8+$0xFFFFFE90]  }
0x168: {  	v18 =	vld [tilespmem:s8+$0xFFFFFF10];
	_ =	sdelay $0x2  }
0x169: {  	v19 =	vld [tilespmem:s31+$0x19050]  }
0x16a: {  	v15 =	vadd.f32 v15, v17;
	_ =	sdelay $0x1  }
0x16b: {  	v15 =	vadd.f32 v18, v15;
	_ =	sdelay $0x1  }
0x16c: {  	v15 =	vsub.f32 v19, v15;
	_ =	sdelay $0x1  }
0x16d: {  	[tilespmem:s31+$0x1A450] =	vst v15;
	v17 =	vmul.f32 v15, v15  }
0x16e: {  	v18 =	vld [tilespmem:s8+$0xFFFFFF90]  }
0x16f: {  	v20 =	vld [tilespmem:s8+$0x10]  }
0x170: {  	v21 =	vld [tilespmem:s8+$0x90];
	_ =	sdelay $0x3  }
0x171: {  	v18 =	vadd.f32 v20, v18;
	_ =	sdelay $0x1  }
0x172: {  	v18 =	vadd.f32 v21, v18;
	_ =	sdelay $0x1  }
0x173: {  	v18 =	vsub.f32 v19, v18;
	_ =	sdelay $0x1  }
0x174: {  	[tilespmem:s31+$0x1B850] =	vst v18;
	v20 =	vmul.f32 v18, v18  }
0x175: {  	v21 =	vld [tilespmem:s8+$0x110]  }
0x176: {  	v22 =	vld [tilespmem:s8+$0x190]  }
0x177: {  	v23 =	vld [tilespmem:s8+$0x210];
	_ =	sdelay $0x3  }
0x178: {  	v21 =	vadd.f32 v22, v21;
	_ =	sdelay $0x1  }
0x179: {  	v4 =	vadd.f32 v15, v4;
	v15 =	vadd.f32 v23, v21  }
0x17a: {  	v6 =	vadd.f32 v17, v6  }
0x17b: {  	v4 =	vadd.f32 v18, v4;
	v15 =	vsub.f32 v19, v15;
	_ =	sdelay $0x1  }
0x17c: {  	v6 =	vadd.f32 v20, v6;
	[tilespmem:s31+$0x1CC50] =	vst v15;
	v4 =	vadd.f32 v15, v4;
	v15 =	vmul.f32 v15, v15  }
0x17d: {  	v17 =	vld [tilespmem:s8+$0xFFFFFE20]  }
0x17e: {  	v6 =	vadd.f32 v15, v6;
	v15 =	vld [tilespmem:s8+$0xFFFFFEA0]  }
0x17f: {  	v18 =	vld [tilespmem:s8+$0xFFFFFF20];
	_ =	sdelay $0x2  }
0x180: {  	v19 =	vld [tilespmem:s31+$0x19060]  }
0x181: {  	v15 =	vadd.f32 v15, v17;
	_ =	sdelay $0x1  }
0x182: {  	v15 =	vadd.f32 v18, v15;
	_ =	sdelay $0x1  }
0x183: {  	v15 =	vsub.f32 v19, v15;
	_ =	sdelay $0x1  }
0x184: {  	[tilespmem:s31+$0x1A460] =	vst v15;
	v17 =	vmul.f32 v15, v15  }
0x185: {  	v18 =	vld [tilespmem:s8+$0xFFFFFFA0]  }
0x186: {  	v9 =	vadd.f32 v17, v9;
	v17 =	vld [tilespmem:s8+$0x20]  }
0x187: {  	v20 =	vld [tilespmem:s8+$0xA0];
	_ =	sdelay $0x3  }
0x188: {  	v17 =	vadd.f32 v17, v18;
	_ =	sdelay $0x1  }
0x189: {  	v17 =	vadd.f32 v20, v17;
	_ =	sdelay $0x1  }
0x18a: {  	v17 =	vsub.f32 v19, v17;
	_ =	sdelay $0x1  }
0x18b: {  	[tilespmem:s31+$0x1B860] =	vst v17;
	v18 =	vmul.f32 v17, v17  }
0x18c: {  	v20 =	vld [tilespmem:s8+$0x120]  }
0x18d: {  	v9 =	vadd.f32 v18, v9;
	v18 =	vld [tilespmem:s8+$0x1A0]  }
0x18e: {  	v21 =	vld [tilespmem:s8+$0x220];
	_ =	sdelay $0x3  }
0x18f: {  	v18 =	vadd.f32 v18, v20;
	_ =	sdelay $0x1  }
0x190: {  	v2 =	vadd.f32 v15, v2;
	v15 =	vadd.f32 v21, v18;
	_ =	sdelay $0x1  }
0x191: {  	v2 =	vadd.f32 v17, v2;
	v15 =	vsub.f32 v19, v15;
	_ =	sdelay $0x1  }
0x192: {  	[tilespmem:s31+$0x1CC60] =	vst v15;
	v2 =	vadd.f32 v15, v2;
	v15 =	vmul.f32 v15, v15  }
0x193: {  	v17 =	vld [tilespmem:s8+$0xFFFFFE30]  }
0x194: {  	v9 =	vadd.f32 v15, v9;
	v15 =	vld [tilespmem:s8+$0xFFFFFEB0]  }
0x195: {  	v18 =	vld [tilespmem:s8+$0xFFFFFF30];
	_ =	sdelay $0x2  }
0x196: {  	v19 =	vld [tilespmem:s31+$0x19070]  }
0x197: {  	v15 =	vadd.f32 v15, v17;
	_ =	sdelay $0x1  }
0x198: {  	v15 =	vadd.f32 v18, v15;
	_ =	sdelay $0x1  }
0x199: {  	v15 =	vsub.f32 v19, v15  }
.Ltmp0:
0x19a: {  	(pc) =	sbr.rel @p0 .LBB2_3-.Ltmp0, $4  }
0x19b: {  	[tilespmem:s31+$0x1A470] =	vst v15;
	v17 =	vmul.f32 v15, v15  }
0x19c: {  	v18 =	vld [tilespmem:s8+$0xFFFFFFB0]  }
0x19d: {  	v20 =	vld [tilespmem:s8+$0x30]  }
0x19e: {  	v21 =	vld [tilespmem:s8+$0xB0]  }
0x19f: {  	_ =	sdelay $0x2  }
0x1a0: {  	v18 =	vadd.f32 v20, v18;
	_ =	sdelay $0x1  }
0x1a1: {  	v18 =	vadd.f32 v21, v18;
	_ =	sdelay $0x1  }
0x1a2: {  	v18 =	vsub.f32 v19, v18;
	_ =	sdelay $0x1  }
0x1a3: {  	[tilespmem:s31+$0x1B870] =	vst v18  }
0x1a4: {  	v20 =	vld [tilespmem:s9+$0x130]  }
0x1a5: {  	v21 =	vld [tilespmem:s9+$0x1B0];
	_ =	sdelay $0x1  }
0x1a6: {  	v22 =	vld [tilespmem:s9+$0x230]  }
0x1a7: {  	s8 =	smulhi.u32 $0x10624DD3, s19;
	_ =	sdelay $0x1  }
0x1a8: {  	s8 =	sshrl.u32 s8, $0x7;
	v20 =	vadd.f32 v21, v20  }
0x1a9: {  	s11 =	smul.u32 $0x7D0, s8  }
0x1aa: {  	s8 =	smul.u32 $0x1770, s8;
	v20 =	vadd.f32 v22, v20  }
0x1ab: {  	s9 =	ssub.s32 s19, s11  }
0x1ac: {  	s8 =	sadd.s32 s9, s8;
	v19 =	vsub.f32 v19, v20  }
0x1ad: {  	s9 =	sshll.u32 s8, $0x4  }
0x1ae: {  	s10 =	simm.s32 $0x0;
	s8 =	sshll.u32 s8, $0x7;
	s9 =	sadd.s32 s6, s9;
	[tilespmem:s31+$0x1CC70] =	vst v19  }
0x1af: {  	[hbm4b:s9+s10] =	stream.linear.scatter [tilespmem:s26], [sflag:$0x3], $0x1400, $0x38;
	[tilespmem:$0x1E100] =	vst v63  }
0x1b0: {  	s19 =	sadd.s32 $0x3E800, s8;
	_ =	swait.ge [sflag:s14], $0x1400  }
0x1b1: {  	s9 =	sshrl.u32 s19, $0x3;
	[sflag:s14] =	ssyncset.done $0x0  }
0x1b2: {  	s9 =	sadd.s32 s6, s9;
	[sflag:s14] =	ssyncadd.s32 $0xFFFFEC00  }
0x1b3: {  	[hbm4b:s9+s10] =	stream.linear.scatter [tilespmem:s28], [sflag:$0x3], $0x1400, $0x38;
	[tilespmem:$0x1E100] =	vst v63  }
0x1b4: {  	s8 =	sadd.s32 $0x7D000, s8;
	_ =	swait.ge [sflag:s14], $0x1400  }
0x1b5: {  	s8 =	sshrl.u32 s8, $0x3;
	[sflag:s14] =	ssyncset.done $0x0  }
0x1b6: {  	s11 =	smul.u32 $0xC00, s0;
	s8 =	sadd.s32 s6, s8;
	[sflag:s14] =	ssyncadd.s32 $0xFFFFEC00  }
0x1b7: {  	[hbm4b:s8+s10] =	stream.linear.scatter [tilespmem:s29], [sflag:$0x3], $0x1400, $0x38;
	[tilespmem:$0x1E100] =	vst v63  }
0x1b8: {  	_ =	swait.ge [sflag:s14], $0x1400  }
0x1b9: {  	s8 =	sshra.s32 s11, $0x2;
	[sflag:s14] =	ssyncset.done $0x0  }
0x1ba: {  	s19 =	sadd.s32 $0x300, s8;
	[sflag:s14] =	ssyncadd.s32 $0xFFFFEC00  }
0x1bb: {  	[tilespmem:s16], [sflag:$0x1] =	stream.indirect.gather [hbm4b:s4+s15], $0x80, s19, s15, $0xb8;
	[tilespmem:$0x1E100] =	vst v63  }
0x1bc: {  	s11 =	sadd.s32 $0x380, s8  }
0x1bd: {  	[tilespmem:s18], [sflag:$0x1] =	stream.indirect.gather [hbm4b:s4+s15], $0x80, s11, s15, $0xb8;
	[tilespmem:$0x1E100] =	vst v63  }
0x1be: {  	s8 =	sadd.s32 $0x400, s8  }
0x1bf: {  	[tilespmem:s20], [sflag:$0x1] =	stream.indirect.gather [hbm4b:s4+s15], $0x80, s8, s15, $0xb8;
	[tilespmem:$0x1E100] =	vst v63  }
0x1c0: {  	_ =	swait.ge [sflag:s30], $0x3C00  }
0x1c1: {  	[sflag:s30] =	ssyncset.done $0x0  }
0x1c2: {  	[sflag:s30] =	ssyncadd.s32 $0xFFFFC400  }
0x1c3: {  	_ =	swait.ge [sflag:s30], $0x3C00  }
0x1c4: {  	s19 =	smul.u32 $0x28, s17;
	[sflag:s30] =	ssyncset.done $0x0  }
0x1c5: {  	[sflag:s30] =	ssyncadd.s32 $0xFFFFC400  }
0x1c6: {  	s17 =	sadd.s32 s2, s19;
	_ =	swait.ge [sflag:s30], $0x3C00  }
0x1c7: {  	s8 =	sshll.u32 s17, $0x4;
	[sflag:s30] =	ssyncset.done $0x0  }
0x1c8: {  	s8 =	sadd.s32 s5, s8;
	[sflag:s30] =	ssyncadd.s32 $0xFFFFC400  }
0x1c9: {  	[tilespmem:s25], [sflag:$0x3] =	stream.linear.gather [hbm4b:s8+s10], $0x1400, $0x38;
	[tilespmem:$0x1E100] =	vst v63  }
0x1ca: {  	_ =	swait.ge [sflag:s14], $0x1400  }
0x1cb: {  	[sflag:s14] =	ssyncset.done $0x0  }
0x1cc: {  	s31 =	simm.s32 $0x0;
	[sflag:s14] =	ssyncadd.s32 $0xFFFFEC00  }
0x1cd: {  	v20 =	vld [tilespmem:s31+$0xDC00]  }
0x1ce: {  	v21 =	vld [tilespmem:s31+$0xDC80];
	_ =	sdelay $0x1  }
0x1cf: {  	v22 =	vld [tilespmem:s31+$0xDD00]  }
0x1d0: {  	s19 =	simm.s32 $0x19040  }
0x1d1: {  	v23 =	vld [tilespmem:s19+$0xFFFFFFC0]  }
0x1d2: {  	v20 =	vadd.f32 v21, v20;
	_ =	sdelay $0x1  }
0x1d3: {  	v20 =	vadd.f32 v22, v20;
	_ =	sdelay $0x1  }
0x1d4: {  	v20 =	vsub.f32 v23, v20  }
0x1d5: {  	s8 =	simm.s32 $0x1B840  }
0x1d6: {  	[tilespmem:s8+$0xFFFFEBC0] =	vst v20  }
0x1d7: {  	v21 =	vld [tilespmem:s31+$0xDD80]  }
0x1d8: {  	v22 =	vld [tilespmem:s31+$0xDE00];
	_ =	sdelay $0x1  }
0x1d9: {  	v24 =	vld [tilespmem:s31+$0xDE80];
	_ =	sdelay $0x2  }
0x1da: {  	v21 =	vadd.f32 v22, v21;
	_ =	sdelay $0x1  }
0x1db: {  	v21 =	vadd.f32 v24, v21;
	_ =	sdelay $0x1  }
0x1dc: {  	v21 =	vsub.f32 v23, v21;
	_ =	sdelay $0x1  }
0x1dd: {  	[tilespmem:s8+$0xFFFFFFC0] =	vst v21  }
0x1de: {  	v22 =	vld [tilespmem:s31+$0xDF00]  }
0x1df: {  	v53 =	vld [tilespmem:s31+$0xDF80];
	_ =	sdelay $0x1  }
0x1e0: {  	v25 =	vld [tilespmem:s31+$0xE000];
	_ =	sdelay $0x2  }
0x1e1: {  	v22 =	vadd.f32 v53, v22;
	_ =	sdelay $0x1  }
0x1e2: {  	v22 =	vadd.f32 v25, v22;
	_ =	sdelay $0x1  }
0x1e3: {  	v22 =	vsub.f32 v23, v22;
	_ =	sdelay $0x1  }
0x1e4: {  	[tilespmem:s8+$0x13C0] =	vst v22  }
0x1e5: {  	v23 =	vld [tilespmem:s31+$0xDC10]  }
0x1e6: {  	v54 =	vld [tilespmem:s31+$0xDC90];
	_ =	sdelay $0x1  }
0x1e7: {  	v55 =	vld [tilespmem:s31+$0xDD10];
	_ =	sdelay $0x1  }
0x1e8: {  	v26 =	vld [tilespmem:s19+$0xFFFFFFD0]  }
0x1e9: {  	v23 =	vadd.f32 v54, v23;
	_ =	sdelay $0x1  }
0x1ea: {  	v23 =	vadd.f32 v55, v23;
	_ =	sdelay $0x1  }
0x1eb: {  	v23 =	vsub.f32 v26, v23;
	_ =	sdelay $0x1  }
0x1ec: {  	[tilespmem:s8+$0xFFFFEBD0] =	vst v23  }
0x1ed: {  	v56 =	vld [tilespmem:s31+$0xDD90]  }
0x1ee: {  	v57 =	vld [tilespmem:s31+$0xDE10];
	_ =	sdelay $0x1  }
0x1ef: {  	v27 =	vld [tilespmem:s31+$0xDE90];
	_ =	sdelay $0x2  }
0x1f0: {  	v24 =	vadd.f32 v57, v56;
	_ =	sdelay $0x1  }
0x1f1: {  	v24 =	vadd.f32 v27, v24;
	_ =	sdelay $0x1  }
0x1f2: {  	v24 =	vsub.f32 v26, v24;
	_ =	sdelay $0x1  }
0x1f3: {  	[tilespmem:s8+$0xFFFFFFD0] =	vst v24  }
0x1f4: {  	v58 =	vld [tilespmem:s31+$0xDF10]  }
0x1f5: {  	v59 =	vld [tilespmem:s31+$0xDF90];
	_ =	sdelay $0x1  }
0x1f6: {  	v28 =	vld [tilespmem:s31+$0xE010];
	_ =	sdelay $0x2  }
0x1f7: {  	v25 =	vadd.f32 v59, v58;
	_ =	sdelay $0x1  }
0x1f8: {  	v25 =	vadd.f32 v28, v25;
	_ =	sdelay $0x1  }
0x1f9: {  	v25 =	vsub.f32 v26, v25;
	_ =	sdelay $0x1  }
0x1fa: {  	[tilespmem:s8+$0x13D0] =	vst v25  }
0x1fb: {  	v60 =	vld [tilespmem:s31+$0xDC20]  }
0x1fc: {  	v61 =	vld [tilespmem:s31+$0xDCA0];
	_ =	sdelay $0x1  }
0x1fd: {  	v62 =	vld [tilespmem:s31+$0xDD20];
	_ =	sdelay $0x1  }
0x1fe: {  	v29 =	vld [tilespmem:s19+$0xFFFFFFE0]  }
0x1ff: {  	v26 =	vadd.f32 v61, v60;
	_ =	sdelay $0x1  }
0x200: {  	v26 =	vadd.f32 v62, v26;
	_ =	sdelay $0x1  }
0x201: {  	v26 =	vsub.f32 v29, v26;
	_ =	sdelay $0x1  }
0x202: {  	[tilespmem:s8+$0xFFFFEBE0] =	vst v26  }
0x203: {  	v63 =	vld [tilespmem:s31+$0xDDA0]  }
0x204: {  	v33 =	vld [tilespmem:s31+$0xDE20];
	_ =	sdelay $0x1  }
0x205: {  	v30 =	vld [tilespmem:s31+$0xDEA0];
	_ =	sdelay $0x2  }
0x206: {  	v27 =	vadd.f32 v33, v63;
	_ =	sdelay $0x1  }
0x207: {  	v27 =	vadd.f32 v30, v27;
	_ =	sdelay $0x1  }
0x208: {  	v27 =	vsub.f32 v29, v27;
	_ =	sdelay $0x1  }
0x209: {  	[tilespmem:s8+$0xFFFFFFE0] =	vst v27  }
0x20a: {  	v34 =	vld [tilespmem:s31+$0xDF20]  }
0x20b: {  	v35 =	vld [tilespmem:s31+$0xDFA0];
	_ =	sdelay $0x1  }
0x20c: {  	v31 =	vld [tilespmem:s31+$0xE020];
	_ =	sdelay $0x2  }
0x20d: {  	v28 =	vadd.f32 v35, v34;
	_ =	sdelay $0x1  }
0x20e: {  	v28 =	vadd.f32 v31, v28;
	_ =	sdelay $0x1  }
0x20f: {  	v28 =	vsub.f32 v29, v28;
	_ =	sdelay $0x1  }
0x210: {  	[tilespmem:s8+$0x13E0] =	vst v28  }
0x211: {  	v36 =	vld [tilespmem:s31+$0xDC30]  }
0x212: {  	v37 =	vld [tilespmem:s31+$0xDCB0];
	_ =	sdelay $0x1  }
0x213: {  	v38 =	vld [tilespmem:s31+$0xDD30];
	_ =	sdelay $0x1  }
0x214: {  	v32 =	vld [tilespmem:s19+$0xFFFFFFF0]  }
0x215: {  	v29 =	vadd.f32 v37, v36;
	_ =	sdelay $0x1  }
0x216: {  	v29 =	vadd.f32 v38, v29;
	_ =	sdelay $0x1  }
0x217: {  	v29 =	vsub.f32 v32, v29;
	_ =	sdelay $0x1  }
0x218: {  	[tilespmem:s8+$0xFFFFEBF0] =	vst v29  }
0x219: {  	v39 =	vld [tilespmem:s31+$0xDDB0]  }
0x21a: {  	v40 =	vld [tilespmem:s31+$0xDE30];
	_ =	sdelay $0x1  }
0x21b: {  	v33 =	vld [tilespmem:s31+$0xDEB0];
	_ =	sdelay $0x2  }
0x21c: {  	v30 =	vadd.f32 v40, v39;
	_ =	sdelay $0x1  }
0x21d: {  	v30 =	vadd.f32 v33, v30;
	_ =	sdelay $0x1  }
0x21e: {  	v30 =	vsub.f32 v32, v30;
	_ =	sdelay $0x1  }
0x21f: {  	[tilespmem:s8+$0xFFFFFFF0] =	vst v30  }
0x220: {  	v41 =	vld [tilespmem:s31+$0xDF30]  }
0x221: {  	v42 =	vld [tilespmem:s31+$0xDFB0];
	_ =	sdelay $0x1  }
0x222: {  	v34 =	vld [tilespmem:s31+$0xE030];
	_ =	sdelay $0x2  }
0x223: {  	v31 =	vadd.f32 v42, v41;
	_ =	sdelay $0x1  }
0x224: {  	v31 =	vadd.f32 v34, v31;
	_ =	sdelay $0x1  }
0x225: {  	v31 =	vsub.f32 v32, v31;
	_ =	sdelay $0x1  }
0x226: {  	[tilespmem:s8+$0x13F0] =	vst v31  }
0x227: {  	v43 =	vld [tilespmem:s31+$0xDC40]  }
0x228: {  	v44 =	vld [tilespmem:s31+$0xDCC0];
	_ =	sdelay $0x1  }
0x229: {  	v45 =	vld [tilespmem:s31+$0xDD40];
	_ =	sdelay $0x1  }
0x22a: {  	v35 =	vld [tilespmem:s19+$0x0]  }
0x22b: {  	v32 =	vadd.f32 v44, v43;
	_ =	sdelay $0x1  }
0x22c: {  	v32 =	vadd.f32 v45, v32;
	_ =	sdelay $0x1  }
0x22d: {  	v32 =	vsub.f32 v35, v32;
	_ =	sdelay $0x1  }
0x22e: {  	[tilespmem:s8+$0xFFFFEC00] =	vst v32  }
0x22f: {  	v46 =	vld [tilespmem:s31+$0xDDC0]  }
0x230: {  	v47 =	vld [tilespmem:s31+$0xDE40];
	_ =	sdelay $0x1  }
0x231: {  	v36 =	vld [tilespmem:s31+$0xDEC0];
	_ =	sdelay $0x2  }
0x232: {  	v33 =	vadd.f32 v47, v46;
	_ =	sdelay $0x1  }
0x233: {  	v33 =	vadd.f32 v36, v33;
	_ =	sdelay $0x1  }
0x234: {  	v33 =	vsub.f32 v35, v33;
	_ =	sdelay $0x1  }
0x235: {  	[tilespmem:s8+$0x0] =	vst v33  }
0x236: {  	v48 =	vld [tilespmem:s31+$0xDF40]  }
0x237: {  	v49 =	vld [tilespmem:s31+$0xDFC0];
	_ =	sdelay $0x1  }
0x238: {  	v37 =	vld [tilespmem:s31+$0xE040];
	_ =	sdelay $0x2  }
0x239: {  	v34 =	vadd.f32 v49, v48;
	_ =	sdelay $0x1  }
0x23a: {  	v34 =	vadd.f32 v37, v34;
	_ =	sdelay $0x1  }
0x23b: {  	v34 =	vsub.f32 v35, v34;
	_ =	sdelay $0x1  }
0x23c: {  	[tilespmem:s8+$0x1400] =	vst v34  }
0x23d: {  	v50 =	vld [tilespmem:s31+$0xDC50]  }
0x23e: {  	v51 =	vld [tilespmem:s31+$0xDCD0];
	_ =	sdelay $0x1  }
0x23f: {  	v52 =	vld [tilespmem:s31+$0xDD50];
	_ =	sdelay $0x1  }
0x240: {  	v38 =	vld [tilespmem:s19+$0x10]  }
0x241: {  	v35 =	vadd.f32 v51, v50;
	_ =	sdelay $0x1  }
0x242: {  	v35 =	vadd.f32 v52, v35;
	_ =	sdelay $0x1  }
0x243: {  	v35 =	vsub.f32 v38, v35;
	_ =	sdelay $0x1  }
0x244: {  	[tilespmem:s8+$0xFFFFEC10] =	vst v35  }
0x245: {  	v53 =	vld [tilespmem:s31+$0xDDD0]  }
0x246: {  	v54 =	vld [tilespmem:s31+$0xDE50];
	_ =	sdelay $0x1  }
0x247: {  	v39 =	vld [tilespmem:s31+$0xDED0];
	_ =	sdelay $0x2  }
0x248: {  	v36 =	vadd.f32 v54, v53;
	_ =	sdelay $0x1  }
0x249: {  	v36 =	vadd.f32 v39, v36;
	_ =	sdelay $0x1  }
0x24a: {  	v36 =	vsub.f32 v38, v36;
	_ =	sdelay $0x1  }
0x24b: {  	[tilespmem:s8+$0x10] =	vst v36  }
0x24c: {  	v55 =	vld [tilespmem:s31+$0xDF50]  }
0x24d: {  	v56 =	vld [tilespmem:s31+$0xDFD0];
	_ =	sdelay $0x1  }
0x24e: {  	v40 =	vld [tilespmem:s31+$0xE050];
	_ =	sdelay $0x2  }
0x24f: {  	v37 =	vadd.f32 v56, v55;
	_ =	sdelay $0x1  }
0x250: {  	v37 =	vadd.f32 v40, v37;
	_ =	sdelay $0x1  }
0x251: {  	v37 =	vsub.f32 v38, v37;
	_ =	sdelay $0x1  }
0x252: {  	[tilespmem:s8+$0x1410] =	vst v37  }
0x253: {  	v57 =	vld [tilespmem:s31+$0xDC60]  }
0x254: {  	v58 =	vld [tilespmem:s31+$0xDCE0];
	_ =	sdelay $0x1  }
0x255: {  	v59 =	vld [tilespmem:s31+$0xDD60];
	_ =	sdelay $0x1  }
0x256: {  	v41 =	vld [tilespmem:s19+$0x20]  }
0x257: {  	v38 =	vadd.f32 v58, v57;
	_ =	sdelay $0x1  }
0x258: {  	v38 =	vadd.f32 v59, v38;
	_ =	sdelay $0x1  }
0x259: {  	v38 =	vsub.f32 v41, v38;
	_ =	sdelay $0x1  }
0x25a: {  	[tilespmem:s8+$0xFFFFEC20] =	vst v38  }
0x25b: {  	v60 =	vld [tilespmem:s31+$0xDDE0]  }
0x25c: {  	v61 =	vld [tilespmem:s31+$0xDE60];
	_ =	sdelay $0x1  }
0x25d: {  	v42 =	vld [tilespmem:s31+$0xDEE0];
	_ =	sdelay $0x2  }
0x25e: {  	v39 =	vadd.f32 v61, v60;
	_ =	sdelay $0x1  }
0x25f: {  	v39 =	vadd.f32 v42, v39;
	_ =	sdelay $0x1  }
0x260: {  	v39 =	vsub.f32 v41, v39  }
0x261: {  	v1 =	vadd.f32 v15, v1;
	v0 =	vadd.f32 v17, v0;
	v15 =	vmul.f32 v18, v18  }
0x262: {  	[tilespmem:s8+$0x20] =	vst v39  }
0x263: {  	v1 =	vadd.f32 v18, v1;
	v15 =	vadd.f32 v15, v0;
	v17 =	vld [tilespmem:s31+$0xDF60]  }
0x264: {  	v18 =	vmul.f32 v20, v20;
	v13 =	vadd.f32 v20, v13;
	v20 =	vmul.f32 v19, v19;
	v62 =	vld [tilespmem:s31+$0xDFE0]  }
0x265: {  	v0 =	vadd.f32 v19, v1  }
0x266: {  	v14 =	vadd.f32 v18, v14;
	v1 =	vadd.f32 v20, v15;
	v20 =	vmul.f32 v23, v23;
	v18 =	vld [tilespmem:s31+$0xE060]  }
0x267: {  	v13 =	vadd.f32 v21, v13;
	v63 =	vmul.f32 v21, v21  }
0x268: {  	v11 =	vadd.f32 v23, v11;
	v8 =	vadd.f32 v20, v8  }
0x269: {  	v19 =	vmul.f32 v22, v22;
	v15 =	vadd.f32 v63, v14;
	v17 =	vadd.f32 v62, v17  }
0x26a: {  	v10 =	vadd.f32 v26, v10;
	v14 =	vadd.f32 v22, v13  }
0x26b: {  	v13 =	vadd.f32 v19, v15;
	v15 =	vadd.f32 v18, v17;
	v17 =	vmul.f32 v26, v26  }
0x26c: {  	v11 =	vadd.f32 v24, v11;
	v10 =	vadd.f32 v27, v10;
	v18 =	vmul.f32 v24, v24  }
0x26d: {  	v17 =	vadd.f32 v17, v12;
	v20 =	vsub.f32 v41, v15;
	v15 =	vmul.f32 v27, v27  }
0x26e: {  	v8 =	vadd.f32 v18, v8;
	v12 =	vadd.f32 v25, v11  }
0x26f: {  	v11 =	vmul.f32 v25, v25;
	v18 =	vmul.f32 v28, v28;
	v17 =	vadd.f32 v15, v17;
	[tilespmem:s8+$0x1420] =	vst v20  }
0x270: {  	v7 =	vadd.f32 v29, v7;
	v5 =	vadd.f32 v32, v5;
	v21 =	vld [tilespmem:s31+$0xDC70]  }
0x271: {  	v19 =	vmul.f32 v29, v29;
	v15 =	vadd.f32 v11, v8;
	v8 =	vadd.f32 v18, v17;
	v17 =	vld [tilespmem:s31+$0xDCF0]  }
0x272: {  	v5 =	vadd.f32 v33, v5;
	v11 =	vadd.f32 v28, v10;
	v10 =	vmul.f32 v32, v32  }
0x273: {  	v16 =	vadd.f32 v19, v16;
	v7 =	vadd.f32 v30, v7;
	v22 =	vld [tilespmem:s31+$0xDD70];
	v18 =	vmul.f32 v30, v30  }
0x274: {  	v19 =	vmul.f32 v33, v33;
	v5 =	vadd.f32 v34, v5;
	v3 =	vadd.f32 v10, v3  }
0x275: {  	v10 =	vadd.f32 v31, v7;
	v7 =	vmul.f32 v31, v31;
	v18 =	vadd.f32 v18, v16;
	v16 =	vld [tilespmem:s19+$0x30]  }
0x276: {  	v3 =	vadd.f32 v19, v3;
	v19 =	vmul.f32 v34, v34;
	v17 =	vadd.f32 v17, v21  }
0x277: {  	v4 =	vadd.f32 v35, v4;
	v7 =	vadd.f32 v7, v18;
	v18 =	vmul.f32 v35, v35  }
0x278: {  	v3 =	vadd.f32 v19, v3;
	v19 =	vmul.f32 v38, v38;
	v17 =	vadd.f32 v22, v17  }
0x279: {  	v2 =	vadd.f32 v38, v2;
	v6 =	vadd.f32 v18, v6;
	v18 =	vmul.f32 v36, v36  }
0x27a: {  	v9 =	vadd.f32 v19, v9;
	v19 =	vmul.f32 v39, v39;
	v17 =	vsub.f32 v16, v17  }
0x27b: {  	v4 =	vadd.f32 v36, v4;
	v23 =	vmul.f32 v20, v20;
	v21 =	vadd.f32 v39, v2  }
0x27c: {  	v6 =	vadd.f32 v18, v6;
	v18 =	vmul.f32 v37, v37;
	v22 =	vadd.f32 v19, v9;
	[tilespmem:s8+$0xFFFFEC30] =	vst v17  }
0x27d: {  	v4 =	vadd.f32 v37, v4;
	v9 =	vadd.f32 v20, v21;
	v19 =	vld [tilespmem:s31+$0xDDF0]  }
0x27e: {  	s9 =	simm.s32 $0x1B840;
	s10 =	simm.s32 $0x1200;
	v2 =	vadd.f32 v18, v6;
	v6 =	vadd.f32 v23, v22;
	v18 =	vmul.f32 v17, v17;
	v20 =	vld [tilespmem:s31+$0xDE70]  }
.LBB2_5:
0x27f: {  	p0 =	sne.s32 s10, $0x2BE00;
	v21 =	vld [tilespmem:s31+$0xDEF0];
	s19 =	sadd.s32 $0x80, s19;
	s8 =	sadd.s32 $0x80, s8  }
0x280: {  	s11 =	smov.u32 s10;
	s10 =	sadd.s32 $0x1200, s10;
	_ =	sdelay $0x2  }
0x281: {  	v19 =	vadd.f32 v20, v19;
	_ =	sdelay $0x1  }
0x282: {  	v19 =	vadd.f32 v21, v19;
	_ =	sdelay $0x1  }
0x283: {  	v19 =	vsub.f32 v16, v19;
	_ =	sdelay $0x1  }
0x284: {  	[tilespmem:s9+$0x30] =	vst v19;
	v20 =	vmul.f32 v19, v19  }
0x285: {  	v21 =	vld [tilespmem:s31+$0xDF70]  }
0x286: {  	v22 =	vld [tilespmem:s31+$0xDFF0]  }
0x287: {  	v23 =	vld [tilespmem:s31+$0xE070];
	_ =	sdelay $0x3  }
0x288: {  	v21 =	vadd.f32 v22, v21;
	_ =	sdelay $0x1  }
0x289: {  	v0 =	vadd.f32 v17, v0;
	v17 =	vadd.f32 v23, v21  }
0x28a: {  	v1 =	vadd.f32 v18, v1  }
0x28b: {  	v0 =	vadd.f32 v19, v0;
	v16 =	vsub.f32 v16, v17  }
0x28c: {  	v1 =	vadd.f32 v20, v1;
	s31 =	sshra.s32 s11, $0x2  }
0x28d: {  	[tilespmem:s9+$0x1430] =	vst v16;
	v0 =	vadd.f32 v16, v0;
	v16 =	vmul.f32 v16, v16;
	s9 =	smov.u32 s8  }
0x28e: {  	v17 =	vld [tilespmem:s31+$0xDC00]  }
0x28f: {  	v18 =	vld [tilespmem:s31+$0xDC80];
	v1 =	vadd.f32 v16, v1  }
0x290: {  	v16 =	vld [tilespmem:s31+$0xDD00];
	_ =	sdelay $0x1  }
0x291: {  	v19 =	vld [tilespmem:s19+$0xFFFFFFC0];
	_ =	sdelay $0x1  }
0x292: {  	v17 =	vadd.f32 v18, v17;
	_ =	sdelay $0x1  }
0x293: {  	v16 =	vadd.f32 v16, v17;
	_ =	sdelay $0x1  }
0x294: {  	v16 =	vsub.f32 v19, v16;
	_ =	sdelay $0x1  }
0x295: {  	[tilespmem:s8+$0xFFFFEBC0] =	vst v16  }
0x296: {  	v17 =	vld [tilespmem:s31+$0xDD80]  }
0x297: {  	v18 =	vld [tilespmem:s31+$0xDE00];
	_ =	sdelay $0x1  }
0x298: {  	v20 =	vld [tilespmem:s31+$0xDE80];
	_ =	sdelay $0x2  }
0x299: {  	v17 =	vadd.f32 v18, v17;
	_ =	sdelay $0x1  }
0x29a: {  	v17 =	vadd.f32 v20, v17;
	_ =	sdelay $0x1  }
0x29b: {  	v17 =	vsub.f32 v19, v17;
	_ =	sdelay $0x1  }
0x29c: {  	[tilespmem:s8+$0xFFFFFFC0] =	vst v17;
	v18 =	vmul.f32 v17, v17  }
0x29d: {  	v20 =	vld [tilespmem:s31+$0xDF00]  }
0x29e: {  	v21 =	vld [tilespmem:s31+$0xDF80];
	_ =	sdelay $0x1  }
0x29f: {  	v22 =	vld [tilespmem:s31+$0xE000];
	_ =	sdelay $0x2  }
0x2a0: {  	v20 =	vadd.f32 v21, v20  }
0x2a1: {  	v14 =	vadd.f32 v16, v14  }
0x2a2: {  	v16 =	vmul.f32 v16, v16;
	v20 =	vadd.f32 v22, v20  }
0x2a3: {  	v14 =	vadd.f32 v17, v14  }
0x2a4: {  	v13 =	vadd.f32 v16, v13;
	v16 =	vsub.f32 v19, v20;
	_ =	sdelay $0x1  }
0x2a5: {  	v13 =	vadd.f32 v18, v13;
	[tilespmem:s8+$0x13C0] =	vst v16;
	v14 =	vadd.f32 v16, v14;
	v16 =	vmul.f32 v16, v16  }
0x2a6: {  	v17 =	vld [tilespmem:s31+$0xDC10]  }
0x2a7: {  	v13 =	vadd.f32 v16, v13;
	v16 =	vld [tilespmem:s31+$0xDC90];
	_ =	sdelay $0x1  }
0x2a8: {  	v18 =	vld [tilespmem:s31+$0xDD10];
	_ =	sdelay $0x1  }
0x2a9: {  	v19 =	vld [tilespmem:s19+$0xFFFFFFD0]  }
0x2aa: {  	v16 =	vadd.f32 v16, v17;
	_ =	sdelay $0x1  }
0x2ab: {  	v16 =	vadd.f32 v18, v16;
	_ =	sdelay $0x1  }
0x2ac: {  	v16 =	vsub.f32 v19, v16;
	_ =	sdelay $0x1  }
0x2ad: {  	[tilespmem:s8+$0xFFFFEBD0] =	vst v16;
	v17 =	vmul.f32 v16, v16  }
0x2ae: {  	v18 =	vld [tilespmem:s31+$0xDD90]  }
0x2af: {  	v15 =	vadd.f32 v17, v15;
	v17 =	vld [tilespmem:s31+$0xDE10];
	_ =	sdelay $0x1  }
0x2b0: {  	v20 =	vld [tilespmem:s31+$0xDE90];
	_ =	sdelay $0x2  }
0x2b1: {  	v17 =	vadd.f32 v17, v18;
	_ =	sdelay $0x1  }
0x2b2: {  	v17 =	vadd.f32 v20, v17;
	_ =	sdelay $0x1  }
0x2b3: {  	v17 =	vsub.f32 v19, v17;
	_ =	sdelay $0x1  }
0x2b4: {  	[tilespmem:s8+$0xFFFFFFD0] =	vst v17;
	v18 =	vmul.f32 v17, v17  }
0x2b5: {  	v20 =	vld [tilespmem:s31+$0xDF10]  }
0x2b6: {  	v15 =	vadd.f32 v18, v15;
	v18 =	vld [tilespmem:s31+$0xDF90];
	_ =	sdelay $0x1  }
0x2b7: {  	v21 =	vld [tilespmem:s31+$0xE010];
	_ =	sdelay $0x2  }
0x2b8: {  	v18 =	vadd.f32 v18, v20;
	_ =	sdelay $0x1  }
0x2b9: {  	v12 =	vadd.f32 v16, v12;
	v16 =	vadd.f32 v21, v18;
	_ =	sdelay $0x1  }
0x2ba: {  	v12 =	vadd.f32 v17, v12;
	v16 =	vsub.f32 v19, v16;
	_ =	sdelay $0x1  }
0x2bb: {  	[tilespmem:s8+$0x13D0] =	vst v16;
	v12 =	vadd.f32 v16, v12;
	v16 =	vmul.f32 v16, v16  }
0x2bc: {  	v17 =	vld [tilespmem:s31+$0xDC20]  }
0x2bd: {  	v15 =	vadd.f32 v16, v15;
	v16 =	vld [tilespmem:s31+$0xDCA0];
	_ =	sdelay $0x1  }
0x2be: {  	v18 =	vld [tilespmem:s31+$0xDD20];
	_ =	sdelay $0x1  }
0x2bf: {  	v19 =	vld [tilespmem:s19+$0xFFFFFFE0]  }
0x2c0: {  	v16 =	vadd.f32 v16, v17;
	_ =	sdelay $0x1  }
0x2c1: {  	v16 =	vadd.f32 v18, v16;
	_ =	sdelay $0x1  }
0x2c2: {  	v16 =	vsub.f32 v19, v16;
	_ =	sdelay $0x1  }
0x2c3: {  	[tilespmem:s8+$0xFFFFEBE0] =	vst v16;
	v17 =	vmul.f32 v16, v16  }
0x2c4: {  	v18 =	vld [tilespmem:s31+$0xDDA0]  }
0x2c5: {  	v20 =	vld [tilespmem:s31+$0xDE20];
	_ =	sdelay $0x1  }
0x2c6: {  	v21 =	vld [tilespmem:s31+$0xDEA0];
	_ =	sdelay $0x2  }
0x2c7: {  	v18 =	vadd.f32 v20, v18;
	_ =	sdelay $0x1  }
0x2c8: {  	v18 =	vadd.f32 v21, v18;
	_ =	sdelay $0x1  }
0x2c9: {  	v18 =	vsub.f32 v19, v18;
	_ =	sdelay $0x1  }
0x2ca: {  	[tilespmem:s8+$0xFFFFFFE0] =	vst v18;
	v20 =	vmul.f32 v18, v18  }
0x2cb: {  	v21 =	vld [tilespmem:s31+$0xDF20]  }
0x2cc: {  	v22 =	vld [tilespmem:s31+$0xDFA0];
	_ =	sdelay $0x1  }
0x2cd: {  	v23 =	vld [tilespmem:s31+$0xE020];
	_ =	sdelay $0x2  }
0x2ce: {  	v21 =	vadd.f32 v22, v21;
	_ =	sdelay $0x1  }
0x2cf: {  	v11 =	vadd.f32 v16, v11;
	v16 =	vadd.f32 v23, v21  }
0x2d0: {  	v8 =	vadd.f32 v17, v8  }
0x2d1: {  	v11 =	vadd.f32 v18, v11;
	v16 =	vsub.f32 v19, v16;
	_ =	sdelay $0x1  }
0x2d2: {  	v8 =	vadd.f32 v20, v8;
	[tilespmem:s8+$0x13E0] =	vst v16;
	v11 =	vadd.f32 v16, v11;
	v16 =	vmul.f32 v16, v16  }
0x2d3: {  	v17 =	vld [tilespmem:s31+$0xDC30]  }
0x2d4: {  	v8 =	vadd.f32 v16, v8;
	v16 =	vld [tilespmem:s31+$0xDCB0]  }
0x2d5: {  	v18 =	vld [tilespmem:s31+$0xDD30];
	_ =	sdelay $0x2  }
0x2d6: {  	v19 =	vld [tilespmem:s19+$0xFFFFFFF0]  }
0x2d7: {  	v16 =	vadd.f32 v16, v17;
	_ =	sdelay $0x1  }
0x2d8: {  	v16 =	vadd.f32 v18, v16;
	_ =	sdelay $0x1  }
0x2d9: {  	v16 =	vsub.f32 v19, v16;
	_ =	sdelay $0x1  }
0x2da: {  	[tilespmem:s8+$0xFFFFEBF0] =	vst v16;
	v17 =	vmul.f32 v16, v16  }
0x2db: {  	v18 =	vld [tilespmem:s31+$0xDDB0]  }
0x2dc: {  	v20 =	vld [tilespmem:s31+$0xDE30];
	_ =	sdelay $0x1  }
0x2dd: {  	v21 =	vld [tilespmem:s31+$0xDEB0];
	_ =	sdelay $0x2  }
0x2de: {  	v18 =	vadd.f32 v20, v18;
	_ =	sdelay $0x1  }
0x2df: {  	v18 =	vadd.f32 v21, v18;
	_ =	sdelay $0x1  }
0x2e0: {  	v18 =	vsub.f32 v19, v18;
	_ =	sdelay $0x1  }
0x2e1: {  	[tilespmem:s8+$0xFFFFFFF0] =	vst v18  }
0x2e2: {  	v20 =	vld [tilespmem:s31+$0xDF30]  }
0x2e3: {  	v21 =	vld [tilespmem:s31+$0xDFB0]  }
0x2e4: {  	v22 =	vld [tilespmem:s31+$0xE030];
	_ =	sdelay $0x3  }
0x2e5: {  	v20 =	vadd.f32 v21, v20  }
0x2e6: {  	v10 =	vadd.f32 v16, v10  }
0x2e7: {  	v16 =	vadd.f32 v22, v20  }
0x2e8: {  	v10 =	vadd.f32 v18, v10  }
0x2e9: {  	v7 =	vadd.f32 v17, v7;
	v17 =	vmul.f32 v18, v18;
	v16 =	vsub.f32 v19, v16;
	_ =	sdelay $0x1  }
0x2ea: {  	v7 =	vadd.f32 v17, v7;
	[tilespmem:s8+$0x13F0] =	vst v16;
	v10 =	vadd.f32 v16, v10;
	v16 =	vmul.f32 v16, v16  }
0x2eb: {  	v17 =	vld [tilespmem:s31+$0xDC40]  }
0x2ec: {  	v7 =	vadd.f32 v16, v7;
	v16 =	vld [tilespmem:s31+$0xDCC0]  }
0x2ed: {  	v18 =	vld [tilespmem:s31+$0xDD40];
	_ =	sdelay $0x2  }
0x2ee: {  	v19 =	vld [tilespmem:s19+$0x0]  }
0x2ef: {  	v16 =	vadd.f32 v16, v17;
	_ =	sdelay $0x1  }
0x2f0: {  	v16 =	vadd.f32 v18, v16;
	_ =	sdelay $0x1  }
0x2f1: {  	v16 =	vsub.f32 v19, v16;
	_ =	sdelay $0x1  }
0x2f2: {  	[tilespmem:s8+$0xFFFFEC00] =	vst v16;
	v17 =	vmul.f32 v16, v16  }
0x2f3: {  	v18 =	vld [tilespmem:s31+$0xDDC0]  }
0x2f4: {  	v20 =	vld [tilespmem:s31+$0xDE40]  }
0x2f5: {  	v21 =	vld [tilespmem:s31+$0xDEC0];
	_ =	sdelay $0x3  }
0x2f6: {  	v18 =	vadd.f32 v20, v18;
	_ =	sdelay $0x1  }
0x2f7: {  	v18 =	vadd.f32 v21, v18;
	_ =	sdelay $0x1  }
0x2f8: {  	v18 =	vsub.f32 v19, v18;
	_ =	sdelay $0x1  }
0x2f9: {  	[tilespmem:s8+$0x0] =	vst v18;
	v20 =	vmul.f32 v18, v18  }
0x2fa: {  	v21 =	vld [tilespmem:s31+$0xDF40]  }
0x2fb: {  	v22 =	vld [tilespmem:s31+$0xDFC0]  }
0x2fc: {  	v23 =	vld [tilespmem:s31+$0xE040];
	_ =	sdelay $0x3  }
0x2fd: {  	v21 =	vadd.f32 v22, v21;
	_ =	sdelay $0x1  }
0x2fe: {  	v5 =	vadd.f32 v16, v5;
	v16 =	vadd.f32 v23, v21  }
0x2ff: {  	v3 =	vadd.f32 v17, v3  }
0x300: {  	v5 =	vadd.f32 v18, v5;
	v16 =	vsub.f32 v19, v16;
	_ =	sdelay $0x1  }
0x301: {  	v3 =	vadd.f32 v20, v3;
	[tilespmem:s8+$0x1400] =	vst v16;
	v5 =	vadd.f32 v16, v5;
	v16 =	vmul.f32 v16, v16  }
0x302: {  	v17 =	vld [tilespmem:s31+$0xDC50]  }
0x303: {  	v3 =	vadd.f32 v16, v3;
	v16 =	vld [tilespmem:s31+$0xDCD0]  }
0x304: {  	v18 =	vld [tilespmem:s31+$0xDD50]  }
0x305: {  	v19 =	vld [tilespmem:s19+$0x10];
	_ =	sdelay $0x2  }
0x306: {  	v16 =	vadd.f32 v16, v17;
	_ =	sdelay $0x1  }
0x307: {  	v16 =	vadd.f32 v18, v16;
	_ =	sdelay $0x1  }
0x308: {  	v16 =	vsub.f32 v19, v16;
	_ =	sdelay $0x1  }
0x309: {  	[tilespmem:s8+$0xFFFFEC10] =	vst v16  }
0x30a: {  	v17 =	vld [tilespmem:s31+$0xDDD0]  }
0x30b: {  	v18 =	vld [tilespmem:s31+$0xDE50]  }
0x30c: {  	v20 =	vld [tilespmem:s31+$0xDED0];
	_ =	sdelay $0x3  }
0x30d: {  	v17 =	vadd.f32 v18, v17;
	_ =	sdelay $0x1  }
0x30e: {  	v17 =	vadd.f32 v20, v17;
	_ =	sdelay $0x1  }
0x30f: {  	v17 =	vsub.f32 v19, v17;
	_ =	sdelay $0x1  }
0x310: {  	[tilespmem:s8+$0x10] =	vst v17  }
0x311: {  	v18 =	vld [tilespmem:s31+$0xDF50]  }
0x312: {  	v20 =	vld [tilespmem:s31+$0xDFD0]  }
0x313: {  	v21 =	vld [tilespmem:s31+$0xE050];
	_ =	sdelay $0x3  }
0x314: {  	v18 =	vadd.f32 v20, v18  }
0x315: {  	v4 =	vadd.f32 v16, v4  }
0x316: {  	v16 =	vmul.f32 v16, v16;
	v18 =	vadd.f32 v21, v18  }
0x317: {  	v4 =	vadd.f32 v17, v4  }
0x318: {  	v2 =	vadd.f32 v16, v2;
	v16 =	vmul.f32 v17, v17;
	v17 =	vsub.f32 v19, v18;
	_ =	sdelay $0x1  }
0x319: {  	v2 =	vadd.f32 v16, v2;
	[tilespmem:s8+$0x1410] =	vst v17;
	v4 =	vadd.f32 v17, v4;
	v16 =	vmul.f32 v17, v17  }
0x31a: {  	v17 =	vld [tilespmem:s31+$0xDC60]  }
0x31b: {  	v2 =	vadd.f32 v16, v2;
	v16 =	vld [tilespmem:s31+$0xDCE0]  }
0x31c: {  	v18 =	vld [tilespmem:s31+$0xDD60]  }
0x31d: {  	v19 =	vld [tilespmem:s19+$0x20];
	_ =	sdelay $0x2  }
0x31e: {  	v16 =	vadd.f32 v16, v17;
	_ =	sdelay $0x1  }
0x31f: {  	v16 =	vadd.f32 v18, v16;
	_ =	sdelay $0x1  }
0x320: {  	v16 =	vsub.f32 v19, v16;
	_ =	sdelay $0x1  }
0x321: {  	[tilespmem:s8+$0xFFFFEC20] =	vst v16;
	v9 =	vadd.f32 v16, v9;
	v16 =	vmul.f32 v16, v16  }
0x322: {  	v17 =	vld [tilespmem:s31+$0xDDE0]  }
0x323: {  	v6 =	vadd.f32 v16, v6;
	v16 =	vld [tilespmem:s31+$0xDE60]  }
0x324: {  	v18 =	vld [tilespmem:s31+$0xDEE0];
	_ =	sdelay $0x3  }
0x325: {  	v16 =	vadd.f32 v16, v17;
	_ =	sdelay $0x1  }
0x326: {  	v16 =	vadd.f32 v18, v16;
	_ =	sdelay $0x1  }
0x327: {  	v16 =	vsub.f32 v19, v16;
	_ =	sdelay $0x1  }
0x328: {  	[tilespmem:s8+$0x20] =	vst v16;
	v9 =	vadd.f32 v16, v9;
	v16 =	vmul.f32 v16, v16  }
0x329: {  	v17 =	vld [tilespmem:s31+$0xDF60]  }
0x32a: {  	v6 =	vadd.f32 v16, v6;
	v16 =	vld [tilespmem:s31+$0xDFE0]  }
0x32b: {  	v18 =	vld [tilespmem:s31+$0xE060];
	_ =	sdelay $0x3  }
0x32c: {  	v16 =	vadd.f32 v16, v17;
	_ =	sdelay $0x1  }
0x32d: {  	v16 =	vadd.f32 v18, v16;
	_ =	sdelay $0x1  }
0x32e: {  	v16 =	vsub.f32 v19, v16;
	_ =	sdelay $0x1  }
0x32f: {  	[tilespmem:s8+$0x1420] =	vst v16;
	v9 =	vadd.f32 v16, v9;
	v16 =	vmul.f32 v16, v16  }
0x330: {  	v17 =	vld [tilespmem:s31+$0xDC70]  }
0x331: {  	v6 =	vadd.f32 v16, v6;
	v18 =	vld [tilespmem:s31+$0xDCF0]  }
0x332: {  	v19 =	vld [tilespmem:s31+$0xDD70]  }
0x333: {  	v16 =	vld [tilespmem:s19+$0x30];
	_ =	sdelay $0x2  }
0x334: {  	v17 =	vadd.f32 v18, v17;
	_ =	sdelay $0x1  }
0x335: {  	v17 =	vadd.f32 v19, v17;
	_ =	sdelay $0x1  }
.Ltmp1:
0x336: {  	v17 =	vsub.f32 v16, v17;
	(pc) =	sbr.rel @p0 .LBB2_5-.Ltmp1, $4  }
0x337: {  	_ = 	snop  }
0x338: {  	[tilespmem:s8+$0xFFFFEC30] =	vst v17;
	v18 =	vmul.f32 v17, v17  }
0x339: {  	v19 =	vld [tilespmem:s31+$0xDDF0]  }
0x33a: {  	v20 =	vld [tilespmem:s31+$0xDE70]  }
0x33b: {  	_ = 	snop  }
0x33c: {  	v21 =	vld [tilespmem:s31+$0xDEF0];
	_ =	sdelay $0x2  }
0x33d: {  	v19 =	vadd.f32 v20, v19;
	_ =	sdelay $0x1  }
0x33e: {  	v19 =	vadd.f32 v21, v19;
	_ =	sdelay $0x1  }
0x33f: {  	v19 =	vsub.f32 v16, v19;
	_ =	sdelay $0x1  }
0x340: {  	[tilespmem:s9+$0x30] =	vst v19  }
0x341: {  	v60 =	vld [tilespmem:s31+$0xDF70]  }
0x342: {  	v61 =	vld [tilespmem:s31+$0xDFF0];
	_ =	sdelay $0x1  }
0x343: {  	v22 =	vld [tilespmem:s31+$0xE070]  }
0x344: {  	s8 =	smulhi.u32 $0x10624DD3, s17;
	_ =	sdelay $0x1  }
0x345: {  	s8 =	sshrl.u32 s8, $0x7;
	v20 =	vadd.f32 v61, v60  }
0x346: {  	s10 =	smul.u32 $0x7D0, s8  }
0x347: {  	s8 =	smul.u32 $0x1770, s8;
	v20 =	vadd.f32 v22, v20  }
0x348: {  	s10 =	ssub.s32 s17, s10  }
0x349: {  	s8 =	sadd.s32 s10, s8;
	v16 =	vsub.f32 v16, v20  }
0x34a: {  	s10 =	sshll.u32 s8, $0x4  }
0x34b: {  	s8 =	sshll.u32 s8, $0x7;
	s19 =	sadd.s32 s6, s10;
	[tilespmem:s9+$0x1430] =	vst v16  }
0x34c: {  	[hbm4b:s19+s3] =	stream.linear.scatter [tilespmem:s26], [sflag:$0x3], $0x1400, $0x38;
	[tilespmem:$0x1E100] =	vst v63  }
0x34d: {  	s31 =	sadd.s32 $0x3E800, s8;
	_ =	swait.ge [sflag:s14], $0x1400  }
0x34e: {  	s9 =	sshrl.u32 s31, $0x3;
	[sflag:s14] =	ssyncset.done $0x0  }
0x34f: {  	s9 =	sadd.s32 s6, s9;
	[sflag:s14] =	ssyncadd.s32 $0xFFFFEC00  }
0x350: {  	[hbm4b:s9+s3] =	stream.linear.scatter [tilespmem:s28], [sflag:$0x3], $0x1400, $0x38;
	[tilespmem:$0x1E100] =	vst v63  }
0x351: {  	s0 =	sadd.s32 $0x1, s0;
	s8 =	sadd.s32 $0x7D000, s8;
	_ =	swait.ge [sflag:s14], $0x1400  }
0x352: {  	p0 =	sne.s32 s0, $0xC;
	s8 =	sshrl.u32 s8, $0x3;
	[sflag:s14] =	ssyncset.done $0x0  }
.Ltmp2:
0x353: {  	v0 =	vadd.f32 v17, v0;
	v1 =	vadd.f32 v18, v1;
	v62 =	vmul.f32 v19, v19;
	s8 =	sadd.s32 s6, s8;
	[sflag:s14] =	ssyncadd.s32 $0xFFFFEC00;
	(pc) =	sbr.rel @p0 .LBB2_2-.Ltmp2, $4  }
0x354: {  	[hbm4b:s8+s3] =	stream.linear.scatter [tilespmem:s29], [sflag:$0x3], $0x1400, $0x38;
	[tilespmem:$0x1E100] =	vst v63  }
0x355: {  	v0 =	vadd.f32 v19, v0;
	v17 =	vadd.f32 v62, v1;
	v63 =	vmul.f32 v16, v16;
	_ =	swait.ge [sflag:s14], $0x1400  }
0x356: {  	[sflag:s14] =	ssyncset.done $0x0  }
0x357: {  	v1 =	vadd.f32 v16, v0;
	v0 =	vadd.f32 v63, v17;
	[sflag:s14] =	ssyncadd.s32 $0xFFFFEC00  }
0x358: {  	_ =	swait.ge [sflag:s24], $0x3C00  }
0x359: {  	[sflag:s24] =	ssyncset.done $0x0  }
0x35a: {  	[sflag:s24] =	ssyncadd.s32 $0xFFFFC400  }
0x35b: {  	_ =	swait.ge [sflag:s24], $0x3C00  }
0x35c: {  	[sflag:s24] =	ssyncset.done $0x0  }
0x35d: {  	[sflag:s24] =	ssyncadd.s32 $0xFFFFC400  }
0x35e: {  	_ =	swait.ge [sflag:s24], $0x3C00  }
0x35f: {  	[sflag:s24] =	ssyncset.done $0x0  }
0x360: {  	s0 =	simm.s32 $0x0;
	s8 =	rddreg [dreg:$0x4];
	[sflag:s24] =	ssyncadd.s32 $0xFFFFC400  }
0x361: {  	[tilespmem:s25], [sflag:$0x3] =	stream.linear.gather [hbm4b:s8+s0], $0x1400, $0x38;
	[tilespmem:$0x1E100] =	vst v63  }
0x362: {  	_ =	swait.ge [sflag:s14], $0x1400  }
0x363: {  	[sflag:s14] =	ssyncset.done $0x0  }
0x364: {  	s0 =	simm.s32 $0x2A40;
	[sflag:s14] =	ssyncadd.s32 $0xFFFFEC00  }
0x365: {  	v16 =	vld [tilespmem:s0+$0xFFFFFDC0]  }
0x366: {  	v17 =	vld [tilespmem:s0+$0xFFFFFE40];
	_ =	sdelay $0x1  }
0x367: {  	v18 =	vld [tilespmem:s0+$0xFFFFFEC0]  }
0x368: {  	s8 =	simm.s32 $0x0  }
0x369: {  	v19 =	vld [tilespmem:s8+$0x19000]  }
0x36a: {  	v16 =	vadd.f32 v17, v16;
	_ =	sdelay $0x1  }
0x36b: {  	v16 =	vadd.f32 v18, v16;
	_ =	sdelay $0x1  }
0x36c: {  	v16 =	vsub.f32 v19, v16;
	_ =	sdelay $0x1  }
0x36d: {  	[tilespmem:s8+$0x1A400] =	vst v16  }
0x36e: {  	v17 =	vld [tilespmem:s0+$0xFFFFFF40]  }
0x36f: {  	v18 =	vld [tilespmem:s0+$0xFFFFFFC0];
	_ =	sdelay $0x1  }
0x370: {  	v20 =	vld [tilespmem:s0+$0x40];
	_ =	sdelay $0x2  }
0x371: {  	v17 =	vadd.f32 v18, v17;
	_ =	sdelay $0x1  }
0x372: {  	v17 =	vadd.f32 v20, v17;
	_ =	sdelay $0x1  }
0x373: {  	v17 =	vsub.f32 v19, v17;
	_ =	sdelay $0x1  }
0x374: {  	[tilespmem:s8+$0x1B800] =	vst v17  }
0x375: {  	v18 =	vld [tilespmem:s0+$0xC0]  }
0x376: {  	v20 =	vld [tilespmem:s0+$0x140];
	_ =	sdelay $0x1  }
0x377: {  	v21 =	vld [tilespmem:s0+$0x1C0];
	_ =	sdelay $0x2  }
0x378: {  	v18 =	vadd.f32 v20, v18;
	_ =	sdelay $0x1  }
0x379: {  	v18 =	vadd.f32 v21, v18;
	_ =	sdelay $0x1  }
0x37a: {  	v18 =	vsub.f32 v19, v18;
	_ =	sdelay $0x1  }
0x37b: {  	[tilespmem:s8+$0x1CC00] =	vst v18  }
0x37c: {  	v19 =	vld [tilespmem:s0+$0xFFFFFDD0]  }
0x37d: {  	v20 =	vld [tilespmem:s0+$0xFFFFFE50];
	_ =	sdelay $0x1  }
0x37e: {  	v21 =	vld [tilespmem:s0+$0xFFFFFED0];
	_ =	sdelay $0x1  }
0x37f: {  	v22 =	vld [tilespmem:s8+$0x19010]  }
0x380: {  	v19 =	vadd.f32 v20, v19;
	_ =	sdelay $0x1  }
0x381: {  	v19 =	vadd.f32 v21, v19;
	_ =	sdelay $0x1  }
0x382: {  	v19 =	vsub.f32 v22, v19;
	_ =	sdelay $0x1  }
0x383: {  	[tilespmem:s8+$0x1A410] =	vst v19  }
0x384: {  	v20 =	vld [tilespmem:s0+$0xFFFFFF50]  }
0x385: {  	v21 =	vld [tilespmem:s0+$0xFFFFFFD0];
	_ =	sdelay $0x1  }
0x386: {  	v23 =	vld [tilespmem:s0+$0x50];
	_ =	sdelay $0x2  }
0x387: {  	v20 =	vadd.f32 v21, v20;
	_ =	sdelay $0x1  }
0x388: {  	v20 =	vadd.f32 v23, v20;
	_ =	sdelay $0x1  }
0x389: {  	v20 =	vsub.f32 v22, v20;
	_ =	sdelay $0x1  }
0x38a: {  	[tilespmem:s8+$0x1B810] =	vst v20  }
0x38b: {  	v21 =	vld [tilespmem:s0+$0xD0]  }
0x38c: {  	v23 =	vld [tilespmem:s0+$0x150];
	_ =	sdelay $0x1  }
0x38d: {  	v24 =	vld [tilespmem:s0+$0x1D0];
	_ =	sdelay $0x2  }
0x38e: {  	v21 =	vadd.f32 v23, v21;
	_ =	sdelay $0x1  }
0x38f: {  	v21 =	vadd.f32 v24, v21;
	_ =	sdelay $0x1  }
0x390: {  	v21 =	vsub.f32 v22, v21;
	_ =	sdelay $0x1  }
0x391: {  	[tilespmem:s8+$0x1CC10] =	vst v21  }
0x392: {  	v22 =	vld [tilespmem:s0+$0xFFFFFDE0]  }
0x393: {  	v23 =	vld [tilespmem:s0+$0xFFFFFE60];
	_ =	sdelay $0x1  }
0x394: {  	v31 =	vld [tilespmem:s0+$0xFFFFFEE0];
	_ =	sdelay $0x1  }
0x395: {  	v25 =	vld [tilespmem:s8+$0x19020]  }
0x396: {  	v22 =	vadd.f32 v23, v22;
	_ =	sdelay $0x1  }
0x397: {  	v22 =	vadd.f32 v31, v22;
	_ =	sdelay $0x1  }
0x398: {  	v22 =	vsub.f32 v25, v22;
	_ =	sdelay $0x1  }
0x399: {  	[tilespmem:s8+$0x1A420] =	vst v22  }
0x39a: {  	v23 =	vld [tilespmem:s0+$0xFFFFFF60]  }
0x39b: {  	v32 =	vld [tilespmem:s0+$0xFFFFFFE0];
	_ =	sdelay $0x1  }
0x39c: {  	v26 =	vld [tilespmem:s0+$0x60];
	_ =	sdelay $0x2  }
0x39d: {  	v23 =	vadd.f32 v32, v23;
	_ =	sdelay $0x1  }
0x39e: {  	v23 =	vadd.f32 v26, v23;
	_ =	sdelay $0x1  }
0x39f: {  	v23 =	vsub.f32 v25, v23;
	_ =	sdelay $0x1  }
0x3a0: {  	[tilespmem:s8+$0x1B820] =	vst v23  }
0x3a1: {  	v33 =	vld [tilespmem:s0+$0xE0]  }
0x3a2: {  	v34 =	vld [tilespmem:s0+$0x160];
	_ =	sdelay $0x1  }
0x3a3: {  	v27 =	vld [tilespmem:s0+$0x1E0];
	_ =	sdelay $0x2  }
0x3a4: {  	v24 =	vadd.f32 v34, v33;
	_ =	sdelay $0x1  }
0x3a5: {  	v24 =	vadd.f32 v27, v24;
	_ =	sdelay $0x1  }
0x3a6: {  	v24 =	vsub.f32 v25, v24;
	_ =	sdelay $0x1  }
0x3a7: {  	[tilespmem:s8+$0x1CC20] =	vst v24  }
0x3a8: {  	v35 =	vld [tilespmem:s0+$0xFFFFFDF0]  }
0x3a9: {  	v36 =	vld [tilespmem:s0+$0xFFFFFE70];
	_ =	sdelay $0x1  }
0x3aa: {  	v37 =	vld [tilespmem:s0+$0xFFFFFEF0];
	_ =	sdelay $0x1  }
0x3ab: {  	v28 =	vld [tilespmem:s8+$0x19030]  }
0x3ac: {  	v25 =	vadd.f32 v36, v35;
	_ =	sdelay $0x1  }
0x3ad: {  	v25 =	vadd.f32 v37, v25;
	_ =	sdelay $0x1  }
0x3ae: {  	v25 =	vsub.f32 v28, v25;
	_ =	sdelay $0x1  }
0x3af: {  	[tilespmem:s8+$0x1A430] =	vst v25  }
0x3b0: {  	v38 =	vld [tilespmem:s0+$0xFFFFFF70]  }
0x3b1: {  	v39 =	vld [tilespmem:s0+$0xFFFFFFF0];
	_ =	sdelay $0x1  }
0x3b2: {  	v29 =	vld [tilespmem:s0+$0x70];
	_ =	sdelay $0x2  }
0x3b3: {  	v26 =	vadd.f32 v39, v38;
	_ =	sdelay $0x1  }
0x3b4: {  	v26 =	vadd.f32 v29, v26;
	_ =	sdelay $0x1  }
0x3b5: {  	v26 =	vsub.f32 v28, v26;
	_ =	sdelay $0x1  }
0x3b6: {  	[tilespmem:s8+$0x1B830] =	vst v26  }
0x3b7: {  	v40 =	vld [tilespmem:s0+$0xF0]  }
0x3b8: {  	v41 =	vld [tilespmem:s0+$0x170];
	_ =	sdelay $0x1  }
0x3b9: {  	v30 =	vld [tilespmem:s0+$0x1F0];
	_ =	sdelay $0x2  }
0x3ba: {  	v27 =	vadd.f32 v41, v40;
	_ =	sdelay $0x1  }
0x3bb: {  	v27 =	vadd.f32 v30, v27;
	_ =	sdelay $0x1  }
0x3bc: {  	v27 =	vsub.f32 v28, v27;
	_ =	sdelay $0x1  }
0x3bd: {  	[tilespmem:s8+$0x1CC30] =	vst v27  }
0x3be: {  	v42 =	vld [tilespmem:s0+$0xFFFFFE00]  }
0x3bf: {  	v43 =	vld [tilespmem:s0+$0xFFFFFE80];
	_ =	sdelay $0x1  }
0x3c0: {  	v44 =	vld [tilespmem:s0+$0xFFFFFF00];
	_ =	sdelay $0x1  }
0x3c1: {  	v31 =	vld [tilespmem:s8+$0x19040]  }
0x3c2: {  	v28 =	vadd.f32 v43, v42;
	_ =	sdelay $0x1  }
0x3c3: {  	v28 =	vadd.f32 v44, v28;
	_ =	sdelay $0x1  }
0x3c4: {  	v28 =	vsub.f32 v31, v28;
	_ =	sdelay $0x1  }
0x3c5: {  	[tilespmem:s8+$0x1A440] =	vst v28  }
0x3c6: {  	v45 =	vld [tilespmem:s0+$0xFFFFFF80]  }
0x3c7: {  	v46 =	vld [tilespmem:s0+$0x0];
	_ =	sdelay $0x1  }
0x3c8: {  	v32 =	vld [tilespmem:s0+$0x80];
	_ =	sdelay $0x2  }
0x3c9: {  	v29 =	vadd.f32 v46, v45;
	_ =	sdelay $0x1  }
0x3ca: {  	v29 =	vadd.f32 v32, v29;
	_ =	sdelay $0x1  }
0x3cb: {  	v29 =	vsub.f32 v31, v29;
	_ =	sdelay $0x1  }
0x3cc: {  	[tilespmem:s8+$0x1B840] =	vst v29  }
0x3cd: {  	v47 =	vld [tilespmem:s0+$0x100]  }
0x3ce: {  	v48 =	vld [tilespmem:s0+$0x180];
	_ =	sdelay $0x1  }
0x3cf: {  	v33 =	vld [tilespmem:s0+$0x200];
	_ =	sdelay $0x2  }
0x3d0: {  	v30 =	vadd.f32 v48, v47;
	_ =	sdelay $0x1  }
0x3d1: {  	v30 =	vadd.f32 v33, v30;
	_ =	sdelay $0x1  }
0x3d2: {  	v30 =	vsub.f32 v31, v30;
	_ =	sdelay $0x1  }
0x3d3: {  	[tilespmem:s8+$0x1CC40] =	vst v30  }
0x3d4: {  	v49 =	vld [tilespmem:s0+$0xFFFFFE10]  }
0x3d5: {  	v50 =	vld [tilespmem:s0+$0xFFFFFE90];
	_ =	sdelay $0x1  }
0x3d6: {  	v51 =	vld [tilespmem:s0+$0xFFFFFF10];
	_ =	sdelay $0x1  }
0x3d7: {  	v34 =	vld [tilespmem:s8+$0x19050]  }
0x3d8: {  	v31 =	vadd.f32 v50, v49;
	_ =	sdelay $0x1  }
0x3d9: {  	v31 =	vadd.f32 v51, v31;
	_ =	sdelay $0x1  }
0x3da: {  	v31 =	vsub.f32 v34, v31;
	_ =	sdelay $0x1  }
0x3db: {  	[tilespmem:s8+$0x1A450] =	vst v31  }
0x3dc: {  	v52 =	vld [tilespmem:s0+$0xFFFFFF90]  }
0x3dd: {  	v53 =	vld [tilespmem:s0+$0x10];
	_ =	sdelay $0x1  }
0x3de: {  	v35 =	vld [tilespmem:s0+$0x90];
	_ =	sdelay $0x2  }
0x3df: {  	v32 =	vadd.f32 v53, v52;
	_ =	sdelay $0x1  }
0x3e0: {  	v32 =	vadd.f32 v35, v32;
	_ =	sdelay $0x1  }
0x3e1: {  	v32 =	vsub.f32 v34, v32;
	_ =	sdelay $0x1  }
0x3e2: {  	[tilespmem:s8+$0x1B850] =	vst v32  }
0x3e3: {  	v54 =	vld [tilespmem:s0+$0x110]  }
0x3e4: {  	v55 =	vld [tilespmem:s0+$0x190];
	_ =	sdelay $0x1  }
0x3e5: {  	v36 =	vld [tilespmem:s0+$0x210];
	_ =	sdelay $0x2  }
0x3e6: {  	v33 =	vadd.f32 v55, v54;
	_ =	sdelay $0x1  }
0x3e7: {  	v33 =	vadd.f32 v36, v33;
	_ =	sdelay $0x1  }
0x3e8: {  	v33 =	vsub.f32 v34, v33;
	_ =	sdelay $0x1  }
0x3e9: {  	[tilespmem:s8+$0x1CC50] =	vst v33  }
0x3ea: {  	v56 =	vld [tilespmem:s0+$0xFFFFFE20]  }
0x3eb: {  	v57 =	vld [tilespmem:s0+$0xFFFFFEA0];
	_ =	sdelay $0x1  }
0x3ec: {  	v58 =	vld [tilespmem:s0+$0xFFFFFF20];
	_ =	sdelay $0x1  }
0x3ed: {  	v37 =	vld [tilespmem:s8+$0x19060]  }
0x3ee: {  	v34 =	vadd.f32 v57, v56;
	_ =	sdelay $0x1  }
0x3ef: {  	v34 =	vadd.f32 v58, v34;
	_ =	sdelay $0x1  }
0x3f0: {  	v34 =	vsub.f32 v37, v34;
	_ =	sdelay $0x1  }
0x3f1: {  	[tilespmem:s8+$0x1A460] =	vst v34  }
0x3f2: {  	v59 =	vld [tilespmem:s0+$0xFFFFFFA0]  }
0x3f3: {  	v60 =	vld [tilespmem:s0+$0x20];
	_ =	sdelay $0x1  }
0x3f4: {  	v38 =	vld [tilespmem:s0+$0xA0];
	_ =	sdelay $0x2  }
0x3f5: {  	v35 =	vadd.f32 v60, v59;
	_ =	sdelay $0x1  }
0x3f6: {  	v35 =	vadd.f32 v38, v35;
	_ =	sdelay $0x1  }
0x3f7: {  	v35 =	vsub.f32 v37, v35;
	_ =	sdelay $0x1  }
0x3f8: {  	[tilespmem:s8+$0x1B860] =	vst v35  }
0x3f9: {  	v62 =	vmul.f32 v16, v16;
	v14 =	vadd.f32 v16, v14;
	v61 =	vld [tilespmem:s0+$0x120]  }
0x3fa: {  	v39 =	vld [tilespmem:s0+$0x1A0]  }
0x3fb: {  	v13 =	vadd.f32 v62, v13;
	v16 =	vmul.f32 v17, v17;
	v14 =	vadd.f32 v17, v14  }
0x3fc: {  	v17 =	vmul.f32 v19, v19;
	v63 =	vld [tilespmem:s0+$0x220]  }
0x3fd: {  	v16 =	vadd.f32 v16, v13;
	v13 =	vadd.f32 v18, v14;
	v14 =	vmul.f32 v18, v18  }
0x3fe: {  	v12 =	vadd.f32 v19, v12;
	v15 =	vadd.f32 v17, v15;
	v17 =	vmul.f32 v20, v20  }
0x3ff: {  	v14 =	vadd.f32 v14, v16;
	v36 =	vadd.f32 v39, v61  }
0x400: {  	v12 =	vadd.f32 v20, v12;
	v15 =	vadd.f32 v17, v15;
	v17 =	vmul.f32 v22, v22  }
0x401: {  	v18 =	vadd.f32 v22, v11;
	v16 =	vadd.f32 v63, v36  }
0x402: {  	v11 =	vadd.f32 v21, v12;
	v12 =	vadd.f32 v17, v8  }
0x403: {  	v17 =	vmul.f32 v23, v23;
	v22 =	vsub.f32 v37, v16;
	v16 =	vmul.f32 v21, v21;
	_ =	sdelay $0x1  }
0x404: {  	v12 =	vadd.f32 v17, v12;
	v8 =	vadd.f32 v16, v15;
	v16 =	vmul.f32 v25, v25;
	[tilespmem:s8+$0x1CC60] =	vst v22  }
0x405: {  	v17 =	vmul.f32 v24, v24;
	v10 =	vadd.f32 v25, v10;
	v15 =	vadd.f32 v23, v18;
	v18 =	vld [tilespmem:s0+$0xFFFFFE30]  }
0x406: {  	v19 =	vmul.f32 v26, v26;
	v20 =	vld [tilespmem:s0+$0xFFFFFEB0];
	v16 =	vadd.f32 v16, v7  }
0x407: {  	v12 =	vadd.f32 v17, v12;
	v10 =	vadd.f32 v26, v10  }
0x408: {  	v7 =	vadd.f32 v24, v15;
	v15 =	vadd.f32 v19, v16;
	v16 =	vmul.f32 v28, v28;
	v19 =	vld [tilespmem:s0+$0xFFFFFF30]  }
0x409: {  	v10 =	vadd.f32 v27, v10;
	v5 =	vadd.f32 v28, v5  }
0x40a: {  	v17 =	vld [tilespmem:s8+$0x19070];
	v4 =	vadd.f32 v31, v4;
	v23 =	vmul.f32 v29, v29;
	v3 =	vadd.f32 v16, v3  }
0x40b: {  	v5 =	vadd.f32 v29, v5;
	v18 =	vadd.f32 v20, v18  }
0x40c: {  	v4 =	vadd.f32 v32, v4;
	v20 =	vmul.f32 v30, v30;
	v3 =	vadd.f32 v23, v3  }
0x40d: {  	v16 =	vadd.f32 v30, v5;
	v5 =	vadd.f32 v19, v18;
	v18 =	vmul.f32 v31, v31  }
0x40e: {  	v21 =	vmul.f32 v27, v27;
	v19 =	vmul.f32 v34, v34;
	v3 =	vadd.f32 v20, v3  }
0x40f: {  	v20 =	vmul.f32 v32, v32;
	v2 =	vadd.f32 v18, v2;
	v18 =	vsub.f32 v17, v5  }
0x410: {  	v5 =	vadd.f32 v19, v6;
	v6 =	vadd.f32 v34, v9;
	v9 =	vmul.f32 v35, v35  }
0x411: {  	v15 =	vadd.f32 v21, v15;
	v2 =	vadd.f32 v20, v2;
	v20 =	vmul.f32 v33, v33;
	[tilespmem:s8+$0x1A470] =	vst v18  }
0x412: {  	v21 =	vmul.f32 v22, v22;
	v9 =	vadd.f32 v9, v5;
	v6 =	vadd.f32 v35, v6;
	v19 =	vld [tilespmem:s0+$0xFFFFFFB0]  }
0x413: {  	v4 =	vadd.f32 v33, v4;
	v5 =	vadd.f32 v20, v2;
	v20 =	vld [tilespmem:s0+$0x30]  }
0x414: {  	s10 =	simm.s32 $0x200;
	s9 =	simm.s32 $0x2A40;
	v2 =	vadd.f32 v22, v6;
	v6 =	vadd.f32 v21, v9;
	v9 =	vmul.f32 v18, v18;
	v21 =	vld [tilespmem:s0+$0xB0]  }
.LBB2_8:
0x415: {  	p0 =	sne.s32 s10, $0x4E00  }
0x416: {  	s0 =	sadd.s32 $0x480, s0;
	s11 =	smov.u32 s10;
	s10 =	sadd.s32 $0x200, s10  }
0x417: {  	_ =	sdelay $0x1  }
0x418: {  	v19 =	vadd.f32 v20, v19;
	_ =	sdelay $0x1  }
0x419: {  	v19 =	vadd.f32 v21, v19;
	_ =	sdelay $0x1  }
0x41a: {  	v19 =	vsub.f32 v17, v19;
	_ =	sdelay $0x1  }
0x41b: {  	[tilespmem:s8+$0x1B870] =	vst v19;
	v20 =	vmul.f32 v19, v19  }
0x41c: {  	v21 =	vld [tilespmem:s9+$0x130]  }
0x41d: {  	v22 =	vld [tilespmem:s9+$0x1B0]  }
0x41e: {  	v23 =	vld [tilespmem:s9+$0x230];
	s9 =	smov.u32 s0;
	_ =	sdelay $0x3  }
0x41f: {  	v21 =	vadd.f32 v22, v21;
	_ =	sdelay $0x1  }
0x420: {  	v1 =	vadd.f32 v18, v1;
	v18 =	vadd.f32 v23, v21  }
0x421: {  	v0 =	vadd.f32 v9, v0  }
0x422: {  	v1 =	vadd.f32 v19, v1;
	v9 =	vsub.f32 v17, v18  }
0x423: {  	v0 =	vadd.f32 v20, v0  }
0x424: {  	[tilespmem:s8+$0x1CC70] =	vst v9;
	v1 =	vadd.f32 v9, v1;
	v9 =	vmul.f32 v9, v9  }
0x425: {  	v17 =	vld [tilespmem:s0+$0xFFFFFDC0]  }
0x426: {  	v18 =	vld [tilespmem:s0+$0xFFFFFE40];
	v0 =	vadd.f32 v9, v0  }
0x427: {  	v9 =	vld [tilespmem:s0+$0xFFFFFEC0];
	_ =	sdelay $0x1  }
0x428: {  	s8 =	sshra.s32 s11, $0x2  }
0x429: {  	v19 =	vld [tilespmem:s8+$0x19000]  }
0x42a: {  	v17 =	vadd.f32 v18, v17;
	_ =	sdelay $0x1  }
0x42b: {  	v9 =	vadd.f32 v9, v17;
	_ =	sdelay $0x1  }
0x42c: {  	v9 =	vsub.f32 v19, v9;
	_ =	sdelay $0x1  }
0x42d: {  	[tilespmem:s8+$0x1A400] =	vst v9;
	v17 =	vmul.f32 v9, v9  }
0x42e: {  	v18 =	vld [tilespmem:s0+$0xFFFFFF40]  }
0x42f: {  	v14 =	vadd.f32 v17, v14;
	v17 =	vld [tilespmem:s0+$0xFFFFFFC0];
	_ =	sdelay $0x1  }
0x430: {  	v20 =	vld [tilespmem:s0+$0x40];
	_ =	sdelay $0x2  }
0x431: {  	v17 =	vadd.f32 v17, v18;
	_ =	sdelay $0x1  }
0x432: {  	v17 =	vadd.f32 v20, v17;
	_ =	sdelay $0x1  }
0x433: {  	v17 =	vsub.f32 v19, v17;
	_ =	sdelay $0x1  }
0x434: {  	[tilespmem:s8+$0x1B800] =	vst v17;
	v18 =	vmul.f32 v17, v17  }
0x435: {  	v20 =	vld [tilespmem:s0+$0xC0]  }
0x436: {  	v14 =	vadd.f32 v18, v14;
	v18 =	vld [tilespmem:s0+$0x140];
	_ =	sdelay $0x1  }
0x437: {  	v21 =	vld [tilespmem:s0+$0x1C0];
	_ =	sdelay $0x2  }
0x438: {  	v18 =	vadd.f32 v18, v20;
	_ =	sdelay $0x1  }
0x439: {  	v9 =	vadd.f32 v9, v13;
	v13 =	vadd.f32 v21, v18;
	_ =	sdelay $0x1  }
0x43a: {  	v9 =	vadd.f32 v17, v9;
	v17 =	vsub.f32 v19, v13;
	_ =	sdelay $0x1  }
0x43b: {  	[tilespmem:s8+$0x1CC00] =	vst v17;
	v13 =	vadd.f32 v17, v9;
	v9 =	vmul.f32 v17, v17  }
0x43c: {  	v17 =	vld [tilespmem:s0+$0xFFFFFDD0]  }
0x43d: {  	v14 =	vadd.f32 v9, v14;
	v9 =	vld [tilespmem:s0+$0xFFFFFE50];
	_ =	sdelay $0x1  }
0x43e: {  	v18 =	vld [tilespmem:s0+$0xFFFFFED0];
	_ =	sdelay $0x1  }
0x43f: {  	v19 =	vld [tilespmem:s8+$0x19010]  }
0x440: {  	v9 =	vadd.f32 v9, v17;
	_ =	sdelay $0x1  }
0x441: {  	v9 =	vadd.f32 v18, v9;
	_ =	sdelay $0x1  }
0x442: {  	v9 =	vsub.f32 v19, v9;
	_ =	sdelay $0x1  }
0x443: {  	[tilespmem:s8+$0x1A410] =	vst v9;
	v17 =	vmul.f32 v9, v9  }
0x444: {  	v18 =	vld [tilespmem:s0+$0xFFFFFF50]  }
0x445: {  	v20 =	vld [tilespmem:s0+$0xFFFFFFD0];
	_ =	sdelay $0x1  }
0x446: {  	v21 =	vld [tilespmem:s0+$0x50];
	_ =	sdelay $0x2  }
0x447: {  	v18 =	vadd.f32 v20, v18;
	_ =	sdelay $0x1  }
0x448: {  	v18 =	vadd.f32 v21, v18;
	_ =	sdelay $0x1  }
0x449: {  	v18 =	vsub.f32 v19, v18;
	_ =	sdelay $0x1  }
0x44a: {  	[tilespmem:s8+$0x1B810] =	vst v18;
	v20 =	vmul.f32 v18, v18  }
0x44b: {  	v21 =	vld [tilespmem:s0+$0xD0]  }
0x44c: {  	v22 =	vld [tilespmem:s0+$0x150];
	_ =	sdelay $0x1  }
0x44d: {  	v23 =	vld [tilespmem:s0+$0x1D0];
	_ =	sdelay $0x2  }
0x44e: {  	v21 =	vadd.f32 v22, v21;
	_ =	sdelay $0x1  }
0x44f: {  	v9 =	vadd.f32 v9, v11;
	v11 =	vadd.f32 v23, v21  }
0x450: {  	v8 =	vadd.f32 v17, v8  }
0x451: {  	v9 =	vadd.f32 v18, v9;
	v17 =	vsub.f32 v19, v11;
	_ =	sdelay $0x1  }
0x452: {  	v8 =	vadd.f32 v20, v8;
	[tilespmem:s8+$0x1CC10] =	vst v17;
	v11 =	vadd.f32 v17, v9;
	v9 =	vmul.f32 v17, v17  }
0x453: {  	v17 =	vld [tilespmem:s0+$0xFFFFFDE0]  }
0x454: {  	v8 =	vadd.f32 v9, v8;
	v9 =	vld [tilespmem:s0+$0xFFFFFE60];
	_ =	sdelay $0x1  }
0x455: {  	v18 =	vld [tilespmem:s0+$0xFFFFFEE0];
	_ =	sdelay $0x1  }
0x456: {  	v19 =	vld [tilespmem:s8+$0x19020]  }
0x457: {  	v9 =	vadd.f32 v9, v17;
	_ =	sdelay $0x1  }
0x458: {  	v9 =	vadd.f32 v18, v9;
	_ =	sdelay $0x1  }
0x459: {  	v9 =	vsub.f32 v19, v9;
	_ =	sdelay $0x1  }
0x45a: {  	[tilespmem:s8+$0x1A420] =	vst v9;
	v17 =	vmul.f32 v9, v9  }
0x45b: {  	v18 =	vld [tilespmem:s0+$0xFFFFFF60]  }
0x45c: {  	v20 =	vld [tilespmem:s0+$0xFFFFFFE0];
	_ =	sdelay $0x1  }
0x45d: {  	v21 =	vld [tilespmem:s0+$0x60];
	_ =	sdelay $0x2  }
0x45e: {  	v18 =	vadd.f32 v20, v18;
	_ =	sdelay $0x1  }
0x45f: {  	v18 =	vadd.f32 v21, v18;
	_ =	sdelay $0x1  }
0x460: {  	v18 =	vsub.f32 v19, v18;
	_ =	sdelay $0x1  }
0x461: {  	[tilespmem:s8+$0x1B820] =	vst v18  }
0x462: {  	v20 =	vld [tilespmem:s0+$0xE0]  }
0x463: {  	v21 =	vld [tilespmem:s0+$0x160]  }
0x464: {  	v22 =	vld [tilespmem:s0+$0x1E0];
	_ =	sdelay $0x3  }
0x465: {  	v20 =	vadd.f32 v21, v20;
	_ =	sdelay $0x1  }
0x466: {  	v7 =	vadd.f32 v9, v7;
	v9 =	vadd.f32 v22, v20  }
0x467: {  	v12 =	vadd.f32 v17, v12  }
0x468: {  	v7 =	vadd.f32 v18, v7;
	v17 =	vmul.f32 v18, v18;
	v9 =	vsub.f32 v19, v9;
	_ =	sdelay $0x1  }
0x469: {  	v12 =	vadd.f32 v17, v12;
	[tilespmem:s8+$0x1CC20] =	vst v9;
	v7 =	vadd.f32 v9, v7;
	v9 =	vmul.f32 v9, v9  }
0x46a: {  	v17 =	vld [tilespmem:s0+$0xFFFFFDF0]  }
0x46b: {  	v12 =	vadd.f32 v9, v12;
	v9 =	vld [tilespmem:s0+$0xFFFFFE70];
	_ =	sdelay $0x1  }
0x46c: {  	v18 =	vld [tilespmem:s0+$0xFFFFFEF0];
	_ =	sdelay $0x1  }
0x46d: {  	v19 =	vld [tilespmem:s8+$0x19030]  }
0x46e: {  	v9 =	vadd.f32 v9, v17;
	_ =	sdelay $0x1  }
0x46f: {  	v9 =	vadd.f32 v18, v9;
	_ =	sdelay $0x1  }
0x470: {  	v9 =	vsub.f32 v19, v9;
	_ =	sdelay $0x1  }
0x471: {  	[tilespmem:s8+$0x1A430] =	vst v9;
	v17 =	vmul.f32 v9, v9  }
0x472: {  	v18 =	vld [tilespmem:s0+$0xFFFFFF70]  }
0x473: {  	v15 =	vadd.f32 v17, v15;
	v17 =	vld [tilespmem:s0+$0xFFFFFFF0]  }
0x474: {  	v20 =	vld [tilespmem:s0+$0x70];
	_ =	sdelay $0x3  }
0x475: {  	v17 =	vadd.f32 v17, v18;
	_ =	sdelay $0x1  }
0x476: {  	v17 =	vadd.f32 v20, v17;
	_ =	sdelay $0x1  }
0x477: {  	v17 =	vsub.f32 v19, v17;
	_ =	sdelay $0x1  }
0x478: {  	[tilespmem:s8+$0x1B830] =	vst v17;
	v18 =	vmul.f32 v17, v17  }
0x479: {  	v20 =	vld [tilespmem:s0+$0xF0]  }
0x47a: {  	v15 =	vadd.f32 v18, v15;
	v18 =	vld [tilespmem:s0+$0x170]  }
0x47b: {  	v21 =	vld [tilespmem:s0+$0x1F0];
	_ =	sdelay $0x3  }
0x47c: {  	v18 =	vadd.f32 v18, v20;
	_ =	sdelay $0x1  }
0x47d: {  	v9 =	vadd.f32 v9, v10;
	v10 =	vadd.f32 v21, v18;
	_ =	sdelay $0x1  }
0x47e: {  	v9 =	vadd.f32 v17, v9;
	v17 =	vsub.f32 v19, v10;
	_ =	sdelay $0x1  }
0x47f: {  	[tilespmem:s8+$0x1CC30] =	vst v17;
	v10 =	vadd.f32 v17, v9;
	v9 =	vmul.f32 v17, v17  }
0x480: {  	v17 =	vld [tilespmem:s0+$0xFFFFFE00]  }
0x481: {  	v15 =	vadd.f32 v9, v15;
	v9 =	vld [tilespmem:s0+$0xFFFFFE80];
	_ =	sdelay $0x1  }
0x482: {  	v18 =	vld [tilespmem:s0+$0xFFFFFF00];
	_ =	sdelay $0x1  }
0x483: {  	v19 =	vld [tilespmem:s8+$0x19040]  }
0x484: {  	v9 =	vadd.f32 v9, v17;
	_ =	sdelay $0x1  }
0x485: {  	v9 =	vadd.f32 v18, v9;
	_ =	sdelay $0x1  }
0x486: {  	v9 =	vsub.f32 v19, v9;
	_ =	sdelay $0x1  }
0x487: {  	[tilespmem:s8+$0x1A440] =	vst v9;
	v16 =	vadd.f32 v9, v16  }
0x488: {  	v17 =	vld [tilespmem:s0+$0xFFFFFF80]  }
0x489: {  	v18 =	vld [tilespmem:s0+$0x0]  }
0x48a: {  	v20 =	vld [tilespmem:s0+$0x80];
	_ =	sdelay $0x3  }
0x48b: {  	v17 =	vadd.f32 v18, v17;
	_ =	sdelay $0x1  }
0x48c: {  	v17 =	vadd.f32 v20, v17;
	_ =	sdelay $0x1  }
0x48d: {  	v17 =	vsub.f32 v19, v17;
	_ =	sdelay $0x1  }
0x48e: {  	[tilespmem:s8+$0x1B840] =	vst v17;
	v16 =	vadd.f32 v17, v16;
	v17 =	vmul.f32 v17, v17  }
0x48f: {  	v18 =	vld [tilespmem:s0+$0x100]  }
0x490: {  	v20 =	vld [tilespmem:s0+$0x180]  }
0x491: {  	v21 =	vld [tilespmem:s0+$0x200];
	_ =	sdelay $0x3  }
0x492: {  	v18 =	vadd.f32 v20, v18;
	_ =	sdelay $0x1  }
0x493: {  	v9 =	vmul.f32 v9, v9;
	v18 =	vadd.f32 v21, v18;
	_ =	sdelay $0x1  }
0x494: {  	v3 =	vadd.f32 v9, v3;
	v9 =	vsub.f32 v19, v18;
	_ =	sdelay $0x1  }
0x495: {  	v3 =	vadd.f32 v17, v3;
	[tilespmem:s8+$0x1CC40] =	vst v9;
	v16 =	vadd.f32 v9, v16;
	v9 =	vmul.f32 v9, v9  }
0x496: {  	v17 =	vld [tilespmem:s0+$0xFFFFFE10]  }
0x497: {  	v3 =	vadd.f32 v9, v3;
	v9 =	vld [tilespmem:s0+$0xFFFFFE90]  }
0x498: {  	v18 =	vld [tilespmem:s0+$0xFFFFFF10];
	_ =	sdelay $0x2  }
0x499: {  	v19 =	vld [tilespmem:s8+$0x19050]  }
0x49a: {  	v9 =	vadd.f32 v9, v17;
	_ =	sdelay $0x1  }
0x49b: {  	v9 =	vadd.f32 v18, v9;
	_ =	sdelay $0x1  }
0x49c: {  	v9 =	vsub.f32 v19, v9;
	_ =	sdelay $0x1  }
0x49d: {  	[tilespmem:s8+$0x1A450] =	vst v9;
	v17 =	vmul.f32 v9, v9  }
0x49e: {  	v18 =	vld [tilespmem:s0+$0xFFFFFF90]  }
0x49f: {  	v20 =	vld [tilespmem:s0+$0x10]  }
0x4a0: {  	v21 =	vld [tilespmem:s0+$0x90];
	_ =	sdelay $0x3  }
0x4a1: {  	v18 =	vadd.f32 v20, v18;
	_ =	sdelay $0x1  }
0x4a2: {  	v18 =	vadd.f32 v21, v18;
	_ =	sdelay $0x1  }
0x4a3: {  	v18 =	vsub.f32 v19, v18;
	_ =	sdelay $0x1  }
0x4a4: {  	[tilespmem:s8+$0x1B850] =	vst v18;
	v20 =	vmul.f32 v18, v18  }
0x4a5: {  	v21 =	vld [tilespmem:s0+$0x110]  }
0x4a6: {  	v22 =	vld [tilespmem:s0+$0x190]  }
0x4a7: {  	v23 =	vld [tilespmem:s0+$0x210];
	_ =	sdelay $0x3  }
0x4a8: {  	v21 =	vadd.f32 v22, v21;
	_ =	sdelay $0x1  }
0x4a9: {  	v4 =	vadd.f32 v9, v4;
	v9 =	vadd.f32 v23, v21  }
0x4aa: {  	v5 =	vadd.f32 v17, v5  }
0x4ab: {  	v4 =	vadd.f32 v18, v4;
	v9 =	vsub.f32 v19, v9;
	_ =	sdelay $0x1  }
0x4ac: {  	v5 =	vadd.f32 v20, v5;
	[tilespmem:s8+$0x1CC50] =	vst v9;
	v4 =	vadd.f32 v9, v4;
	v9 =	vmul.f32 v9, v9  }
0x4ad: {  	v17 =	vld [tilespmem:s0+$0xFFFFFE20]  }
0x4ae: {  	v5 =	vadd.f32 v9, v5;
	v9 =	vld [tilespmem:s0+$0xFFFFFEA0]  }
0x4af: {  	v18 =	vld [tilespmem:s0+$0xFFFFFF20];
	_ =	sdelay $0x2  }
0x4b0: {  	v19 =	vld [tilespmem:s8+$0x19060]  }
0x4b1: {  	v9 =	vadd.f32 v9, v17;
	_ =	sdelay $0x1  }
0x4b2: {  	v9 =	vadd.f32 v18, v9;
	_ =	sdelay $0x1  }
0x4b3: {  	v9 =	vsub.f32 v19, v9;
	_ =	sdelay $0x1  }
0x4b4: {  	[tilespmem:s8+$0x1A460] =	vst v9;
	v17 =	vmul.f32 v9, v9  }
0x4b5: {  	v18 =	vld [tilespmem:s0+$0xFFFFFFA0]  }
0x4b6: {  	v6 =	vadd.f32 v17, v6;
	v17 =	vld [tilespmem:s0+$0x20]  }
0x4b7: {  	v20 =	vld [tilespmem:s0+$0xA0];
	_ =	sdelay $0x3  }
0x4b8: {  	v17 =	vadd.f32 v17, v18;
	_ =	sdelay $0x1  }
0x4b9: {  	v17 =	vadd.f32 v20, v17;
	_ =	sdelay $0x1  }
0x4ba: {  	v17 =	vsub.f32 v19, v17;
	_ =	sdelay $0x1  }
0x4bb: {  	[tilespmem:s8+$0x1B860] =	vst v17;
	v18 =	vmul.f32 v17, v17  }
0x4bc: {  	v20 =	vld [tilespmem:s0+$0x120]  }
0x4bd: {  	v6 =	vadd.f32 v18, v6;
	v18 =	vld [tilespmem:s0+$0x1A0]  }
0x4be: {  	v21 =	vld [tilespmem:s0+$0x220];
	_ =	sdelay $0x3  }
0x4bf: {  	v18 =	vadd.f32 v18, v20;
	_ =	sdelay $0x1  }
0x4c0: {  	v2 =	vadd.f32 v9, v2;
	v9 =	vadd.f32 v21, v18;
	_ =	sdelay $0x1  }
0x4c1: {  	v2 =	vadd.f32 v17, v2;
	v9 =	vsub.f32 v19, v9;
	_ =	sdelay $0x1  }
0x4c2: {  	[tilespmem:s8+$0x1CC60] =	vst v9;
	v2 =	vadd.f32 v9, v2;
	v9 =	vmul.f32 v9, v9  }
0x4c3: {  	v18 =	vld [tilespmem:s0+$0xFFFFFE30]  }
0x4c4: {  	v6 =	vadd.f32 v9, v6;
	v9 =	vld [tilespmem:s0+$0xFFFFFEB0]  }
0x4c5: {  	v19 =	vld [tilespmem:s0+$0xFFFFFF30];
	_ =	sdelay $0x2  }
0x4c6: {  	v17 =	vld [tilespmem:s8+$0x19070]  }
0x4c7: {  	v9 =	vadd.f32 v9, v18;
	_ =	sdelay $0x1  }
0x4c8: {  	v9 =	vadd.f32 v19, v9;
	_ =	sdelay $0x1  }
0x4c9: {  	v18 =	vsub.f32 v17, v9  }
.Ltmp3:
0x4ca: {  	(pc) =	sbr.rel @p0 .LBB2_8-.Ltmp3, $4  }
0x4cb: {  	[tilespmem:s8+$0x1A470] =	vst v18;
	v9 =	vmul.f32 v18, v18  }
0x4cc: {  	v19 =	vld [tilespmem:s0+$0xFFFFFFB0]  }
0x4cd: {  	v20 =	vld [tilespmem:s0+$0x30]  }
0x4ce: {  	v21 =	vld [tilespmem:s0+$0xB0]  }
0x4cf: {  	_ =	sdelay $0x2  }
0x4d0: {  	v19 =	vadd.f32 v20, v19;
	_ =	sdelay $0x1  }
0x4d1: {  	v19 =	vadd.f32 v21, v19;
	_ =	sdelay $0x1  }
0x4d2: {  	v19 =	vsub.f32 v17, v19;
	_ =	sdelay $0x1  }
0x4d3: {  	[tilespmem:s8+$0x1B870] =	vst v19  }
0x4d4: {  	v59 =	vld [tilespmem:s9+$0x130]  }
0x4d5: {  	v60 =	vld [tilespmem:s9+$0x1B0];
	_ =	sdelay $0x1  }
0x4d6: {  	v22 =	vld [tilespmem:s9+$0x230];
	_ =	sdelay $0x2  }
0x4d7: {  	v20 =	vadd.f32 v60, v59;
	_ =	sdelay $0x1  }
0x4d8: {  	v20 =	vadd.f32 v22, v20;
	_ =	sdelay $0x1  }
0x4d9: {  	v61 =	vsub.f32 v17, v20;
	_ =	sdelay $0x1  }
0x4da: {  	[tilespmem:s8+$0x1CC70] =	vst v61  }
0x4db: {  	[hbm4b:s7+s3] =	stream.linear.scatter [tilespmem:s26], [sflag:$0x3], $0x1400, $0x38;
	[tilespmem:$0x1E100] =	vst v63  }
0x4dc: {  	_ =	swait.ge [sflag:s14], $0x1400  }
0x4dd: {  	[sflag:s14] =	ssyncset.done $0x0  }
0x4de: {  	s0 =	rddreg [dreg:$0x5];
	[sflag:s14] =	ssyncadd.s32 $0xFFFFEC00  }
0x4df: {  	[hbm4b:s0+s3] =	stream.linear.scatter [tilespmem:s28], [sflag:$0x3], $0x1400, $0x38;
	[tilespmem:$0x1E100] =	vst v63  }
0x4e0: {  	_ =	swait.ge [sflag:s14], $0x1400  }
0x4e1: {  	[sflag:s14] =	ssyncset.done $0x0  }
0x4e2: {  	s19 =	rddreg [dreg:$0x6];
	[sflag:s14] =	ssyncadd.s32 $0xFFFFEC00  }
0x4e3: {  	[hbm4b:s19+s3] =	stream.linear.scatter [tilespmem:s29], [sflag:$0x3], $0x1400, $0x38;
	[tilespmem:$0x1E100] =	vst v63  }
0x4e4: {  	_ =	swait.ge [sflag:s14], $0x1400  }
0x4e5: {  	[sflag:s14] =	ssyncset.done $0x0  }
0x4e6: {  	[sflag:s14] =	ssyncadd.s32 $0xFFFFEC00  }
0x4e7: {  	[tilespmem:$0x1E000] =	vst v13  }
0x4e8: {  	[tilespmem:$0x1E080] =	vst v14  }
0x4e9: {  	[tilespmem:$0x1E010] =	vst v11  }
0x4ea: {  	[tilespmem:$0x1E090] =	vst v8  }
0x4eb: {  	[tilespmem:$0x1E020] =	vst v7  }
0x4ec: {  	[tilespmem:$0x1E0A0] =	vst v12  }
0x4ed: {  	[tilespmem:$0x1E030] =	vst v10  }
0x4ee: {  	[tilespmem:$0x1E0B0] =	vst v15  }
0x4ef: {  	v1 =	vadd.f32 v18, v1;
	[tilespmem:$0x1E040] =	vst v16  }
0x4f0: {  	v0 =	vadd.f32 v9, v0;
	v62 =	vmul.f32 v19, v19;
	[tilespmem:$0x1E0C0] =	vst v3  }
0x4f1: {  	v1 =	vadd.f32 v19, v1;
	[tilespmem:$0x1E050] =	vst v4  }
0x4f2: {  	v0 =	vadd.f32 v62, v0;
	v63 =	vmul.f32 v61, v61;
	[tilespmem:$0x1E0D0] =	vst v5  }
0x4f3: {  	v1 =	vadd.f32 v61, v1;
	[tilespmem:$0x1E060] =	vst v2  }
0x4f4: {  	s1 =	sadd.s32 $0x1, s1;
	v0 =	vadd.f32 v63, v0;
	[tilespmem:$0x1E0E0] =	vst v6  }
0x4f5: {  	p0 =	sne.s32 s1, s13;
	[tilespmem:$0x1E070] =	vst v1  }
.Ltmp4:
0x4f6: {  	s31 =	simm.s32 $0x1E000;
	[tilespmem:$0x1E0F0] =	vst v0;
	(pc) =	sbr.rel @p0 .LBB2_1-.Ltmp4, $4  }
0x4f7: {  	[hbm4b:s12+s3] =	stream.linear.scatter [tilespmem:s31], [sflag:$0x3], $0x100, $0x38;
	[tilespmem:$0x1E100] =	vst v63  }
0x4f8: {  	_ =	swait.ge [sflag:s14], $0x100  }
0x4f9: {  	[sflag:s14] =	ssyncset.done $0x0  }
0x4fa: {  	[sflag:s14] =	ssyncadd.s32 $0xFFFFFF00  }
0x4fb: {  	_ =	sfence.sel $0x180000  }
0x4fc: {  	[bflag:$0x0] =	sbarrier.arrive $0xFFFF  }
0x4fd: {  	_ =	strace $0x90000047  }
0x4fe: {  	s0 =	stileid.u32;
	[bflag:$0x2] =	sbarrier.arrive $0xFFFF  }
0x4ff: {  	p0 =	sne.s32 s0, $0x0;
	s0 =	rddreg [dreg:$0x2]  }
0x500: {  	s0 =	sadd.s32 @!p0 $0x100000, s0  }
0x501: {  	[sflag:s0] =	ssyncadd.tile.s32 @!p0 $0x1;
	_ =	shalt  }
.Lfunc_end2:
_tile_overlayer_lowered:
.L_overlay_start_2:
0x502: {  	(tag) =	ssettag $0x2  }
0x503: {  	s0 =	rddreg [dreg:$0x0];
	s2 =	stileid.u32  }
0x504: {  	s1 =	rddreg [dreg:$0x1];
	p0 =	sne.s32 s2, $0x0  }
0x505: {  	s3 =	rddreg [dreg:$0x2];
	[bflag:$0x3] =	sbarrier.arrive $0xFFFF;
	s2 =	simm.s32 @!p0 $0x1C03  }
0x506: {  	[timem:s3], [sflag:s2] =	dma.local @!p0 [hbm:s0], s1  }
0x507: {  	s0 =	simm.s32 @!p0 $0x3  }
0x508: {  	_ =	swait.ge @!p0 [sflag:s0], s1  }
0x509: {  	s1 =	ssub.s32 @!p0 $0x0, s1;
	[sflag:s0] =	ssyncset.done @!p0 $0x0  }
0x50a: {  	[sflag:s0] =	ssyncadd.s32 @!p0 s1  }
0x50b: {  	[bflag:$0x3] =	sbarrier.arrive $0xFFFF  }
0x50c: {  	_ =	shalt  }

</sc_bundles>
